<compile_context>
chip_gen: v7x
topology: tpu7x:2x2x1
jax: 0.10.2.dev20260603
libtpu: 0.0.44.dev20260713+nightly
codegen_flags: <defaults>
</compile_context>

<pallas_src>
import functools

import jax
import jax.numpy as jnp
from jax import lax
from jax.experimental import pallas as pl
from jax.experimental.pallas import tpu as pltpu
from jax.experimental.pallas import tpu_sc as plsc

_N = 8192
_SD = 64
_CD = 32
_OD = 128
_H = 512
_ALPHA = 0.5
_ROWS = 128
_CHUNK = 1024

_NC = 2
_NS = 16
_NW = _NC * _NS
_BPW = _N // _NW

_RSC = 2304
_RPW = _RSC // _NW


def _tf_mix(x0, x1, r):
    x0 = x0 + x1
    x1 = ((x1 << r) | (x1 >> (32 - r))) ^ x0
    return x0, x1


def _threefry_key(n_u32, seed):
    k1 = seed & 0xFFFFFFFF
    k2 = (k1 ^ 0x1BD11BDA) & 0xFFFFFFFF
    ks1 = jnp.uint32(k1)
    ks2 = jnp.uint32(k2)
    x1 = n_u32 + ks1
    x0 = x1
    x1 = ((x1 << 13) | (x1 >> 19)) ^ x0
    for r in (15, 26, 6):
        x0, x1 = _tf_mix(x0, x1, r)
    x0 = x0 + ks1
    x1 = x1 + jnp.uint32((k2 + 1) & 0xFFFFFFFF)
    for r in (17, 29, 16, 24):
        x0, x1 = _tf_mix(x0, x1, r)
    x0 = x0 + ks2
    x1 = x1 + jnp.uint32(2)
    for r in (13, 15, 26, 6):
        x0, x1 = _tf_mix(x0, x1, r)
    x1 = x1 + jnp.uint32((k1 + 3) & 0xFFFFFFFF)
    for r in (17, 29, 16, 24):
        x0, x1 = _tf_mix(x0, x1, r)
    x0 = x0 + ks1
    x1 = x1 + jnp.uint32((k2 + 4) & 0xFFFFFFFF)
    for r in (13, 15, 26, 6):
        x0, x1 = _tf_mix(x0, x1, r)
    x0 = x0 + ks2
    x1 = x1 + jnp.uint32(5)
    return x0 ^ x1


def _threefry_0_7(n_u32):
    return _threefry_key(n_u32, 7)


def _mlp_body(sp_ref, lw_ref, obs_ref, ctrl_ref, dW1_ref,
              db1_ref, dW2_ref, db2_ref, mW1_ref, mb1_ref, mW2_ref,
              mb2_ref, spred_ref, lwp_ref):
    sp = sp_ref[...]
    rb = sp.shape[0]
    ri = lax.broadcasted_iota(jnp.int32, (rb, _SD), 0)
    ci = lax.broadcasted_iota(jnp.int32, (rb, _SD), 1)
    nn = ((pl.program_id(0) * rb + ri) * _SD + ci).astype(jnp.uint32)
    nb = _threefry_key(nn, 42)
    nf = lax.bitcast_convert_type(
        (nb >> jnp.uint32(9)) | jnp.uint32(0x3F800000), jnp.float32) - 1.0
    _LO = -0.9999999403953552
    un = jnp.maximum(nf * 2.0 + _LO, _LO)
    noise = 0.1 * (1.4142135623730951 * lax.erf_inv(un))
    ctrl_b = jnp.broadcast_to(ctrl_ref[...], (rb, _CD))
    h = jnp.tanh(jnp.dot(jnp.concatenate([sp, ctrl_b], axis=1),
                         dW1_ref[...]) + db1_ref[...])
    delta = jnp.dot(h, dW2_ref[...]) + db2_ref[...]
    spred = sp + delta + noise
    obs_b = jnp.broadcast_to(obs_ref[...], (rb, _OD))
    hm = jnp.tanh(jnp.dot(jnp.concatenate([obs_b, spred], axis=1),
                          mW1_ref[...]) + mb1_ref[...])
    ll = jnp.dot(hm, mW2_ref[...]) + mb2_ref[0, 0]
    spred_ref[...] = jnp.concatenate(
        [spred, jnp.zeros_like(spred)], axis=1)
    lwp_ref[...] = lw_ref[...] + ll


def _finalize_body(lwp_ref, spred_ref, logw_ref, negc_ref, best_ref):
    lwp = lwp_ref[...]
    w = _ALPHA * jnp.exp(lwp) + (1.0 - _ALPHA) / _N
    negc_ref[...] = -1.0 / w
    lw1 = lwp - jnp.log(w)
    amax = jnp.max(lw1)
    ls = jnp.log(jnp.sum(jnp.exp(lw1 - amax))) + amax
    logw_ref[...] = lw1 - ls
    gm = jnp.max(lwp)
    fi = (lax.broadcasted_iota(jnp.int32, (8, 1024), 0) * 1024
          + lax.broadcasted_iota(jnp.int32, (8, 1024), 1))
    bi = jnp.min(jnp.where(lwp == gm, fi, jnp.int32(_N)))
    fcol = lax.broadcasted_iota(jnp.int32, (_N, 1), 0)
    msk = (fcol == bi).astype(jnp.float32)
    best_ref[...] = jnp.sum(spred_ref[...] * msk, axis=0, keepdims=True)


@functools.cache
def _sc_gather_kernel():
    @functools.partial(
        pl.kernel,
        mesh=plsc.VectorSubcoreMesh(core_axis_name="c",
                                    subcore_axis_name="s"),
        out_type=jax.ShapeDtypeStruct((_N, 2 * _SD), jnp.float32),
        scratch_types=[
            pltpu.VMEM((2, 128), jnp.int32),
            pltpu.VMEM((_BPW, 2 * _SD), jnp.float32),
            pltpu.SemaphoreType.DMA,
        ],
    )
    def _sc_gather(table_hbm, idx_hbm, out_hbm, idx_v, rows_v, sem):
        wid = lax.axis_index("s") * _NC + lax.axis_index("c")
        base = wid * _BPW
        pltpu.sync_copy(idx_hbm.at[pl.ds(wid * 2, 2)], idx_v)
        cps = [
            pltpu.async_copy(table_hbm.at[idx_v.at[j]],
                             rows_v.at[pl.ds(j * 128, 128)], sem)
            for j in range(2)
        ]
        for cp in cps:
            cp.wait()
        pltpu.sync_copy(rows_v, out_hbm.at[pl.ds(base, _BPW)])

    return _sc_gather


def _argmin_update(met, jbase, jj, vmin, varg):
    upd = met < vmin
    vmin = jnp.where(upd, met, vmin)
    varg = jnp.where(upd, jbase + jj, varg)
    return vmin, varg


def _argmin_epilogue(vmin, varg, idx_ref):
    rowmin = jnp.min(vmin, axis=1, keepdims=True)
    cand = jnp.where(vmin == rowmin, varg, jnp.int32(_N))
    idx_ref[...] = jnp.min(cand, axis=1, keepdims=True).reshape(1, _ROWS, 1)


def _bits_to_met(bits, negc_chunk):
    fb = (bits >> jnp.uint32(9)) | jnp.uint32(0x3F800000)
    u = lax.bitcast_convert_type(fb, jnp.float32) - 1.0
    return jnp.log(u) * negc_chunk


def _sample_body(negc_ref, idx_ref):
    p = pl.program_id(0)
    di = lax.broadcasted_iota(jnp.int32, (_ROWS, _CHUNK), 0)
    jj = lax.broadcasted_iota(jnp.int32, (_ROWS, _CHUNK), 1)
    base = (_RSC + p * _ROWS + di) * _N + jj
    vmin = jnp.full((_ROWS, _CHUNK), jnp.inf, dtype=jnp.float32)
    varg = jnp.zeros((_ROWS, _CHUNK), dtype=jnp.int32)
    for cc in range(_N // _CHUNK):
        n = (base + cc * _CHUNK).astype(jnp.uint32)
        met = _bits_to_met(_threefry_0_7(n), negc_ref[cc:cc + 1, :])
        vmin, varg = _argmin_update(met, cc * _CHUNK, jj, vmin, varg)
    _argmin_epilogue(vmin, varg, idx_ref)


def _sample_light_body(bits_ref, negc_ref, idx_ref):
    jj = lax.broadcasted_iota(jnp.int32, (_ROWS, _CHUNK), 1)
    vmin = jnp.full((_ROWS, _CHUNK), jnp.inf, dtype=jnp.float32)
    varg = jnp.zeros((_ROWS, _CHUNK), dtype=jnp.int32)
    for cc in range(_N // _CHUNK):
        bits = bits_ref[:, cc * _CHUNK:(cc + 1) * _CHUNK]
        met = _bits_to_met(bits, negc_ref[cc:cc + 1, :])
        vmin, varg = _argmin_update(met, cc * _CHUNK, jj, vmin, varg)
    _argmin_epilogue(vmin, varg, idx_ref)


@functools.cache
def _sc_bits_kernel():
    @functools.partial(
        pl.kernel,
        mesh=plsc.VectorSubcoreMesh(core_axis_name="c",
                                    subcore_axis_name="s"),
        out_type=jax.ShapeDtypeStruct((_RSC, _N), jnp.uint32),
        scratch_types=[
            pltpu.VMEM((_N,), jnp.uint32),
        ],
    )
    def _sc_bits(out_hbm, buf):
        wid = lax.axis_index("s") * _NC + lax.axis_index("c")
        base_row = wid * _RPW
        lane = lax.iota(jnp.int32, 16)

        def row_body(r, carry):
            row = base_row + r

            def ck_body(ck, carry2):
                for q in range(8):
                    col = ck * 128 + q * 16
                    n = (row * _N + col + lane).astype(jnp.uint32)
                    buf[pl.ds(col, 16)] = _threefry_0_7(n)
                return carry2

            lax.fori_loop(0, _N // 128, ck_body, 0)
            pltpu.sync_copy(buf, out_hbm.at[row])
            return carry

        lax.fori_loop(0, _RPW, row_body, 0)

    return _sc_bits


def _mlp_call(sp, lw, obs_r, ctrl_r, dW1, db1, dW2, db2, mW1, mb1,
              mW2, mb2):
    nb = 16
    rb = _N // nb
    full = lambda shape: pl.BlockSpec(shape, lambda i: (0, 0))
    return pl.pallas_call(
        _mlp_body,
        grid=(nb,),
        in_specs=[
            pl.BlockSpec((rb, _SD), lambda i: (i, 0)),
            pl.BlockSpec((rb, 1), lambda i: (i, 0)),
            full((1, _OD)),
            full((1, _CD)),
            full((_SD + _CD, _H)),
            full((1, _H)),
            full((_H, _SD)),
            full((1, _SD)),
            full((_OD + _SD, _H)),
            full((1, _H)),
            full((_H, 1)),
            pl.BlockSpec(memory_space=pltpu.SMEM),
        ],
        out_specs=[
            pl.BlockSpec((rb, 2 * _SD), lambda i: (i, 0)),
            pl.BlockSpec((rb, 1), lambda i: (i, 0)),
        ],
        out_shape=[
            jax.ShapeDtypeStruct((_N, 2 * _SD), jnp.float32),
            jax.ShapeDtypeStruct((_N, 1), jnp.float32),
        ],
    )(sp, lw, obs_r, ctrl_r, dW1, db1, dW2, db2, mW1, mb1, mW2, mb2)


def _finalize_call(lwp2, spred):
    return pl.pallas_call(
        _finalize_body,
        out_shape=[
            jax.ShapeDtypeStruct((8, 1024), jnp.float32),
            jax.ShapeDtypeStruct((8, 1024), jnp.float32),
            jax.ShapeDtypeStruct((1, 2 * _SD), jnp.float32),
        ],
    )(lwp2, spred)


def _sample_call(negc):
    ng = (_N - _RSC) // _ROWS
    return pl.pallas_call(
        _sample_body,
        grid=(ng,),
        in_specs=[pl.BlockSpec((8, 1024), lambda i: (0, 0))],
        out_specs=pl.BlockSpec((1, _ROWS, 1), lambda i: (i, 0, 0)),
        out_shape=jax.ShapeDtypeStruct((ng, _ROWS, 1), jnp.int32),
    )(negc)


def _sample_light_call(bits, negc):
    ng = _RSC // _ROWS
    return pl.pallas_call(
        _sample_light_body,
        grid=(ng,),
        in_specs=[pl.BlockSpec((_ROWS, _N), lambda i: (i, 0)),
                  pl.BlockSpec((8, 1024), lambda i: (0, 0))],
        out_specs=pl.BlockSpec((1, _ROWS, 1), lambda i: (i, 0, 0)),
        out_shape=jax.ShapeDtypeStruct((ng, _ROWS, 1), jnp.int32),
    )(bits, negc)


def kernel(states_prev, log_weights_prev, observation, control, dyn_W1,
           dyn_b1, dyn_W2, dyn_b2, meas_W1, meas_b1, meas_W2, meas_b2):
    spred, lwp = _mlp_call(
        states_prev, log_weights_prev.reshape(_N, 1),
        observation.reshape(1, _OD), control.reshape(1, _CD),
        dyn_W1, dyn_b1.reshape(1, _H), dyn_W2, dyn_b2.reshape(1, _SD),
        meas_W1, meas_b1.reshape(1, _H), meas_W2,
        meas_b2.reshape(1, 1))
    bits_sc = _sc_bits_kernel()()
    logw, negc, best = _finalize_call(lwp.reshape(8, 1024), spred)
    idx_hi = _sample_call(negc).reshape(_N - _RSC)
    idx_lo = _sample_light_call(bits_sc, negc).reshape(_RSC)
    indices = jnp.concatenate([idx_lo, idx_hi]).reshape(64, 128)
    states = _sc_gather_kernel()(spred, indices)
    return best[0, :_SD], states[:, :_SD], logw.reshape(_N)

# --- scband reference (transcript-rebuilt; emitter-appended) ---
"""Pipeline reference for scband-particle-filter-network-62569083568297 (READ-ONLY COPY).

The authoritative reference and input builder live on the scoring server;
editing this copy changes nothing except your own understanding.
"""

import jax, jax.numpy as jnp
import numpy as np

N = 8192
SD = 64
CD = 32
OD = 128
H = 512
ALPHA = 0.5

def setup_inputs(seed: int = 0) -> dict:
    key = jax.random.key(seed)
    ks = jax.random.split(key, 12)
    inp = {}
    inp['states_prev'] = jax.random.normal(ks[0], (N, SD), dtype=jnp.float32)
    inp['log_weights_prev'] = jax.random.normal(ks[1], (N,), dtype=jnp.float32) - np.log(N)
    inp['observation'] = jax.random.normal(ks[2], (OD,), dtype=jnp.float32)
    inp['control'] = jax.random.normal(ks[3], (CD,), dtype=jnp.float32)
    inp['dyn_W1'] = 0.05 * jax.random.normal(ks[4], (SD + CD, H), dtype=jnp.float32)
    inp['dyn_b1'] = jnp.zeros((H,), dtype=jnp.float32)
    inp['dyn_W2'] = 0.05 * jax.random.normal(ks[5], (H, SD), dtype=jnp.float32)
    inp['dyn_b2'] = jnp.zeros((SD,), dtype=jnp.float32)
    inp['meas_W1'] = 0.05 * jax.random.normal(ks[6], (OD + SD, H), dtype=jnp.float32)
    inp['meas_b1'] = jnp.zeros((H,), dtype=jnp.float32)
    inp['meas_W2'] = 0.05 * jax.random.normal(ks[7], (H, 1), dtype=jnp.float32)
    inp['meas_b2'] = jnp.zeros((1,), dtype=jnp.float32)
    return inp

def reference(states_prev, log_weights_prev, observation, control, dyn_W1, dyn_b1, dyn_W2, dyn_b2, meas_W1, meas_b1, meas_W2, meas_b2):
    num_particles = states_prev.shape[0]
    # dynamics model (noisy=True): MLP on [state, control] producing state delta + noise
    ctrl = jnp.broadcast_to(control[None, :], (num_particles, control.shape[0]))
    h = jnp.tanh(jnp.concatenate([states_prev, ctrl], axis=1) @ dyn_W1 + dyn_b1)
    delta = h @ dyn_W2 + dyn_b2
    noise = 0.1 * jax.random.normal(jax.random.key(42), states_prev.shape, dtype=jnp.float32)
    states_pred = states_prev + delta + noise
    # measurement model: per-particle log-likelihood from MLP on [observation, state]
    obs = jnp.broadcast_to(observation[None, :], (num_particles, observation.shape[0]))
    hm = jnp.tanh(jnp.concatenate([obs, states_pred], axis=1) @ meas_W1 + meas_b1)
    loglik = (hm @ meas_W2 + meas_b2)[:, 0]
    log_weights_pred = log_weights_prev + loglik
    best_index = jnp.argmax(log_weights_pred)
    best_state = states_pred[best_index]
    # soft resampling branch (alpha < 1.0)
    interpolated_weights = ALPHA * jnp.exp(log_weights_pred) + (1.0 - ALPHA) * (1.0 / num_particles)
    indices = jax.random.categorical(jax.random.key(7), jnp.log(interpolated_weights), shape=(num_particles,))
    states = jnp.take(states_pred, indices, axis=0)
    log_weights = log_weights_pred - jnp.log(interpolated_weights)
    log_weights = log_weights - jax.nn.logsumexp(log_weights, axis=0)
    return (best_state, states, log_weights)

if __name__ == "__main__":
    import jax
    _d = setup_inputs()
    print(jax.jit(kernel)(*tuple(_d.values())))

</pallas_src>

<mosaic_0001>
#map = affine_map<(d0, d1) -> (0, 0)>
module attributes {stable_mosaic.version = 14 : i64} {
  func.func @_sc_gather(%arg0: i32, %arg1: i32, %arg2: memref<8192x128xf32, #tpu.memory_space<hbm>>, %arg3: memref<64x128xi32, #tpu.memory_space<hbm>>, %arg4: memref<8192x128xf32, #tpu.memory_space<hbm>>, %arg5: memref<2x128xi32, #tpu.memory_space<vmem>>, %arg6: memref<256x128xf32, #tpu.memory_space<vmem>>, %arg7: memref<!tpu.dma_semaphore, #tpu.memory_space<semaphore_mem>>) attributes {dimension_semantics = [#tpu.dimension_semantics<core_parallel>, #tpu.dimension_semantics<subcore_parallel>], iteration_bounds = array<i64: 2, 16>, scalar_prefetch = 0 : i64, scratch_operands = 3 : i64, tpu.core_type = #tpu.core_type<sc_vector_subcore>, window_params = [{transform_indices = #map}, {transform_indices = #map}, {transform_indices = #map}]} {
    %mul3A = arith.constant 2 : i32
    %mul3A_0 = arith.muli %arg1, %mul3A : i32
    %add3A = arith.addi %mul3A_0, %arg0 : i32
    %mul3A_1 = arith.constant 256 : i32
    %mul3A_2 = arith.muli %add3A, %mul3A_1 : i32
    %mul3A_3 = arith.constant 2 : i32
    %mul3A_4 = arith.muli %add3A, %mul3A_3 : i32
    "tpu.region"() ({
      %run_scoped3A = tpu.sem_alloc : memref<!tpu.dma_semaphore, #tpu.memory_space<semaphore_mem>>
      %dma_start3A_43 = arith.constant 0 : i32
      %dma_start3A_44 = tpu.memref_slice %arg3[%mul3A_4, %dma_start3A_43] : memref<64x128xi32, #tpu.memory_space<hbm>> -> memref<2x128xi32, #tpu.memory_space<hbm>>
      %dma_start3A_45 = arith.constant 0 : i32
      %dma_start3A_46 = tpu.memref_slice %arg3[%mul3A_4, %dma_start3A_45] : memref<64x128xi32, #tpu.memory_space<hbm>> -> memref<2x128xi32, #tpu.memory_space<hbm>>
      tpu.enqueue_dma source(%dma_start3A_46 : memref<2x128xi32, #tpu.memory_space<hbm>>) target(%arg5 : memref<2x128xi32, #tpu.memory_space<vmem>>) target_semaphore(%run_scoped3A : memref<!tpu.dma_semaphore, #tpu.memory_space<semaphore_mem>>)
      %dma_wait3A_47 = arith.constant 0 : i32
      %dma_wait3A_48 = tpu.memref_slice %arg3[%mul3A_4, %dma_wait3A_47] : memref<64x128xi32, #tpu.memory_space<hbm>> -> memref<2x128xi32, #tpu.memory_space<hbm>>
      %dma_wait3A_49 = arith.constant 0 : i32
      %dma_wait3A_50 = tpu.memref_slice %arg3[%mul3A_4, %dma_wait3A_49] : memref<64x128xi32, #tpu.memory_space<hbm>> -> memref<2x128xi32, #tpu.memory_space<hbm>>
      tpu.wait_dma2 semaphore(%run_scoped3A : memref<!tpu.dma_semaphore, #tpu.memory_space<semaphore_mem>>) src(%dma_wait3A_50 : memref<2x128xi32, #tpu.memory_space<hbm>>) dst(%arg5 : memref<2x128xi32, #tpu.memory_space<vmem>>)
      tpu.yield
    }) : () -> ()
    %dma_start3A = arith.constant 0 : i32
    %dma_start3A_5 = arith.constant 0 : i32
    %dma_start3A_6 = arith.constant 0 : i32
    %dma_start3A_7 = tpu.memref_slice %arg6[%dma_start3A_5, %dma_start3A_6] : memref<256x128xf32, #tpu.memory_space<vmem>> -> memref<128x128xf32, #tpu.memory_space<vmem>>
    %dma_start3A_8 = arith.constant 0 : i32
    %dma_start3A_9 = tpu.memref_slice %arg5[%dma_start3A, %dma_start3A_8] : memref<2x128xi32, #tpu.memory_space<vmem>> -> memref<1x128xi32, #tpu.memory_space<vmem>>
    %dma_start3A_10 = tpu.memref_squeeze %dma_start3A_9 : memref<1x128xi32, #tpu.memory_space<vmem>> -> memref<128xi32, #tpu.memory_space<vmem>>
    %dma_start3A_11 = arith.constant 0 : i32
    %dma_start3A_12 = arith.constant 0 : i32
    %dma_start3A_13 = tpu.memref_slice %arg2[%dma_start3A_11, %dma_start3A_12] : memref<8192x128xf32, #tpu.memory_space<hbm>> -> memref<8192x128xf32, #tpu.memory_space<hbm>>
    tpu.enqueue_indirect_dma source(%dma_start3A_13 : memref<8192x128xf32, #tpu.memory_space<hbm>>) target(%dma_start3A_7 : memref<128x128xf32, #tpu.memory_space<vmem>>) offsets(%dma_start3A_10 : memref<128xi32, #tpu.memory_space<vmem>>) semaphore(%arg7 : memref<!tpu.dma_semaphore, #tpu.memory_space<semaphore_mem>>)
    %dma_start3A_14 = arith.constant 1 : i32
    %dma_start3A_15 = arith.constant 128 : i32
    %dma_start3A_16 = arith.constant 0 : i32
    %dma_start3A_17 = tpu.memref_slice %arg6[%dma_start3A_15, %dma_start3A_16] : memref<256x128xf32, #tpu.memory_space<vmem>> -> memref<128x128xf32, #tpu.memory_space<vmem>>
    %dma_start3A_18 = arith.constant 0 : i32
    %dma_start3A_19 = tpu.memref_slice %arg5[%dma_start3A_14, %dma_start3A_18] : memref<2x128xi32, #tpu.memory_space<vmem>> -> memref<1x128xi32, #tpu.memory_space<vmem>>
    %dma_start3A_20 = tpu.memref_squeeze %dma_start3A_19 : memref<1x128xi32, #tpu.memory_space<vmem>> -> memref<128xi32, #tpu.memory_space<vmem>>
    %dma_start3A_21 = arith.constant 0 : i32
    %dma_start3A_22 = arith.constant 0 : i32
    %dma_start3A_23 = tpu.memref_slice %arg2[%dma_start3A_21, %dma_start3A_22] : memref<8192x128xf32, #tpu.memory_space<hbm>> -> memref<8192x128xf32, #tpu.memory_space<hbm>>
    tpu.enqueue_indirect_dma source(%dma_start3A_23 : memref<8192x128xf32, #tpu.memory_space<hbm>>) target(%dma_start3A_17 : memref<128x128xf32, #tpu.memory_space<vmem>>) offsets(%dma_start3A_20 : memref<128xi32, #tpu.memory_space<vmem>>) semaphore(%arg7 : memref<!tpu.dma_semaphore, #tpu.memory_space<semaphore_mem>>)
    %dma_wait3A = arith.constant 0 : i32
    %dma_wait3A_24 = arith.constant 0 : i32
    %dma_wait3A_25 = arith.constant 0 : i32
    %dma_wait3A_26 = tpu.memref_slice %arg6[%dma_wait3A_24, %dma_wait3A_25] : memref<256x128xf32, #tpu.memory_space<vmem>> -> memref<128x128xf32, #tpu.memory_space<vmem>>
    %dma_wait3A_27 = arith.constant 0 : i32
    %dma_wait3A_28 = tpu.memref_slice %arg5[%dma_wait3A, %dma_wait3A_27] : memref<2x128xi32, #tpu.memory_space<vmem>> -> memref<1x128xi32, #tpu.memory_space<vmem>>
    %dma_wait3A_29 = tpu.memref_squeeze %dma_wait3A_28 : memref<1x128xi32, #tpu.memory_space<vmem>> -> memref<128xi32, #tpu.memory_space<vmem>>
    %dma_wait3A_30 = arith.constant 0 : i32
    %dma_wait3A_31 = arith.constant 0 : i32
    %dma_wait3A_32 = tpu.memref_slice %arg2[%dma_wait3A_30, %dma_wait3A_31] : memref<8192x128xf32, #tpu.memory_space<hbm>> -> memref<8192x128xf32, #tpu.memory_space<hbm>>
    tpu.wait_indirect_dma semaphore(%arg7 : memref<!tpu.dma_semaphore, #tpu.memory_space<semaphore_mem>>) src(%dma_wait3A_32 : memref<8192x128xf32, #tpu.memory_space<hbm>>) dst(%dma_wait3A_26 : memref<128x128xf32, #tpu.memory_space<vmem>>)
    %dma_wait3A_33 = arith.constant 1 : i32
    %dma_wait3A_34 = arith.constant 128 : i32
    %dma_wait3A_35 = arith.constant 0 : i32
    %dma_wait3A_36 = tpu.memref_slice %arg6[%dma_wait3A_34, %dma_wait3A_35] : memref<256x128xf32, #tpu.memory_space<vmem>> -> memref<128x128xf32, #tpu.memory_space<vmem>>
    %dma_wait3A_37 = arith.constant 0 : i32
    %dma_wait3A_38 = tpu.memref_slice %arg5[%dma_wait3A_33, %dma_wait3A_37] : memref<2x128xi32, #tpu.memory_space<vmem>> -> memref<1x128xi32, #tpu.memory_space<vmem>>
    %dma_wait3A_39 = tpu.memref_squeeze %dma_wait3A_38 : memref<1x128xi32, #tpu.memory_space<vmem>> -> memref<128xi32, #tpu.memory_space<vmem>>
    %dma_wait3A_40 = arith.constant 0 : i32
    %dma_wait3A_41 = arith.constant 0 : i32
    %dma_wait3A_42 = tpu.memref_slice %arg2[%dma_wait3A_40, %dma_wait3A_41] : memref<8192x128xf32, #tpu.memory_space<hbm>> -> memref<8192x128xf32, #tpu.memory_space<hbm>>
    tpu.wait_indirect_dma semaphore(%arg7 : memref<!tpu.dma_semaphore, #tpu.memory_space<semaphore_mem>>) src(%dma_wait3A_42 : memref<8192x128xf32, #tpu.memory_space<hbm>>) dst(%dma_wait3A_36 : memref<128x128xf32, #tpu.memory_space<vmem>>)
    "tpu.region"() ({
      %run_scoped3A = tpu.sem_alloc : memref<!tpu.dma_semaphore, #tpu.memory_space<semaphore_mem>>
      %dma_start3A_43 = arith.constant 0 : i32
      %dma_start3A_44 = tpu.memref_slice %arg4[%mul3A_2, %dma_start3A_43] : memref<8192x128xf32, #tpu.memory_space<hbm>> -> memref<256x128xf32, #tpu.memory_space<hbm>>
      %dma_start3A_45 = arith.constant 0 : i32
      %dma_start3A_46 = tpu.memref_slice %arg4[%mul3A_2, %dma_start3A_45] : memref<8192x128xf32, #tpu.memory_space<hbm>> -> memref<256x128xf32, #tpu.memory_space<hbm>>
      tpu.enqueue_dma source(%arg6 : memref<256x128xf32, #tpu.memory_space<vmem>>) target(%dma_start3A_46 : memref<256x128xf32, #tpu.memory_space<hbm>>) target_semaphore(%run_scoped3A : memref<!tpu.dma_semaphore, #tpu.memory_space<semaphore_mem>>)
      %dma_wait3A_47 = arith.constant 0 : i32
      %dma_wait3A_48 = tpu.memref_slice %arg4[%mul3A_2, %dma_wait3A_47] : memref<8192x128xf32, #tpu.memory_space<hbm>> -> memref<256x128xf32, #tpu.memory_space<hbm>>
      %dma_wait3A_49 = arith.constant 0 : i32
      %dma_wait3A_50 = tpu.memref_slice %arg4[%mul3A_2, %dma_wait3A_49] : memref<8192x128xf32, #tpu.memory_space<hbm>> -> memref<256x128xf32, #tpu.memory_space<hbm>>
      tpu.wait_dma2 semaphore(%run_scoped3A : memref<!tpu.dma_semaphore, #tpu.memory_space<semaphore_mem>>) src(%arg6 : memref<256x128xf32, #tpu.memory_space<vmem>>) dst(%dma_wait3A_50 : memref<256x128xf32, #tpu.memory_space<hbm>>)
      tpu.yield
    }) : () -> ()
    return
  }
}

#map = affine_map<(d0, d1) -> (0, 0)>
module attributes {stable_mosaic.version = 14 : i64} {
  func.func @_sc_bits(%arg0: i32, %arg1: i32, %arg2: memref<2304x8192xi32, #tpu.memory_space<hbm>>, %arg3: memref<8192xi32, #tpu.memory_space<vmem>>) attributes {dimension_semantics = [#tpu.dimension_semantics<core_parallel>, #tpu.dimension_semantics<subcore_parallel>], iteration_bounds = array<i64: 2, 16>, scalar_prefetch = 0 : i64, scratch_operands = 1 : i64, tpu.core_type = #tpu.core_type<sc_vector_subcore>, window_params = [{transform_indices = #map}]} {
    %mul3A = arith.constant 2 : i32
    %mul3A_0 = arith.muli %arg1, %mul3A : i32
    %add3A = arith.addi %mul3A_0, %arg0 : i32
    %mul3A_1 = arith.constant 72 : i32
    %mul3A_2 = arith.muli %add3A, %mul3A_1 : i32
    %iota3A = tpu.iota {dimensions = array<i32: 0>} : vector<16xi32>
    %scan3A = arith.constant 0 : i32
    %scan3A_3 = arith.constant 0 : i32
    %scan3A_4 = arith.constant 72 : i32
    %scan3A_5 = arith.addi %scan3A_3, %scan3A_4 : i32
    %scan3A_6 = arith.constant 1 : i32
    scf.for %scan3A_8 = %scan3A_3 to %scan3A_5 step %scan3A_6  : i32 {
      %add3A_9 = arith.addi %mul3A_2, %scan3A_8 : i32
      %scan3A_10 = arith.constant 0 : i32
      %scan3A_11 = arith.constant 0 : i32
      %scan3A_12 = arith.constant 64 : i32
      %scan3A_13 = arith.addi %scan3A_11, %scan3A_12 : i32
      %scan3A_14 = arith.constant 1 : i32
      scf.for %scan3A_16 = %scan3A_11 to %scan3A_13 step %scan3A_14  : i32 {
        %mul3A_17 = arith.constant 128 : i32
        %mul3A_18 = arith.muli %scan3A_16, %mul3A_17 : i32
        %add3A_19 = arith.constant 0 : i32
        %add3A_20 = arith.addi %mul3A_18, %add3A_19 : i32
        %mul3A_21 = arith.constant 8192 : i32
        %mul3A_22 = arith.muli %add3A_9, %mul3A_21 : i32
        %add3A_23 = arith.addi %mul3A_22, %add3A_20 : i32
        %add3A_24 = vector.broadcast %add3A_23 : i32 to vector<16xi32>
        %add3A_25 = arith.addi %add3A_24, %iota3A : vector<16xi32>
        %add3A_26 = arith.constant 7 : i32
        %add3A_27 = vector.broadcast %add3A_26 : i32 to vector<16xi32>
        %add3A_28 = arith.addi %add3A_25, %add3A_27 : vector<16xi32>
        %shift_left3A = arith.constant 13 : i32
        %shift_left3A_29 = vector.broadcast %shift_left3A : i32 to vector<16xi32>
        %shift_left3A_30 = arith.shli %add3A_28, %shift_left3A_29 : vector<16xi32>
        %shift_right_logical3A = arith.constant 19 : i32
        %shift_right_logical3A_31 = vector.broadcast %shift_right_logical3A : i32 to vector<16xi32>
        %shift_right_logical3A_32 = arith.shrui %add3A_28, %shift_right_logical3A_31 : vector<16xi32>
        %or3A = arith.ori %shift_left3A_30, %shift_right_logical3A_32 : vector<16xi32>
        %xor3A = arith.xori %or3A, %add3A_28 : vector<16xi32>
        %add3A_33 = arith.addi %add3A_28, %xor3A : vector<16xi32>
        %shift_left3A_34 = arith.constant 15 : i32
        %shift_left3A_35 = vector.broadcast %shift_left3A_34 : i32 to vector<16xi32>
        %shift_left3A_36 = arith.shli %xor3A, %shift_left3A_35 : vector<16xi32>
        %shift_right_logical3A_37 = arith.constant 17 : i32
        %shift_right_logical3A_38 = vector.broadcast %shift_right_logical3A_37 : i32 to vector<16xi32>
        %shift_right_logical3A_39 = arith.shrui %xor3A, %shift_right_logical3A_38 : vector<16xi32>
        %or3A_40 = arith.ori %shift_left3A_36, %shift_right_logical3A_39 : vector<16xi32>
        %xor3A_41 = arith.xori %or3A_40, %add3A_33 : vector<16xi32>
        %add3A_42 = arith.addi %add3A_33, %xor3A_41 : vector<16xi32>
        %shift_left3A_43 = arith.constant 26 : i32
        %shift_left3A_44 = vector.broadcast %shift_left3A_43 : i32 to vector<16xi32>
        %shift_left3A_45 = arith.shli %xor3A_41, %shift_left3A_44 : vector<16xi32>
        %shift_right_logical3A_46 = arith.constant 6 : i32
        %shift_right_logical3A_47 = vector.broadcast %shift_right_logical3A_46 : i32 to vector<16xi32>
        %shift_right_logical3A_48 = arith.shrui %xor3A_41, %shift_right_logical3A_47 : vector<16xi32>
        %or3A_49 = arith.ori %shift_left3A_45, %shift_right_logical3A_48 : vector<16xi32>
        %xor3A_50 = arith.xori %or3A_49, %add3A_42 : vector<16xi32>
        %add3A_51 = arith.addi %add3A_42, %xor3A_50 : vector<16xi32>
        %shift_left3A_52 = arith.constant 6 : i32
        %shift_left3A_53 = vector.broadcast %shift_left3A_52 : i32 to vector<16xi32>
        %shift_left3A_54 = arith.shli %xor3A_50, %shift_left3A_53 : vector<16xi32>
        %shift_right_logical3A_55 = arith.constant 26 : i32
        %shift_right_logical3A_56 = vector.broadcast %shift_right_logical3A_55 : i32 to vector<16xi32>
        %shift_right_logical3A_57 = arith.shrui %xor3A_50, %shift_right_logical3A_56 : vector<16xi32>
        %or3A_58 = arith.ori %shift_left3A_54, %shift_right_logical3A_57 : vector<16xi32>
        %xor3A_59 = arith.xori %or3A_58, %add3A_51 : vector<16xi32>
        %add3A_60 = arith.constant 7 : i32
        %add3A_61 = vector.broadcast %add3A_60 : i32 to vector<16xi32>
        %add3A_62 = arith.addi %add3A_51, %add3A_61 : vector<16xi32>
        %add3A_63 = arith.constant 466688990 : i32
        %add3A_64 = vector.broadcast %add3A_63 : i32 to vector<16xi32>
        %add3A_65 = arith.addi %xor3A_59, %add3A_64 : vector<16xi32>
        %add3A_66 = arith.addi %add3A_62, %add3A_65 : vector<16xi32>
        %shift_left3A_67 = arith.constant 17 : i32
        %shift_left3A_68 = vector.broadcast %shift_left3A_67 : i32 to vector<16xi32>
        %shift_left3A_69 = arith.shli %add3A_65, %shift_left3A_68 : vector<16xi32>
        %shift_right_logical3A_70 = arith.constant 15 : i32
        %shift_right_logical3A_71 = vector.broadcast %shift_right_logical3A_70 : i32 to vector<16xi32>
        %shift_right_logical3A_72 = arith.shrui %add3A_65, %shift_right_logical3A_71 : vector<16xi32>
        %or3A_73 = arith.ori %shift_left3A_69, %shift_right_logical3A_72 : vector<16xi32>
        %xor3A_74 = arith.xori %or3A_73, %add3A_66 : vector<16xi32>
        %add3A_75 = arith.addi %add3A_66, %xor3A_74 : vector<16xi32>
        %shift_left3A_76 = arith.constant 29 : i32
        %shift_left3A_77 = vector.broadcast %shift_left3A_76 : i32 to vector<16xi32>
        %shift_left3A_78 = arith.shli %xor3A_74, %shift_left3A_77 : vector<16xi32>
        %shift_right_logical3A_79 = arith.constant 3 : i32
        %shift_right_logical3A_80 = vector.broadcast %shift_right_logical3A_79 : i32 to vector<16xi32>
        %shift_right_logical3A_81 = arith.shrui %xor3A_74, %shift_right_logical3A_80 : vector<16xi32>
        %or3A_82 = arith.ori %shift_left3A_78, %shift_right_logical3A_81 : vector<16xi32>
        %xor3A_83 = arith.xori %or3A_82, %add3A_75 : vector<16xi32>
        %add3A_84 = arith.addi %add3A_75, %xor3A_83 : vector<16xi32>
        %shift_left3A_85 = arith.constant 16 : i32
        %shift_left3A_86 = vector.broadcast %shift_left3A_85 : i32 to vector<16xi32>
        %shift_left3A_87 = arith.shli %xor3A_83, %shift_left3A_86 : vector<16xi32>
        %shift_right_logical3A_88 = arith.constant 16 : i32
        %shift_right_logical3A_89 = vector.broadcast %shift_right_logical3A_88 : i32 to vector<16xi32>
        %shift_right_logical3A_90 = arith.shrui %xor3A_83, %shift_right_logical3A_89 : vector<16xi32>
        %or3A_91 = arith.ori %shift_left3A_87, %shift_right_logical3A_90 : vector<16xi32>
        %xor3A_92 = arith.xori %or3A_91, %add3A_84 : vector<16xi32>
        %add3A_93 = arith.addi %add3A_84, %xor3A_92 : vector<16xi32>
        %shift_left3A_94 = arith.constant 24 : i32
        %shift_left3A_95 = vector.broadcast %shift_left3A_94 : i32 to vector<16xi32>
        %shift_left3A_96 = arith.shli %xor3A_92, %shift_left3A_95 : vector<16xi32>
        %shift_right_logical3A_97 = arith.constant 8 : i32
        %shift_right_logical3A_98 = vector.broadcast %shift_right_logical3A_97 : i32 to vector<16xi32>
        %shift_right_logical3A_99 = arith.shrui %xor3A_92, %shift_right_logical3A_98 : vector<16xi32>
        %or3A_100 = arith.ori %shift_left3A_96, %shift_right_logical3A_99 : vector<16xi32>
        %xor3A_101 = arith.xori %or3A_100, %add3A_93 : vector<16xi32>
        %add3A_102 = arith.constant 466688989 : i32
        %add3A_103 = vector.broadcast %add3A_102 : i32 to vector<16xi32>
        %add3A_104 = arith.addi %add3A_93, %add3A_103 : vector<16xi32>
        %add3A_105 = arith.constant 2 : i32
        %add3A_106 = vector.broadcast %add3A_105 : i32 to vector<16xi32>
        %add3A_107 = arith.addi %xor3A_101, %add3A_106 : vector<16xi32>
        %add3A_108 = arith.addi %add3A_104, %add3A_107 : vector<16xi32>
        %shift_left3A_109 = arith.constant 13 : i32
        %shift_left3A_110 = vector.broadcast %shift_left3A_109 : i32 to vector<16xi32>
        %shift_left3A_111 = arith.shli %add3A_107, %shift_left3A_110 : vector<16xi32>
        %shift_right_logical3A_112 = arith.constant 19 : i32
        %shift_right_logical3A_113 = vector.broadcast %shift_right_logical3A_112 : i32 to vector<16xi32>
        %shift_right_logical3A_114 = arith.shrui %add3A_107, %shift_right_logical3A_113 : vector<16xi32>
        %or3A_115 = arith.ori %shift_left3A_111, %shift_right_logical3A_114 : vector<16xi32>
        %xor3A_116 = arith.xori %or3A_115, %add3A_108 : vector<16xi32>
        %add3A_117 = arith.addi %add3A_108, %xor3A_116 : vector<16xi32>
        %shift_left3A_118 = arith.constant 15 : i32
        %shift_left3A_119 = vector.broadcast %shift_left3A_118 : i32 to vector<16xi32>
        %shift_left3A_120 = arith.shli %xor3A_116, %shift_left3A_119 : vector<16xi32>
        %shift_right_logical3A_121 = arith.constant 17 : i32
        %shift_right_logical3A_122 = vector.broadcast %shift_right_logical3A_121 : i32 to vector<16xi32>
        %shift_right_logical3A_123 = arith.shrui %xor3A_116, %shift_right_logical3A_122 : vector<16xi32>
        %or3A_124 = arith.ori %shift_left3A_120, %shift_right_logical3A_123 : vector<16xi32>
        %xor3A_125 = arith.xori %or3A_124, %add3A_117 : vector<16xi32>
        %add3A_126 = arith.addi %add3A_117, %xor3A_125 : vector<16xi32>
        %shift_left3A_127 = arith.constant 26 : i32
        %shift_left3A_128 = vector.broadcast %shift_left3A_127 : i32 to vector<16xi32>
        %shift_left3A_129 = arith.shli %xor3A_125, %shift_left3A_128 : vector<16xi32>
        %shift_right_logical3A_130 = arith.constant 6 : i32
        %shift_right_logical3A_131 = vector.broadcast %shift_right_logical3A_130 : i32 to vector<16xi32>
        %shift_right_logical3A_132 = arith.shrui %xor3A_125, %shift_right_logical3A_131 : vector<16xi32>
        %or3A_133 = arith.ori %shift_left3A_129, %shift_right_logical3A_132 : vector<16xi32>
        %xor3A_134 = arith.xori %or3A_133, %add3A_126 : vector<16xi32>
        %add3A_135 = arith.addi %add3A_126, %xor3A_134 : vector<16xi32>
        %shift_left3A_136 = arith.constant 6 : i32
        %shift_left3A_137 = vector.broadcast %shift_left3A_136 : i32 to vector<16xi32>
        %shift_left3A_138 = arith.shli %xor3A_134, %shift_left3A_137 : vector<16xi32>
        %shift_right_logical3A_139 = arith.constant 26 : i32
        %shift_right_logical3A_140 = vector.broadcast %shift_right_logical3A_139 : i32 to vector<16xi32>
        %shift_right_logical3A_141 = arith.shrui %xor3A_134, %shift_right_logical3A_140 : vector<16xi32>
        %or3A_142 = arith.ori %shift_left3A_138, %shift_right_logical3A_141 : vector<16xi32>
        %xor3A_143 = arith.xori %or3A_142, %add3A_135 : vector<16xi32>
        %add3A_144 = arith.constant 10 : i32
        %add3A_145 = vector.broadcast %add3A_144 : i32 to vector<16xi32>
        %add3A_146 = arith.addi %xor3A_143, %add3A_145 : vector<16xi32>
        %add3A_147 = arith.addi %add3A_135, %add3A_146 : vector<16xi32>
        %shift_left3A_148 = arith.constant 17 : i32
        %shift_left3A_149 = vector.broadcast %shift_left3A_148 : i32 to vector<16xi32>
        %shift_left3A_150 = arith.shli %add3A_146, %shift_left3A_149 : vector<16xi32>
        %shift_right_logical3A_151 = arith.constant 15 : i32
        %shift_right_logical3A_152 = vector.broadcast %shift_right_logical3A_151 : i32 to vector<16xi32>
        %shift_right_logical3A_153 = arith.shrui %add3A_146, %shift_right_logical3A_152 : vector<16xi32>
        %or3A_154 = arith.ori %shift_left3A_150, %shift_right_logical3A_153 : vector<16xi32>
        %xor3A_155 = arith.xori %or3A_154, %add3A_147 : vector<16xi32>
        %add3A_156 = arith.addi %add3A_147, %xor3A_155 : vector<16xi32>
        %shift_left3A_157 = arith.constant 29 : i32
        %shift_left3A_158 = vector.broadcast %shift_left3A_157 : i32 to vector<16xi32>
        %shift_left3A_159 = arith.shli %xor3A_155, %shift_left3A_158 : vector<16xi32>
        %shift_right_logical3A_160 = arith.constant 3 : i32
        %shift_right_logical3A_161 = vector.broadcast %shift_right_logical3A_160 : i32 to vector<16xi32>
        %shift_right_logical3A_162 = arith.shrui %xor3A_155, %shift_right_logical3A_161 : vector<16xi32>
        %or3A_163 = arith.ori %shift_left3A_159, %shift_right_logical3A_162 : vector<16xi32>
        %xor3A_164 = arith.xori %or3A_163, %add3A_156 : vector<16xi32>
        %add3A_165 = arith.addi %add3A_156, %xor3A_164 : vector<16xi32>
        %shift_left3A_166 = arith.constant 16 : i32
        %shift_left3A_167 = vector.broadcast %shift_left3A_166 : i32 to vector<16xi32>
        %shift_left3A_168 = arith.shli %xor3A_164, %shift_left3A_167 : vector<16xi32>
        %shift_right_logical3A_169 = arith.constant 16 : i32
        %shift_right_logical3A_170 = vector.broadcast %shift_right_logical3A_169 : i32 to vector<16xi32>
        %shift_right_logical3A_171 = arith.shrui %xor3A_164, %shift_right_logical3A_170 : vector<16xi32>
        %or3A_172 = arith.ori %shift_left3A_168, %shift_right_logical3A_171 : vector<16xi32>
        %xor3A_173 = arith.xori %or3A_172, %add3A_165 : vector<16xi32>
        %add3A_174 = arith.addi %add3A_165, %xor3A_173 : vector<16xi32>
        %shift_left3A_175 = arith.constant 24 : i32
        %shift_left3A_176 = vector.broadcast %shift_left3A_175 : i32 to vector<16xi32>
        %shift_left3A_177 = arith.shli %xor3A_173, %shift_left3A_176 : vector<16xi32>
        %shift_right_logical3A_178 = arith.constant 8 : i32
        %shift_right_logical3A_179 = vector.broadcast %shift_right_logical3A_178 : i32 to vector<16xi32>
        %shift_right_logical3A_180 = arith.shrui %xor3A_173, %shift_right_logical3A_179 : vector<16xi32>
        %or3A_181 = arith.ori %shift_left3A_177, %shift_right_logical3A_180 : vector<16xi32>
        %xor3A_182 = arith.xori %or3A_181, %add3A_174 : vector<16xi32>
        %add3A_183 = arith.constant 7 : i32
        %add3A_184 = vector.broadcast %add3A_183 : i32 to vector<16xi32>
        %add3A_185 = arith.addi %add3A_174, %add3A_184 : vector<16xi32>
        %add3A_186 = arith.constant 466688993 : i32
        %add3A_187 = vector.broadcast %add3A_186 : i32 to vector<16xi32>
        %add3A_188 = arith.addi %xor3A_182, %add3A_187 : vector<16xi32>
        %add3A_189 = arith.addi %add3A_185, %add3A_188 : vector<16xi32>
        %shift_left3A_190 = arith.constant 13 : i32
        %shift_left3A_191 = vector.broadcast %shift_left3A_190 : i32 to vector<16xi32>
        %shift_left3A_192 = arith.shli %add3A_188, %shift_left3A_191 : vector<16xi32>
        %shift_right_logical3A_193 = arith.constant 19 : i32
        %shift_right_logical3A_194 = vector.broadcast %shift_right_logical3A_193 : i32 to vector<16xi32>
        %shift_right_logical3A_195 = arith.shrui %add3A_188, %shift_right_logical3A_194 : vector<16xi32>
        %or3A_196 = arith.ori %shift_left3A_192, %shift_right_logical3A_195 : vector<16xi32>
        %xor3A_197 = arith.xori %or3A_196, %add3A_189 : vector<16xi32>
        %add3A_198 = arith.addi %add3A_189, %xor3A_197 : vector<16xi32>
        %shift_left3A_199 = arith.constant 15 : i32
        %shift_left3A_200 = vector.broadcast %shift_left3A_199 : i32 to vector<16xi32>
        %shift_left3A_201 = arith.shli %xor3A_197, %shift_left3A_200 : vector<16xi32>
        %shift_right_logical3A_202 = arith.constant 17 : i32
        %shift_right_logical3A_203 = vector.broadcast %shift_right_logical3A_202 : i32 to vector<16xi32>
        %shift_right_logical3A_204 = arith.shrui %xor3A_197, %shift_right_logical3A_203 : vector<16xi32>
        %or3A_205 = arith.ori %shift_left3A_201, %shift_right_logical3A_204 : vector<16xi32>
        %xor3A_206 = arith.xori %or3A_205, %add3A_198 : vector<16xi32>
        %add3A_207 = arith.addi %add3A_198, %xor3A_206 : vector<16xi32>
        %shift_left3A_208 = arith.constant 26 : i32
        %shift_left3A_209 = vector.broadcast %shift_left3A_208 : i32 to vector<16xi32>
        %shift_left3A_210 = arith.shli %xor3A_206, %shift_left3A_209 : vector<16xi32>
        %shift_right_logical3A_211 = arith.constant 6 : i32
        %shift_right_logical3A_212 = vector.broadcast %shift_right_logical3A_211 : i32 to vector<16xi32>
        %shift_right_logical3A_213 = arith.shrui %xor3A_206, %shift_right_logical3A_212 : vector<16xi32>
        %or3A_214 = arith.ori %shift_left3A_210, %shift_right_logical3A_213 : vector<16xi32>
        %xor3A_215 = arith.xori %or3A_214, %add3A_207 : vector<16xi32>
        %add3A_216 = arith.addi %add3A_207, %xor3A_215 : vector<16xi32>
        %shift_left3A_217 = arith.constant 6 : i32
        %shift_left3A_218 = vector.broadcast %shift_left3A_217 : i32 to vector<16xi32>
        %shift_left3A_219 = arith.shli %xor3A_215, %shift_left3A_218 : vector<16xi32>
        %shift_right_logical3A_220 = arith.constant 26 : i32
        %shift_right_logical3A_221 = vector.broadcast %shift_right_logical3A_220 : i32 to vector<16xi32>
        %shift_right_logical3A_222 = arith.shrui %xor3A_215, %shift_right_logical3A_221 : vector<16xi32>
        %or3A_223 = arith.ori %shift_left3A_219, %shift_right_logical3A_222 : vector<16xi32>
        %xor3A_224 = arith.xori %or3A_223, %add3A_216 : vector<16xi32>
        %add3A_225 = arith.constant 466688989 : i32
        %add3A_226 = vector.broadcast %add3A_225 : i32 to vector<16xi32>
        %add3A_227 = arith.addi %add3A_216, %add3A_226 : vector<16xi32>
        %add3A_228 = arith.constant 5 : i32
        %add3A_229 = vector.broadcast %add3A_228 : i32 to vector<16xi32>
        %add3A_230 = arith.addi %xor3A_224, %add3A_229 : vector<16xi32>
        %xor3A_231 = arith.xori %add3A_227, %add3A_230 : vector<16xi32>
        %swap3A = arith.index_cast %add3A_20 : i32 to index
        %swap3A_232 = tpu.vector_load %arg3[%swap3A] {strides = array<i32>} : memref<8192xi32, #tpu.memory_space<vmem>>, vector<16xi32>,
        %swap3A_233 = vector.shape_cast %swap3A_232 : vector<16xi32> to vector<16xi32>
        %swap3A_234 = vector.shape_cast %xor3A_231 : vector<16xi32> to vector<16xi32>
        tpu.vector_store %arg3[%swap3A], %swap3A_234 {strides = array<i32>} : memref<8192xi32, #tpu.memory_space<vmem>>, vector<16xi32>,
        %mul3A_235 = arith.constant 128 : i32
        %mul3A_236 = arith.muli %scan3A_16, %mul3A_235 : i32
        %add3A_237 = arith.constant 16 : i32
        %add3A_238 = arith.addi %mul3A_236, %add3A_237 : i32
        %mul3A_239 = arith.constant 8192 : i32
        %mul3A_240 = arith.muli %add3A_9, %mul3A_239 : i32
        %add3A_241 = arith.addi %mul3A_240, %add3A_238 : i32
        %add3A_242 = vector.broadcast %add3A_241 : i32 to vector<16xi32>
        %add3A_243 = arith.addi %add3A_242, %iota3A : vector<16xi32>
        %add3A_244 = arith.constant 7 : i32
        %add3A_245 = vector.broadcast %add3A_244 : i32 to vector<16xi32>
        %add3A_246 = arith.addi %add3A_243, %add3A_245 : vector<16xi32>
        %shift_left3A_247 = arith.constant 13 : i32
        %shift_left3A_248 = vector.broadcast %shift_left3A_247 : i32 to vector<16xi32>
        %shift_left3A_249 = arith.shli %add3A_246, %shift_left3A_248 : vector<16xi32>
        %shift_right_logical3A_250 = arith.constant 19 : i32
        %shift_right_logical3A_251 = vector.broadcast %shift_right_logical3A_250 : i32 to vector<16xi32>
        %shift_right_logical3A_252 = arith.shrui %add3A_246, %shift_right_logical3A_251 : vector<16xi32>
        %or3A_253 = arith.ori %shift_left3A_249, %shift_right_logical3A_252 : vector<16xi32>
        %xor3A_254 = arith.xori %or3A_253, %add3A_246 : vector<16xi32>
        %add3A_255 = arith.addi %add3A_246, %xor3A_254 : vector<16xi32>
        %shift_left3A_256 = arith.constant 15 : i32
        %shift_left3A_257 = vector.broadcast %shift_left3A_256 : i32 to vector<16xi32>
        %shift_left3A_258 = arith.shli %xor3A_254, %shift_left3A_257 : vector<16xi32>
        %shift_right_logical3A_259 = arith.constant 17 : i32
        %shift_right_logical3A_260 = vector.broadcast %shift_right_logical3A_259 : i32 to vector<16xi32>
        %shift_right_logical3A_261 = arith.shrui %xor3A_254, %shift_right_logical3A_260 : vector<16xi32>
        %or3A_262 = arith.ori %shift_left3A_258, %shift_right_logical3A_261 : vector<16xi32>
        %xor3A_263 = arith.xori %or3A_262, %add3A_255 : vector<16xi32>
        %add3A_264 = arith.addi %add3A_255, %xor3A_263 : vector<16xi32>
        %shift_left3A_265 = arith.constant 26 : i32
        %shift_left3A_266 = vector.broadcast %shift_left3A_265 : i32 to vector<16xi32>
        %shift_left3A_267 = arith.shli %xor3A_263, %shift_left3A_266 : vector<16xi32>
        %shift_right_logical3A_268 = arith.constant 6 : i32
        %shift_right_logical3A_269 = vector.broadcast %shift_right_logical3A_268 : i32 to vector<16xi32>
        %shift_right_logical3A_270 = arith.shrui %xor3A_263, %shift_right_logical3A_269 : vector<16xi32>
        %or3A_271 = arith.ori %shift_left3A_267, %shift_right_logical3A_270 : vector<16xi32>
        %xor3A_272 = arith.xori %or3A_271, %add3A_264 : vector<16xi32>
        %add3A_273 = arith.addi %add3A_264, %xor3A_272 : vector<16xi32>
        %shift_left3A_274 = arith.constant 6 : i32
        %shift_left3A_275 = vector.broadcast %shift_left3A_274 : i32 to vector<16xi32>
        %shift_left3A_276 = arith.shli %xor3A_272, %shift_left3A_275 : vector<16xi32>
        %shift_right_logical3A_277 = arith.constant 26 : i32
        %shift_right_logical3A_278 = vector.broadcast %shift_right_logical3A_277 : i32 to vector<16xi32>
        %shift_right_logical3A_279 = arith.shrui %xor3A_272, %shift_right_logical3A_278 : vector<16xi32>
        %or3A_280 = arith.ori %shift_left3A_276, %shift_right_logical3A_279 : vector<16xi32>
        %xor3A_281 = arith.xori %or3A_280, %add3A_273 : vector<16xi32>
        %add3A_282 = arith.constant 7 : i32
        %add3A_283 = vector.broadcast %add3A_282 : i32 to vector<16xi32>
        %add3A_284 = arith.addi %add3A_273, %add3A_283 : vector<16xi32>
        %add3A_285 = arith.constant 466688990 : i32
        %add3A_286 = vector.broadcast %add3A_285 : i32 to vector<16xi32>
        %add3A_287 = arith.addi %xor3A_281, %add3A_286 : vector<16xi32>
        %add3A_288 = arith.addi %add3A_284, %add3A_287 : vector<16xi32>
        %shift_left3A_289 = arith.constant 17 : i32
        %shift_left3A_290 = vector.broadcast %shift_left3A_289 : i32 to vector<16xi32>
        %shift_left3A_291 = arith.shli %add3A_287, %shift_left3A_290 : vector<16xi32>
        %shift_right_logical3A_292 = arith.constant 15 : i32
        %shift_right_logical3A_293 = vector.broadcast %shift_right_logical3A_292 : i32 to vector<16xi32>
        %shift_right_logical3A_294 = arith.shrui %add3A_287, %shift_right_logical3A_293 : vector<16xi32>
        %or3A_295 = arith.ori %shift_left3A_291, %shift_right_logical3A_294 : vector<16xi32>
        %xor3A_296 = arith.xori %or3A_295, %add3A_288 : vector<16xi32>
        %add3A_297 = arith.addi %add3A_288, %xor3A_296 : vector<16xi32>
        %shift_left3A_298 = arith.constant 29 : i32
        %shift_left3A_299 = vector.broadcast %shift_left3A_298 : i32 to vector<16xi32>
        %shift_left3A_300 = arith.shli %xor3A_296, %shift_left3A_299 : vector<16xi32>
        %shift_right_logical3A_301 = arith.constant 3 : i32
        %shift_right_logical3A_302 = vector.broadcast %shift_right_logical3A_301 : i32 to vector<16xi32>
        %shift_right_logical3A_303 = arith.shrui %xor3A_296, %shift_right_logical3A_302 : vector<16xi32>
        %or3A_304 = arith.ori %shift_left3A_300, %shift_right_logical3A_303 : vector<16xi32>
        %xor3A_305 = arith.xori %or3A_304, %add3A_297 : vector<16xi32>
        %add3A_306 = arith.addi %add3A_297, %xor3A_305 : vector<16xi32>
        %shift_left3A_307 = arith.constant 16 : i32
        %shift_left3A_308 = vector.broadcast %shift_left3A_307 : i32 to vector<16xi32>
        %shift_left3A_309 = arith.shli %xor3A_305, %shift_left3A_308 : vector<16xi32>
        %shift_right_logical3A_310 = arith.constant 16 : i32
        %shift_right_logical3A_311 = vector.broadcast %shift_right_logical3A_310 : i32 to vector<16xi32>
        %shift_right_logical3A_312 = arith.shrui %xor3A_305, %shift_right_logical3A_311 : vector<16xi32>
        %or3A_313 = arith.ori %shift_left3A_309, %shift_right_logical3A_312 : vector<16xi32>
        %xor3A_314 = arith.xori %or3A_313, %add3A_306 : vector<16xi32>
        %add3A_315 = arith.addi %add3A_306, %xor3A_314 : vector<16xi32>
        %shift_left3A_316 = arith.constant 24 : i32
        %shift_left3A_317 = vector.broadcast %shift_left3A_316 : i32 to vector<16xi32>
        %shift_left3A_318 = arith.shli %xor3A_314, %shift_left3A_317 : vector<16xi32>
        %shift_right_logical3A_319 = arith.constant 8 : i32
        %shift_right_logical3A_320 = vector.broadcast %shift_right_logical3A_319 : i32 to vector<16xi32>
        %shift_right_logical3A_321 = arith.shrui %xor3A_314, %shift_right_logical3A_320 : vector<16xi32>
        %or3A_322 = arith.ori %shift_left3A_318, %shift_right_logical3A_321 : vector<16xi32>
        %xor3A_323 = arith.xori %or3A_322, %add3A_315 : vector<16xi32>
        %add3A_324 = arith.constant 466688989 : i32
        %add3A_325 = vector.broadcast %add3A_324 : i32 to vector<16xi32>
        %add3A_326 = arith.addi %add3A_315, %add3A_325 : vector<16xi32>
        %add3A_327 = arith.constant 2 : i32
        %add3A_328 = vector.broadcast %add3A_327 : i32 to vector<16xi32>
        %add3A_329 = arith.addi %xor3A_323, %add3A_328 : vector<16xi32>
        %add3A_330 = arith.addi %add3A_326, %add3A_329 : vector<16xi32>
        %shift_left3A_331 = arith.constant 13 : i32
        %shift_left3A_332 = vector.broadcast %shift_left3A_331 : i32 to vector<16xi32>
        %shift_left3A_333 = arith.shli %add3A_329, %shift_left3A_332 : vector<16xi32>
        %shift_right_logical3A_334 = arith.constant 19 : i32
        %shift_right_logical3A_335 = vector.broadcast %shift_right_logical3A_334 : i32 to vector<16xi32>
        %shift_right_logical3A_336 = arith.shrui %add3A_329, %shift_right_logical3A_335 : vector<16xi32>
        %or3A_337 = arith.ori %shift_left3A_333, %shift_right_logical3A_336 : vector<16xi32>
        %xor3A_338 = arith.xori %or3A_337, %add3A_330 : vector<16xi32>
        %add3A_339 = arith.addi %add3A_330, %xor3A_338 : vector<16xi32>
        %shift_left3A_340 = arith.constant 15 : i32
        %shift_left3A_341 = vector.broadcast %shift_left3A_340 : i32 to vector<16xi32>
        %shift_left3A_342 = arith.shli %xor3A_338, %shift_left3A_341 : vector<16xi32>
        %shift_right_logical3A_343 = arith.constant 17 : i32
        %shift_right_logical3A_344 = vector.broadcast %shift_right_logical3A_343 : i32 to vector<16xi32>
        %shift_right_logical3A_345 = arith.shrui %xor3A_338, %shift_right_logical3A_344 : vector<16xi32>
        %or3A_346 = arith.ori %shift_left3A_342, %shift_right_logical3A_345 : vector<16xi32>
        %xor3A_347 = arith.xori %or3A_346, %add3A_339 : vector<16xi32>
        %add3A_348 = arith.addi %add3A_339, %xor3A_347 : vector<16xi32>
        %shift_left3A_349 = arith.constant 26 : i32
        %shift_left3A_350 = vector.broadcast %shift_left3A_349 : i32 to vector<16xi32>
        %shift_left3A_351 = arith.shli %xor3A_347, %shift_left3A_350 : vector<16xi32>
        %shift_right_logical3A_352 = arith.constant 6 : i32
        %shift_right_logical3A_353 = vector.broadcast %shift_right_logical3A_352 : i32 to vector<16xi32>
        %shift_right_logical3A_354 = arith.shrui %xor3A_347, %shift_right_logical3A_353 : vector<16xi32>
        %or3A_355 = arith.ori %shift_left3A_351, %shift_right_logical3A_354 : vector<16xi32>
        %xor3A_356 = arith.xori %or3A_355, %add3A_348 : vector<16xi32>
        %add3A_357 = arith.addi %add3A_348, %xor3A_356 : vector<16xi32>
        %shift_left3A_358 = arith.constant 6 : i32
        %shift_left3A_359 = vector.broadcast %shift_left3A_358 : i32 to vector<16xi32>
        %shift_left3A_360 = arith.shli %xor3A_356, %shift_left3A_359 : vector<16xi32>
        %shift_right_logical3A_361 = arith.constant 26 : i32
        %shift_right_logical3A_362 = vector.broadcast %shift_right_logical3A_361 : i32 to vector<16xi32>
        %shift_right_logical3A_363 = arith.shrui %xor3A_356, %shift_right_logical3A_362 : vector<16xi32>
        %or3A_364 = arith.ori %shift_left3A_360, %shift_right_logical3A_363 : vector<16xi32>
        %xor3A_365 = arith.xori %or3A_364, %add3A_357 : vector<16xi32>
        %add3A_366 = arith.constant 10 : i32
        %add3A_367 = vector.broadcast %add3A_366 : i32 to vector<16xi32>
        %add3A_368 = arith.addi %xor3A_365, %add3A_367 : vector<16xi32>
        %add3A_369 = arith.addi %add3A_357, %add3A_368 : vector<16xi32>
        %shift_left3A_370 = arith.constant 17 : i32
        %shift_left3A_371 = vector.broadcast %shift_left3A_370 : i32 to vector<16xi32>
        %shift_left3A_372 = arith.shli %add3A_368, %shift_left3A_371 : vector<16xi32>
        %shift_right_logical3A_373 = arith.constant 15 : i32
        %shift_right_logical3A_374 = vector.broadcast %shift_right_logical3A_373 : i32 to vector<16xi32>
        %shift_right_logical3A_375 = arith.shrui %add3A_368, %shift_right_logical3A_374 : vector<16xi32>
        %or3A_376 = arith.ori %shift_left3A_372, %shift_right_logical3A_375 : vector<16xi32>
        %xor3A_377 = arith.xori %or3A_376, %add3A_369 : vector<16xi32>
        %add3A_378 = arith.addi %add3A_369, %xor3A_377 : vector<16xi32>
        %shift_left3A_379 = arith.constant 29 : i32
        %shift_left3A_380 = vector.broadcast %shift_left3A_379 : i32 to vector<16xi32>
        %shift_left3A_381 = arith.shli %xor3A_377, %shift_left3A_380 : vector<16xi32>
        %shift_right_logical3A_382 = arith.constant 3 : i32
        %shift_right_logical3A_383 = vector.broadcast %shift_right_logical3A_382 : i32 to vector<16xi32>
        %shift_right_logical3A_384 = arith.shrui %xor3A_377, %shift_right_logical3A_383 : vector<16xi32>
        %or3A_385 = arith.ori %shift_left3A_381, %shift_right_logical3A_384 : vector<16xi32>
        %xor3A_386 = arith.xori %or3A_385, %add3A_378 : vector<16xi32>
        %add3A_387 = arith.addi %add3A_378, %xor3A_386 : vector<16xi32>
        %shift_left3A_388 = arith.constant 16 : i32
        %shift_left3A_389 = vector.broadcast %shift_left3A_388 : i32 to vector<16xi32>
        %shift_left3A_390 = arith.shli %xor3A_386, %shift_left3A_389 : vector<16xi32>
        %shift_right_logical3A_391 = arith.constant 16 : i32
        %shift_right_logical3A_392 = vector.broadcast %shift_right_logical3A_391 : i32 to vector<16xi32>
        %shift_right_logical3A_393 = arith.shrui %xor3A_386, %shift_right_logical3A_392 : vector<16xi32>
        %or3A_394 = arith.ori %shift_left3A_390, %shift_right_logical3A_393 : vector<16xi32>
        %xor3A_395 = arith.xori %or3A_394, %add3A_387 : vector<16xi32>
        %add3A_396 = arith.addi %add3A_387, %xor3A_395 : vector<16xi32>
        %shift_left3A_397 = arith.constant 24 : i32
        %shift_left3A_398 = vector.broadcast %shift_left3A_397 : i32 to vector<16xi32>
        %shift_left3A_399 = arith.shli %xor3A_395, %shift_left3A_398 : vector<16xi32>
        %shift_right_logical3A_400 = arith.constant 8 : i32
        %shift_right_logical3A_401 = vector.broadcast %shift_right_logical3A_400 : i32 to vector<16xi32>
        %shift_right_logical3A_402 = arith.shrui %xor3A_395, %shift_right_logical3A_401 : vector<16xi32>
        %or3A_403 = arith.ori %shift_left3A_399, %shift_right_logical3A_402 : vector<16xi32>
        %xor3A_404 = arith.xori %or3A_403, %add3A_396 : vector<16xi32>
        %add3A_405 = arith.constant 7 : i32
        %add3A_406 = vector.broadcast %add3A_405 : i32 to vector<16xi32>
        %add3A_407 = arith.addi %add3A_396, %add3A_406 : vector<16xi32>
        %add3A_408 = arith.constant 466688993 : i32
        %add3A_409 = vector.broadcast %add3A_408 : i32 to vector<16xi32>
        %add3A_410 = arith.addi %xor3A_404, %add3A_409 : vector<16xi32>
        %add3A_411 = arith.addi %add3A_407, %add3A_410 : vector<16xi32>
        %shift_left3A_412 = arith.constant 13 : i32
        %shift_left3A_413 = vector.broadcast %shift_left3A_412 : i32 to vector<16xi32>
        %shift_left3A_414 = arith.shli %add3A_410, %shift_left3A_413 : vector<16xi32>
        %shift_right_logical3A_415 = arith.constant 19 : i32
        %shift_right_logical3A_416 = vector.broadcast %shift_right_logical3A_415 : i32 to vector<16xi32>
        %shift_right_logical3A_417 = arith.shrui %add3A_410, %shift_right_logical3A_416 : vector<16xi32>
        %or3A_418 = arith.ori %shift_left3A_414, %shift_right_logical3A_417 : vector<16xi32>
        %xor3A_419 = arith.xori %or3A_418, %add3A_411 : vector<16xi32>
        %add3A_420 = arith.addi %add3A_411, %xor3A_419 : vector<16xi32>
        %shift_left3A_421 = arith.constant 15 : i32
        %shift_left3A_422 = vector.broadcast %shift_left3A_421 : i32 to vector<16xi32>
        %shift_left3A_423 = arith.shli %xor3A_419, %shift_left3A_422 : vector<16xi32>
        %shift_right_logical3A_424 = arith.constant 17 : i32
        %shift_right_logical3A_425 = vector.broadcast %shift_right_logical3A_424 : i32 to vector<16xi32>
        %shift_right_logical3A_426 = arith.shrui %xor3A_419, %shift_right_logical3A_425 : vector<16xi32>
        %or3A_427 = arith.ori %shift_left3A_423, %shift_right_logical3A_426 : vector<16xi32>
        %xor3A_428 = arith.xori %or3A_427, %add3A_420 : vector<16xi32>
        %add3A_429 = arith.addi %add3A_420, %xor3A_428 : vector<16xi32>
        %shift_left3A_430 = arith.constant 26 : i32
        %shift_left3A_431 = vector.broadcast %shift_left3A_430 : i32 to vector<16xi32>
        %shift_left3A_432 = arith.shli %xor3A_428, %shift_left3A_431 : vector<16xi32>
        %shift_right_logical3A_433 = arith.constant 6 : i32
        %shift_right_logical3A_434 = vector.broadcast %shift_right_logical3A_433 : i32 to vector<16xi32>
        %shift_right_logical3A_435 = arith.shrui %xor3A_428, %shift_right_logical3A_434 : vector<16xi32>
        %or3A_436 = arith.ori %shift_left3A_432, %shift_right_logical3A_435 : vector<16xi32>
        %xor3A_437 = arith.xori %or3A_436, %add3A_429 : vector<16xi32>
        %add3A_438 = arith.addi %add3A_429, %xor3A_437 : vector<16xi32>
        %shift_left3A_439 = arith.constant 6 : i32
        %shift_left3A_440 = vector.broadcast %shift_left3A_439 : i32 to vector<16xi32>
        %shift_left3A_441 = arith.shli %xor3A_437, %shift_left3A_440 : vector<16xi32>
        %shift_right_logical3A_442 = arith.constant 26 : i32
        %shift_right_logical3A_443 = vector.broadcast %shift_right_logical3A_442 : i32 to vector<16xi32>
        %shift_right_logical3A_444 = arith.shrui %xor3A_437, %shift_right_logical3A_443 : vector<16xi32>
        %or3A_445 = arith.ori %shift_left3A_441, %shift_right_logical3A_444 : vector<16xi32>
        %xor3A_446 = arith.xori %or3A_445, %add3A_438 : vector<16xi32>
        %add3A_447 = arith.constant 466688989 : i32
        %add3A_448 = vector.broadcast %add3A_447 : i32 to vector<16xi32>
        %add3A_449 = arith.addi %add3A_438, %add3A_448 : vector<16xi32>
        %add3A_450 = arith.constant 5 : i32
        %add3A_451 = vector.broadcast %add3A_450 : i32 to vector<16xi32>
        %add3A_452 = arith.addi %xor3A_446, %add3A_451 : vector<16xi32>
        %xor3A_453 = arith.xori %add3A_449, %add3A_452 : vector<16xi32>
        %swap3A_454 = arith.index_cast %add3A_238 : i32 to index
        %swap3A_455 = tpu.vector_load %arg3[%swap3A_454] {strides = array<i32>} : memref<8192xi32, #tpu.memory_space<vmem>>, vector<16xi32>,
        %swap3A_456 = vector.shape_cast %swap3A_455 : vector<16xi32> to vector<16xi32>
        %swap3A_457 = vector.shape_cast %xor3A_453 : vector<16xi32> to vector<16xi32>
        tpu.vector_store %arg3[%swap3A_454], %swap3A_457 {strides = array<i32>} : memref<8192xi32, #tpu.memory_space<vmem>>, vector<16xi32>,
        %mul3A_458 = arith.constant 128 : i32
        %mul3A_459 = arith.muli %scan3A_16, %mul3A_458 : i32
        %add3A_460 = arith.constant 32 : i32
        %add3A_461 = arith.addi %mul3A_459, %add3A_460 : i32
        %mul3A_462 = arith.constant 8192 : i32
        %mul3A_463 = arith.muli %add3A_9, %mul3A_462 : i32
        %add3A_464 = arith.addi %mul3A_463, %add3A_461 : i32
        %add3A_465 = vector.broadcast %add3A_464 : i32 to vector<16xi32>
        %add3A_466 = arith.addi %add3A_465, %iota3A : vector<16xi32>
        %add3A_467 = arith.constant 7 : i32
        %add3A_468 = vector.broadcast %add3A_467 : i32 to vector<16xi32>
        %add3A_469 = arith.addi %add3A_466, %add3A_468 : vector<16xi32>
        %shift_left3A_470 = arith.constant 13 : i32
        %shift_left3A_471 = vector.broadcast %shift_left3A_470 : i32 to vector<16xi32>
        %shift_left3A_472 = arith.shli %add3A_469, %shift_left3A_471 : vector<16xi32>
        %shift_right_logical3A_473 = arith.constant 19 : i32
        %shift_right_logical3A_474 = vector.broadcast %shift_right_logical3A_473 : i32 to vector<16xi32>
        %shift_right_logical3A_475 = arith.shrui %add3A_469, %shift_right_logical3A_474 : vector<16xi32>
        %or3A_476 = arith.ori %shift_left3A_472, %shift_right_logical3A_475 : vector<16xi32>
        %xor3A_477 = arith.xori %or3A_476, %add3A_469 : vector<16xi32>
        %add3A_478 = arith.addi %add3A_469, %xor3A_477 : vector<16xi32>
        %shift_left3A_479 = arith.constant 15 : i32
        %shift_left3A_480 = vector.broadcast %shift_left3A_479 : i32 to vector<16xi32>
        %shift_left3A_481 = arith.shli %xor3A_477, %shift_left3A_480 : vector<16xi32>
        %shift_right_logical3A_482 = arith.constant 17 : i32
        %shift_right_logical3A_483 = vector.broadcast %shift_right_logical3A_482 : i32 to vector<16xi32>
        %shift_right_logical3A_484 = arith.shrui %xor3A_477, %shift_right_logical3A_483 : vector<16xi32>
        %or3A_485 = arith.ori %shift_left3A_481, %shift_right_logical3A_484 : vector<16xi32>
        %xor3A_486 = arith.xori %or3A_485, %add3A_478 : vector<16xi32>
        %add3A_487 = arith.addi %add3A_478, %xor3A_486 : vector<16xi32>
        %shift_left3A_488 = arith.constant 26 : i32
        %shift_left3A_489 = vector.broadcast %shift_left3A_488 : i32 to vector<16xi32>
        %shift_left3A_490 = arith.shli %xor3A_486, %shift_left3A_489 : vector<16xi32>
        %shift_right_logical3A_491 = arith.constant 6 : i32
        %shift_right_logical3A_492 = vector.broadcast %shift_right_logical3A_491 : i32 to vector<16xi32>
        %shift_right_logical3A_493 = arith.shrui %xor3A_486, %shift_right_logical3A_492 : vector<16xi32>
        %or3A_494 = arith.ori %shift_left3A_490, %shift_right_logical3A_493 : vector<16xi32>
        %xor3A_495 = arith.xori %or3A_494, %add3A_487 : vector<16xi32>
        %add3A_496 = arith.addi %add3A_487, %xor3A_495 : vector<16xi32>
        %shift_left3A_497 = arith.constant 6 : i32
        %shift_left3A_498 = vector.broadcast %shift_left3A_497 : i32 to vector<16xi32>
        %shift_left3A_499 = arith.shli %xor3A_495, %shift_left3A_498 : vector<16xi32>
        %shift_right_logical3A_500 = arith.constant 26 : i32
        %shift_right_logical3A_501 = vector.broadcast %shift_right_logical3A_500 : i32 to vector<16xi32>
        %shift_right_logical3A_502 = arith.shrui %xor3A_495, %shift_right_logical3A_501 : vector<16xi32>
        %or3A_503 = arith.ori %shift_left3A_499, %shift_right_logical3A_502 : vector<16xi32>
        %xor3A_504 = arith.xori %or3A_503, %add3A_496 : vector<16xi32>
        %add3A_505 = arith.constant 7 : i32
        %add3A_506 = vector.broadcast %add3A_505 : i32 to vector<16xi32>
        %add3A_507 = arith.addi %add3A_496, %add3A_506 : vector<16xi32>
        %add3A_508 = arith.constant 466688990 : i32
        %add3A_509 = vector.broadcast %add3A_508 : i32 to vector<16xi32>
        %add3A_510 = arith.addi %xor3A_504, %add3A_509 : vector<16xi32>
        %add3A_511 = arith.addi %add3A_507, %add3A_510 : vector<16xi32>
        %shift_left3A_512 = arith.constant 17 : i32
        %shift_left3A_513 = vector.broadcast %shift_left3A_512 : i32 to vector<16xi32>
        %shift_left3A_514 = arith.shli %add3A_510, %shift_left3A_513 : vector<16xi32>
        %shift_right_logical3A_515 = arith.constant 15 : i32
        %shift_right_logical3A_516 = vector.broadcast %shift_right_logical3A_515 : i32 to vector<16xi32>
        %shift_right_logical3A_517 = arith.shrui %add3A_510, %shift_right_logical3A_516 : vector<16xi32>
        %or3A_518 = arith.ori %shift_left3A_514, %shift_right_logical3A_517 : vector<16xi32>
        %xor3A_519 = arith.xori %or3A_518, %add3A_511 : vector<16xi32>
        %add3A_520 = arith.addi %add3A_511, %xor3A_519 : vector<16xi32>
        %shift_left3A_521 = arith.constant 29 : i32
        %shift_left3A_522 = vector.broadcast %shift_left3A_521 : i32 to vector<16xi32>
        %shift_left3A_523 = arith.shli %xor3A_519, %shift_left3A_522 : vector<16xi32>
        %shift_right_logical3A_524 = arith.constant 3 : i32
        %shift_right_logical3A_525 = vector.broadcast %shift_right_logical3A_524 : i32 to vector<16xi32>
        %shift_right_logical3A_526 = arith.shrui %xor3A_519, %shift_right_logical3A_525 : vector<16xi32>
        %or3A_527 = arith.ori %shift_left3A_523, %shift_right_logical3A_526 : vector<16xi32>
        %xor3A_528 = arith.xori %or3A_527, %add3A_520 : vector<16xi32>
        %add3A_529 = arith.addi %add3A_520, %xor3A_528 : vector<16xi32>
        %shift_left3A_530 = arith.constant 16 : i32
        %shift_left3A_531 = vector.broadcast %shift_left3A_530 : i32 to vector<16xi32>
        %shift_left3A_532 = arith.shli %xor3A_528, %shift_left3A_531 : vector<16xi32>
        %shift_right_logical3A_533 = arith.constant 16 : i32
        %shift_right_logical3A_534 = vector.broadcast %shift_right_logical3A_533 : i32 to vector<16xi32>
        %shift_right_logical3A_535 = arith.shrui %xor3A_528, %shift_right_logical3A_534 : vector<16xi32>
        %or3A_536 = arith.ori %shift_left3A_532, %shift_right_logical3A_535 : vector<16xi32>
        %xor3A_537 = arith.xori %or3A_536, %add3A_529 : vector<16xi32>
        %add3A_538 = arith.addi %add3A_529, %xor3A_537 : vector<16xi32>
        %shift_left3A_539 = arith.constant 24 : i32
        %shift_left3A_540 = vector.broadcast %shift_left3A_539 : i32 to vector<16xi32>
        %shift_left3A_541 = arith.shli %xor3A_537, %shift_left3A_540 : vector<16xi32>
        %shift_right_logical3A_542 = arith.constant 8 : i32
        %shift_right_logical3A_543 = vector.broadcast %shift_right_logical3A_542 : i32 to vector<16xi32>
        %shift_right_logical3A_544 = arith.shrui %xor3A_537, %shift_right_logical3A_543 : vector<16xi32>
        %or3A_545 = arith.ori %shift_left3A_541, %shift_right_logical3A_544 : vector<16xi32>
        %xor3A_546 = arith.xori %or3A_545, %add3A_538 : vector<16xi32>
        %add3A_547 = arith.constant 466688989 : i32
        %add3A_548 = vector.broadcast %add3A_547 : i32 to vector<16xi32>
        %add3A_549 = arith.addi %add3A_538, %add3A_548 : vector<16xi32>
        %add3A_550 = arith.constant 2 : i32
        %add3A_551 = vector.broadcast %add3A_550 : i32 to vector<16xi32>
        %add3A_552 = arith.addi %xor3A_546, %add3A_551 : vector<16xi32>
        %add3A_553 = arith.addi %add3A_549, %add3A_552 : vector<16xi32>
        %shift_left3A_554 = arith.constant 13 : i32
        %shift_left3A_555 = vector.broadcast %shift_left3A_554 : i32 to vector<16xi32>
        %shift_left3A_556 = arith.shli %add3A_552, %shift_left3A_555 : vector<16xi32>
        %shift_right_logical3A_557 = arith.constant 19 : i32
        %shift_right_logical3A_558 = vector.broadcast %shift_right_logical3A_557 : i32 to vector<16xi32>
        %shift_right_logical3A_559 = arith.shrui %add3A_552, %shift_right_logical3A_558 : vector<16xi32>
        %or3A_560 = arith.ori %shift_left3A_556, %shift_right_logical3A_559 : vector<16xi32>
        %xor3A_561 = arith.xori %or3A_560, %add3A_553 : vector<16xi32>
        %add3A_562 = arith.addi %add3A_553, %xor3A_561 : vector<16xi32>
        %shift_left3A_563 = arith.constant 15 : i32
        %shift_left3A_564 = vector.broadcast %shift_left3A_563 : i32 to vector<16xi32>
        %shift_left3A_565 = arith.shli %xor3A_561, %shift_left3A_564 : vector<16xi32>
        %shift_right_logical3A_566 = arith.constant 17 : i32
        %shift_right_logical3A_567 = vector.broadcast %shift_right_logical3A_566 : i32 to vector<16xi32>
        %shift_right_logical3A_568 = arith.shrui %xor3A_561, %shift_right_logical3A_567 : vector<16xi32>
        %or3A_569 = arith.ori %shift_left3A_565, %shift_right_logical3A_568 : vector<16xi32>
        %xor3A_570 = arith.xori %or3A_569, %add3A_562 : vector<16xi32>
        %add3A_571 = arith.addi %add3A_562, %xor3A_570 : vector<16xi32>
        %shift_left3A_572 = arith.constant 26 : i32
        %shift_left3A_573 = vector.broadcast %shift_left3A_572 : i32 to vector<16xi32>
        %shift_left3A_574 = arith.shli %xor3A_570, %shift_left3A_573 : vector<16xi32>
        %shift_right_logical3A_575 = arith.constant 6 : i32
        %shift_right_logical3A_576 = vector.broadcast %shift_right_logical3A_575 : i32 to vector<16xi32>
        %shift_right_logical3A_577 = arith.shrui %xor3A_570, %shift_right_logical3A_576 : vector<16xi32>
        %or3A_578 = arith.ori %shift_left3A_574, %shift_right_logical3A_577 : vector<16xi32>
        %xor3A_579 = arith.xori %or3A_578, %add3A_571 : vector<16xi32>
        %add3A_580 = arith.addi %add3A_571, %xor3A_579 : vector<16xi32>
        %shift_left3A_581 = arith.constant 6 : i32
        %shift_left3A_582 = vector.broadcast %shift_left3A_581 : i32 to vector<16xi32>
        %shift_left3A_583 = arith.shli %xor3A_579, %shift_left3A_582 : vector<16xi32>
        %shift_right_logical3A_584 = arith.constant 26 : i32
        %shift_right_logical3A_585 = vector.broadcast %shift_right_logical3A_584 : i32 to vector<16xi32>
        %shift_right_logical3A_586 = arith.shrui %xor3A_579, %shift_right_logical3A_585 : vector<16xi32>
        %or3A_587 = arith.ori %shift_left3A_583, %shift_right_logical3A_586 : vector<16xi32>
        %xor3A_588 = arith.xori %or3A_587, %add3A_580 : vector<16xi32>
        %add3A_589 = arith.constant 10 : i32
        %add3A_590 = vector.broadcast %add3A_589 : i32 to vector<16xi32>
        %add3A_591 = arith.addi %xor3A_588, %add3A_590 : vector<16xi32>
        %add3A_592 = arith.addi %add3A_580, %add3A_591 : vector<16xi32>
        %shift_left3A_593 = arith.constant 17 : i32
        %shift_left3A_594 = vector.broadcast %shift_left3A_593 : i32 to vector<16xi32>
        %shift_left3A_595 = arith.shli %add3A_591, %shift_left3A_594 : vector<16xi32>
        %shift_right_logical3A_596 = arith.constant 15 : i32
        %shift_right_logical3A_597 = vector.broadcast %shift_right_logical3A_596 : i32 to vector<16xi32>
        %shift_right_logical3A_598 = arith.shrui %add3A_591, %shift_right_logical3A_597 : vector<16xi32>
        %or3A_599 = arith.ori %shift_left3A_595, %shift_right_logical3A_598 : vector<16xi32>
        %xor3A_600 = arith.xori %or3A_599, %add3A_592 : vector<16xi32>
        %add3A_601 = arith.addi %add3A_592, %xor3A_600 : vector<16xi32>
        %shift_left3A_602 = arith.constant 29 : i32
        %shift_left3A_603 = vector.broadcast %shift_left3A_602 : i32 to vector<16xi32>
        %shift_left3A_604 = arith.shli %xor3A_600, %shift_left3A_603 : vector<16xi32>
        %shift_right_logical3A_605 = arith.constant 3 : i32
        %shift_right_logical3A_606 = vector.broadcast %shift_right_logical3A_605 : i32 to vector<16xi32>
        %shift_right_logical3A_607 = arith.shrui %xor3A_600, %shift_right_logical3A_606 : vector<16xi32>
        %or3A_608 = arith.ori %shift_left3A_604, %shift_right_logical3A_607 : vector<16xi32>
        %xor3A_609 = arith.xori %or3A_608, %add3A_601 : vector<16xi32>
        %add3A_610 = arith.addi %add3A_601, %xor3A_609 : vector<16xi32>
        %shift_left3A_611 = arith.constant 16 : i32
        %shift_left3A_612 = vector.broadcast %shift_left3A_611 : i32 to vector<16xi32>
        %shift_left3A_613 = arith.shli %xor3A_609, %shift_left3A_612 : vector<16xi32>
        %shift_right_logical3A_614 = arith.constant 16 : i32
        %shift_right_logical3A_615 = vector.broadcast %shift_right_logical3A_614 : i32 to vector<16xi32>
        %shift_right_logical3A_616 = arith.shrui %xor3A_609, %shift_right_logical3A_615 : vector<16xi32>
        %or3A_617 = arith.ori %shift_left3A_613, %shift_right_logical3A_616 : vector<16xi32>
        %xor3A_618 = arith.xori %or3A_617, %add3A_610 : vector<16xi32>
        %add3A_619 = arith.addi %add3A_610, %xor3A_618 : vector<16xi32>
        %shift_left3A_620 = arith.constant 24 : i32
        %shift_left3A_621 = vector.broadcast %shift_left3A_620 : i32 to vector<16xi32>
        %shift_left3A_622 = arith.shli %xor3A_618, %shift_left3A_621 : vector<16xi32>
        %shift_right_logical3A_623 = arith.constant 8 : i32
        %shift_right_logical3A_624 = vector.broadcast %shift_right_logical3A_623 : i32 to vector<16xi32>
        %shift_right_logical3A_625 = arith.shrui %xor3A_618, %shift_right_logical3A_624 : vector<16xi32>
        %or3A_626 = arith.ori %shift_left3A_622, %shift_right_logical3A_625 : vector<16xi32>
        %xor3A_627 = arith.xori %or3A_626, %add3A_619 : vector<16xi32>
        %add3A_628 = arith.constant 7 : i32
        %add3A_629 = vector.broadcast %add3A_628 : i32 to vector<16xi32>
        %add3A_630 = arith.addi %add3A_619, %add3A_629 : vector<16xi32>
        %add3A_631 = arith.constant 466688993 : i32
        %add3A_632 = vector.broadcast %add3A_631 : i32 to vector<16xi32>
        %add3A_633 = arith.addi %xor3A_627, %add3A_632 : vector<16xi32>
        %add3A_634 = arith.addi %add3A_630, %add3A_633 : vector<16xi32>
        %shift_left3A_635 = arith.constant 13 : i32
        %shift_left3A_636 = vector.broadcast %shift_left3A_635 : i32 to vector<16xi32>
        %shift_left3A_637 = arith.shli %add3A_633, %shift_left3A_636 : vector<16xi32>
        %shift_right_logical3A_638 = arith.constant 19 : i32
        %shift_right_logical3A_639 = vector.broadcast %shift_right_logical3A_638 : i32 to vector<16xi32>
        %shift_right_logical3A_640 = arith.shrui %add3A_633, %shift_right_logical3A_639 : vector<16xi32>
        %or3A_641 = arith.ori %shift_left3A_637, %shift_right_logical3A_640 : vector<16xi32>
        %xor3A_642 = arith.xori %or3A_641, %add3A_634 : vector<16xi32>
        %add3A_643 = arith.addi %add3A_634, %xor3A_642 : vector<16xi32>
        %shift_left3A_644 = arith.constant 15 : i32
        %shift_left3A_645 = vector.broadcast %shift_left3A_644 : i32 to vector<16xi32>
        %shift_left3A_646 = arith.shli %xor3A_642, %shift_left3A_645 : vector<16xi32>
        %shift_right_logical3A_647 = arith.constant 17 : i32
        %shift_right_logical3A_648 = vector.broadcast %shift_right_logical3A_647 : i32 to vector<16xi32>
        %shift_right_logical3A_649 = arith.shrui %xor3A_642, %shift_right_logical3A_648 : vector<16xi32>
        %or3A_650 = arith.ori %shift_left3A_646, %shift_right_logical3A_649 : vector<16xi32>
        %xor3A_651 = arith.xori %or3A_650, %add3A_643 : vector<16xi32>
        %add3A_652 = arith.addi %add3A_643, %xor3A_651 : vector<16xi32>
        %shift_left3A_653 = arith.constant 26 : i32
        %shift_left3A_654 = vector.broadcast %shift_left3A_653 : i32 to vector<16xi32>
        %shift_left3A_655 = arith.shli %xor3A_651, %shift_left3A_654 : vector<16xi32>
        %shift_right_logical3A_656 = arith.constant 6 : i32
        %shift_right_logical3A_657 = vector.broadcast %shift_right_logical3A_656 : i32 to vector<16xi32>
        %shift_right_logical3A_658 = arith.shrui %xor3A_651, %shift_right_logical3A_657 : vector<16xi32>
        %or3A_659 = arith.ori %shift_left3A_655, %shift_right_logical3A_658 : vector<16xi32>
        %xor3A_660 = arith.xori %or3A_659, %add3A_652 : vector<16xi32>
        %add3A_661 = arith.addi %add3A_652, %xor3A_660 : vector<16xi32>
        %shift_left3A_662 = arith.constant 6 : i32
        %shift_left3A_663 = vector.broadcast %shift_left3A_662 : i32 to vector<16xi32>
        %shift_left3A_664 = arith.shli %xor3A_660, %shift_left3A_663 : vector<16xi32>
        %shift_right_logical3A_665 = arith.constant 26 : i32
        %shift_right_logical3A_666 = vector.broadcast %shift_right_logical3A_665 : i32 to vector<16xi32>
        %shift_right_logical3A_667 = arith.shrui %xor3A_660, %shift_right_logical3A_666 : vector<16xi32>
        %or3A_668 = arith.ori %shift_left3A_664, %shift_right_logical3A_667 : vector<16xi32>
        %xor3A_669 = arith.xori %or3A_668, %add3A_661 : vector<16xi32>
        %add3A_670 = arith.constant 466688989 : i32
        %add3A_671 = vector.broadcast %add3A_670 : i32 to vector<16xi32>
        %add3A_672 = arith.addi %add3A_661, %add3A_671 : vector<16xi32>
        %add3A_673 = arith.constant 5 : i32
        %add3A_674 = vector.broadcast %add3A_673 : i32 to vector<16xi32>
        %add3A_675 = arith.addi %xor3A_669, %add3A_674 : vector<16xi32>
        %xor3A_676 = arith.xori %add3A_672, %add3A_675 : vector<16xi32>
        %swap3A_677 = arith.index_cast %add3A_461 : i32 to index
        %swap3A_678 = tpu.vector_load %arg3[%swap3A_677] {strides = array<i32>} : memref<8192xi32, #tpu.memory_space<vmem>>, vector<16xi32>,
        %swap3A_679 = vector.shape_cast %swap3A_678 : vector<16xi32> to vector<16xi32>
        %swap3A_680 = vector.shape_cast %xor3A_676 : vector<16xi32> to vector<16xi32>
        tpu.vector_store %arg3[%swap3A_677], %swap3A_680 {strides = array<i32>} : memref<8192xi32, #tpu.memory_space<vmem>>, vector<16xi32>,
        %mul3A_681 = arith.constant 128 : i32
        %mul3A_682 = arith.muli %scan3A_16, %mul3A_681 : i32
        %add3A_683 = arith.constant 48 : i32
        %add3A_684 = arith.addi %mul3A_682, %add3A_683 : i32
        %mul3A_685 = arith.constant 8192 : i32
        %mul3A_686 = arith.muli %add3A_9, %mul3A_685 : i32
        %add3A_687 = arith.addi %mul3A_686, %add3A_684 : i32
        %add3A_688 = vector.broadcast %add3A_687 : i32 to vector<16xi32>
        %add3A_689 = arith.addi %add3A_688, %iota3A : vector<16xi32>
        %add3A_690 = arith.constant 7 : i32
        %add3A_691 = vector.broadcast %add3A_690 : i32 to vector<16xi32>
        %add3A_692 = arith.addi %add3A_689, %add3A_691 : vector<16xi32>
        %shift_left3A_693 = arith.constant 13 : i32
        %shift_left3A_694 = vector.broadcast %shift_left3A_693 : i32 to vector<16xi32>
        %shift_left3A_695 = arith.shli %add3A_692, %shift_left3A_694 : vector<16xi32>
        %shift_right_logical3A_696 = arith.constant 19 : i32
        %shift_right_logical3A_697 = vector.broadcast %shift_right_logical3A_696 : i32 to vector<16xi32>
        %shift_right_logical3A_698 = arith.shrui %add3A_692, %shift_right_logical3A_697 : vector<16xi32>
        %or3A_699 = arith.ori %shift_left3A_695, %shift_right_logical3A_698 : vector<16xi32>
        %xor3A_700 = arith.xori %or3A_699, %add3A_692 : vector<16xi32>
        %add3A_701 = arith.addi %add3A_692, %xor3A_700 : vector<16xi32>
        %shift_left3A_702 = arith.constant 15 : i32
        %shift_left3A_703 = vector.broadcast %shift_left3A_702 : i32 to vector<16xi32>
        %shift_left3A_704 = arith.shli %xor3A_700, %shift_left3A_703 : vector<16xi32>
        %shift_right_logical3A_705 = arith.constant 17 : i32
        %shift_right_logical3A_706 = vector.broadcast %shift_right_logical3A_705 : i32 to vector<16xi32>
        %shift_right_logical3A_707 = arith.shrui %xor3A_700, %shift_right_logical3A_706 : vector<16xi32>
        %or3A_708 = arith.ori %shift_left3A_704, %shift_right_logical3A_707 : vector<16xi32>
        %xor3A_709 = arith.xori %or3A_708, %add3A_701 : vector<16xi32>
        %add3A_710 = arith.addi %add3A_701, %xor3A_709 : vector<16xi32>
        %shift_left3A_711 = arith.constant 26 : i32
        %shift_left3A_712 = vector.broadcast %shift_left3A_711 : i32 to vector<16xi32>
        %shift_left3A_713 = arith.shli %xor3A_709, %shift_left3A_712 : vector<16xi32>
        %shift_right_logical3A_714 = arith.constant 6 : i32
        %shift_right_logical3A_715 = vector.broadcast %shift_right_logical3A_714 : i32 to vector<16xi32>
        %shift_right_logical3A_716 = arith.shrui %xor3A_709, %shift_right_logical3A_715 : vector<16xi32>
        %or3A_717 = arith.ori %shift_left3A_713, %shift_right_logical3A_716 : vector<16xi32>
        %xor3A_718 = arith.xori %or3A_717, %add3A_710 : vector<16xi32>
        %add3A_719 = arith.addi %add3A_710, %xor3A_718 : vector<16xi32>
        %shift_left3A_720 = arith.constant 6 : i32
        %shift_left3A_721 = vector.broadcast %shift_left3A_720 : i32 to vector<16xi32>
        %shift_left3A_722 = arith.shli %xor3A_718, %shift_left3A_721 : vector<16xi32>
        %shift_right_logical3A_723 = arith.constant 26 : i32
        %shift_right_logical3A_724 = vector.broadcast %shift_right_logical3A_723 : i32 to vector<16xi32>
        %shift_right_logical3A_725 = arith.shrui %xor3A_718, %shift_right_logical3A_724 : vector<16xi32>
        %or3A_726 = arith.ori %shift_left3A_722, %shift_right_logical3A_725 : vector<16xi32>
        %xor3A_727 = arith.xori %or3A_726, %add3A_719 : vector<16xi32>
        %add3A_728 = arith.constant 7 : i32
        %add3A_729 = vector.broadcast %add3A_728 : i32 to vector<16xi32>
        %add3A_730 = arith.addi %add3A_719, %add3A_729 : vector<16xi32>
        %add3A_731 = arith.constant 466688990 : i32
        %add3A_732 = vector.broadcast %add3A_731 : i32 to vector<16xi32>
        %add3A_733 = arith.addi %xor3A_727, %add3A_732 : vector<16xi32>
        %add3A_734 = arith.addi %add3A_730, %add3A_733 : vector<16xi32>
        %shift_left3A_735 = arith.constant 17 : i32
        %shift_left3A_736 = vector.broadcast %shift_left3A_735 : i32 to vector<16xi32>
        %shift_left3A_737 = arith.shli %add3A_733, %shift_left3A_736 : vector<16xi32>
        %shift_right_logical3A_738 = arith.constant 15 : i32
        %shift_right_logical3A_739 = vector.broadcast %shift_right_logical3A_738 : i32 to vector<16xi32>
        %shift_right_logical3A_740 = arith.shrui %add3A_733, %shift_right_logical3A_739 : vector<16xi32>
        %or3A_741 = arith.ori %shift_left3A_737, %shift_right_logical3A_740 : vector<16xi32>
        %xor3A_742 = arith.xori %or3A_741, %add3A_734 : vector<16xi32>
        %add3A_743 = arith.addi %add3A_734, %xor3A_742 : vector<16xi32>
        %shift_left3A_744 = arith.constant 29 : i32
        %shift_left3A_745 = vector.broadcast %shift_left3A_744 : i32 to vector<16xi32>
        %shift_left3A_746 = arith.shli %xor3A_742, %shift_left3A_745 : vector<16xi32>
        %shift_right_logical3A_747 = arith.constant 3 : i32
        %shift_right_logical3A_748 = vector.broadcast %shift_right_logical3A_747 : i32 to vector<16xi32>
        %shift_right_logical3A_749 = arith.shrui %xor3A_742, %shift_right_logical3A_748 : vector<16xi32>
        %or3A_750 = arith.ori %shift_left3A_746, %shift_right_logical3A_749 : vector<16xi32>
        %xor3A_751 = arith.xori %or3A_750, %add3A_743 : vector<16xi32>
        %add3A_752 = arith.addi %add3A_743, %xor3A_751 : vector<16xi32>
        %shift_left3A_753 = arith.constant 16 : i32
        %shift_left3A_754 = vector.broadcast %shift_left3A_753 : i32 to vector<16xi32>
        %shift_left3A_755 = arith.shli %xor3A_751, %shift_left3A_754 : vector<16xi32>
        %shift_right_logical3A_756 = arith.constant 16 : i32
        %shift_right_logical3A_757 = vector.broadcast %shift_right_logical3A_756 : i32 to vector<16xi32>
        %shift_right_logical3A_758 = arith.shrui %xor3A_751, %shift_right_logical3A_757 : vector<16xi32>
        %or3A_759 = arith.ori %shift_left3A_755, %shift_right_logical3A_758 : vector<16xi32>
        %xor3A_760 = arith.xori %or3A_759, %add3A_752 : vector<16xi32>
        %add3A_761 = arith.addi %add3A_752, %xor3A_760 : vector<16xi32>
        %shift_left3A_762 = arith.constant 24 : i32
        %shift_left3A_763 = vector.broadcast %shift_left3A_762 : i32 to vector<16xi32>
        %shift_left3A_764 = arith.shli %xor3A_760, %shift_left3A_763 : vector<16xi32>
        %shift_right_logical3A_765 = arith.constant 8 : i32
        %shift_right_logical3A_766 = vector.broadcast %shift_right_logical3A_765 : i32 to vector<16xi32>
        %shift_right_logical3A_767 = arith.shrui %xor3A_760, %shift_right_logical3A_766 : vector<16xi32>
        %or3A_768 = arith.ori %shift_left3A_764, %shift_right_logical3A_767 : vector<16xi32>
        %xor3A_769 = arith.xori %or3A_768, %add3A_761 : vector<16xi32>
        %add3A_770 = arith.constant 466688989 : i32
        %add3A_771 = vector.broadcast %add3A_770 : i32 to vector<16xi32>
        %add3A_772 = arith.addi %add3A_761, %add3A_771 : vector<16xi32>
        %add3A_773 = arith.constant 2 : i32
        %add3A_774 = vector.broadcast %add3A_773 : i32 to vector<16xi32>
        %add3A_775 = arith.addi %xor3A_769, %add3A_774 : vector<16xi32>
        %add3A_776 = arith.addi %add3A_772, %add3A_775 : vector<16xi32>
        %shift_left3A_777 = arith.constant 13 : i32
        %shift_left3A_778 = vector.broadcast %shift_left3A_777 : i32 to vector<16xi32>
        %shift_left3A_779 = arith.shli %add3A_775, %shift_left3A_778 : vector<16xi32>
        %shift_right_logical3A_780 = arith.constant 19 : i32
        %shift_right_logical3A_781 = vector.broadcast %shift_right_logical3A_780 : i32 to vector<16xi32>
        %shift_right_logical3A_782 = arith.shrui %add3A_775, %shift_right_logical3A_781 : vector<16xi32>
        %or3A_783 = arith.ori %shift_left3A_779, %shift_right_logical3A_782 : vector<16xi32>
        %xor3A_784 = arith.xori %or3A_783, %add3A_776 : vector<16xi32>
        %add3A_785 = arith.addi %add3A_776, %xor3A_784 : vector<16xi32>
        %shift_left3A_786 = arith.constant 15 : i32
        %shift_left3A_787 = vector.broadcast %shift_left3A_786 : i32 to vector<16xi32>
        %shift_left3A_788 = arith.shli %xor3A_784, %shift_left3A_787 : vector<16xi32>
        %shift_right_logical3A_789 = arith.constant 17 : i32
        %shift_right_logical3A_790 = vector.broadcast %shift_right_logical3A_789 : i32 to vector<16xi32>
        %shift_right_logical3A_791 = arith.shrui %xor3A_784, %shift_right_logical3A_790 : vector<16xi32>
        %or3A_792 = arith.ori %shift_left3A_788, %shift_right_logical3A_791 : vector<16xi32>
        %xor3A_793 = arith.xori %or3A_792, %add3A_785 : vector<16xi32>
        %add3A_794 = arith.addi %add3A_785, %xor3A_793 : vector<16xi32>
        %shift_left3A_795 = arith.constant 26 : i32
        %shift_left3A_796 = vector.broadcast %shift_left3A_795 : i32 to vector<16xi32>
        %shift_left3A_797 = arith.shli %xor3A_793, %shift_left3A_796 : vector<16xi32>
        %shift_right_logical3A_798 = arith.constant 6 : i32
        %shift_right_logical3A_799 = vector.broadcast %shift_right_logical3A_798 : i32 to vector<16xi32>
        %shift_right_logical3A_800 = arith.shrui %xor3A_793, %shift_right_logical3A_799 : vector<16xi32>
        %or3A_801 = arith.ori %shift_left3A_797, %shift_right_logical3A_800 : vector<16xi32>
        %xor3A_802 = arith.xori %or3A_801, %add3A_794 : vector<16xi32>
        %add3A_803 = arith.addi %add3A_794, %xor3A_802 : vector<16xi32>
        %shift_left3A_804 = arith.constant 6 : i32
        %shift_left3A_805 = vector.broadcast %shift_left3A_804 : i32 to vector<16xi32>
        %shift_left3A_806 = arith.shli %xor3A_802, %shift_left3A_805 : vector<16xi32>
        %shift_right_logical3A_807 = arith.constant 26 : i32
        %shift_right_logical3A_808 = vector.broadcast %shift_right_logical3A_807 : i32 to vector<16xi32>
        %shift_right_logical3A_809 = arith.shrui %xor3A_802, %shift_right_logical3A_808 : vector<16xi32>
        %or3A_810 = arith.ori %shift_left3A_806, %shift_right_logical3A_809 : vector<16xi32>
        %xor3A_811 = arith.xori %or3A_810, %add3A_803 : vector<16xi32>
        %add3A_812 = arith.constant 10 : i32
        %add3A_813 = vector.broadcast %add3A_812 : i32 to vector<16xi32>
        %add3A_814 = arith.addi %xor3A_811, %add3A_813 : vector<16xi32>
        %add3A_815 = arith.addi %add3A_803, %add3A_814 : vector<16xi32>
        %shift_left3A_816 = arith.constant 17 : i32
        %shift_left3A_817 = vector.broadcast %shift_left3A_816 : i32 to vector<16xi32>
        %shift_left3A_818 = arith.shli %add3A_814, %shift_left3A_817 : vector<16xi32>
        %shift_right_logical3A_819 = arith.constant 15 : i32
        %shift_right_logical3A_820 = vector.broadcast %shift_right_logical3A_819 : i32 to vector<16xi32>
        %shift_right_logical3A_821 = arith.shrui %add3A_814, %shift_right_logical3A_820 : vector<16xi32>
        %or3A_822 = arith.ori %shift_left3A_818, %shift_right_logical3A_821 : vector<16xi32>
        %xor3A_823 = arith.xori %or3A_822, %add3A_815 : vector<16xi32>
        %add3A_824 = arith.addi %add3A_815, %xor3A_823 : vector<16xi32>
        %shift_left3A_825 = arith.constant 29 : i32
        %shift_left3A_826 = vector.broadcast %shift_left3A_825 : i32 to vector<16xi32>
        %shift_left3A_827 = arith.shli %xor3A_823, %shift_left3A_826 : vector<16xi32>
        %shift_right_logical3A_828 = arith.constant 3 : i32
        %shift_right_logical3A_829 = vector.broadcast %shift_right_logical3A_828 : i32 to vector<16xi32>
        %shift_right_logical3A_830 = arith.shrui %xor3A_823, %shift_right_logical3A_829 : vector<16xi32>
        %or3A_831 = arith.ori %shift_left3A_827, %shift_right_logical3A_830 : vector<16xi32>
        %xor3A_832 = arith.xori %or3A_831, %add3A_824 : vector<16xi32>
        %add3A_833 = arith.addi %add3A_824, %xor3A_832 : vector<16xi32>
        %shift_left3A_834 = arith.constant 16 : i32
        %shift_left3A_835 = vector.broadcast %shift_left3A_834 : i32 to vector<16xi32>
        %shift_left3A_836 = arith.shli %xor3A_832, %shift_left3A_835 : vector<16xi32>
        %shift_right_logical3A_837 = arith.constant 16 : i32
        %shift_right_logical3A_838 = vector.broadcast %shift_right_logical3A_837 : i32 to vector<16xi32>
        %shift_right_logical3A_839 = arith.shrui %xor3A_832, %shift_right_logical3A_838 : vector<16xi32>
        %or3A_840 = arith.ori %shift_left3A_836, %shift_right_logical3A_839 : vector<16xi32>
        %xor3A_841 = arith.xori %or3A_840, %add3A_833 : vector<16xi32>
        %add3A_842 = arith.addi %add3A_833, %xor3A_841 : vector<16xi32>
        %shift_left3A_843 = arith.constant 24 : i32
        %shift_left3A_844 = vector.broadcast %shift_left3A_843 : i32 to vector<16xi32>
        %shift_left3A_845 = arith.shli %xor3A_841, %shift_left3A_844 : vector<16xi32>
        %shift_right_logical3A_846 = arith.constant 8 : i32
        %shift_right_logical3A_847 = vector.broadcast %shift_right_logical3A_846 : i32 to vector<16xi32>
        %shift_right_logical3A_848 = arith.shrui %xor3A_841, %shift_right_logical3A_847 : vector<16xi32>
        %or3A_849 = arith.ori %shift_left3A_845, %shift_right_logical3A_848 : vector<16xi32>
        %xor3A_850 = arith.xori %or3A_849, %add3A_842 : vector<16xi32>
        %add3A_851 = arith.constant 7 : i32
        %add3A_852 = vector.broadcast %add3A_851 : i32 to vector<16xi32>
        %add3A_853 = arith.addi %add3A_842, %add3A_852 : vector<16xi32>
        %add3A_854 = arith.constant 466688993 : i32
        %add3A_855 = vector.broadcast %add3A_854 : i32 to vector<16xi32>
        %add3A_856 = arith.addi %xor3A_850, %add3A_855 : vector<16xi32>
        %add3A_857 = arith.addi %add3A_853, %add3A_856 : vector<16xi32>
        %shift_left3A_858 = arith.constant 13 : i32
        %shift_left3A_859 = vector.broadcast %shift_left3A_858 : i32 to vector<16xi32>
        %shift_left3A_860 = arith.shli %add3A_856, %shift_left3A_859 : vector<16xi32>
        %shift_right_logical3A_861 = arith.constant 19 : i32
        %shift_right_logical3A_862 = vector.broadcast %shift_right_logical3A_861 : i32 to vector<16xi32>
        %shift_right_logical3A_863 = arith.shrui %add3A_856, %shift_right_logical3A_862 : vector<16xi32>
        %or3A_864 = arith.ori %shift_left3A_860, %shift_right_logical3A_863 : vector<16xi32>
        %xor3A_865 = arith.xori %or3A_864, %add3A_857 : vector<16xi32>
        %add3A_866 = arith.addi %add3A_857, %xor3A_865 : vector<16xi32>
        %shift_left3A_867 = arith.constant 15 : i32
        %shift_left3A_868 = vector.broadcast %shift_left3A_867 : i32 to vector<16xi32>
        %shift_left3A_869 = arith.shli %xor3A_865, %shift_left3A_868 : vector<16xi32>
        %shift_right_logical3A_870 = arith.constant 17 : i32
        %shift_right_logical3A_871 = vector.broadcast %shift_right_logical3A_870 : i32 to vector<16xi32>
        %shift_right_logical3A_872 = arith.shrui %xor3A_865, %shift_right_logical3A_871 : vector<16xi32>
        %or3A_873 = arith.ori %shift_left3A_869, %shift_right_logical3A_872 : vector<16xi32>
        %xor3A_874 = arith.xori %or3A_873, %add3A_866 : vector<16xi32>
        %add3A_875 = arith.addi %add3A_866, %xor3A_874 : vector<16xi32>
        %shift_left3A_876 = arith.constant 26 : i32
        %shift_left3A_877 = vector.broadcast %shift_left3A_876 : i32 to vector<16xi32>
        %shift_left3A_878 = arith.shli %xor3A_874, %shift_left3A_877 : vector<16xi32>
        %shift_right_logical3A_879 = arith.constant 6 : i32
        %shift_right_logical3A_880 = vector.broadcast %shift_right_logical3A_879 : i32 to vector<16xi32>
        %shift_right_logical3A_881 = arith.shrui %xor3A_874, %shift_right_logical3A_880 : vector<16xi32>
        %or3A_882 = arith.ori %shift_left3A_878, %shift_right_logical3A_881 : vector<16xi32>
        %xor3A_883 = arith.xori %or3A_882, %add3A_875 : vector<16xi32>
        %add3A_884 = arith.addi %add3A_875, %xor3A_883 : vector<16xi32>
        %shift_left3A_885 = arith.constant 6 : i32
        %shift_left3A_886 = vector.broadcast %shift_left3A_885 : i32 to vector<16xi32>
        %shift_left3A_887 = arith.shli %xor3A_883, %shift_left3A_886 : vector<16xi32>
        %shift_right_logical3A_888 = arith.constant 26 : i32
        %shift_right_logical3A_889 = vector.broadcast %shift_right_logical3A_888 : i32 to vector<16xi32>
        %shift_right_logical3A_890 = arith.shrui %xor3A_883, %shift_right_logical3A_889 : vector<16xi32>
        %or3A_891 = arith.ori %shift_left3A_887, %shift_right_logical3A_890 : vector<16xi32>
        %xor3A_892 = arith.xori %or3A_891, %add3A_884 : vector<16xi32>
        %add3A_893 = arith.constant 466688989 : i32
        %add3A_894 = vector.broadcast %add3A_893 : i32 to vector<16xi32>
        %add3A_895 = arith.addi %add3A_884, %add3A_894 : vector<16xi32>
        %add3A_896 = arith.constant 5 : i32
        %add3A_897 = vector.broadcast %add3A_896 : i32 to vector<16xi32>
        %add3A_898 = arith.addi %xor3A_892, %add3A_897 : vector<16xi32>
        %xor3A_899 = arith.xori %add3A_895, %add3A_898 : vector<16xi32>
        %swap3A_900 = arith.index_cast %add3A_684 : i32 to index
        %swap3A_901 = tpu.vector_load %arg3[%swap3A_900] {strides = array<i32>} : memref<8192xi32, #tpu.memory_space<vmem>>, vector<16xi32>,
        %swap3A_902 = vector.shape_cast %swap3A_901 : vector<16xi32> to vector<16xi32>
        %swap3A_903 = vector.shape_cast %xor3A_899 : vector<16xi32> to vector<16xi32>
        tpu.vector_store %arg3[%swap3A_900], %swap3A_903 {strides = array<i32>} : memref<8192xi32, #tpu.memory_space<vmem>>, vector<16xi32>,
        %mul3A_904 = arith.constant 128 : i32
        %mul3A_905 = arith.muli %scan3A_16, %mul3A_904 : i32
        %add3A_906 = arith.constant 64 : i32
        %add3A_907 = arith.addi %mul3A_905, %add3A_906 : i32
        %mul3A_908 = arith.constant 8192 : i32
        %mul3A_909 = arith.muli %add3A_9, %mul3A_908 : i32
        %add3A_910 = arith.addi %mul3A_909, %add3A_907 : i32
        %add3A_911 = vector.broadcast %add3A_910 : i32 to vector<16xi32>
        %add3A_912 = arith.addi %add3A_911, %iota3A : vector<16xi32>
        %add3A_913 = arith.constant 7 : i32
        %add3A_914 = vector.broadcast %add3A_913 : i32 to vector<16xi32>
        %add3A_915 = arith.addi %add3A_912, %add3A_914 : vector<16xi32>
        %shift_left3A_916 = arith.constant 13 : i32
        %shift_left3A_917 = vector.broadcast %shift_left3A_916 : i32 to vector<16xi32>
        %shift_left3A_918 = arith.shli %add3A_915, %shift_left3A_917 : vector<16xi32>
        %shift_right_logical3A_919 = arith.constant 19 : i32
        %shift_right_logical3A_920 = vector.broadcast %shift_right_logical3A_919 : i32 to vector<16xi32>
        %shift_right_logical3A_921 = arith.shrui %add3A_915, %shift_right_logical3A_920 : vector<16xi32>
        %or3A_922 = arith.ori %shift_left3A_918, %shift_right_logical3A_921 : vector<16xi32>
        %xor3A_923 = arith.xori %or3A_922, %add3A_915 : vector<16xi32>
        %add3A_924 = arith.addi %add3A_915, %xor3A_923 : vector<16xi32>
        %shift_left3A_925 = arith.constant 15 : i32
        %shift_left3A_926 = vector.broadcast %shift_left3A_925 : i32 to vector<16xi32>
        %shift_left3A_927 = arith.shli %xor3A_923, %shift_left3A_926 : vector<16xi32>
        %shift_right_logical3A_928 = arith.constant 17 : i32
        %shift_right_logical3A_929 = vector.broadcast %shift_right_logical3A_928 : i32 to vector<16xi32>
        %shift_right_logical3A_930 = arith.shrui %xor3A_923, %shift_right_logical3A_929 : vector<16xi32>
        %or3A_931 = arith.ori %shift_left3A_927, %shift_right_logical3A_930 : vector<16xi32>
        %xor3A_932 = arith.xori %or3A_931, %add3A_924 : vector<16xi32>
        %add3A_933 = arith.addi %add3A_924, %xor3A_932 : vector<16xi32>
        %shift_left3A_934 = arith.constant 26 : i32
        %shift_left3A_935 = vector.broadcast %shift_left3A_934 : i32 to vector<16xi32>
        %shift_left3A_936 = arith.shli %xor3A_932, %shift_left3A_935 : vector<16xi32>
        %shift_right_logical3A_937 = arith.constant 6 : i32
        %shift_right_logical3A_938 = vector.broadcast %shift_right_logical3A_937 : i32 to vector<16xi32>
        %shift_right_logical3A_939 = arith.shrui %xor3A_932, %shift_right_logical3A_938 : vector<16xi32>
        %or3A_940 = arith.ori %shift_left3A_936, %shift_right_logical3A_939 : vector<16xi32>
        %xor3A_941 = arith.xori %or3A_940, %add3A_933 : vector<16xi32>
        %add3A_942 = arith.addi %add3A_933, %xor3A_941 : vector<16xi32>
        %shift_left3A_943 = arith.constant 6 : i32
        %shift_left3A_944 = vector.broadcast %shift_left3A_943 : i32 to vector<16xi32>
        %shift_left3A_945 = arith.shli %xor3A_941, %shift_left3A_944 : vector<16xi32>
        %shift_right_logical3A_946 = arith.constant 26 : i32
        %shift_right_logical3A_947 = vector.broadcast %shift_right_logical3A_946 : i32 to vector<16xi32>
        %shift_right_logical3A_948 = arith.shrui %xor3A_941, %shift_right_logical3A_947 : vector<16xi32>
        %or3A_949 = arith.ori %shift_left3A_945, %shift_right_logical3A_948 : vector<16xi32>
        %xor3A_950 = arith.xori %or3A_949, %add3A_942 : vector<16xi32>
        %add3A_951 = arith.constant 7 : i32
        %add3A_952 = vector.broadcast %add3A_951 : i32 to vector<16xi32>
        %add3A_953 = arith.addi %add3A_942, %add3A_952 : vector<16xi32>
        %add3A_954 = arith.constant 466688990 : i32
        %add3A_955 = vector.broadcast %add3A_954 : i32 to vector<16xi32>
        %add3A_956 = arith.addi %xor3A_950, %add3A_955 : vector<16xi32>
        %add3A_957 = arith.addi %add3A_953, %add3A_956 : vector<16xi32>
        %shift_left3A_958 = arith.constant 17 : i32
        %shift_left3A_959 = vector.broadcast %shift_left3A_958 : i32 to vector<16xi32>
        %shift_left3A_960 = arith.shli %add3A_956, %shift_left3A_959 : vector<16xi32>
        %shift_right_logical3A_961 = arith.constant 15 : i32
        %shift_right_logical3A_962 = vector.broadcast %shift_right_logical3A_961 : i32 to vector<16xi32>
        %shift_right_logical3A_963 = arith.shrui %add3A_956, %shift_right_logical3A_962 : vector<16xi32>
        %or3A_964 = arith.ori %shift_left3A_960, %shift_right_logical3A_963 : vector<16xi32>
        %xor3A_965 = arith.xori %or3A_964, %add3A_957 : vector<16xi32>
        %add3A_966 = arith.addi %add3A_957, %xor3A_965 : vector<16xi32>
        %shift_left3A_967 = arith.constant 29 : i32
        %shift_left3A_968 = vector.broadcast %shift_left3A_967 : i32 to vector<16xi32>
        %shift_left3A_969 = arith.shli %xor3A_965, %shift_left3A_968 : vector<16xi32>
        %shift_right_logical3A_970 = arith.constant 3 : i32
        %shift_right_logical3A_971 = vector.broadcast %shift_right_logical3A_970 : i32 to vector<16xi32>
        %shift_right_logical3A_972 = arith.shrui %xor3A_965, %shift_right_logical3A_971 : vector<16xi32>
        %or3A_973 = arith.ori %shift_left3A_969, %shift_right_logical3A_972 : vector<16xi32>
        %xor3A_974 = arith.xori %or3A_973, %add3A_966 : vector<16xi32>
        %add3A_975 = arith.addi %add3A_966, %xor3A_974 : vector<16xi32>
        %shift_left3A_976 = arith.constant 16 : i32
        %shift_left3A_977 = vector.broadcast %shift_left3A_976 : i32 to vector<16xi32>
        %shift_left3A_978 = arith.shli %xor3A_974, %shift_left3A_977 : vector<16xi32>
        %shift_right_logical3A_979 = arith.constant 16 : i32
        %shift_right_logical3A_980 = vector.broadcast %shift_right_logical3A_979 : i32 to vector<16xi32>
        %shift_right_logical3A_981 = arith.shrui %xor3A_974, %shift_right_logical3A_980 : vector<16xi32>
        %or3A_982 = arith.ori %shift_left3A_978, %shift_right_logical3A_981 : vector<16xi32>
        %xor3A_983 = arith.xori %or3A_982, %add3A_975 : vector<16xi32>
        %add3A_984 = arith.addi %add3A_975, %xor3A_983 : vector<16xi32>
        %shift_left3A_985 = arith.constant 24 : i32
        %shift_left3A_986 = vector.broadcast %shift_left3A_985 : i32 to vector<16xi32>
        %shift_left3A_987 = arith.shli %xor3A_983, %shift_left3A_986 : vector<16xi32>
        %shift_right_logical3A_988 = arith.constant 8 : i32
        %shift_right_logical3A_989 = vector.broadcast %shift_right_logical3A_988 : i32 to vector<16xi32>
        %shift_right_logical3A_990 = arith.shrui %xor3A_983, %shift_right_logical3A_989 : vector<16xi32>
        %or3A_991 = arith.ori %shift_left3A_987, %shift_right_logical3A_990 : vector<16xi32>
        %xor3A_992 = arith.xori %or3A_991, %add3A_984 : vector<16xi32>
        %add3A_993 = arith.constant 466688989 : i32
        %add3A_994 = vector.broadcast %add3A_993 : i32 to vector<16xi32>
        %add3A_995 = arith.addi %add3A_984, %add3A_994 : vector<16xi32>
        %add3A_996 = arith.constant 2 : i32
        %add3A_997 = vector.broadcast %add3A_996 : i32 to vector<16xi32>
        %add3A_998 = arith.addi %xor3A_992, %add3A_997 : vector<16xi32>
        %add3A_999 = arith.addi %add3A_995, %add3A_998 : vector<16xi32>
        %shift_left3A_1000 = arith.constant 13 : i32
        %shift_left3A_1001 = vector.broadcast %shift_left3A_1000 : i32 to vector<16xi32>
        %shift_left3A_1002 = arith.shli %add3A_998, %shift_left3A_1001 : vector<16xi32>
        %shift_right_logical3A_1003 = arith.constant 19 : i32
        %shift_right_logical3A_1004 = vector.broadcast %shift_right_logical3A_1003 : i32 to vector<16xi32>
        %shift_right_logical3A_1005 = arith.shrui %add3A_998, %shift_right_logical3A_1004 : vector<16xi32>
        %or3A_1006 = arith.ori %shift_left3A_1002, %shift_right_logical3A_1005 : vector<16xi32>
        %xor3A_1007 = arith.xori %or3A_1006, %add3A_999 : vector<16xi32>
        %add3A_1008 = arith.addi %add3A_999, %xor3A_1007 : vector<16xi32>
        %shift_left3A_1009 = arith.constant 15 : i32
        %shift_left3A_1010 = vector.broadcast %shift_left3A_1009 : i32 to vector<16xi32>
        %shift_left3A_1011 = arith.shli %xor3A_1007, %shift_left3A_1010 : vector<16xi32>
        %shift_right_logical3A_1012 = arith.constant 17 : i32
        %shift_right_logical3A_1013 = vector.broadcast %shift_right_logical3A_1012 : i32 to vector<16xi32>
        %shift_right_logical3A_1014 = arith.shrui %xor3A_1007, %shift_right_logical3A_1013 : vector<16xi32>
        %or3A_1015 = arith.ori %shift_left3A_1011, %shift_right_logical3A_1014 : vector<16xi32>
        %xor3A_1016 = arith.xori %or3A_1015, %add3A_1008 : vector<16xi32>
        %add3A_1017 = arith.addi %add3A_1008, %xor3A_1016 : vector<16xi32>
        %shift_left3A_1018 = arith.constant 26 : i32
        %shift_left3A_1019 = vector.broadcast %shift_left3A_1018 : i32 to vector<16xi32>
        %shift_left3A_1020 = arith.shli %xor3A_1016, %shift_left3A_1019 : vector<16xi32>
        %shift_right_logical3A_1021 = arith.constant 6 : i32
        %shift_right_logical3A_1022 = vector.broadcast %shift_right_logical3A_1021 : i32 to vector<16xi32>
        %shift_right_logical3A_1023 = arith.shrui %xor3A_1016, %shift_right_logical3A_1022 : vector<16xi32>
        %or3A_1024 = arith.ori %shift_left3A_1020, %shift_right_logical3A_1023 : vector<16xi32>
        %xor3A_1025 = arith.xori %or3A_1024, %add3A_1017 : vector<16xi32>
        %add3A_1026 = arith.addi %add3A_1017, %xor3A_1025 : vector<16xi32>
        %shift_left3A_1027 = arith.constant 6 : i32
        %shift_left3A_1028 = vector.broadcast %shift_left3A_1027 : i32 to vector<16xi32>
        %shift_left3A_1029 = arith.shli %xor3A_1025, %shift_left3A_1028 : vector<16xi32>
        %shift_right_logical3A_1030 = arith.constant 26 : i32
        %shift_right_logical3A_1031 = vector.broadcast %shift_right_logical3A_1030 : i32 to vector<16xi32>
        %shift_right_logical3A_1032 = arith.shrui %xor3A_1025, %shift_right_logical3A_1031 : vector<16xi32>
        %or3A_1033 = arith.ori %shift_left3A_1029, %shift_right_logical3A_1032 : vector<16xi32>
        %xor3A_1034 = arith.xori %or3A_1033, %add3A_1026 : vector<16xi32>
        %add3A_1035 = arith.constant 10 : i32
        %add3A_1036 = vector.broadcast %add3A_1035 : i32 to vector<16xi32>
        %add3A_1037 = arith.addi %xor3A_1034, %add3A_1036 : vector<16xi32>
        %add3A_1038 = arith.addi %add3A_1026, %add3A_1037 : vector<16xi32>
        %shift_left3A_1039 = arith.constant 17 : i32
        %shift_left3A_1040 = vector.broadcast %shift_left3A_1039 : i32 to vector<16xi32>
        %shift_left3A_1041 = arith.shli %add3A_1037, %shift_left3A_1040 : vector<16xi32>
        %shift_right_logical3A_1042 = arith.constant 15 : i32
        %shift_right_logical3A_1043 = vector.broadcast %shift_right_logical3A_1042 : i32 to vector<16xi32>
        %shift_right_logical3A_1044 = arith.shrui %add3A_1037, %shift_right_logical3A_1043 : vector<16xi32>
        %or3A_1045 = arith.ori %shift_left3A_1041, %shift_right_logical3A_1044 : vector<16xi32>
        %xor3A_1046 = arith.xori %or3A_1045, %add3A_1038 : vector<16xi32>
        %add3A_1047 = arith.addi %add3A_1038, %xor3A_1046 : vector<16xi32>
        %shift_left3A_1048 = arith.constant 29 : i32
        %shift_left3A_1049 = vector.broadcast %shift_left3A_1048 : i32 to vector<16xi32>
        %shift_left3A_1050 = arith.shli %xor3A_1046, %shift_left3A_1049 : vector<16xi32>
        %shift_right_logical3A_1051 = arith.constant 3 : i32
        %shift_right_logical3A_1052 = vector.broadcast %shift_right_logical3A_1051 : i32 to vector<16xi32>
        %shift_right_logical3A_1053 = arith.shrui %xor3A_1046, %shift_right_logical3A_1052 : vector<16xi32>
        %or3A_1054 = arith.ori %shift_left3A_1050, %shift_right_logical3A_1053 : vector<16xi32>
        %xor3A_1055 = arith.xori %or3A_1054, %add3A_1047 : vector<16xi32>
        %add3A_1056 = arith.addi %add3A_1047, %xor3A_1055 : vector<16xi32>
        %shift_left3A_1057 = arith.constant 16 : i32
        %shift_left3A_1058 = vector.broadcast %shift_left3A_1057 : i32 to vector<16xi32>
        %shift_left3A_1059 = arith.shli %xor3A_1055, %shift_left3A_1058 : vector<16xi32>
        %shift_right_logical3A_1060 = arith.constant 16 : i32
        %shift_right_logical3A_1061 = vector.broadcast %shift_right_logical3A_1060 : i32 to vector<16xi32>
        %shift_right_logical3A_1062 = arith.shrui %xor3A_1055, %shift_right_logical3A_1061 : vector<16xi32>
        %or3A_1063 = arith.ori %shift_left3A_1059, %shift_right_logical3A_1062 : vector<16xi32>
        %xor3A_1064 = arith.xori %or3A_1063, %add3A_1056 : vector<16xi32>
        %add3A_1065 = arith.addi %add3A_1056, %xor3A_1064 : vector<16xi32>
        %shift_left3A_1066 = arith.constant 24 : i32
        %shift_left3A_1067 = vector.broadcast %shift_left3A_1066 : i32 to vector<16xi32>
        %shift_left3A_1068 = arith.shli %xor3A_1064, %shift_left3A_1067 : vector<16xi32>
        %shift_right_logical3A_1069 = arith.constant 8 : i32
        %shift_right_logical3A_1070 = vector.broadcast %shift_right_logical3A_1069 : i32 to vector<16xi32>
        %shift_right_logical3A_1071 = arith.shrui %xor3A_1064, %shift_right_logical3A_1070 : vector<16xi32>
        %or3A_1072 = arith.ori %shift_left3A_1068, %shift_right_logical3A_1071 : vector<16xi32>
        %xor3A_1073 = arith.xori %or3A_1072, %add3A_1065 : vector<16xi32>
        %add3A_1074 = arith.constant 7 : i32
        %add3A_1075 = vector.broadcast %add3A_1074 : i32 to vector<16xi32>
        %add3A_1076 = arith.addi %add3A_1065, %add3A_1075 : vector<16xi32>
        %add3A_1077 = arith.constant 466688993 : i32
        %add3A_1078 = vector.broadcast %add3A_1077 : i32 to vector<16xi32>
        %add3A_1079 = arith.addi %xor3A_1073, %add3A_1078 : vector<16xi32>
        %add3A_1080 = arith.addi %add3A_1076, %add3A_1079 : vector<16xi32>
        %shift_left3A_1081 = arith.constant 13 : i32
        %shift_left3A_1082 = vector.broadcast %shift_left3A_1081 : i32 to vector<16xi32>
        %shift_left3A_1083 = arith.shli %add3A_1079, %shift_left3A_1082 : vector<16xi32>
        %shift_right_logical3A_1084 = arith.constant 19 : i32
        %shift_right_logical3A_1085 = vector.broadcast %shift_right_logical3A_1084 : i32 to vector<16xi32>
        %shift_right_logical3A_1086 = arith.shrui %add3A_1079, %shift_right_logical3A_1085 : vector<16xi32>
        %or3A_1087 = arith.ori %shift_left3A_1083, %shift_right_logical3A_1086 : vector<16xi32>
        %xor3A_1088 = arith.xori %or3A_1087, %add3A_1080 : vector<16xi32>
        %add3A_1089 = arith.addi %add3A_1080, %xor3A_1088 : vector<16xi32>
        %shift_left3A_1090 = arith.constant 15 : i32
        %shift_left3A_1091 = vector.broadcast %shift_left3A_1090 : i32 to vector<16xi32>
        %shift_left3A_1092 = arith.shli %xor3A_1088, %shift_left3A_1091 : vector<16xi32>
        %shift_right_logical3A_1093 = arith.constant 17 : i32
        %shift_right_logical3A_1094 = vector.broadcast %shift_right_logical3A_1093 : i32 to vector<16xi32>
        %shift_right_logical3A_1095 = arith.shrui %xor3A_1088, %shift_right_logical3A_1094 : vector<16xi32>
        %or3A_1096 = arith.ori %shift_left3A_1092, %shift_right_logical3A_1095 : vector<16xi32>
        %xor3A_1097 = arith.xori %or3A_1096, %add3A_1089 : vector<16xi32>
        %add3A_1098 = arith.addi %add3A_1089, %xor3A_1097 : vector<16xi32>
        %shift_left3A_1099 = arith.constant 26 : i32
        %shift_left3A_1100 = vector.broadcast %shift_left3A_1099 : i32 to vector<16xi32>
        %shift_left3A_1101 = arith.shli %xor3A_1097, %shift_left3A_1100 : vector<16xi32>
        %shift_right_logical3A_1102 = arith.constant 6 : i32
        %shift_right_logical3A_1103 = vector.broadcast %shift_right_logical3A_1102 : i32 to vector<16xi32>
        %shift_right_logical3A_1104 = arith.shrui %xor3A_1097, %shift_right_logical3A_1103 : vector<16xi32>
        %or3A_1105 = arith.ori %shift_left3A_1101, %shift_right_logical3A_1104 : vector<16xi32>
        %xor3A_1106 = arith.xori %or3A_1105, %add3A_1098 : vector<16xi32>
        %add3A_1107 = arith.addi %add3A_1098, %xor3A_1106 : vector<16xi32>
        %shift_left3A_1108 = arith.constant 6 : i32
        %shift_left3A_1109 = vector.broadcast %shift_left3A_1108 : i32 to vector<16xi32>
        %shift_left3A_1110 = arith.shli %xor3A_1106, %shift_left3A_1109 : vector<16xi32>
        %shift_right_logical3A_1111 = arith.constant 26 : i32
        %shift_right_logical3A_1112 = vector.broadcast %shift_right_logical3A_1111 : i32 to vector<16xi32>
        %shift_right_logical3A_1113 = arith.shrui %xor3A_1106, %shift_right_logical3A_1112 : vector<16xi32>
        %or3A_1114 = arith.ori %shift_left3A_1110, %shift_right_logical3A_1113 : vector<16xi32>
        %xor3A_1115 = arith.xori %or3A_1114, %add3A_1107 : vector<16xi32>
        %add3A_1116 = arith.constant 466688989 : i32
        %add3A_1117 = vector.broadcast %add3A_1116 : i32 to vector<16xi32>
        %add3A_1118 = arith.addi %add3A_1107, %add3A_1117 : vector<16xi32>
        %add3A_1119 = arith.constant 5 : i32
        %add3A_1120 = vector.broadcast %add3A_1119 : i32 to vector<16xi32>
        %add3A_1121 = arith.addi %xor3A_1115, %add3A_1120 : vector<16xi32>
        %xor3A_1122 = arith.xori %add3A_1118, %add3A_1121 : vector<16xi32>
        %swap3A_1123 = arith.index_cast %add3A_907 : i32 to index
        %swap3A_1124 = tpu.vector_load %arg3[%swap3A_1123] {strides = array<i32>} : memref<8192xi32, #tpu.memory_space<vmem>>, vector<16xi32>,
        %swap3A_1125 = vector.shape_cast %swap3A_1124 : vector<16xi32> to vector<16xi32>
        %swap3A_1126 = vector.shape_cast %xor3A_1122 : vector<16xi32> to vector<16xi32>
        tpu.vector_store %arg3[%swap3A_1123], %swap3A_1126 {strides = array<i32>} : memref<8192xi32, #tpu.memory_space<vmem>>, vector<16xi32>,
        %mul3A_1127 = arith.constant 128 : i32
        %mul3A_1128 = arith.muli %scan3A_16, %mul3A_1127 : i32
        %add3A_1129 = arith.constant 80 : i32
        %add3A_1130 = arith.addi %mul3A_1128, %add3A_1129 : i32
        %mul3A_1131 = arith.constant 8192 : i32
        %mul3A_1132 = arith.muli %add3A_9, %mul3A_1131 : i32
        %add3A_1133 = arith.addi %mul3A_1132, %add3A_1130 : i32
        %add3A_1134 = vector.broadcast %add3A_1133 : i32 to vector<16xi32>
        %add3A_1135 = arith.addi %add3A_1134, %iota3A : vector<16xi32>
        %add3A_1136 = arith.constant 7 : i32
        %add3A_1137 = vector.broadcast %add3A_1136 : i32 to vector<16xi32>
        %add3A_1138 = arith.addi %add3A_1135, %add3A_1137 : vector<16xi32>
        %shift_left3A_1139 = arith.constant 13 : i32
        %shift_left3A_1140 = vector.broadcast %shift_left3A_1139 : i32 to vector<16xi32>
        %shift_left3A_1141 = arith.shli %add3A_1138, %shift_left3A_1140 : vector<16xi32>
        %shift_right_logical3A_1142 = arith.constant 19 : i32
        %shift_right_logical3A_1143 = vector.broadcast %shift_right_logical3A_1142 : i32 to vector<16xi32>
        %shift_right_logical3A_1144 = arith.shrui %add3A_1138, %shift_right_logical3A_1143 : vector<16xi32>
        %or3A_1145 = arith.ori %shift_left3A_1141, %shift_right_logical3A_1144 : vector<16xi32>
        %xor3A_1146 = arith.xori %or3A_1145, %add3A_1138 : vector<16xi32>
        %add3A_1147 = arith.addi %add3A_1138, %xor3A_1146 : vector<16xi32>
        %shift_left3A_1148 = arith.constant 15 : i32
        %shift_left3A_1149 = vector.broadcast %shift_left3A_1148 : i32 to vector<16xi32>
        %shift_left3A_1150 = arith.shli %xor3A_1146, %shift_left3A_1149 : vector<16xi32>
        %shift_right_logical3A_1151 = arith.constant 17 : i32
        %shift_right_logical3A_1152 = vector.broadcast %shift_right_logical3A_1151 : i32 to vector<16xi32>
        %shift_right_logical3A_1153 = arith.shrui %xor3A_1146, %shift_right_logical3A_1152 : vector<16xi32>
        %or3A_1154 = arith.ori %shift_left3A_1150, %shift_right_logical3A_1153 : vector<16xi32>
        %xor3A_1155 = arith.xori %or3A_1154, %add3A_1147 : vector<16xi32>
        %add3A_1156 = arith.addi %add3A_1147, %xor3A_1155 : vector<16xi32>
        %shift_left3A_1157 = arith.constant 26 : i32
        %shift_left3A_1158 = vector.broadcast %shift_left3A_1157 : i32 to vector<16xi32>
        %shift_left3A_1159 = arith.shli %xor3A_1155, %shift_left3A_1158 : vector<16xi32>
        %shift_right_logical3A_1160 = arith.constant 6 : i32
        %shift_right_logical3A_1161 = vector.broadcast %shift_right_logical3A_1160 : i32 to vector<16xi32>
        %shift_right_logical3A_1162 = arith.shrui %xor3A_1155, %shift_right_logical3A_1161 : vector<16xi32>
        %or3A_1163 = arith.ori %shift_left3A_1159, %shift_right_logical3A_1162 : vector<16xi32>
        %xor3A_1164 = arith.xori %or3A_1163, %add3A_1156 : vector<16xi32>
        %add3A_1165 = arith.addi %add3A_1156, %xor3A_1164 : vector<16xi32>
        %shift_left3A_1166 = arith.constant 6 : i32
        %shift_left3A_1167 = vector.broadcast %shift_left3A_1166 : i32 to vector<16xi32>
        %shift_left3A_1168 = arith.shli %xor3A_1164, %shift_left3A_1167 : vector<16xi32>
        %shift_right_logical3A_1169 = arith.constant 26 : i32
        %shift_right_logical3A_1170 = vector.broadcast %shift_right_logical3A_1169 : i32 to vector<16xi32>
        %shift_right_logical3A_1171 = arith.shrui %xor3A_1164, %shift_right_logical3A_1170 : vector<16xi32>
        %or3A_1172 = arith.ori %shift_left3A_1168, %shift_right_logical3A_1171 : vector<16xi32>
        %xor3A_1173 = arith.xori %or3A_1172, %add3A_1165 : vector<16xi32>
        %add3A_1174 = arith.constant 7 : i32
        %add3A_1175 = vector.broadcast %add3A_1174 : i32 to vector<16xi32>
        %add3A_1176 = arith.addi %add3A_1165, %add3A_1175 : vector<16xi32>
        %add3A_1177 = arith.constant 466688990 : i32
        %add3A_1178 = vector.broadcast %add3A_1177 : i32 to vector<16xi32>
        %add3A_1179 = arith.addi %xor3A_1173, %add3A_1178 : vector<16xi32>
        %add3A_1180 = arith.addi %add3A_1176, %add3A_1179 : vector<16xi32>
        %shift_left3A_1181 = arith.constant 17 : i32
        %shift_left3A_1182 = vector.broadcast %shift_left3A_1181 : i32 to vector<16xi32>
        %shift_left3A_1183 = arith.shli %add3A_1179, %shift_left3A_1182 : vector<16xi32>
        %shift_right_logical3A_1184 = arith.constant 15 : i32
        %shift_right_logical3A_1185 = vector.broadcast %shift_right_logical3A_1184 : i32 to vector<16xi32>
        %shift_right_logical3A_1186 = arith.shrui %add3A_1179, %shift_right_logical3A_1185 : vector<16xi32>
        %or3A_1187 = arith.ori %shift_left3A_1183, %shift_right_logical3A_1186 : vector<16xi32>
        %xor3A_1188 = arith.xori %or3A_1187, %add3A_1180 : vector<16xi32>
        %add3A_1189 = arith.addi %add3A_1180, %xor3A_1188 : vector<16xi32>
        %shift_left3A_1190 = arith.constant 29 : i32
        %shift_left3A_1191 = vector.broadcast %shift_left3A_1190 : i32 to vector<16xi32>
        %shift_left3A_1192 = arith.shli %xor3A_1188, %shift_left3A_1191 : vector<16xi32>
        %shift_right_logical3A_1193 = arith.constant 3 : i32
        %shift_right_logical3A_1194 = vector.broadcast %shift_right_logical3A_1193 : i32 to vector<16xi32>
        %shift_right_logical3A_1195 = arith.shrui %xor3A_1188, %shift_right_logical3A_1194 : vector<16xi32>
        %or3A_1196 = arith.ori %shift_left3A_1192, %shift_right_logical3A_1195 : vector<16xi32>
        %xor3A_1197 = arith.xori %or3A_1196, %add3A_1189 : vector<16xi32>
        %add3A_1198 = arith.addi %add3A_1189, %xor3A_1197 : vector<16xi32>
        %shift_left3A_1199 = arith.constant 16 : i32
        %shift_left3A_1200 = vector.broadcast %shift_left3A_1199 : i32 to vector<16xi32>
        %shift_left3A_1201 = arith.shli %xor3A_1197, %shift_left3A_1200 : vector<16xi32>
        %shift_right_logical3A_1202 = arith.constant 16 : i32
        %shift_right_logical3A_1203 = vector.broadcast %shift_right_logical3A_1202 : i32 to vector<16xi32>
        %shift_right_logical3A_1204 = arith.shrui %xor3A_1197, %shift_right_logical3A_1203 : vector<16xi32>
        %or3A_1205 = arith.ori %shift_left3A_1201, %shift_right_logical3A_1204 : vector<16xi32>
        %xor3A_1206 = arith.xori %or3A_1205, %add3A_1198 : vector<16xi32>
        %add3A_1207 = arith.addi %add3A_1198, %xor3A_1206 : vector<16xi32>
        %shift_left3A_1208 = arith.constant 24 : i32
        %shift_left3A_1209 = vector.broadcast %shift_left3A_1208 : i32 to vector<16xi32>
        %shift_left3A_1210 = arith.shli %xor3A_1206, %shift_left3A_1209 : vector<16xi32>
        %shift_right_logical3A_1211 = arith.constant 8 : i32
        %shift_right_logical3A_1212 = vector.broadcast %shift_right_logical3A_1211 : i32 to vector<16xi32>
        %shift_right_logical3A_1213 = arith.shrui %xor3A_1206, %shift_right_logical3A_1212 : vector<16xi32>
        %or3A_1214 = arith.ori %shift_left3A_1210, %shift_right_logical3A_1213 : vector<16xi32>
        %xor3A_1215 = arith.xori %or3A_1214, %add3A_1207 : vector<16xi32>
        %add3A_1216 = arith.constant 466688989 : i32
        %add3A_1217 = vector.broadcast %add3A_1216 : i32 to vector<16xi32>
        %add3A_1218 = arith.addi %add3A_1207, %add3A_1217 : vector<16xi32>
        %add3A_1219 = arith.constant 2 : i32
        %add3A_1220 = vector.broadcast %add3A_1219 : i32 to vector<16xi32>
        %add3A_1221 = arith.addi %xor3A_1215, %add3A_1220 : vector<16xi32>
        %add3A_1222 = arith.addi %add3A_1218, %add3A_1221 : vector<16xi32>
        %shift_left3A_1223 = arith.constant 13 : i32
        %shift_left3A_1224 = vector.broadcast %shift_left3A_1223 : i32 to vector<16xi32>
        %shift_left3A_1225 = arith.shli %add3A_1221, %shift_left3A_1224 : vector<16xi32>
        %shift_right_logical3A_1226 = arith.constant 19 : i32
        %shift_right_logical3A_1227 = vector.broadcast %shift_right_logical3A_1226 : i32 to vector<16xi32>
        %shift_right_logical3A_1228 = arith.shrui %add3A_1221, %shift_right_logical3A_1227 : vector<16xi32>
        %or3A_1229 = arith.ori %shift_left3A_1225, %shift_right_logical3A_1228 : vector<16xi32>
        %xor3A_1230 = arith.xori %or3A_1229, %add3A_1222 : vector<16xi32>
        %add3A_1231 = arith.addi %add3A_1222, %xor3A_1230 : vector<16xi32>
        %shift_left3A_1232 = arith.constant 15 : i32
        %shift_left3A_1233 = vector.broadcast %shift_left3A_1232 : i32 to vector<16xi32>
        %shift_left3A_1234 = arith.shli %xor3A_1230, %shift_left3A_1233 : vector<16xi32>
        %shift_right_logical3A_1235 = arith.constant 17 : i32
        %shift_right_logical3A_1236 = vector.broadcast %shift_right_logical3A_1235 : i32 to vector<16xi32>
        %shift_right_logical3A_1237 = arith.shrui %xor3A_1230, %shift_right_logical3A_1236 : vector<16xi32>
        %or3A_1238 = arith.ori %shift_left3A_1234, %shift_right_logical3A_1237 : vector<16xi32>
        %xor3A_1239 = arith.xori %or3A_1238, %add3A_1231 : vector<16xi32>
        %add3A_1240 = arith.addi %add3A_1231, %xor3A_1239 : vector<16xi32>
        %shift_left3A_1241 = arith.constant 26 : i32
        %shift_left3A_1242 = vector.broadcast %shift_left3A_1241 : i32 to vector<16xi32>
        %shift_left3A_1243 = arith.shli %xor3A_1239, %shift_left3A_1242 : vector<16xi32>
        %shift_right_logical3A_1244 = arith.constant 6 : i32
        %shift_right_logical3A_1245 = vector.broadcast %shift_right_logical3A_1244 : i32 to vector<16xi32>
        %shift_right_logical3A_1246 = arith.shrui %xor3A_1239, %shift_right_logical3A_1245 : vector<16xi32>
        %or3A_1247 = arith.ori %shift_left3A_1243, %shift_right_logical3A_1246 : vector<16xi32>
        %xor3A_1248 = arith.xori %or3A_1247, %add3A_1240 : vector<16xi32>
        %add3A_1249 = arith.addi %add3A_1240, %xor3A_1248 : vector<16xi32>
        %shift_left3A_1250 = arith.constant 6 : i32
        %shift_left3A_1251 = vector.broadcast %shift_left3A_1250 : i32 to vector<16xi32>
        %shift_left3A_1252 = arith.shli %xor3A_1248, %shift_left3A_1251 : vector<16xi32>
        %shift_right_logical3A_1253 = arith.constant 26 : i32
        %shift_right_logical3A_1254 = vector.broadcast %shift_right_logical3A_1253 : i32 to vector<16xi32>
        %shift_right_logical3A_1255 = arith.shrui %xor3A_1248, %shift_right_logical3A_1254 : vector<16xi32>
        %or3A_1256 = arith.ori %shift_left3A_1252, %shift_right_logical3A_1255 : vector<16xi32>
        %xor3A_1257 = arith.xori %or3A_1256, %add3A_1249 : vector<16xi32>
        %add3A_1258 = arith.constant 10 : i32
        %add3A_1259 = vector.broadcast %add3A_1258 : i32 to vector<16xi32>
        %add3A_1260 = arith.addi %xor3A_1257, %add3A_1259 : vector<16xi32>
        %add3A_1261 = arith.addi %add3A_1249, %add3A_1260 : vector<16xi32>
        %shift_left3A_1262 = arith.constant 17 : i32
        %shift_left3A_1263 = vector.broadcast %shift_left3A_1262 : i32 to vector<16xi32>
        %shift_left3A_1264 = arith.shli %add3A_1260, %shift_left3A_1263 : vector<16xi32>
        %shift_right_logical3A_1265 = arith.constant 15 : i32
        %shift_right_logical3A_1266 = vector.broadcast %shift_right_logical3A_1265 : i32 to vector<16xi32>
        %shift_right_logical3A_1267 = arith.shrui %add3A_1260, %shift_right_logical3A_1266 : vector<16xi32>
        %or3A_1268 = arith.ori %shift_left3A_1264, %shift_right_logical3A_1267 : vector<16xi32>
        %xor3A_1269 = arith.xori %or3A_1268, %add3A_1261 : vector<16xi32>
        %add3A_1270 = arith.addi %add3A_1261, %xor3A_1269 : vector<16xi32>
        %shift_left3A_1271 = arith.constant 29 : i32
        %shift_left3A_1272 = vector.broadcast %shift_left3A_1271 : i32 to vector<16xi32>
        %shift_left3A_1273 = arith.shli %xor3A_1269, %shift_left3A_1272 : vector<16xi32>
        %shift_right_logical3A_1274 = arith.constant 3 : i32
        %shift_right_logical3A_1275 = vector.broadcast %shift_right_logical3A_1274 : i32 to vector<16xi32>
        %shift_right_logical3A_1276 = arith.shrui %xor3A_1269, %shift_right_logical3A_1275 : vector<16xi32>
        %or3A_1277 = arith.ori %shift_left3A_1273, %shift_right_logical3A_1276 : vector<16xi32>
        %xor3A_1278 = arith.xori %or3A_1277, %add3A_1270 : vector<16xi32>
        %add3A_1279 = arith.addi %add3A_1270, %xor3A_1278 : vector<16xi32>
        %shift_left3A_1280 = arith.constant 16 : i32
        %shift_left3A_1281 = vector.broadcast %shift_left3A_1280 : i32 to vector<16xi32>
        %shift_left3A_1282 = arith.shli %xor3A_1278, %shift_left3A_1281 : vector<16xi32>
        %shift_right_logical3A_1283 = arith.constant 16 : i32
        %shift_right_logical3A_1284 = vector.broadcast %shift_right_logical3A_1283 : i32 to vector<16xi32>
        %shift_right_logical3A_1285 = arith.shrui %xor3A_1278, %shift_right_logical3A_1284 : vector<16xi32>
        %or3A_1286 = arith.ori %shift_left3A_1282, %shift_right_logical3A_1285 : vector<16xi32>
        %xor3A_1287 = arith.xori %or3A_1286, %add3A_1279 : vector<16xi32>
        %add3A_1288 = arith.addi %add3A_1279, %xor3A_1287 : vector<16xi32>
        %shift_left3A_1289 = arith.constant 24 : i32
        %shift_left3A_1290 = vector.broadcast %shift_left3A_1289 : i32 to vector<16xi32>
        %shift_left3A_1291 = arith.shli %xor3A_1287, %shift_left3A_1290 : vector<16xi32>
        %shift_right_logical3A_1292 = arith.constant 8 : i32
        %shift_right_logical3A_1293 = vector.broadcast %shift_right_logical3A_1292 : i32 to vector<16xi32>
        %shift_right_logical3A_1294 = arith.shrui %xor3A_1287, %shift_right_logical3A_1293 : vector<16xi32>
        %or3A_1295 = arith.ori %shift_left3A_1291, %shift_right_logical3A_1294 : vector<16xi32>
        %xor3A_1296 = arith.xori %or3A_1295, %add3A_1288 : vector<16xi32>
        %add3A_1297 = arith.constant 7 : i32
        %add3A_1298 = vector.broadcast %add3A_1297 : i32 to vector<16xi32>
        %add3A_1299 = arith.addi %add3A_1288, %add3A_1298 : vector<16xi32>
        %add3A_1300 = arith.constant 466688993 : i32
        %add3A_1301 = vector.broadcast %add3A_1300 : i32 to vector<16xi32>
        %add3A_1302 = arith.addi %xor3A_1296, %add3A_1301 : vector<16xi32>
        %add3A_1303 = arith.addi %add3A_1299, %add3A_1302 : vector<16xi32>
        %shift_left3A_1304 = arith.constant 13 : i32
        %shift_left3A_1305 = vector.broadcast %shift_left3A_1304 : i32 to vector<16xi32>
        %shift_left3A_1306 = arith.shli %add3A_1302, %shift_left3A_1305 : vector<16xi32>
        %shift_right_logical3A_1307 = arith.constant 19 : i32
        %shift_right_logical3A_1308 = vector.broadcast %shift_right_logical3A_1307 : i32 to vector<16xi32>
        %shift_right_logical3A_1309 = arith.shrui %add3A_1302, %shift_right_logical3A_1308 : vector<16xi32>
        %or3A_1310 = arith.ori %shift_left3A_1306, %shift_right_logical3A_1309 : vector<16xi32>
        %xor3A_1311 = arith.xori %or3A_1310, %add3A_1303 : vector<16xi32>
        %add3A_1312 = arith.addi %add3A_1303, %xor3A_1311 : vector<16xi32>
        %shift_left3A_1313 = arith.constant 15 : i32
        %shift_left3A_1314 = vector.broadcast %shift_left3A_1313 : i32 to vector<16xi32>
        %shift_left3A_1315 = arith.shli %xor3A_1311, %shift_left3A_1314 : vector<16xi32>
        %shift_right_logical3A_1316 = arith.constant 17 : i32
        %shift_right_logical3A_1317 = vector.broadcast %shift_right_logical3A_1316 : i32 to vector<16xi32>
        %shift_right_logical3A_1318 = arith.shrui %xor3A_1311, %shift_right_logical3A_1317 : vector<16xi32>
        %or3A_1319 = arith.ori %shift_left3A_1315, %shift_right_logical3A_1318 : vector<16xi32>
        %xor3A_1320 = arith.xori %or3A_1319, %add3A_1312 : vector<16xi32>
        %add3A_1321 = arith.addi %add3A_1312, %xor3A_1320 : vector<16xi32>
        %shift_left3A_1322 = arith.constant 26 : i32
        %shift_left3A_1323 = vector.broadcast %shift_left3A_1322 : i32 to vector<16xi32>
        %shift_left3A_1324 = arith.shli %xor3A_1320, %shift_left3A_1323 : vector<16xi32>
        %shift_right_logical3A_1325 = arith.constant 6 : i32
        %shift_right_logical3A_1326 = vector.broadcast %shift_right_logical3A_1325 : i32 to vector<16xi32>
        %shift_right_logical3A_1327 = arith.shrui %xor3A_1320, %shift_right_logical3A_1326 : vector<16xi32>
        %or3A_1328 = arith.ori %shift_left3A_1324, %shift_right_logical3A_1327 : vector<16xi32>
        %xor3A_1329 = arith.xori %or3A_1328, %add3A_1321 : vector<16xi32>
        %add3A_1330 = arith.addi %add3A_1321, %xor3A_1329 : vector<16xi32>
        %shift_left3A_1331 = arith.constant 6 : i32
        %shift_left3A_1332 = vector.broadcast %shift_left3A_1331 : i32 to vector<16xi32>
        %shift_left3A_1333 = arith.shli %xor3A_1329, %shift_left3A_1332 : vector<16xi32>
        %shift_right_logical3A_1334 = arith.constant 26 : i32
        %shift_right_logical3A_1335 = vector.broadcast %shift_right_logical3A_1334 : i32 to vector<16xi32>
        %shift_right_logical3A_1336 = arith.shrui %xor3A_1329, %shift_right_logical3A_1335 : vector<16xi32>
        %or3A_1337 = arith.ori %shift_left3A_1333, %shift_right_logical3A_1336 : vector<16xi32>
        %xor3A_1338 = arith.xori %or3A_1337, %add3A_1330 : vector<16xi32>
        %add3A_1339 = arith.constant 466688989 : i32
        %add3A_1340 = vector.broadcast %add3A_1339 : i32 to vector<16xi32>
        %add3A_1341 = arith.addi %add3A_1330, %add3A_1340 : vector<16xi32>
        %add3A_1342 = arith.constant 5 : i32
        %add3A_1343 = vector.broadcast %add3A_1342 : i32 to vector<16xi32>
        %add3A_1344 = arith.addi %xor3A_1338, %add3A_1343 : vector<16xi32>
        %xor3A_1345 = arith.xori %add3A_1341, %add3A_1344 : vector<16xi32>
        %swap3A_1346 = arith.index_cast %add3A_1130 : i32 to index
        %swap3A_1347 = tpu.vector_load %arg3[%swap3A_1346] {strides = array<i32>} : memref<8192xi32, #tpu.memory_space<vmem>>, vector<16xi32>,
        %swap3A_1348 = vector.shape_cast %swap3A_1347 : vector<16xi32> to vector<16xi32>
        %swap3A_1349 = vector.shape_cast %xor3A_1345 : vector<16xi32> to vector<16xi32>
        tpu.vector_store %arg3[%swap3A_1346], %swap3A_1349 {strides = array<i32>} : memref<8192xi32, #tpu.memory_space<vmem>>, vector<16xi32>,
        %mul3A_1350 = arith.constant 128 : i32
        %mul3A_1351 = arith.muli %scan3A_16, %mul3A_1350 : i32
        %add3A_1352 = arith.constant 96 : i32
        %add3A_1353 = arith.addi %mul3A_1351, %add3A_1352 : i32
        %mul3A_1354 = arith.constant 8192 : i32
        %mul3A_1355 = arith.muli %add3A_9, %mul3A_1354 : i32
        %add3A_1356 = arith.addi %mul3A_1355, %add3A_1353 : i32
        %add3A_1357 = vector.broadcast %add3A_1356 : i32 to vector<16xi32>
        %add3A_1358 = arith.addi %add3A_1357, %iota3A : vector<16xi32>
        %add3A_1359 = arith.constant 7 : i32
        %add3A_1360 = vector.broadcast %add3A_1359 : i32 to vector<16xi32>
        %add3A_1361 = arith.addi %add3A_1358, %add3A_1360 : vector<16xi32>
        %shift_left3A_1362 = arith.constant 13 : i32
        %shift_left3A_1363 = vector.broadcast %shift_left3A_1362 : i32 to vector<16xi32>
        %shift_left3A_1364 = arith.shli %add3A_1361, %shift_left3A_1363 : vector<16xi32>
        %shift_right_logical3A_1365 = arith.constant 19 : i32
        %shift_right_logical3A_1366 = vector.broadcast %shift_right_logical3A_1365 : i32 to vector<16xi32>
        %shift_right_logical3A_1367 = arith.shrui %add3A_1361, %shift_right_logical3A_1366 : vector<16xi32>
        %or3A_1368 = arith.ori %shift_left3A_1364, %shift_right_logical3A_1367 : vector<16xi32>
        %xor3A_1369 = arith.xori %or3A_1368, %add3A_1361 : vector<16xi32>
        %add3A_1370 = arith.addi %add3A_1361, %xor3A_1369 : vector<16xi32>
        %shift_left3A_1371 = arith.constant 15 : i32
        %shift_left3A_1372 = vector.broadcast %shift_left3A_1371 : i32 to vector<16xi32>
        %shift_left3A_1373 = arith.shli %xor3A_1369, %shift_left3A_1372 : vector<16xi32>
        %shift_right_logical3A_1374 = arith.constant 17 : i32
        %shift_right_logical3A_1375 = vector.broadcast %shift_right_logical3A_1374 : i32 to vector<16xi32>
        %shift_right_logical3A_1376 = arith.shrui %xor3A_1369, %shift_right_logical3A_1375 : vector<16xi32>
        %or3A_1377 = arith.ori %shift_left3A_1373, %shift_right_logical3A_1376 : vector<16xi32>
        %xor3A_1378 = arith.xori %or3A_1377, %add3A_1370 : vector<16xi32>
        %add3A_1379 = arith.addi %add3A_1370, %xor3A_1378 : vector<16xi32>
        %shift_left3A_1380 = arith.constant 26 : i32
        %shift_left3A_1381 = vector.broadcast %shift_left3A_1380 : i32 to vector<16xi32>
        %shift_left3A_1382 = arith.shli %xor3A_1378, %shift_left3A_1381 : vector<16xi32>
        %shift_right_logical3A_1383 = arith.constant 6 : i32
        %shift_right_logical3A_1384 = vector.broadcast %shift_right_logical3A_1383 : i32 to vector<16xi32>
        %shift_right_logical3A_1385 = arith.shrui %xor3A_1378, %shift_right_logical3A_1384 : vector<16xi32>
        %or3A_1386 = arith.ori %shift_left3A_1382, %shift_right_logical3A_1385 : vector<16xi32>
        %xor3A_1387 = arith.xori %or3A_1386, %add3A_1379 : vector<16xi32>
        %add3A_1388 = arith.addi %add3A_1379, %xor3A_1387 : vector<16xi32>
        %shift_left3A_1389 = arith.constant 6 : i32
        %shift_left3A_1390 = vector.broadcast %shift_left3A_1389 : i32 to vector<16xi32>
        %shift_left3A_1391 = arith.shli %xor3A_1387, %shift_left3A_1390 : vector<16xi32>
        %shift_right_logical3A_1392 = arith.constant 26 : i32
        %shift_right_logical3A_1393 = vector.broadcast %shift_right_logical3A_1392 : i32 to vector<16xi32>
        %shift_right_logical3A_1394 = arith.shrui %xor3A_1387, %shift_right_logical3A_1393 : vector<16xi32>
        %or3A_1395 = arith.ori %shift_left3A_1391, %shift_right_logical3A_1394 : vector<16xi32>
        %xor3A_1396 = arith.xori %or3A_1395, %add3A_1388 : vector<16xi32>
        %add3A_1397 = arith.constant 7 : i32
        %add3A_1398 = vector.broadcast %add3A_1397 : i32 to vector<16xi32>
        %add3A_1399 = arith.addi %add3A_1388, %add3A_1398 : vector<16xi32>
        %add3A_1400 = arith.constant 466688990 : i32
        %add3A_1401 = vector.broadcast %add3A_1400 : i32 to vector<16xi32>
        %add3A_1402 = arith.addi %xor3A_1396, %add3A_1401 : vector<16xi32>
        %add3A_1403 = arith.addi %add3A_1399, %add3A_1402 : vector<16xi32>
        %shift_left3A_1404 = arith.constant 17 : i32
        %shift_left3A_1405 = vector.broadcast %shift_left3A_1404 : i32 to vector<16xi32>
        %shift_left3A_1406 = arith.shli %add3A_1402, %shift_left3A_1405 : vector<16xi32>
        %shift_right_logical3A_1407 = arith.constant 15 : i32
        %shift_right_logical3A_1408 = vector.broadcast %shift_right_logical3A_1407 : i32 to vector<16xi32>
        %shift_right_logical3A_1409 = arith.shrui %add3A_1402, %shift_right_logical3A_1408 : vector<16xi32>
        %or3A_1410 = arith.ori %shift_left3A_1406, %shift_right_logical3A_1409 : vector<16xi32>
        %xor3A_1411 = arith.xori %or3A_1410, %add3A_1403 : vector<16xi32>
        %add3A_1412 = arith.addi %add3A_1403, %xor3A_1411 : vector<16xi32>
        %shift_left3A_1413 = arith.constant 29 : i32
        %shift_left3A_1414 = vector.broadcast %shift_left3A_1413 : i32 to vector<16xi32>
        %shift_left3A_1415 = arith.shli %xor3A_1411, %shift_left3A_1414 : vector<16xi32>
        %shift_right_logical3A_1416 = arith.constant 3 : i32
        %shift_right_logical3A_1417 = vector.broadcast %shift_right_logical3A_1416 : i32 to vector<16xi32>
        %shift_right_logical3A_1418 = arith.shrui %xor3A_1411, %shift_right_logical3A_1417 : vector<16xi32>
        %or3A_1419 = arith.ori %shift_left3A_1415, %shift_right_logical3A_1418 : vector<16xi32>
        %xor3A_1420 = arith.xori %or3A_1419, %add3A_1412 : vector<16xi32>
        %add3A_1421 = arith.addi %add3A_1412, %xor3A_1420 : vector<16xi32>
        %shift_left3A_1422 = arith.constant 16 : i32
        %shift_left3A_1423 = vector.broadcast %shift_left3A_1422 : i32 to vector<16xi32>
        %shift_left3A_1424 = arith.shli %xor3A_1420, %shift_left3A_1423 : vector<16xi32>
        %shift_right_logical3A_1425 = arith.constant 16 : i32
        %shift_right_logical3A_1426 = vector.broadcast %shift_right_logical3A_1425 : i32 to vector<16xi32>
        %shift_right_logical3A_1427 = arith.shrui %xor3A_1420, %shift_right_logical3A_1426 : vector<16xi32>
        %or3A_1428 = arith.ori %shift_left3A_1424, %shift_right_logical3A_1427 : vector<16xi32>
        %xor3A_1429 = arith.xori %or3A_1428, %add3A_1421 : vector<16xi32>
        %add3A_1430 = arith.addi %add3A_1421, %xor3A_1429 : vector<16xi32>
        %shift_left3A_1431 = arith.constant 24 : i32
        %shift_left3A_1432 = vector.broadcast %shift_left3A_1431 : i32 to vector<16xi32>
        %shift_left3A_1433 = arith.shli %xor3A_1429, %shift_left3A_1432 : vector<16xi32>
        %shift_right_logical3A_1434 = arith.constant 8 : i32
        %shift_right_logical3A_1435 = vector.broadcast %shift_right_logical3A_1434 : i32 to vector<16xi32>
        %shift_right_logical3A_1436 = arith.shrui %xor3A_1429, %shift_right_logical3A_1435 : vector<16xi32>
        %or3A_1437 = arith.ori %shift_left3A_1433, %shift_right_logical3A_1436 : vector<16xi32>
        %xor3A_1438 = arith.xori %or3A_1437, %add3A_1430 : vector<16xi32>
        %add3A_1439 = arith.constant 466688989 : i32
        %add3A_1440 = vector.broadcast %add3A_1439 : i32 to vector<16xi32>
        %add3A_1441 = arith.addi %add3A_1430, %add3A_1440 : vector<16xi32>
        %add3A_1442 = arith.constant 2 : i32
        %add3A_1443 = vector.broadcast %add3A_1442 : i32 to vector<16xi32>
        %add3A_1444 = arith.addi %xor3A_1438, %add3A_1443 : vector<16xi32>
        %add3A_1445 = arith.addi %add3A_1441, %add3A_1444 : vector<16xi32>
        %shift_left3A_1446 = arith.constant 13 : i32
        %shift_left3A_1447 = vector.broadcast %shift_left3A_1446 : i32 to vector<16xi32>
        %shift_left3A_1448 = arith.shli %add3A_1444, %shift_left3A_1447 : vector<16xi32>
        %shift_right_logical3A_1449 = arith.constant 19 : i32
        %shift_right_logical3A_1450 = vector.broadcast %shift_right_logical3A_1449 : i32 to vector<16xi32>
        %shift_right_logical3A_1451 = arith.shrui %add3A_1444, %shift_right_logical3A_1450 : vector<16xi32>
        %or3A_1452 = arith.ori %shift_left3A_1448, %shift_right_logical3A_1451 : vector<16xi32>
        %xor3A_1453 = arith.xori %or3A_1452, %add3A_1445 : vector<16xi32>
        %add3A_1454 = arith.addi %add3A_1445, %xor3A_1453 : vector<16xi32>
        %shift_left3A_1455 = arith.constant 15 : i32
        %shift_left3A_1456 = vector.broadcast %shift_left3A_1455 : i32 to vector<16xi32>
        %shift_left3A_1457 = arith.shli %xor3A_1453, %shift_left3A_1456 : vector<16xi32>
        %shift_right_logical3A_1458 = arith.constant 17 : i32
        %shift_right_logical3A_1459 = vector.broadcast %shift_right_logical3A_1458 : i32 to vector<16xi32>
        %shift_right_logical3A_1460 = arith.shrui %xor3A_1453, %shift_right_logical3A_1459 : vector<16xi32>
        %or3A_1461 = arith.ori %shift_left3A_1457, %shift_right_logical3A_1460 : vector<16xi32>
        %xor3A_1462 = arith.xori %or3A_1461, %add3A_1454 : vector<16xi32>
        %add3A_1463 = arith.addi %add3A_1454, %xor3A_1462 : vector<16xi32>
        %shift_left3A_1464 = arith.constant 26 : i32
        %shift_left3A_1465 = vector.broadcast %shift_left3A_1464 : i32 to vector<16xi32>
        %shift_left3A_1466 = arith.shli %xor3A_1462, %shift_left3A_1465 : vector<16xi32>
        %shift_right_logical3A_1467 = arith.constant 6 : i32
        %shift_right_logical3A_1468 = vector.broadcast %shift_right_logical3A_1467 : i32 to vector<16xi32>
        %shift_right_logical3A_1469 = arith.shrui %xor3A_1462, %shift_right_logical3A_1468 : vector<16xi32>
        %or3A_1470 = arith.ori %shift_left3A_1466, %shift_right_logical3A_1469 : vector<16xi32>
        %xor3A_1471 = arith.xori %or3A_1470, %add3A_1463 : vector<16xi32>
        %add3A_1472 = arith.addi %add3A_1463, %xor3A_1471 : vector<16xi32>
        %shift_left3A_1473 = arith.constant 6 : i32
        %shift_left3A_1474 = vector.broadcast %shift_left3A_1473 : i32 to vector<16xi32>
        %shift_left3A_1475 = arith.shli %xor3A_1471, %shift_left3A_1474 : vector<16xi32>
        %shift_right_logical3A_1476 = arith.constant 26 : i32
        %shift_right_logical3A_1477 = vector.broadcast %shift_right_logical3A_1476 : i32 to vector<16xi32>
        %shift_right_logical3A_1478 = arith.shrui %xor3A_1471, %shift_right_logical3A_1477 : vector<16xi32>
        %or3A_1479 = arith.ori %shift_left3A_1475, %shift_right_logical3A_1478 : vector<16xi32>
        %xor3A_1480 = arith.xori %or3A_1479, %add3A_1472 : vector<16xi32>
        %add3A_1481 = arith.constant 10 : i32
        %add3A_1482 = vector.broadcast %add3A_1481 : i32 to vector<16xi32>
        %add3A_1483 = arith.addi %xor3A_1480, %add3A_1482 : vector<16xi32>
        %add3A_1484 = arith.addi %add3A_1472, %add3A_1483 : vector<16xi32>
        %shift_left3A_1485 = arith.constant 17 : i32
        %shift_left3A_1486 = vector.broadcast %shift_left3A_1485 : i32 to vector<16xi32>
        %shift_left3A_1487 = arith.shli %add3A_1483, %shift_left3A_1486 : vector<16xi32>
        %shift_right_logical3A_1488 = arith.constant 15 : i32
        %shift_right_logical3A_1489 = vector.broadcast %shift_right_logical3A_1488 : i32 to vector<16xi32>
        %shift_right_logical3A_1490 = arith.shrui %add3A_1483, %shift_right_logical3A_1489 : vector<16xi32>
        %or3A_1491 = arith.ori %shift_left3A_1487, %shift_right_logical3A_1490 : vector<16xi32>
        %xor3A_1492 = arith.xori %or3A_1491, %add3A_1484 : vector<16xi32>
        %add3A_1493 = arith.addi %add3A_1484, %xor3A_1492 : vector<16xi32>
        %shift_left3A_1494 = arith.constant 29 : i32
        %shift_left3A_1495 = vector.broadcast %shift_left3A_1494 : i32 to vector<16xi32>
        %shift_left3A_1496 = arith.shli %xor3A_1492, %shift_left3A_1495 : vector<16xi32>
        %shift_right_logical3A_1497 = arith.constant 3 : i32
        %shift_right_logical3A_1498 = vector.broadcast %shift_right_logical3A_1497 : i32 to vector<16xi32>
        %shift_right_logical3A_1499 = arith.shrui %xor3A_1492, %shift_right_logical3A_1498 : vector<16xi32>
        %or3A_1500 = arith.ori %shift_left3A_1496, %shift_right_logical3A_1499 : vector<16xi32>
        %xor3A_1501 = arith.xori %or3A_1500, %add3A_1493 : vector<16xi32>
        %add3A_1502 = arith.addi %add3A_1493, %xor3A_1501 : vector<16xi32>
        %shift_left3A_1503 = arith.constant 16 : i32
        %shift_left3A_1504 = vector.broadcast %shift_left3A_1503 : i32 to vector<16xi32>
        %shift_left3A_1505 = arith.shli %xor3A_1501, %shift_left3A_1504 : vector<16xi32>
        %shift_right_logical3A_1506 = arith.constant 16 : i32
        %shift_right_logical3A_1507 = vector.broadcast %shift_right_logical3A_1506 : i32 to vector<16xi32>
        %shift_right_logical3A_1508 = arith.shrui %xor3A_1501, %shift_right_logical3A_1507 : vector<16xi32>
        %or3A_1509 = arith.ori %shift_left3A_1505, %shift_right_logical3A_1508 : vector<16xi32>
        %xor3A_1510 = arith.xori %or3A_1509, %add3A_1502 : vector<16xi32>
        %add3A_1511 = arith.addi %add3A_1502, %xor3A_1510 : vector<16xi32>
        %shift_left3A_1512 = arith.constant 24 : i32
        %shift_left3A_1513 = vector.broadcast %shift_left3A_1512 : i32 to vector<16xi32>
        %shift_left3A_1514 = arith.shli %xor3A_1510, %shift_left3A_1513 : vector<16xi32>
        %shift_right_logical3A_1515 = arith.constant 8 : i32
        %shift_right_logical3A_1516 = vector.broadcast %shift_right_logical3A_1515 : i32 to vector<16xi32>
        %shift_right_logical3A_1517 = arith.shrui %xor3A_1510, %shift_right_logical3A_1516 : vector<16xi32>
        %or3A_1518 = arith.ori %shift_left3A_1514, %shift_right_logical3A_1517 : vector<16xi32>
        %xor3A_1519 = arith.xori %or3A_1518, %add3A_1511 : vector<16xi32>
        %add3A_1520 = arith.constant 7 : i32
        %add3A_1521 = vector.broadcast %add3A_1520 : i32 to vector<16xi32>
        %add3A_1522 = arith.addi %add3A_1511, %add3A_1521 : vector<16xi32>
        %add3A_1523 = arith.constant 466688993 : i32
        %add3A_1524 = vector.broadcast %add3A_1523 : i32 to vector<16xi32>
        %add3A_1525 = arith.addi %xor3A_1519, %add3A_1524 : vector<16xi32>
        %add3A_1526 = arith.addi %add3A_1522, %add3A_1525 : vector<16xi32>
        %shift_left3A_1527 = arith.constant 13 : i32
        %shift_left3A_1528 = vector.broadcast %shift_left3A_1527 : i32 to vector<16xi32>
        %shift_left3A_1529 = arith.shli %add3A_1525, %shift_left3A_1528 : vector<16xi32>
        %shift_right_logical3A_1530 = arith.constant 19 : i32
        %shift_right_logical3A_1531 = vector.broadcast %shift_right_logical3A_1530 : i32 to vector<16xi32>
        %shift_right_logical3A_1532 = arith.shrui %add3A_1525, %shift_right_logical3A_1531 : vector<16xi32>
        %or3A_1533 = arith.ori %shift_left3A_1529, %shift_right_logical3A_1532 : vector<16xi32>
        %xor3A_1534 = arith.xori %or3A_1533, %add3A_1526 : vector<16xi32>
        %add3A_1535 = arith.addi %add3A_1526, %xor3A_1534 : vector<16xi32>
        %shift_left3A_1536 = arith.constant 15 : i32
        %shift_left3A_1537 = vector.broadcast %shift_left3A_1536 : i32 to vector<16xi32>
        %shift_left3A_1538 = arith.shli %xor3A_1534, %shift_left3A_1537 : vector<16xi32>
        %shift_right_logical3A_1539 = arith.constant 17 : i32
        %shift_right_logical3A_1540 = vector.broadcast %shift_right_logical3A_1539 : i32 to vector<16xi32>
        %shift_right_logical3A_1541 = arith.shrui %xor3A_1534, %shift_right_logical3A_1540 : vector<16xi32>
        %or3A_1542 = arith.ori %shift_left3A_1538, %shift_right_logical3A_1541 : vector<16xi32>
        %xor3A_1543 = arith.xori %or3A_1542, %add3A_1535 : vector<16xi32>
        %add3A_1544 = arith.addi %add3A_1535, %xor3A_1543 : vector<16xi32>
        %shift_left3A_1545 = arith.constant 26 : i32
        %shift_left3A_1546 = vector.broadcast %shift_left3A_1545 : i32 to vector<16xi32>
        %shift_left3A_1547 = arith.shli %xor3A_1543, %shift_left3A_1546 : vector<16xi32>
        %shift_right_logical3A_1548 = arith.constant 6 : i32
        %shift_right_logical3A_1549 = vector.broadcast %shift_right_logical3A_1548 : i32 to vector<16xi32>
        %shift_right_logical3A_1550 = arith.shrui %xor3A_1543, %shift_right_logical3A_1549 : vector<16xi32>
        %or3A_1551 = arith.ori %shift_left3A_1547, %shift_right_logical3A_1550 : vector<16xi32>
        %xor3A_1552 = arith.xori %or3A_1551, %add3A_1544 : vector<16xi32>
        %add3A_1553 = arith.addi %add3A_1544, %xor3A_1552 : vector<16xi32>
        %shift_left3A_1554 = arith.constant 6 : i32
        %shift_left3A_1555 = vector.broadcast %shift_left3A_1554 : i32 to vector<16xi32>
        %shift_left3A_1556 = arith.shli %xor3A_1552, %shift_left3A_1555 : vector<16xi32>
        %shift_right_logical3A_1557 = arith.constant 26 : i32
        %shift_right_logical3A_1558 = vector.broadcast %shift_right_logical3A_1557 : i32 to vector<16xi32>
        %shift_right_logical3A_1559 = arith.shrui %xor3A_1552, %shift_right_logical3A_1558 : vector<16xi32>
        %or3A_1560 = arith.ori %shift_left3A_1556, %shift_right_logical3A_1559 : vector<16xi32>
        %xor3A_1561 = arith.xori %or3A_1560, %add3A_1553 : vector<16xi32>
        %add3A_1562 = arith.constant 466688989 : i32
        %add3A_1563 = vector.broadcast %add3A_1562 : i32 to vector<16xi32>
        %add3A_1564 = arith.addi %add3A_1553, %add3A_1563 : vector<16xi32>
        %add3A_1565 = arith.constant 5 : i32
        %add3A_1566 = vector.broadcast %add3A_1565 : i32 to vector<16xi32>
        %add3A_1567 = arith.addi %xor3A_1561, %add3A_1566 : vector<16xi32>
        %xor3A_1568 = arith.xori %add3A_1564, %add3A_1567 : vector<16xi32>
        %swap3A_1569 = arith.index_cast %add3A_1353 : i32 to index
        %swap3A_1570 = tpu.vector_load %arg3[%swap3A_1569] {strides = array<i32>} : memref<8192xi32, #tpu.memory_space<vmem>>, vector<16xi32>,
        %swap3A_1571 = vector.shape_cast %swap3A_1570 : vector<16xi32> to vector<16xi32>
        %swap3A_1572 = vector.shape_cast %xor3A_1568 : vector<16xi32> to vector<16xi32>
        tpu.vector_store %arg3[%swap3A_1569], %swap3A_1572 {strides = array<i32>} : memref<8192xi32, #tpu.memory_space<vmem>>, vector<16xi32>,
        %mul3A_1573 = arith.constant 128 : i32
        %mul3A_1574 = arith.muli %scan3A_16, %mul3A_1573 : i32
        %add3A_1575 = arith.constant 112 : i32
        %add3A_1576 = arith.addi %mul3A_1574, %add3A_1575 : i32
        %mul3A_1577 = arith.constant 8192 : i32
        %mul3A_1578 = arith.muli %add3A_9, %mul3A_1577 : i32
        %add3A_1579 = arith.addi %mul3A_1578, %add3A_1576 : i32
        %add3A_1580 = vector.broadcast %add3A_1579 : i32 to vector<16xi32>
        %add3A_1581 = arith.addi %add3A_1580, %iota3A : vector<16xi32>
        %add3A_1582 = arith.constant 7 : i32
        %add3A_1583 = vector.broadcast %add3A_1582 : i32 to vector<16xi32>
        %add3A_1584 = arith.addi %add3A_1581, %add3A_1583 : vector<16xi32>
        %shift_left3A_1585 = arith.constant 13 : i32
        %shift_left3A_1586 = vector.broadcast %shift_left3A_1585 : i32 to vector<16xi32>
        %shift_left3A_1587 = arith.shli %add3A_1584, %shift_left3A_1586 : vector<16xi32>
        %shift_right_logical3A_1588 = arith.constant 19 : i32
        %shift_right_logical3A_1589 = vector.broadcast %shift_right_logical3A_1588 : i32 to vector<16xi32>
        %shift_right_logical3A_1590 = arith.shrui %add3A_1584, %shift_right_logical3A_1589 : vector<16xi32>
        %or3A_1591 = arith.ori %shift_left3A_1587, %shift_right_logical3A_1590 : vector<16xi32>
        %xor3A_1592 = arith.xori %or3A_1591, %add3A_1584 : vector<16xi32>
        %add3A_1593 = arith.addi %add3A_1584, %xor3A_1592 : vector<16xi32>
        %shift_left3A_1594 = arith.constant 15 : i32
        %shift_left3A_1595 = vector.broadcast %shift_left3A_1594 : i32 to vector<16xi32>
        %shift_left3A_1596 = arith.shli %xor3A_1592, %shift_left3A_1595 : vector<16xi32>
        %shift_right_logical3A_1597 = arith.constant 17 : i32
        %shift_right_logical3A_1598 = vector.broadcast %shift_right_logical3A_1597 : i32 to vector<16xi32>
        %shift_right_logical3A_1599 = arith.shrui %xor3A_1592, %shift_right_logical3A_1598 : vector<16xi32>
        %or3A_1600 = arith.ori %shift_left3A_1596, %shift_right_logical3A_1599 : vector<16xi32>
        %xor3A_1601 = arith.xori %or3A_1600, %add3A_1593 : vector<16xi32>
        %add3A_1602 = arith.addi %add3A_1593, %xor3A_1601 : vector<16xi32>
        %shift_left3A_1603 = arith.constant 26 : i32
        %shift_left3A_1604 = vector.broadcast %shift_left3A_1603 : i32 to vector<16xi32>
        %shift_left3A_1605 = arith.shli %xor3A_1601, %shift_left3A_1604 : vector<16xi32>
        %shift_right_logical3A_1606 = arith.constant 6 : i32
        %shift_right_logical3A_1607 = vector.broadcast %shift_right_logical3A_1606 : i32 to vector<16xi32>
        %shift_right_logical3A_1608 = arith.shrui %xor3A_1601, %shift_right_logical3A_1607 : vector<16xi32>
        %or3A_1609 = arith.ori %shift_left3A_1605, %shift_right_logical3A_1608 : vector<16xi32>
        %xor3A_1610 = arith.xori %or3A_1609, %add3A_1602 : vector<16xi32>
        %add3A_1611 = arith.addi %add3A_1602, %xor3A_1610 : vector<16xi32>
        %shift_left3A_1612 = arith.constant 6 : i32
        %shift_left3A_1613 = vector.broadcast %shift_left3A_1612 : i32 to vector<16xi32>
        %shift_left3A_1614 = arith.shli %xor3A_1610, %shift_left3A_1613 : vector<16xi32>
        %shift_right_logical3A_1615 = arith.constant 26 : i32
        %shift_right_logical3A_1616 = vector.broadcast %shift_right_logical3A_1615 : i32 to vector<16xi32>
        %shift_right_logical3A_1617 = arith.shrui %xor3A_1610, %shift_right_logical3A_1616 : vector<16xi32>
        %or3A_1618 = arith.ori %shift_left3A_1614, %shift_right_logical3A_1617 : vector<16xi32>
        %xor3A_1619 = arith.xori %or3A_1618, %add3A_1611 : vector<16xi32>
        %add3A_1620 = arith.constant 7 : i32
        %add3A_1621 = vector.broadcast %add3A_1620 : i32 to vector<16xi32>
        %add3A_1622 = arith.addi %add3A_1611, %add3A_1621 : vector<16xi32>
        %add3A_1623 = arith.constant 466688990 : i32
        %add3A_1624 = vector.broadcast %add3A_1623 : i32 to vector<16xi32>
        %add3A_1625 = arith.addi %xor3A_1619, %add3A_1624 : vector<16xi32>
        %add3A_1626 = arith.addi %add3A_1622, %add3A_1625 : vector<16xi32>
        %shift_left3A_1627 = arith.constant 17 : i32
        %shift_left3A_1628 = vector.broadcast %shift_left3A_1627 : i32 to vector<16xi32>
        %shift_left3A_1629 = arith.shli %add3A_1625, %shift_left3A_1628 : vector<16xi32>
        %shift_right_logical3A_1630 = arith.constant 15 : i32
        %shift_right_logical3A_1631 = vector.broadcast %shift_right_logical3A_1630 : i32 to vector<16xi32>
        %shift_right_logical3A_1632 = arith.shrui %add3A_1625, %shift_right_logical3A_1631 : vector<16xi32>
        %or3A_1633 = arith.ori %shift_left3A_1629, %shift_right_logical3A_1632 : vector<16xi32>
        %xor3A_1634 = arith.xori %or3A_1633, %add3A_1626 : vector<16xi32>
        %add3A_1635 = arith.addi %add3A_1626, %xor3A_1634 : vector<16xi32>
        %shift_left3A_1636 = arith.constant 29 : i32
        %shift_left3A_1637 = vector.broadcast %shift_left3A_1636 : i32 to vector<16xi32>
        %shift_left3A_1638 = arith.shli %xor3A_1634, %shift_left3A_1637 : vector<16xi32>
        %shift_right_logical3A_1639 = arith.constant 3 : i32
        %shift_right_logical3A_1640 = vector.broadcast %shift_right_logical3A_1639 : i32 to vector<16xi32>
        %shift_right_logical3A_1641 = arith.shrui %xor3A_1634, %shift_right_logical3A_1640 : vector<16xi32>
        %or3A_1642 = arith.ori %shift_left3A_1638, %shift_right_logical3A_1641 : vector<16xi32>
        %xor3A_1643 = arith.xori %or3A_1642, %add3A_1635 : vector<16xi32>
        %add3A_1644 = arith.addi %add3A_1635, %xor3A_1643 : vector<16xi32>
        %shift_left3A_1645 = arith.constant 16 : i32
        %shift_left3A_1646 = vector.broadcast %shift_left3A_1645 : i32 to vector<16xi32>
        %shift_left3A_1647 = arith.shli %xor3A_1643, %shift_left3A_1646 : vector<16xi32>
        %shift_right_logical3A_1648 = arith.constant 16 : i32
        %shift_right_logical3A_1649 = vector.broadcast %shift_right_logical3A_1648 : i32 to vector<16xi32>
        %shift_right_logical3A_1650 = arith.shrui %xor3A_1643, %shift_right_logical3A_1649 : vector<16xi32>
        %or3A_1651 = arith.ori %shift_left3A_1647, %shift_right_logical3A_1650 : vector<16xi32>
        %xor3A_1652 = arith.xori %or3A_1651, %add3A_1644 : vector<16xi32>
        %add3A_1653 = arith.addi %add3A_1644, %xor3A_1652 : vector<16xi32>
        %shift_left3A_1654 = arith.constant 24 : i32
        %shift_left3A_1655 = vector.broadcast %shift_left3A_1654 : i32 to vector<16xi32>
        %shift_left3A_1656 = arith.shli %xor3A_1652, %shift_left3A_1655 : vector<16xi32>
        %shift_right_logical3A_1657 = arith.constant 8 : i32
        %shift_right_logical3A_1658 = vector.broadcast %shift_right_logical3A_1657 : i32 to vector<16xi32>
        %shift_right_logical3A_1659 = arith.shrui %xor3A_1652, %shift_right_logical3A_1658 : vector<16xi32>
        %or3A_1660 = arith.ori %shift_left3A_1656, %shift_right_logical3A_1659 : vector<16xi32>
        %xor3A_1661 = arith.xori %or3A_1660, %add3A_1653 : vector<16xi32>
        %add3A_1662 = arith.constant 466688989 : i32
        %add3A_1663 = vector.broadcast %add3A_1662 : i32 to vector<16xi32>
        %add3A_1664 = arith.addi %add3A_1653, %add3A_1663 : vector<16xi32>
        %add3A_1665 = arith.constant 2 : i32
        %add3A_1666 = vector.broadcast %add3A_1665 : i32 to vector<16xi32>
        %add3A_1667 = arith.addi %xor3A_1661, %add3A_1666 : vector<16xi32>
        %add3A_1668 = arith.addi %add3A_1664, %add3A_1667 : vector<16xi32>
        %shift_left3A_1669 = arith.constant 13 : i32
        %shift_left3A_1670 = vector.broadcast %shift_left3A_1669 : i32 to vector<16xi32>
        %shift_left3A_1671 = arith.shli %add3A_1667, %shift_left3A_1670 : vector<16xi32>
        %shift_right_logical3A_1672 = arith.constant 19 : i32
        %shift_right_logical3A_1673 = vector.broadcast %shift_right_logical3A_1672 : i32 to vector<16xi32>
        %shift_right_logical3A_1674 = arith.shrui %add3A_1667, %shift_right_logical3A_1673 : vector<16xi32>
        %or3A_1675 = arith.ori %shift_left3A_1671, %shift_right_logical3A_1674 : vector<16xi32>
        %xor3A_1676 = arith.xori %or3A_1675, %add3A_1668 : vector<16xi32>
        %add3A_1677 = arith.addi %add3A_1668, %xor3A_1676 : vector<16xi32>
        %shift_left3A_1678 = arith.constant 15 : i32
        %shift_left3A_1679 = vector.broadcast %shift_left3A_1678 : i32 to vector<16xi32>
        %shift_left3A_1680 = arith.shli %xor3A_1676, %shift_left3A_1679 : vector<16xi32>
        %shift_right_logical3A_1681 = arith.constant 17 : i32
        %shift_right_logical3A_1682 = vector.broadcast %shift_right_logical3A_1681 : i32 to vector<16xi32>
        %shift_right_logical3A_1683 = arith.shrui %xor3A_1676, %shift_right_logical3A_1682 : vector<16xi32>
        %or3A_1684 = arith.ori %shift_left3A_1680, %shift_right_logical3A_1683 : vector<16xi32>
        %xor3A_1685 = arith.xori %or3A_1684, %add3A_1677 : vector<16xi32>
        %add3A_1686 = arith.addi %add3A_1677, %xor3A_1685 : vector<16xi32>
        %shift_left3A_1687 = arith.constant 26 : i32
        %shift_left3A_1688 = vector.broadcast %shift_left3A_1687 : i32 to vector<16xi32>
        %shift_left3A_1689 = arith.shli %xor3A_1685, %shift_left3A_1688 : vector<16xi32>
        %shift_right_logical3A_1690 = arith.constant 6 : i32
        %shift_right_logical3A_1691 = vector.broadcast %shift_right_logical3A_1690 : i32 to vector<16xi32>
        %shift_right_logical3A_1692 = arith.shrui %xor3A_1685, %shift_right_logical3A_1691 : vector<16xi32>
        %or3A_1693 = arith.ori %shift_left3A_1689, %shift_right_logical3A_1692 : vector<16xi32>
        %xor3A_1694 = arith.xori %or3A_1693, %add3A_1686 : vector<16xi32>
        %add3A_1695 = arith.addi %add3A_1686, %xor3A_1694 : vector<16xi32>
        %shift_left3A_1696 = arith.constant 6 : i32
        %shift_left3A_1697 = vector.broadcast %shift_left3A_1696 : i32 to vector<16xi32>
        %shift_left3A_1698 = arith.shli %xor3A_1694, %shift_left3A_1697 : vector<16xi32>
        %shift_right_logical3A_1699 = arith.constant 26 : i32
        %shift_right_logical3A_1700 = vector.broadcast %shift_right_logical3A_1699 : i32 to vector<16xi32>
        %shift_right_logical3A_1701 = arith.shrui %xor3A_1694, %shift_right_logical3A_1700 : vector<16xi32>
        %or3A_1702 = arith.ori %shift_left3A_1698, %shift_right_logical3A_1701 : vector<16xi32>
        %xor3A_1703 = arith.xori %or3A_1702, %add3A_1695 : vector<16xi32>
        %add3A_1704 = arith.constant 10 : i32
        %add3A_1705 = vector.broadcast %add3A_1704 : i32 to vector<16xi32>
        %add3A_1706 = arith.addi %xor3A_1703, %add3A_1705 : vector<16xi32>
        %add3A_1707 = arith.addi %add3A_1695, %add3A_1706 : vector<16xi32>
        %shift_left3A_1708 = arith.constant 17 : i32
        %shift_left3A_1709 = vector.broadcast %shift_left3A_1708 : i32 to vector<16xi32>
        %shift_left3A_1710 = arith.shli %add3A_1706, %shift_left3A_1709 : vector<16xi32>
        %shift_right_logical3A_1711 = arith.constant 15 : i32
        %shift_right_logical3A_1712 = vector.broadcast %shift_right_logical3A_1711 : i32 to vector<16xi32>
        %shift_right_logical3A_1713 = arith.shrui %add3A_1706, %shift_right_logical3A_1712 : vector<16xi32>
        %or3A_1714 = arith.ori %shift_left3A_1710, %shift_right_logical3A_1713 : vector<16xi32>
        %xor3A_1715 = arith.xori %or3A_1714, %add3A_1707 : vector<16xi32>
        %add3A_1716 = arith.addi %add3A_1707, %xor3A_1715 : vector<16xi32>
        %shift_left3A_1717 = arith.constant 29 : i32
        %shift_left3A_1718 = vector.broadcast %shift_left3A_1717 : i32 to vector<16xi32>
        %shift_left3A_1719 = arith.shli %xor3A_1715, %shift_left3A_1718 : vector<16xi32>
        %shift_right_logical3A_1720 = arith.constant 3 : i32
        %shift_right_logical3A_1721 = vector.broadcast %shift_right_logical3A_1720 : i32 to vector<16xi32>
        %shift_right_logical3A_1722 = arith.shrui %xor3A_1715, %shift_right_logical3A_1721 : vector<16xi32>
        %or3A_1723 = arith.ori %shift_left3A_1719, %shift_right_logical3A_1722 : vector<16xi32>
        %xor3A_1724 = arith.xori %or3A_1723, %add3A_1716 : vector<16xi32>
        %add3A_1725 = arith.addi %add3A_1716, %xor3A_1724 : vector<16xi32>
        %shift_left3A_1726 = arith.constant 16 : i32
        %shift_left3A_1727 = vector.broadcast %shift_left3A_1726 : i32 to vector<16xi32>
        %shift_left3A_1728 = arith.shli %xor3A_1724, %shift_left3A_1727 : vector<16xi32>
        %shift_right_logical3A_1729 = arith.constant 16 : i32
        %shift_right_logical3A_1730 = vector.broadcast %shift_right_logical3A_1729 : i32 to vector<16xi32>
        %shift_right_logical3A_1731 = arith.shrui %xor3A_1724, %shift_right_logical3A_1730 : vector<16xi32>
        %or3A_1732 = arith.ori %shift_left3A_1728, %shift_right_logical3A_1731 : vector<16xi32>
        %xor3A_1733 = arith.xori %or3A_1732, %add3A_1725 : vector<16xi32>
        %add3A_1734 = arith.addi %add3A_1725, %xor3A_1733 : vector<16xi32>
        %shift_left3A_1735 = arith.constant 24 : i32
        %shift_left3A_1736 = vector.broadcast %shift_left3A_1735 : i32 to vector<16xi32>
        %shift_left3A_1737 = arith.shli %xor3A_1733, %shift_left3A_1736 : vector<16xi32>
        %shift_right_logical3A_1738 = arith.constant 8 : i32
        %shift_right_logical3A_1739 = vector.broadcast %shift_right_logical3A_1738 : i32 to vector<16xi32>
        %shift_right_logical3A_1740 = arith.shrui %xor3A_1733, %shift_right_logical3A_1739 : vector<16xi32>
        %or3A_1741 = arith.ori %shift_left3A_1737, %shift_right_logical3A_1740 : vector<16xi32>
        %xor3A_1742 = arith.xori %or3A_1741, %add3A_1734 : vector<16xi32>
        %add3A_1743 = arith.constant 7 : i32
        %add3A_1744 = vector.broadcast %add3A_1743 : i32 to vector<16xi32>
        %add3A_1745 = arith.addi %add3A_1734, %add3A_1744 : vector<16xi32>
        %add3A_1746 = arith.constant 466688993 : i32
        %add3A_1747 = vector.broadcast %add3A_1746 : i32 to vector<16xi32>
        %add3A_1748 = arith.addi %xor3A_1742, %add3A_1747 : vector<16xi32>
        %add3A_1749 = arith.addi %add3A_1745, %add3A_1748 : vector<16xi32>
        %shift_left3A_1750 = arith.constant 13 : i32
        %shift_left3A_1751 = vector.broadcast %shift_left3A_1750 : i32 to vector<16xi32>
        %shift_left3A_1752 = arith.shli %add3A_1748, %shift_left3A_1751 : vector<16xi32>
        %shift_right_logical3A_1753 = arith.constant 19 : i32
        %shift_right_logical3A_1754 = vector.broadcast %shift_right_logical3A_1753 : i32 to vector<16xi32>
        %shift_right_logical3A_1755 = arith.shrui %add3A_1748, %shift_right_logical3A_1754 : vector<16xi32>
        %or3A_1756 = arith.ori %shift_left3A_1752, %shift_right_logical3A_1755 : vector<16xi32>
        %xor3A_1757 = arith.xori %or3A_1756, %add3A_1749 : vector<16xi32>
        %add3A_1758 = arith.addi %add3A_1749, %xor3A_1757 : vector<16xi32>
        %shift_left3A_1759 = arith.constant 15 : i32
        %shift_left3A_1760 = vector.broadcast %shift_left3A_1759 : i32 to vector<16xi32>
        %shift_left3A_1761 = arith.shli %xor3A_1757, %shift_left3A_1760 : vector<16xi32>
        %shift_right_logical3A_1762 = arith.constant 17 : i32
        %shift_right_logical3A_1763 = vector.broadcast %shift_right_logical3A_1762 : i32 to vector<16xi32>
        %shift_right_logical3A_1764 = arith.shrui %xor3A_1757, %shift_right_logical3A_1763 : vector<16xi32>
        %or3A_1765 = arith.ori %shift_left3A_1761, %shift_right_logical3A_1764 : vector<16xi32>
        %xor3A_1766 = arith.xori %or3A_1765, %add3A_1758 : vector<16xi32>
        %add3A_1767 = arith.addi %add3A_1758, %xor3A_1766 : vector<16xi32>
        %shift_left3A_1768 = arith.constant 26 : i32
        %shift_left3A_1769 = vector.broadcast %shift_left3A_1768 : i32 to vector<16xi32>
        %shift_left3A_1770 = arith.shli %xor3A_1766, %shift_left3A_1769 : vector<16xi32>
        %shift_right_logical3A_1771 = arith.constant 6 : i32
        %shift_right_logical3A_1772 = vector.broadcast %shift_right_logical3A_1771 : i32 to vector<16xi32>
        %shift_right_logical3A_1773 = arith.shrui %xor3A_1766, %shift_right_logical3A_1772 : vector<16xi32>
        %or3A_1774 = arith.ori %shift_left3A_1770, %shift_right_logical3A_1773 : vector<16xi32>
        %xor3A_1775 = arith.xori %or3A_1774, %add3A_1767 : vector<16xi32>
        %add3A_1776 = arith.addi %add3A_1767, %xor3A_1775 : vector<16xi32>
        %shift_left3A_1777 = arith.constant 6 : i32
        %shift_left3A_1778 = vector.broadcast %shift_left3A_1777 : i32 to vector<16xi32>
        %shift_left3A_1779 = arith.shli %xor3A_1775, %shift_left3A_1778 : vector<16xi32>
        %shift_right_logical3A_1780 = arith.constant 26 : i32
        %shift_right_logical3A_1781 = vector.broadcast %shift_right_logical3A_1780 : i32 to vector<16xi32>
        %shift_right_logical3A_1782 = arith.shrui %xor3A_1775, %shift_right_logical3A_1781 : vector<16xi32>
        %or3A_1783 = arith.ori %shift_left3A_1779, %shift_right_logical3A_1782 : vector<16xi32>
        %xor3A_1784 = arith.xori %or3A_1783, %add3A_1776 : vector<16xi32>
        %add3A_1785 = arith.constant 466688989 : i32
        %add3A_1786 = vector.broadcast %add3A_1785 : i32 to vector<16xi32>
        %add3A_1787 = arith.addi %add3A_1776, %add3A_1786 : vector<16xi32>
        %add3A_1788 = arith.constant 5 : i32
        %add3A_1789 = vector.broadcast %add3A_1788 : i32 to vector<16xi32>
        %add3A_1790 = arith.addi %xor3A_1784, %add3A_1789 : vector<16xi32>
        %xor3A_1791 = arith.xori %add3A_1787, %add3A_1790 : vector<16xi32>
        %swap3A_1792 = arith.index_cast %add3A_1576 : i32 to index
        %swap3A_1793 = tpu.vector_load %arg3[%swap3A_1792] {strides = array<i32>} : memref<8192xi32, #tpu.memory_space<vmem>>, vector<16xi32>,
        %swap3A_1794 = vector.shape_cast %swap3A_1793 : vector<16xi32> to vector<16xi32>
        %swap3A_1795 = vector.shape_cast %xor3A_1791 : vector<16xi32> to vector<16xi32>
        tpu.vector_store %arg3[%swap3A_1792], %swap3A_1795 {strides = array<i32>} : memref<8192xi32, #tpu.memory_space<vmem>>, vector<16xi32>,
      }
      %scan3A_15 = arith.constant 64 : i32
      "tpu.region"() ({
        %run_scoped3A = tpu.sem_alloc : memref<!tpu.dma_semaphore, #tpu.memory_space<semaphore_mem>>
        %dma_start3A = arith.constant 0 : i32
        %dma_start3A_16 = tpu.memref_slice %arg2[%add3A_9, %dma_start3A] : memref<2304x8192xi32, #tpu.memory_space<hbm>> -> memref<1x8192xi32, #tpu.memory_space<hbm>>
        %dma_start3A_17 = tpu.memref_squeeze %dma_start3A_16 : memref<1x8192xi32, #tpu.memory_space<hbm>> -> memref<8192xi32, #tpu.memory_space<hbm>>
        %dma_start3A_18 = arith.constant 0 : i32
        %dma_start3A_19 = tpu.memref_slice %arg2[%add3A_9, %dma_start3A_18] : memref<2304x8192xi32, #tpu.memory_space<hbm>> -> memref<1x8192xi32, #tpu.memory_space<hbm>>
        %dma_start3A_20 = tpu.memref_squeeze %dma_start3A_19 : memref<1x8192xi32, #tpu.memory_space<hbm>> -> memref<8192xi32, #tpu.memory_space<hbm>>
        tpu.enqueue_dma source(%arg3 : memref<8192xi32, #tpu.memory_space<vmem>>) target(%dma_start3A_20 : memref<8192xi32, #tpu.memory_space<hbm>>) target_semaphore(%run_scoped3A : memref<!tpu.dma_semaphore, #tpu.memory_space<semaphore_mem>>)
        %dma_wait3A = arith.constant 0 : i32
        %dma_wait3A_21 = tpu.memref_slice %arg2[%add3A_9, %dma_wait3A] : memref<2304x8192xi32, #tpu.memory_space<hbm>> -> memref<1x8192xi32, #tpu.memory_space<hbm>>
        %dma_wait3A_22 = tpu.memref_squeeze %dma_wait3A_21 : memref<1x8192xi32, #tpu.memory_space<hbm>> -> memref<8192xi32, #tpu.memory_space<hbm>>
        %dma_wait3A_23 = arith.constant 0 : i32
        %dma_wait3A_24 = tpu.memref_slice %arg2[%add3A_9, %dma_wait3A_23] : memref<2304x8192xi32, #tpu.memory_space<hbm>> -> memref<1x8192xi32, #tpu.memory_space<hbm>>
        %dma_wait3A_25 = tpu.memref_squeeze %dma_wait3A_24 : memref<1x8192xi32, #tpu.memory_space<hbm>> -> memref<8192xi32, #tpu.memory_space<hbm>>
        tpu.wait_dma2 semaphore(%run_scoped3A : memref<!tpu.dma_semaphore, #tpu.memory_space<semaphore_mem>>) src(%arg3 : memref<8192xi32, #tpu.memory_space<vmem>>) dst(%dma_wait3A_25 : memref<8192xi32, #tpu.memory_space<hbm>>)
        tpu.yield
      }) : () -> ()
    }
    %scan3A_7 = arith.constant 72 : i32
    return
  }
}

module attributes {stable_mosaic.version = 14 : i64} {
  func.func @_mlp_body(%arg0: i32, %arg1: memref<512x64xf32, #tpu.memory_space<vmem>>, %arg2: memref<512x1xf32, #tpu.memory_space<vmem>>, %arg3: memref<1x128xf32, #tpu.memory_space<vmem>>, %arg4: memref<1x32xf32, #tpu.memory_space<vmem>>, %arg5: memref<96x512xf32, #tpu.memory_space<vmem>>, %arg6: memref<1x512xf32, #tpu.memory_space<vmem>>, %arg7: memref<512x64xf32, #tpu.memory_space<vmem>>, %arg8: memref<1x64xf32, #tpu.memory_space<vmem>>, %arg9: memref<192x512xf32, #tpu.memory_space<vmem>>, %arg10: memref<1x512xf32, #tpu.memory_space<vmem>>, %arg11: memref<512x1xf32, #tpu.memory_space<vmem>>, %arg12: memref<1x1xf32, #tpu.memory_space<smem>>, %arg13: memref<512x128xf32, #tpu.memory_space<vmem>>, %arg14: memref<512x1xf32, #tpu.memory_space<vmem>>) attributes {dimension_semantics = [#tpu.dimension_semantics<arbitrary>], iteration_bounds = array<i64: 16>, scalar_prefetch = 0 : i64, scratch_operands = 0 : i64, tpu.core_type = #tpu.core_type<tc>, window_params = [{transform_indices = @transform_0, window_bounds = array<i64: 512, 64>}, {transform_indices = @transform_1, window_bounds = array<i64: 512, 1>}, {pipeline_mode = #tpu.pipeline_mode<synchronous>, transform_indices = @transform_2, window_bounds = array<i64: 1, 128>}, {pipeline_mode = #tpu.pipeline_mode<synchronous>, transform_indices = @transform_3, window_bounds = array<i64: 1, 32>}, {pipeline_mode = #tpu.pipeline_mode<synchronous>, transform_indices = @transform_4, window_bounds = array<i64: 96, 512>}, {pipeline_mode = #tpu.pipeline_mode<synchronous>, transform_indices = @transform_5, window_bounds = array<i64: 1, 512>}, {pipeline_mode = #tpu.pipeline_mode<synchronous>, transform_indices = @transform_6, window_bounds = array<i64: 512, 64>}, {pipeline_mode = #tpu.pipeline_mode<synchronous>, transform_indices = @transform_7, window_bounds = array<i64: 1, 64>}, {pipeline_mode = #tpu.pipeline_mode<synchronous>, transform_indices = @transform_8, window_bounds = array<i64: 192, 512>}, {pipeline_mode = #tpu.pipeline_mode<synchronous>, transform_indices = @transform_9, window_bounds = array<i64: 1, 512>}, {pipeline_mode = #tpu.pipeline_mode<synchronous>, transform_indices = @transform_10, window_bounds = array<i64: 512, 1>}, {transform_indices = @transform_11, window_bounds = array<i64: 1, 1>}, {transform_indices = @transform_12, window_bounds = array<i64: 512, 128>}, {transform_indices = @transform_13, window_bounds = array<i64: 512, 1>}]} {
    %get3A = arith.constant 0 : index
    %get3A_0 = arith.constant 0 : index
    %get3A_1 = vector.load %arg1[%get3A, %get3A_0] : memref<512x64xf32, #tpu.memory_space<vmem>>, vector<512x64xf32>
    %iota3A = tpu.iota {dimensions = array<i32: 0>} : vector<512x64xi32>
    %iota3A_2 = tpu.iota {dimensions = array<i32: 1>} : vector<512x64xi32>
    %mul3A = arith.constant 512 : i32
    %mul3A_3 = arith.muli %arg0, %mul3A : i32
    %add3A = vector.broadcast %mul3A_3 : i32 to vector<512x64xi32>
    %add3A_4 = arith.addi %add3A, %iota3A : vector<512x64xi32>
    %mul3A_5 = arith.constant 64 : i32
    %mul3A_6 = vector.broadcast %mul3A_5 : i32 to vector<512x64xi32>
    %mul3A_7 = arith.muli %add3A_4, %mul3A_6 : vector<512x64xi32>
    %add3A_8 = arith.addi %mul3A_7, %iota3A_2 : vector<512x64xi32>
    %add3A_9 = arith.constant 42 : i32
    %add3A_10 = vector.broadcast %add3A_9 : i32 to vector<512x64xi32>
    %add3A_11 = arith.addi %add3A_8, %add3A_10 : vector<512x64xi32>
    %shift_left3A = arith.constant 13 : i32
    %shift_left3A_12 = vector.broadcast %shift_left3A : i32 to vector<512x64xi32>
    %shift_left3A_13 = arith.shli %add3A_11, %shift_left3A_12 : vector<512x64xi32>
    %shift_right_logical3A = arith.constant 19 : i32
    %shift_right_logical3A_14 = vector.broadcast %shift_right_logical3A : i32 to vector<512x64xi32>
    %shift_right_logical3A_15 = arith.shrui %add3A_11, %shift_right_logical3A_14 : vector<512x64xi32>
    %or3A = arith.ori %shift_left3A_13, %shift_right_logical3A_15 : vector<512x64xi32>
    %xor3A = arith.xori %or3A, %add3A_11 : vector<512x64xi32>
    %add3A_16 = arith.addi %add3A_11, %xor3A : vector<512x64xi32>
    %shift_left3A_17 = arith.constant 15 : i32
    %shift_left3A_18 = vector.broadcast %shift_left3A_17 : i32 to vector<512x64xi32>
    %shift_left3A_19 = arith.shli %xor3A, %shift_left3A_18 : vector<512x64xi32>
    %shift_right_logical3A_20 = arith.constant 17 : i32
    %shift_right_logical3A_21 = vector.broadcast %shift_right_logical3A_20 : i32 to vector<512x64xi32>
    %shift_right_logical3A_22 = arith.shrui %xor3A, %shift_right_logical3A_21 : vector<512x64xi32>
    %or3A_23 = arith.ori %shift_left3A_19, %shift_right_logical3A_22 : vector<512x64xi32>
    %xor3A_24 = arith.xori %or3A_23, %add3A_16 : vector<512x64xi32>
    %add3A_25 = arith.addi %add3A_16, %xor3A_24 : vector<512x64xi32>
    %shift_left3A_26 = arith.constant 26 : i32
    %shift_left3A_27 = vector.broadcast %shift_left3A_26 : i32 to vector<512x64xi32>
    %shift_left3A_28 = arith.shli %xor3A_24, %shift_left3A_27 : vector<512x64xi32>
    %shift_right_logical3A_29 = arith.constant 6 : i32
    %shift_right_logical3A_30 = vector.broadcast %shift_right_logical3A_29 : i32 to vector<512x64xi32>
    %shift_right_logical3A_31 = arith.shrui %xor3A_24, %shift_right_logical3A_30 : vector<512x64xi32>
    %or3A_32 = arith.ori %shift_left3A_28, %shift_right_logical3A_31 : vector<512x64xi32>
    %xor3A_33 = arith.xori %or3A_32, %add3A_25 : vector<512x64xi32>
    %add3A_34 = arith.addi %add3A_25, %xor3A_33 : vector<512x64xi32>
    %shift_left3A_35 = arith.constant 6 : i32
    %shift_left3A_36 = vector.broadcast %shift_left3A_35 : i32 to vector<512x64xi32>
    %shift_left3A_37 = arith.shli %xor3A_33, %shift_left3A_36 : vector<512x64xi32>
    %shift_right_logical3A_38 = arith.constant 26 : i32
    %shift_right_logical3A_39 = vector.broadcast %shift_right_logical3A_38 : i32 to vector<512x64xi32>
    %shift_right_logical3A_40 = arith.shrui %xor3A_33, %shift_right_logical3A_39 : vector<512x64xi32>
    %or3A_41 = arith.ori %shift_left3A_37, %shift_right_logical3A_40 : vector<512x64xi32>
    %xor3A_42 = arith.xori %or3A_41, %add3A_34 : vector<512x64xi32>
    %add3A_43 = arith.constant 42 : i32
    %add3A_44 = vector.broadcast %add3A_43 : i32 to vector<512x64xi32>
    %add3A_45 = arith.addi %add3A_34, %add3A_44 : vector<512x64xi32>
    %add3A_46 = arith.constant 466689009 : i32
    %add3A_47 = vector.broadcast %add3A_46 : i32 to vector<512x64xi32>
    %add3A_48 = arith.addi %xor3A_42, %add3A_47 : vector<512x64xi32>
    %add3A_49 = arith.addi %add3A_45, %add3A_48 : vector<512x64xi32>
    %shift_left3A_50 = arith.constant 17 : i32
    %shift_left3A_51 = vector.broadcast %shift_left3A_50 : i32 to vector<512x64xi32>
    %shift_left3A_52 = arith.shli %add3A_48, %shift_left3A_51 : vector<512x64xi32>
    %shift_right_logical3A_53 = arith.constant 15 : i32
    %shift_right_logical3A_54 = vector.broadcast %shift_right_logical3A_53 : i32 to vector<512x64xi32>
    %shift_right_logical3A_55 = arith.shrui %add3A_48, %shift_right_logical3A_54 : vector<512x64xi32>
    %or3A_56 = arith.ori %shift_left3A_52, %shift_right_logical3A_55 : vector<512x64xi32>
    %xor3A_57 = arith.xori %or3A_56, %add3A_49 : vector<512x64xi32>
    %add3A_58 = arith.addi %add3A_49, %xor3A_57 : vector<512x64xi32>
    %shift_left3A_59 = arith.constant 29 : i32
    %shift_left3A_60 = vector.broadcast %shift_left3A_59 : i32 to vector<512x64xi32>
    %shift_left3A_61 = arith.shli %xor3A_57, %shift_left3A_60 : vector<512x64xi32>
    %shift_right_logical3A_62 = arith.constant 3 : i32
    %shift_right_logical3A_63 = vector.broadcast %shift_right_logical3A_62 : i32 to vector<512x64xi32>
    %shift_right_logical3A_64 = arith.shrui %xor3A_57, %shift_right_logical3A_63 : vector<512x64xi32>
    %or3A_65 = arith.ori %shift_left3A_61, %shift_right_logical3A_64 : vector<512x64xi32>
    %xor3A_66 = arith.xori %or3A_65, %add3A_58 : vector<512x64xi32>
    %add3A_67 = arith.addi %add3A_58, %xor3A_66 : vector<512x64xi32>
    %shift_left3A_68 = arith.constant 16 : i32
    %shift_left3A_69 = vector.broadcast %shift_left3A_68 : i32 to vector<512x64xi32>
    %shift_left3A_70 = arith.shli %xor3A_66, %shift_left3A_69 : vector<512x64xi32>
    %shift_right_logical3A_71 = arith.constant 16 : i32
    %shift_right_logical3A_72 = vector.broadcast %shift_right_logical3A_71 : i32 to vector<512x64xi32>
    %shift_right_logical3A_73 = arith.shrui %xor3A_66, %shift_right_logical3A_72 : vector<512x64xi32>
    %or3A_74 = arith.ori %shift_left3A_70, %shift_right_logical3A_73 : vector<512x64xi32>
    %xor3A_75 = arith.xori %or3A_74, %add3A_67 : vector<512x64xi32>
    %add3A_76 = arith.addi %add3A_67, %xor3A_75 : vector<512x64xi32>
    %shift_left3A_77 = arith.constant 24 : i32
    %shift_left3A_78 = vector.broadcast %shift_left3A_77 : i32 to vector<512x64xi32>
    %shift_left3A_79 = arith.shli %xor3A_75, %shift_left3A_78 : vector<512x64xi32>
    %shift_right_logical3A_80 = arith.constant 8 : i32
    %shift_right_logical3A_81 = vector.broadcast %shift_right_logical3A_80 : i32 to vector<512x64xi32>
    %shift_right_logical3A_82 = arith.shrui %xor3A_75, %shift_right_logical3A_81 : vector<512x64xi32>
    %or3A_83 = arith.ori %shift_left3A_79, %shift_right_logical3A_82 : vector<512x64xi32>
    %xor3A_84 = arith.xori %or3A_83, %add3A_76 : vector<512x64xi32>
    %add3A_85 = arith.constant 466689008 : i32
    %add3A_86 = vector.broadcast %add3A_85 : i32 to vector<512x64xi32>
    %add3A_87 = arith.addi %add3A_76, %add3A_86 : vector<512x64xi32>
    %add3A_88 = arith.constant 2 : i32
    %add3A_89 = vector.broadcast %add3A_88 : i32 to vector<512x64xi32>
    %add3A_90 = arith.addi %xor3A_84, %add3A_89 : vector<512x64xi32>
    %add3A_91 = arith.addi %add3A_87, %add3A_90 : vector<512x64xi32>
    %shift_left3A_92 = arith.constant 13 : i32
    %shift_left3A_93 = vector.broadcast %shift_left3A_92 : i32 to vector<512x64xi32>
    %shift_left3A_94 = arith.shli %add3A_90, %shift_left3A_93 : vector<512x64xi32>
    %shift_right_logical3A_95 = arith.constant 19 : i32
    %shift_right_logical3A_96 = vector.broadcast %shift_right_logical3A_95 : i32 to vector<512x64xi32>
    %shift_right_logical3A_97 = arith.shrui %add3A_90, %shift_right_logical3A_96 : vector<512x64xi32>
    %or3A_98 = arith.ori %shift_left3A_94, %shift_right_logical3A_97 : vector<512x64xi32>
    %xor3A_99 = arith.xori %or3A_98, %add3A_91 : vector<512x64xi32>
    %add3A_100 = arith.addi %add3A_91, %xor3A_99 : vector<512x64xi32>
    %shift_left3A_101 = arith.constant 15 : i32
    %shift_left3A_102 = vector.broadcast %shift_left3A_101 : i32 to vector<512x64xi32>
    %shift_left3A_103 = arith.shli %xor3A_99, %shift_left3A_102 : vector<512x64xi32>
    %shift_right_logical3A_104 = arith.constant 17 : i32
    %shift_right_logical3A_105 = vector.broadcast %shift_right_logical3A_104 : i32 to vector<512x64xi32>
    %shift_right_logical3A_106 = arith.shrui %xor3A_99, %shift_right_logical3A_105 : vector<512x64xi32>
    %or3A_107 = arith.ori %shift_left3A_103, %shift_right_logical3A_106 : vector<512x64xi32>
    %xor3A_108 = arith.xori %or3A_107, %add3A_100 : vector<512x64xi32>
    %add3A_109 = arith.addi %add3A_100, %xor3A_108 : vector<512x64xi32>
    %shift_left3A_110 = arith.constant 26 : i32
    %shift_left3A_111 = vector.broadcast %shift_left3A_110 : i32 to vector<512x64xi32>
    %shift_left3A_112 = arith.shli %xor3A_108, %shift_left3A_111 : vector<512x64xi32>
    %shift_right_logical3A_113 = arith.constant 6 : i32
    %shift_right_logical3A_114 = vector.broadcast %shift_right_logical3A_113 : i32 to vector<512x64xi32>
    %shift_right_logical3A_115 = arith.shrui %xor3A_108, %shift_right_logical3A_114 : vector<512x64xi32>
    %or3A_116 = arith.ori %shift_left3A_112, %shift_right_logical3A_115 : vector<512x64xi32>
    %xor3A_117 = arith.xori %or3A_116, %add3A_109 : vector<512x64xi32>
    %add3A_118 = arith.addi %add3A_109, %xor3A_117 : vector<512x64xi32>
    %shift_left3A_119 = arith.constant 6 : i32
    %shift_left3A_120 = vector.broadcast %shift_left3A_119 : i32 to vector<512x64xi32>
    %shift_left3A_121 = arith.shli %xor3A_117, %shift_left3A_120 : vector<512x64xi32>
    %shift_right_logical3A_122 = arith.constant 26 : i32
    %shift_right_logical3A_123 = vector.broadcast %shift_right_logical3A_122 : i32 to vector<512x64xi32>
    %shift_right_logical3A_124 = arith.shrui %xor3A_117, %shift_right_logical3A_123 : vector<512x64xi32>
    %or3A_125 = arith.ori %shift_left3A_121, %shift_right_logical3A_124 : vector<512x64xi32>
    %xor3A_126 = arith.xori %or3A_125, %add3A_118 : vector<512x64xi32>
    %add3A_127 = arith.constant 45 : i32
    %add3A_128 = vector.broadcast %add3A_127 : i32 to vector<512x64xi32>
    %add3A_129 = arith.addi %xor3A_126, %add3A_128 : vector<512x64xi32>
    %add3A_130 = arith.addi %add3A_118, %add3A_129 : vector<512x64xi32>
    %shift_left3A_131 = arith.constant 17 : i32
    %shift_left3A_132 = vector.broadcast %shift_left3A_131 : i32 to vector<512x64xi32>
    %shift_left3A_133 = arith.shli %add3A_129, %shift_left3A_132 : vector<512x64xi32>
    %shift_right_logical3A_134 = arith.constant 15 : i32
    %shift_right_logical3A_135 = vector.broadcast %shift_right_logical3A_134 : i32 to vector<512x64xi32>
    %shift_right_logical3A_136 = arith.shrui %add3A_129, %shift_right_logical3A_135 : vector<512x64xi32>
    %or3A_137 = arith.ori %shift_left3A_133, %shift_right_logical3A_136 : vector<512x64xi32>
    %xor3A_138 = arith.xori %or3A_137, %add3A_130 : vector<512x64xi32>
    %add3A_139 = arith.addi %add3A_130, %xor3A_138 : vector<512x64xi32>
    %shift_left3A_140 = arith.constant 29 : i32
    %shift_left3A_141 = vector.broadcast %shift_left3A_140 : i32 to vector<512x64xi32>
    %shift_left3A_142 = arith.shli %xor3A_138, %shift_left3A_141 : vector<512x64xi32>
    %shift_right_logical3A_143 = arith.constant 3 : i32
    %shift_right_logical3A_144 = vector.broadcast %shift_right_logical3A_143 : i32 to vector<512x64xi32>
    %shift_right_logical3A_145 = arith.shrui %xor3A_138, %shift_right_logical3A_144 : vector<512x64xi32>
    %or3A_146 = arith.ori %shift_left3A_142, %shift_right_logical3A_145 : vector<512x64xi32>
    %xor3A_147 = arith.xori %or3A_146, %add3A_139 : vector<512x64xi32>
    %add3A_148 = arith.addi %add3A_139, %xor3A_147 : vector<512x64xi32>
    %shift_left3A_149 = arith.constant 16 : i32
    %shift_left3A_150 = vector.broadcast %shift_left3A_149 : i32 to vector<512x64xi32>
    %shift_left3A_151 = arith.shli %xor3A_147, %shift_left3A_150 : vector<512x64xi32>
    %shift_right_logical3A_152 = arith.constant 16 : i32
    %shift_right_logical3A_153 = vector.broadcast %shift_right_logical3A_152 : i32 to vector<512x64xi32>
    %shift_right_logical3A_154 = arith.shrui %xor3A_147, %shift_right_logical3A_153 : vector<512x64xi32>
    %or3A_155 = arith.ori %shift_left3A_151, %shift_right_logical3A_154 : vector<512x64xi32>
    %xor3A_156 = arith.xori %or3A_155, %add3A_148 : vector<512x64xi32>
    %add3A_157 = arith.addi %add3A_148, %xor3A_156 : vector<512x64xi32>
    %shift_left3A_158 = arith.constant 24 : i32
    %shift_left3A_159 = vector.broadcast %shift_left3A_158 : i32 to vector<512x64xi32>
    %shift_left3A_160 = arith.shli %xor3A_156, %shift_left3A_159 : vector<512x64xi32>
    %shift_right_logical3A_161 = arith.constant 8 : i32
    %shift_right_logical3A_162 = vector.broadcast %shift_right_logical3A_161 : i32 to vector<512x64xi32>
    %shift_right_logical3A_163 = arith.shrui %xor3A_156, %shift_right_logical3A_162 : vector<512x64xi32>
    %or3A_164 = arith.ori %shift_left3A_160, %shift_right_logical3A_163 : vector<512x64xi32>
    %xor3A_165 = arith.xori %or3A_164, %add3A_157 : vector<512x64xi32>
    %add3A_166 = arith.constant 42 : i32
    %add3A_167 = vector.broadcast %add3A_166 : i32 to vector<512x64xi32>
    %add3A_168 = arith.addi %add3A_157, %add3A_167 : vector<512x64xi32>
    %add3A_169 = arith.constant 466689012 : i32
    %add3A_170 = vector.broadcast %add3A_169 : i32 to vector<512x64xi32>
    %add3A_171 = arith.addi %xor3A_165, %add3A_170 : vector<512x64xi32>
    %add3A_172 = arith.addi %add3A_168, %add3A_171 : vector<512x64xi32>
    %shift_left3A_173 = arith.constant 13 : i32
    %shift_left3A_174 = vector.broadcast %shift_left3A_173 : i32 to vector<512x64xi32>
    %shift_left3A_175 = arith.shli %add3A_171, %shift_left3A_174 : vector<512x64xi32>
    %shift_right_logical3A_176 = arith.constant 19 : i32
    %shift_right_logical3A_177 = vector.broadcast %shift_right_logical3A_176 : i32 to vector<512x64xi32>
    %shift_right_logical3A_178 = arith.shrui %add3A_171, %shift_right_logical3A_177 : vector<512x64xi32>
    %or3A_179 = arith.ori %shift_left3A_175, %shift_right_logical3A_178 : vector<512x64xi32>
    %xor3A_180 = arith.xori %or3A_179, %add3A_172 : vector<512x64xi32>
    %add3A_181 = arith.addi %add3A_172, %xor3A_180 : vector<512x64xi32>
    %shift_left3A_182 = arith.constant 15 : i32
    %shift_left3A_183 = vector.broadcast %shift_left3A_182 : i32 to vector<512x64xi32>
    %shift_left3A_184 = arith.shli %xor3A_180, %shift_left3A_183 : vector<512x64xi32>
    %shift_right_logical3A_185 = arith.constant 17 : i32
    %shift_right_logical3A_186 = vector.broadcast %shift_right_logical3A_185 : i32 to vector<512x64xi32>
    %shift_right_logical3A_187 = arith.shrui %xor3A_180, %shift_right_logical3A_186 : vector<512x64xi32>
    %or3A_188 = arith.ori %shift_left3A_184, %shift_right_logical3A_187 : vector<512x64xi32>
    %xor3A_189 = arith.xori %or3A_188, %add3A_181 : vector<512x64xi32>
    %add3A_190 = arith.addi %add3A_181, %xor3A_189 : vector<512x64xi32>
    %shift_left3A_191 = arith.constant 26 : i32
    %shift_left3A_192 = vector.broadcast %shift_left3A_191 : i32 to vector<512x64xi32>
    %shift_left3A_193 = arith.shli %xor3A_189, %shift_left3A_192 : vector<512x64xi32>
    %shift_right_logical3A_194 = arith.constant 6 : i32
    %shift_right_logical3A_195 = vector.broadcast %shift_right_logical3A_194 : i32 to vector<512x64xi32>
    %shift_right_logical3A_196 = arith.shrui %xor3A_189, %shift_right_logical3A_195 : vector<512x64xi32>
    %or3A_197 = arith.ori %shift_left3A_193, %shift_right_logical3A_196 : vector<512x64xi32>
    %xor3A_198 = arith.xori %or3A_197, %add3A_190 : vector<512x64xi32>
    %add3A_199 = arith.addi %add3A_190, %xor3A_198 : vector<512x64xi32>
    %shift_left3A_200 = arith.constant 6 : i32
    %shift_left3A_201 = vector.broadcast %shift_left3A_200 : i32 to vector<512x64xi32>
    %shift_left3A_202 = arith.shli %xor3A_198, %shift_left3A_201 : vector<512x64xi32>
    %shift_right_logical3A_203 = arith.constant 26 : i32
    %shift_right_logical3A_204 = vector.broadcast %shift_right_logical3A_203 : i32 to vector<512x64xi32>
    %shift_right_logical3A_205 = arith.shrui %xor3A_198, %shift_right_logical3A_204 : vector<512x64xi32>
    %or3A_206 = arith.ori %shift_left3A_202, %shift_right_logical3A_205 : vector<512x64xi32>
    %xor3A_207 = arith.xori %or3A_206, %add3A_199 : vector<512x64xi32>
    %add3A_208 = arith.constant 466689008 : i32
    %add3A_209 = vector.broadcast %add3A_208 : i32 to vector<512x64xi32>
    %add3A_210 = arith.addi %add3A_199, %add3A_209 : vector<512x64xi32>
    %add3A_211 = arith.constant 5 : i32
    %add3A_212 = vector.broadcast %add3A_211 : i32 to vector<512x64xi32>
    %add3A_213 = arith.addi %xor3A_207, %add3A_212 : vector<512x64xi32>
    %xor3A_214 = arith.xori %add3A_210, %add3A_213 : vector<512x64xi32>
    %shift_right_logical3A_215 = arith.constant 9 : i32
    %shift_right_logical3A_216 = vector.broadcast %shift_right_logical3A_215 : i32 to vector<512x64xi32>
    %shift_right_logical3A_217 = arith.shrui %xor3A_214, %shift_right_logical3A_216 : vector<512x64xi32>
    %or3A_218 = arith.constant 1065353216 : i32
    %or3A_219 = vector.broadcast %or3A_218 : i32 to vector<512x64xi32>
    %or3A_220 = arith.ori %shift_right_logical3A_217, %or3A_219 : vector<512x64xi32>
    %bitcast_convert_type3A = tpu.bitcast %or3A_220 : vector<512x64xi32> -> vector<512x64xf32>
    %sub3A = arith.constant 1.000000e+00 : f32
    %sub3A_221 = vector.broadcast %sub3A : f32 to vector<512x64xf32>
    %sub3A_222 = arith.subf %bitcast_convert_type3A, %sub3A_221 : vector<512x64xf32>
    %mul3A_223 = arith.constant 2.000000e+00 : f32
    %mul3A_224 = vector.broadcast %mul3A_223 : f32 to vector<512x64xf32>
    %mul3A_225 = arith.mulf %sub3A_222, %mul3A_224 : vector<512x64xf32>
    %add3A_226 = arith.constant -0.99999994 : f32
    %add3A_227 = vector.broadcast %add3A_226 : f32 to vector<512x64xf32>
    %add3A_228 = arith.addf %mul3A_225, %add3A_227 : vector<512x64xf32>
    %max3A = arith.constant -0.99999994 : f32
    %max3A_229 = vector.broadcast %max3A : f32 to vector<512x64xf32>
    %max3A_230 = arith.maximumf %add3A_228, %max3A_229 : vector<512x64xf32>
    %erf_inv3A = arith.constant 0.000000e+00 : f32
    %erf_inv3A_231 = vector.broadcast %erf_inv3A : f32 to vector<512x64xf32>
    %erf_inv3A_232 = arith.subf %erf_inv3A_231, %max3A_230 : vector<512x64xf32>
    %erf_inv3A_233 = arith.mulf %max3A_230, %erf_inv3A_232 : vector<512x64xf32>
    %erf_inv3A_234 = math.log1p %erf_inv3A_233 : vector<512x64xf32>
    %erf_inv3A_235 = arith.constant 0.000000e+00 : f32
    %erf_inv3A_236 = vector.broadcast %erf_inv3A_235 : f32 to vector<512x64xf32>
    %erf_inv3A_237 = arith.subf %erf_inv3A_236, %erf_inv3A_234 : vector<512x64xf32>
    %erf_inv3A_238 = arith.constant 5.000000e+00 : f32
    %erf_inv3A_239 = vector.broadcast %erf_inv3A_238 : f32 to vector<512x64xf32>
    %erf_inv3A_240 = arith.cmpf olt, %erf_inv3A_237, %erf_inv3A_239 : vector<512x64xf32>
    %erf_inv3A_241 = arith.constant 2.500000e+00 : f32
    %erf_inv3A_242 = vector.broadcast %erf_inv3A_241 : f32 to vector<512x64xf32>
    %erf_inv3A_243 = arith.subf %erf_inv3A_237, %erf_inv3A_242 : vector<512x64xf32>
    %erf_inv3A_244 = math.sqrt %erf_inv3A_237 : vector<512x64xf32>
    %erf_inv3A_245 = arith.constant 3.000000e+00 : f32
    %erf_inv3A_246 = vector.broadcast %erf_inv3A_245 : f32 to vector<512x64xf32>
    %erf_inv3A_247 = arith.subf %erf_inv3A_244, %erf_inv3A_246 : vector<512x64xf32>
    %erf_inv3A_248 = arith.select %erf_inv3A_240, %erf_inv3A_243, %erf_inv3A_247 : vector<512x64xi1>, vector<512x64xf32>
    %erf_inv3A_249 = arith.constant 2.81022636E-8 : f32
    %erf_inv3A_250 = arith.constant -2.00214257E-4 : f32
    %erf_inv3A_251 = vector.broadcast %erf_inv3A_249 : f32 to vector<512x64xf32>
    %erf_inv3A_252 = vector.broadcast %erf_inv3A_250 : f32 to vector<512x64xf32>
    %erf_inv3A_253 = arith.select %erf_inv3A_240, %erf_inv3A_251, %erf_inv3A_252 : vector<512x64xi1>, vector<512x64xf32>
    %erf_inv3A_254 = arith.constant 3.43273939E-7 : f32
    %erf_inv3A_255 = arith.constant 1.00950558E-4 : f32
    %erf_inv3A_256 = vector.broadcast %erf_inv3A_254 : f32 to vector<512x64xf32>
    %erf_inv3A_257 = vector.broadcast %erf_inv3A_255 : f32 to vector<512x64xf32>
    %erf_inv3A_258 = arith.select %erf_inv3A_240, %erf_inv3A_256, %erf_inv3A_257 : vector<512x64xi1>, vector<512x64xf32>
    %erf_inv3A_259 = arith.mulf %erf_inv3A_253, %erf_inv3A_248 : vector<512x64xf32>
    %erf_inv3A_260 = arith.addf %erf_inv3A_258, %erf_inv3A_259 : vector<512x64xf32>
    %erf_inv3A_261 = arith.constant -3.5233877E-6 : f32
    %erf_inv3A_262 = arith.constant 0.00134934322 : f32
    %erf_inv3A_263 = vector.broadcast %erf_inv3A_261 : f32 to vector<512x64xf32>
    %erf_inv3A_264 = vector.broadcast %erf_inv3A_262 : f32 to vector<512x64xf32>
    %erf_inv3A_265 = arith.select %erf_inv3A_240, %erf_inv3A_263, %erf_inv3A_264 : vector<512x64xi1>, vector<512x64xf32>
    %erf_inv3A_266 = arith.mulf %erf_inv3A_260, %erf_inv3A_248 : vector<512x64xf32>
    %erf_inv3A_267 = arith.addf %erf_inv3A_265, %erf_inv3A_266 : vector<512x64xf32>
    %erf_inv3A_268 = arith.constant -4.39150654E-6 : f32
    %erf_inv3A_269 = arith.constant -0.00367342844 : f32
    %erf_inv3A_270 = vector.broadcast %erf_inv3A_268 : f32 to vector<512x64xf32>
    %erf_inv3A_271 = vector.broadcast %erf_inv3A_269 : f32 to vector<512x64xf32>
    %erf_inv3A_272 = arith.select %erf_inv3A_240, %erf_inv3A_270, %erf_inv3A_271 : vector<512x64xi1>, vector<512x64xf32>
    %erf_inv3A_273 = arith.mulf %erf_inv3A_267, %erf_inv3A_248 : vector<512x64xf32>
    %erf_inv3A_274 = arith.addf %erf_inv3A_272, %erf_inv3A_273 : vector<512x64xf32>
    %erf_inv3A_275 = arith.constant 2.1858087E-4 : f32
    %erf_inv3A_276 = arith.constant 0.00573950773 : f32
    %erf_inv3A_277 = vector.broadcast %erf_inv3A_275 : f32 to vector<512x64xf32>
    %erf_inv3A_278 = vector.broadcast %erf_inv3A_276 : f32 to vector<512x64xf32>
    %erf_inv3A_279 = arith.select %erf_inv3A_240, %erf_inv3A_277, %erf_inv3A_278 : vector<512x64xi1>, vector<512x64xf32>
    %erf_inv3A_280 = arith.mulf %erf_inv3A_274, %erf_inv3A_248 : vector<512x64xf32>
    %erf_inv3A_281 = arith.addf %erf_inv3A_279, %erf_inv3A_280 : vector<512x64xf32>
    %erf_inv3A_282 = arith.constant -0.00125372503 : f32
    %erf_inv3A_283 = arith.constant -0.0076224613 : f32
    %erf_inv3A_284 = vector.broadcast %erf_inv3A_282 : f32 to vector<512x64xf32>
    %erf_inv3A_285 = vector.broadcast %erf_inv3A_283 : f32 to vector<512x64xf32>
    %erf_inv3A_286 = arith.select %erf_inv3A_240, %erf_inv3A_284, %erf_inv3A_285 : vector<512x64xi1>, vector<512x64xf32>
    %erf_inv3A_287 = arith.mulf %erf_inv3A_281, %erf_inv3A_248 : vector<512x64xf32>
    %erf_inv3A_288 = arith.addf %erf_inv3A_286, %erf_inv3A_287 : vector<512x64xf32>
    %erf_inv3A_289 = arith.constant -0.00417768164 : f32
    %erf_inv3A_290 = arith.constant 0.00943887047 : f32
    %erf_inv3A_291 = vector.broadcast %erf_inv3A_289 : f32 to vector<512x64xf32>
    %erf_inv3A_292 = vector.broadcast %erf_inv3A_290 : f32 to vector<512x64xf32>
    %erf_inv3A_293 = arith.select %erf_inv3A_240, %erf_inv3A_291, %erf_inv3A_292 : vector<512x64xi1>, vector<512x64xf32>
    %erf_inv3A_294 = arith.mulf %erf_inv3A_288, %erf_inv3A_248 : vector<512x64xf32>
    %erf_inv3A_295 = arith.addf %erf_inv3A_293, %erf_inv3A_294 : vector<512x64xf32>
    %erf_inv3A_296 = arith.constant 0.246640727 : f32
    %erf_inv3A_297 = arith.constant 1.00167406 : f32
    %erf_inv3A_298 = vector.broadcast %erf_inv3A_296 : f32 to vector<512x64xf32>
    %erf_inv3A_299 = vector.broadcast %erf_inv3A_297 : f32 to vector<512x64xf32>
    %erf_inv3A_300 = arith.select %erf_inv3A_240, %erf_inv3A_298, %erf_inv3A_299 : vector<512x64xi1>, vector<512x64xf32>
    %erf_inv3A_301 = arith.mulf %erf_inv3A_295, %erf_inv3A_248 : vector<512x64xf32>
    %erf_inv3A_302 = arith.addf %erf_inv3A_300, %erf_inv3A_301 : vector<512x64xf32>
    %erf_inv3A_303 = arith.constant 1.50140941 : f32
    %erf_inv3A_304 = arith.constant 2.83297682 : f32
    %erf_inv3A_305 = vector.broadcast %erf_inv3A_303 : f32 to vector<512x64xf32>
    %erf_inv3A_306 = vector.broadcast %erf_inv3A_304 : f32 to vector<512x64xf32>
    %erf_inv3A_307 = arith.select %erf_inv3A_240, %erf_inv3A_305, %erf_inv3A_306 : vector<512x64xi1>, vector<512x64xf32>
    %erf_inv3A_308 = arith.mulf %erf_inv3A_302, %erf_inv3A_248 : vector<512x64xf32>
    %erf_inv3A_309 = arith.addf %erf_inv3A_307, %erf_inv3A_308 : vector<512x64xf32>
    %erf_inv3A_310 = math.absf %max3A_230 : vector<512x64xf32>
    %erf_inv3A_311 = arith.constant 1.000000e+00 : f32
    %erf_inv3A_312 = vector.broadcast %erf_inv3A_311 : f32 to vector<512x64xf32>
    %erf_inv3A_313 = arith.cmpf oeq, %erf_inv3A_310, %erf_inv3A_312 : vector<512x64xf32>
    %erf_inv3A_314 = arith.constant 0x7F800000 : f32
    %erf_inv3A_315 = vector.broadcast %erf_inv3A_314 : f32 to vector<512x64xf32>
    %erf_inv3A_316 = arith.mulf %erf_inv3A_315, %max3A_230 : vector<512x64xf32>
    %erf_inv3A_317 = arith.mulf %erf_inv3A_309, %max3A_230 : vector<512x64xf32>
    %erf_inv3A_318 = arith.select %erf_inv3A_313, %erf_inv3A_316, %erf_inv3A_317 : vector<512x64xi1>, vector<512x64xf32>
    %mul3A_319 = arith.constant 1.41421354 : f32
    %mul3A_320 = vector.broadcast %mul3A_319 : f32 to vector<512x64xf32>
    %mul3A_321 = arith.mulf %mul3A_320, %erf_inv3A_318 : vector<512x64xf32>
    %mul3A_322 = arith.constant 1.000000e-01 : f32
    %mul3A_323 = vector.broadcast %mul3A_322 : f32 to vector<512x64xf32>
    %mul3A_324 = arith.mulf %mul3A_323, %mul3A_321 : vector<512x64xf32>
    %get3A_325 = arith.constant 0 : index
    %get3A_326 = arith.constant 0 : index
    %get3A_327 = vector.load %arg4[%get3A_325, %get3A_326] : memref<1x32xf32, #tpu.memory_space<vmem>>, vector<1x32xf32>
    %broadcast_in_dim3A = vector.shape_cast %get3A_327 : vector<1x32xf32> to vector<1x32xf32>
    %broadcast_in_dim3A_328 = vector.broadcast %broadcast_in_dim3A : vector<1x32xf32> to vector<512x32xf32>
    %concatenate3A = tpu.concatenate %get3A_1, %broadcast_in_dim3A_328 in 1 : vector<512x64xf32>, vector<512x32xf32> -> vector<512x96xf32>
    %get3A_329 = arith.constant 0 : index
    %get3A_330 = arith.constant 0 : index
    %get3A_331 = vector.load %arg5[%get3A_329, %get3A_330] : memref<96x512xf32, #tpu.memory_space<vmem>>, vector<96x512xf32>
    %dot_general3A = arith.constant dense<0.000000e+00> : vector<512x512xf32>
    %dot_general3A_332 = tpu.matmul %concatenate3A, %get3A_331, %dot_general3A {dimension_numbers = #tpu.dot_dimension_numbers<[1], [0], [0], [1], [0, 0, 1, 1], [], []>, transpose_lhs_hint = false} : vector<512x96xf32>, vector<96x512xf32>, vector<512x512xf32> -> vector<512x512xf32>
    %get3A_333 = arith.constant 0 : index
    %get3A_334 = arith.constant 0 : index
    %get3A_335 = vector.load %arg6[%get3A_333, %get3A_334] : memref<1x512xf32, #tpu.memory_space<vmem>>, vector<1x512xf32>
    %add3A_336 = vector.broadcast %get3A_335 : vector<1x512xf32> to vector<512x512xf32>
    %add3A_337 = arith.addf %dot_general3A_332, %add3A_336 : vector<512x512xf32>
    %tanh3A = math.tanh %add3A_337 : vector<512x512xf32>
    %get3A_338 = arith.constant 0 : index
    %get3A_339 = arith.constant 0 : index
    %get3A_340 = vector.load %arg7[%get3A_338, %get3A_339] : memref<512x64xf32, #tpu.memory_space<vmem>>, vector<512x64xf32>
    %dot_general3A_341 = arith.constant dense<0.000000e+00> : vector<512x64xf32>
    %dot_general3A_342 = tpu.matmul %tanh3A, %get3A_340, %dot_general3A_341 {dimension_numbers = #tpu.dot_dimension_numbers<[1], [0], [0], [1], [0, 0, 1, 1], [], []>, transpose_lhs_hint = false} : vector<512x512xf32>, vector<512x64xf32>, vector<512x64xf32> -> vector<512x64xf32>
    %get3A_343 = arith.constant 0 : index
    %get3A_344 = arith.constant 0 : index
    %get3A_345 = vector.load %arg8[%get3A_343, %get3A_344] : memref<1x64xf32, #tpu.memory_space<vmem>>, vector<1x64xf32>
    %add3A_346 = vector.broadcast %get3A_345 : vector<1x64xf32> to vector<512x64xf32>
    %add3A_347 = arith.addf %dot_general3A_342, %add3A_346 : vector<512x64xf32>
    %add3A_348 = arith.addf %get3A_1, %add3A_347 : vector<512x64xf32>
    %add3A_349 = arith.addf %add3A_348, %mul3A_324 : vector<512x64xf32>
    %get3A_350 = arith.constant 0 : index
    %get3A_351 = arith.constant 0 : index
    %get3A_352 = vector.load %arg3[%get3A_350, %get3A_351] : memref<1x128xf32, #tpu.memory_space<vmem>>, vector<1x128xf32>
    %broadcast_in_dim3A_353 = vector.shape_cast %get3A_352 : vector<1x128xf32> to vector<1x128xf32>
    %broadcast_in_dim3A_354 = vector.broadcast %broadcast_in_dim3A_353 : vector<1x128xf32> to vector<512x128xf32>
    %concatenate3A_355 = tpu.concatenate %broadcast_in_dim3A_354, %add3A_349 in 1 : vector<512x128xf32>, vector<512x64xf32> -> vector<512x192xf32>
    %get3A_356 = arith.constant 0 : index
    %get3A_357 = arith.constant 0 : index
    %get3A_358 = vector.load %arg9[%get3A_356, %get3A_357] : memref<192x512xf32, #tpu.memory_space<vmem>>, vector<192x512xf32>
    %dot_general3A_359 = arith.constant dense<0.000000e+00> : vector<512x512xf32>
    %dot_general3A_360 = tpu.matmul %concatenate3A_355, %get3A_358, %dot_general3A_359 {dimension_numbers = #tpu.dot_dimension_numbers<[1], [0], [0], [1], [0, 0, 1, 1], [], []>, transpose_lhs_hint = false} : vector<512x192xf32>, vector<192x512xf32>, vector<512x512xf32> -> vector<512x512xf32>
    %get3A_361 = arith.constant 0 : index
    %get3A_362 = arith.constant 0 : index
    %get3A_363 = vector.load %arg10[%get3A_361, %get3A_362] : memref<1x512xf32, #tpu.memory_space<vmem>>, vector<1x512xf32>
    %add3A_364 = vector.broadcast %get3A_363 : vector<1x512xf32> to vector<512x512xf32>
    %add3A_365 = arith.addf %dot_general3A_360, %add3A_364 : vector<512x512xf32>
    %tanh3A_366 = math.tanh %add3A_365 : vector<512x512xf32>
    %get3A_367 = arith.constant 0 : index
    %get3A_368 = arith.constant 0 : index
    %get3A_369 = vector.load %arg11[%get3A_367, %get3A_368] : memref<512x1xf32, #tpu.memory_space<vmem>>, vector<512x1xf32>
    %dot_general3A_370 = arith.constant dense<0.000000e+00> : vector<512x1xf32>
    %dot_general3A_371 = tpu.matmul %tanh3A_366, %get3A_369, %dot_general3A_370 {dimension_numbers = #tpu.dot_dimension_numbers<[1], [0], [0], [1], [0, 0, 1, 1], [], []>, transpose_lhs_hint = false} : vector<512x512xf32>, vector<512x1xf32>, vector<512x1xf32> -> vector<512x1xf32>
    %get3A_372 = arith.constant 0 : index
    %get3A_373 = arith.constant 0 : index
    %get3A_374 = memref.load %arg12[%get3A_372, %get3A_373] : memref<1x1xf32, #tpu.memory_space<smem>>
    %add3A_375 = vector.broadcast %get3A_374 : f32 to vector<512x1xf32>
    %add3A_376 = arith.addf %dot_general3A_371, %add3A_375 : vector<512x1xf32>
    %broadcast_in_dim3A_377 = arith.constant 0.000000e+00 : f32
    %broadcast_in_dim3A_378 = vector.broadcast %broadcast_in_dim3A_377 : f32 to vector<512x64xf32>
    %concatenate3A_379 = tpu.concatenate %add3A_349, %broadcast_in_dim3A_378 in 1 : vector<512x64xf32>, vector<512x64xf32> -> vector<512x128xf32>
    %swap3A = arith.constant 0 : index
    %swap3A_380 = arith.constant 0 : index
    %swap3A_381 = vector.load %arg13[%swap3A, %swap3A_380] : memref<512x128xf32, #tpu.memory_space<vmem>>, vector<512x128xf32>
    tpu.vector_store %arg13[%swap3A, %swap3A_380], %concatenate3A_379 {strides = array<i32>} : memref<512x128xf32, #tpu.memory_space<vmem>>, vector<512x128xf32>,
    %get3A_382 = arith.constant 0 : index
    %get3A_383 = arith.constant 0 : index
    %get3A_384 = vector.load %arg2[%get3A_382, %get3A_383] : memref<512x1xf32, #tpu.memory_space<vmem>>, vector<512x1xf32>
    %add3A_385 = arith.addf %get3A_384, %add3A_376 : vector<512x1xf32>
    %swap3A_386 = arith.constant 0 : index
    %swap3A_387 = arith.constant 0 : index
    %swap3A_388 = vector.load %arg14[%swap3A_386, %swap3A_387] : memref<512x1xf32, #tpu.memory_space<vmem>>, vector<512x1xf32>
    tpu.vector_store %arg14[%swap3A_386, %swap3A_387], %add3A_385 {strides = array<i32>} : memref<512x1xf32, #tpu.memory_space<vmem>>, vector<512x1xf32>,
    return
  }
  func.func @transform_0(%arg0: i32) -> (i32, i32) {
    %c0_i32 = arith.constant 0 : i32
    %c0_i32_0 = arith.constant 0 : i32
    return %arg0, %c0_i32 : i32, i32
  }
  func.func @transform_1(%arg0: i32) -> (i32, i32) {
    %c0_i32 = arith.constant 0 : i32
    %c0_i32_0 = arith.constant 0 : i32
    return %arg0, %c0_i32 : i32, i32
  }
  func.func @transform_2(%arg0: i32) -> (i32, i32) {
    %c0_i32 = arith.constant 0 : i32
    %c0_i32_0 = arith.constant 0 : i32
    %c0_i32_1 = arith.constant 0 : i32
    return %c0_i32, %c0_i32_0 : i32, i32
  }
  func.func @transform_3(%arg0: i32) -> (i32, i32) {
    %c0_i32 = arith.constant 0 : i32
    %c0_i32_0 = arith.constant 0 : i32
    %c0_i32_1 = arith.constant 0 : i32
    return %c0_i32, %c0_i32_0 : i32, i32
  }
  func.func @transform_4(%arg0: i32) -> (i32, i32) {
    %c0_i32 = arith.constant 0 : i32
    %c0_i32_0 = arith.constant 0 : i32
    %c0_i32_1 = arith.constant 0 : i32
    return %c0_i32, %c0_i32_0 : i32, i32
  }
  func.func @transform_5(%arg0: i32) -> (i32, i32) {
    %c0_i32 = arith.constant 0 : i32
    %c0_i32_0 = arith.constant 0 : i32
    %c0_i32_1 = arith.constant 0 : i32
    return %c0_i32, %c0_i32_0 : i32, i32
  }
  func.func @transform_6(%arg0: i32) -> (i32, i32) {
    %c0_i32 = arith.constant 0 : i32
    %c0_i32_0 = arith.constant 0 : i32
    %c0_i32_1 = arith.constant 0 : i32
    return %c0_i32, %c0_i32_0 : i32, i32
  }
  func.func @transform_7(%arg0: i32) -> (i32, i32) {
    %c0_i32 = arith.constant 0 : i32
    %c0_i32_0 = arith.constant 0 : i32
    %c0_i32_1 = arith.constant 0 : i32
    return %c0_i32, %c0_i32_0 : i32, i32
  }
  func.func @transform_8(%arg0: i32) -> (i32, i32) {
    %c0_i32 = arith.constant 0 : i32
    %c0_i32_0 = arith.constant 0 : i32
    %c0_i32_1 = arith.constant 0 : i32
    return %c0_i32, %c0_i32_0 : i32, i32
  }
  func.func @transform_9(%arg0: i32) -> (i32, i32) {
    %c0_i32 = arith.constant 0 : i32
    %c0_i32_0 = arith.constant 0 : i32
    %c0_i32_1 = arith.constant 0 : i32
    return %c0_i32, %c0_i32_0 : i32, i32
  }
  func.func @transform_10(%arg0: i32) -> (i32, i32) {
    %c0_i32 = arith.constant 0 : i32
    %c0_i32_0 = arith.constant 0 : i32
    %c0_i32_1 = arith.constant 0 : i32
    return %c0_i32, %c0_i32_0 : i32, i32
  }
  func.func @transform_11(%arg0: i32) -> (i32, i32) {
    %c0_i32 = arith.constant 0 : i32
    %c0_i32_0 = arith.constant 0 : i32
    %c0_i32_1 = arith.constant 0 : i32
    return %c0_i32, %c0_i32_0 : i32, i32
  }
  func.func @transform_12(%arg0: i32) -> (i32, i32) {
    %c0_i32 = arith.constant 0 : i32
    %c0_i32_0 = arith.constant 0 : i32
    return %arg0, %c0_i32 : i32, i32
  }
  func.func @transform_13(%arg0: i32) -> (i32, i32) {
    %c0_i32 = arith.constant 0 : i32
    %c0_i32_0 = arith.constant 0 : i32
    return %arg0, %c0_i32 : i32, i32
  }
}

module attributes {stable_mosaic.version = 14 : i64} {
  func.func @_finalize_body(%arg0: memref<8x1024xf32, #tpu.memory_space<vmem>>, %arg1: memref<8192x128xf32, #tpu.memory_space<vmem>>, %arg2: memref<8x1024xf32, #tpu.memory_space<vmem>>, %arg3: memref<8x1024xf32, #tpu.memory_space<vmem>>, %arg4: memref<1x128xf32, #tpu.memory_space<vmem>>) attributes {dimension_semantics = [], scalar_prefetch = 0 : i64, scratch_operands = 0 : i64, tpu.core_type = #tpu.core_type<tc>} {
    %get3A = arith.constant 0 : index
    %get3A_0 = arith.constant 0 : index
    %get3A_1 = vector.load %arg0[%get3A, %get3A_0] : memref<8x1024xf32, #tpu.memory_space<vmem>>, vector<8x1024xf32>
    %exp3A = math.exp %get3A_1 : vector<8x1024xf32>
    %mul3A = arith.constant 5.000000e-01 : f32
    %mul3A_2 = vector.broadcast %mul3A : f32 to vector<8x1024xf32>
    %mul3A_3 = arith.mulf %mul3A_2, %exp3A : vector<8x1024xf32>
    %add3A = arith.constant 6.10351563E-5 : f32
    %add3A_4 = vector.broadcast %add3A : f32 to vector<8x1024xf32>
    %add3A_5 = arith.addf %mul3A_3, %add3A_4 : vector<8x1024xf32>
    %div3A = arith.constant -1.000000e+00 : f32
    %div3A_6 = vector.broadcast %div3A : f32 to vector<8x1024xf32>
    %div3A_7 = arith.divf %div3A_6, %add3A_5 : vector<8x1024xf32>
    %swap3A = arith.constant 0 : index
    %swap3A_8 = arith.constant 0 : index
    %swap3A_9 = vector.load %arg3[%swap3A, %swap3A_8] : memref<8x1024xf32, #tpu.memory_space<vmem>>, vector<8x1024xf32>
    tpu.vector_store %arg3[%swap3A, %swap3A_8], %div3A_7 {strides = array<i32>} : memref<8x1024xf32, #tpu.memory_space<vmem>>, vector<8x1024xf32>,
    %log3A = math.log %add3A_5 : vector<8x1024xf32>
    %sub3A = arith.subf %get3A_1, %log3A : vector<8x1024xf32>
    %reduce_max3A = vector.shape_cast %sub3A : vector<8x1024xf32> to vector<1x8x1024xf32>
    %reduce_max3A_10 = arith.constant dense<0xFF800000> : vector<1xf32>
    %reduce_max3A_11 = vector.multi_reduction <maximumf>, %reduce_max3A, %reduce_max3A_10 [1, 2] : vector<1x8x1024xf32> to vector<1xf32>
    %reduce_max3A_12 = vector.shape_cast %reduce_max3A_11 : vector<1xf32> to vector<1x1x1xf32>
    %reduce_max3A_13 = vector.extract %reduce_max3A_12[0, 0, 0] : f32 from vector<1x1x1xf32>
    %sub3A_14 = vector.broadcast %reduce_max3A_13 : f32 to vector<8x1024xf32>
    %sub3A_15 = arith.subf %sub3A, %sub3A_14 : vector<8x1024xf32>
    %exp3A_16 = math.exp %sub3A_15 : vector<8x1024xf32>
    %reduce_sum3A = vector.shape_cast %exp3A_16 : vector<8x1024xf32> to vector<1x8x1024xf32>
    %reduce_sum3A_17 = arith.constant dense<0.000000e+00> : vector<1xf32>
    %reduce_sum3A_18 = vector.multi_reduction <add>, %reduce_sum3A, %reduce_sum3A_17 [1, 2] : vector<1x8x1024xf32> to vector<1xf32>
    %reduce_sum3A_19 = vector.shape_cast %reduce_sum3A_18 : vector<1xf32> to vector<1x1x1xf32>
    %reduce_sum3A_20 = vector.extract %reduce_sum3A_19[0, 0, 0] : f32 from vector<1x1x1xf32>
    %log3A_21 = math.log %reduce_sum3A_20 : f32
    %add3A_22 = arith.addf %log3A_21, %reduce_max3A_13 : f32
    %sub3A_23 = vector.broadcast %add3A_22 : f32 to vector<8x1024xf32>
    %sub3A_24 = arith.subf %sub3A, %sub3A_23 : vector<8x1024xf32>
    %swap3A_25 = arith.constant 0 : index
    %swap3A_26 = arith.constant 0 : index
    %swap3A_27 = vector.load %arg2[%swap3A_25, %swap3A_26] : memref<8x1024xf32, #tpu.memory_space<vmem>>, vector<8x1024xf32>
    tpu.vector_store %arg2[%swap3A_25, %swap3A_26], %sub3A_24 {strides = array<i32>} : memref<8x1024xf32, #tpu.memory_space<vmem>>, vector<8x1024xf32>,
    %reduce_max3A_28 = vector.shape_cast %get3A_1 : vector<8x1024xf32> to vector<1x8x1024xf32>
    %reduce_max3A_29 = arith.constant dense<0xFF800000> : vector<1xf32>
    %reduce_max3A_30 = vector.multi_reduction <maximumf>, %reduce_max3A_28, %reduce_max3A_29 [1, 2] : vector<1x8x1024xf32> to vector<1xf32>
    %reduce_max3A_31 = vector.shape_cast %reduce_max3A_30 : vector<1xf32> to vector<1x1x1xf32>
    %reduce_max3A_32 = vector.extract %reduce_max3A_31[0, 0, 0] : f32 from vector<1x1x1xf32>
    %iota3A = tpu.iota {dimensions = array<i32: 0>} : vector<8x1024xi32>
    %mul3A_33 = arith.constant 1024 : i32
    %mul3A_34 = vector.broadcast %mul3A_33 : i32 to vector<8x1024xi32>
    %mul3A_35 = arith.muli %iota3A, %mul3A_34 : vector<8x1024xi32>
    %iota3A_36 = tpu.iota {dimensions = array<i32: 1>} : vector<8x1024xi32>
    %add3A_37 = arith.addi %mul3A_35, %iota3A_36 : vector<8x1024xi32>
    %eq3A = vector.broadcast %reduce_max3A_32 : f32 to vector<8x1024xf32>
    %eq3A_38 = arith.cmpf oeq, %get3A_1, %eq3A : vector<8x1024xf32>
    %jit3A = arith.constant 8192 : i32
    %broadcast_in_dim3A = vector.broadcast %jit3A : i32 to vector<8x1024xi32>
    %select_n3A = arith.select %eq3A_38, %add3A_37, %broadcast_in_dim3A : vector<8x1024xi1>, vector<8x1024xi32>
    %reduce_min3A = vector.shape_cast %select_n3A : vector<8x1024xi32> to vector<1x8x1024xi32>
    %reduce_min3A_39 = arith.constant dense<2147483647> : vector<1xi32>
    %reduce_min3A_40 = vector.multi_reduction <minsi>, %reduce_min3A, %reduce_min3A_39 [1, 2] : vector<1x8x1024xi32> to vector<1xi32>
    %reduce_min3A_41 = vector.shape_cast %reduce_min3A_40 : vector<1xi32> to vector<1x1x1xi32>
    %reduce_min3A_42 = vector.extract %reduce_min3A_41[0, 0, 0] : i32 from vector<1x1x1xi32>
    %iota3A_43 = tpu.iota {dimensions = array<i32: 0>} : vector<8192x1xi32>
    %eq3A_44 = vector.broadcast %reduce_min3A_42 : i32 to vector<8192x1xi32>
    %eq3A_45 = arith.cmpi eq, %iota3A_43, %eq3A_44 : vector<8192x1xi32>
    %convert_element_type3A = arith.extui %eq3A_45 : vector<8192x1xi1> to vector<8192x1xi32>
    %convert_element_type3A_46 = arith.sitofp %convert_element_type3A : vector<8192x1xi32> to vector<8192x1xf32>
    %get3A_47 = arith.constant 0 : index
    %get3A_48 = arith.constant 0 : index
    %get3A_49 = vector.load %arg1[%get3A_47, %get3A_48] : memref<8192x128xf32, #tpu.memory_space<vmem>>, vector<8192x128xf32>
    %mul3A_50 = vector.broadcast %convert_element_type3A_46 : vector<8192x1xf32> to vector<8192x128xf32>
    %mul3A_51 = arith.mulf %get3A_49, %mul3A_50 : vector<8192x128xf32>
    %reduce_sum3A_52 = arith.constant dense<0.000000e+00> : vector<128xf32>
    %reduce_sum3A_53 = vector.multi_reduction <add>, %mul3A_51, %reduce_sum3A_52 [0] : vector<8192x128xf32> to vector<128xf32>
    %broadcast_in_dim3A_54 = vector.shape_cast %reduce_sum3A_53 : vector<128xf32> to vector<1x128xf32>
    %swap3A_55 = arith.constant 0 : index
    %swap3A_56 = arith.constant 0 : index
    %swap3A_57 = vector.load %arg4[%swap3A_55, %swap3A_56] : memref<1x128xf32, #tpu.memory_space<vmem>>, vector<1x128xf32>
    tpu.vector_store %arg4[%swap3A_55, %swap3A_56], %broadcast_in_dim3A_54 {strides = array<i32>} : memref<1x128xf32, #tpu.memory_space<vmem>>, vector<1x128xf32>,
    return
  }
}

module attributes {stable_mosaic.version = 14 : i64} {
  func.func @_sample_body(%arg0: i32, %arg1: memref<8x1024xf32, #tpu.memory_space<vmem>>, %arg2: memref<1x128x1xi32, #tpu.memory_space<vmem>>) attributes {dimension_semantics = [#tpu.dimension_semantics<arbitrary>], iteration_bounds = array<i64: 46>, scalar_prefetch = 0 : i64, scratch_operands = 0 : i64, tpu.core_type = #tpu.core_type<tc>, window_params = [{pipeline_mode = #tpu.pipeline_mode<synchronous>, transform_indices = @transform_0, window_bounds = array<i64: 8, 1024>}, {transform_indices = @transform_1, window_bounds = array<i64: 1, 128, 1>}]} {
    %iota3A = tpu.iota {dimensions = array<i32: 0>} : vector<128x1024xi32>
    %iota3A_0 = tpu.iota {dimensions = array<i32: 1>} : vector<128x1024xi32>
    %mul3A = arith.constant 128 : i32
    %mul3A_1 = arith.muli %arg0, %mul3A : i32
    %add3A = arith.constant 2304 : i32
    %add3A_2 = arith.addi %add3A, %mul3A_1 : i32
    %add3A_3 = vector.broadcast %add3A_2 : i32 to vector<128x1024xi32>
    %add3A_4 = arith.addi %add3A_3, %iota3A : vector<128x1024xi32>
    %mul3A_5 = arith.constant 8192 : i32
    %mul3A_6 = vector.broadcast %mul3A_5 : i32 to vector<128x1024xi32>
    %mul3A_7 = arith.muli %add3A_4, %mul3A_6 : vector<128x1024xi32>
    %add3A_8 = arith.addi %mul3A_7, %iota3A_0 : vector<128x1024xi32>
    %broadcast_in_dim3A = arith.constant 0x7F800000 : f32
    %broadcast_in_dim3A_9 = vector.broadcast %broadcast_in_dim3A : f32 to vector<128x1024xf32>
    %broadcast_in_dim3A_10 = arith.constant 0 : i32
    %broadcast_in_dim3A_11 = vector.broadcast %broadcast_in_dim3A_10 : i32 to vector<128x1024xi32>
    %add3A_12 = arith.constant 0 : i32
    %add3A_13 = vector.broadcast %add3A_12 : i32 to vector<128x1024xi32>
    %add3A_14 = arith.addi %add3A_8, %add3A_13 : vector<128x1024xi32>
    %add3A_15 = arith.constant 7 : i32
    %add3A_16 = vector.broadcast %add3A_15 : i32 to vector<128x1024xi32>
    %add3A_17 = arith.addi %add3A_14, %add3A_16 : vector<128x1024xi32>
    %shift_left3A = arith.constant 13 : i32
    %shift_left3A_18 = vector.broadcast %shift_left3A : i32 to vector<128x1024xi32>
    %shift_left3A_19 = arith.shli %add3A_17, %shift_left3A_18 : vector<128x1024xi32>
    %shift_right_logical3A = arith.constant 19 : i32
    %shift_right_logical3A_20 = vector.broadcast %shift_right_logical3A : i32 to vector<128x1024xi32>
    %shift_right_logical3A_21 = arith.shrui %add3A_17, %shift_right_logical3A_20 : vector<128x1024xi32>
    %or3A = arith.ori %shift_left3A_19, %shift_right_logical3A_21 : vector<128x1024xi32>
    %xor3A = arith.xori %or3A, %add3A_17 : vector<128x1024xi32>
    %add3A_22 = arith.addi %add3A_17, %xor3A : vector<128x1024xi32>
    %shift_left3A_23 = arith.constant 15 : i32
    %shift_left3A_24 = vector.broadcast %shift_left3A_23 : i32 to vector<128x1024xi32>
    %shift_left3A_25 = arith.shli %xor3A, %shift_left3A_24 : vector<128x1024xi32>
    %shift_right_logical3A_26 = arith.constant 17 : i32
    %shift_right_logical3A_27 = vector.broadcast %shift_right_logical3A_26 : i32 to vector<128x1024xi32>
    %shift_right_logical3A_28 = arith.shrui %xor3A, %shift_right_logical3A_27 : vector<128x1024xi32>
    %or3A_29 = arith.ori %shift_left3A_25, %shift_right_logical3A_28 : vector<128x1024xi32>
    %xor3A_30 = arith.xori %or3A_29, %add3A_22 : vector<128x1024xi32>
    %add3A_31 = arith.addi %add3A_22, %xor3A_30 : vector<128x1024xi32>
    %shift_left3A_32 = arith.constant 26 : i32
    %shift_left3A_33 = vector.broadcast %shift_left3A_32 : i32 to vector<128x1024xi32>
    %shift_left3A_34 = arith.shli %xor3A_30, %shift_left3A_33 : vector<128x1024xi32>
    %shift_right_logical3A_35 = arith.constant 6 : i32
    %shift_right_logical3A_36 = vector.broadcast %shift_right_logical3A_35 : i32 to vector<128x1024xi32>
    %shift_right_logical3A_37 = arith.shrui %xor3A_30, %shift_right_logical3A_36 : vector<128x1024xi32>
    %or3A_38 = arith.ori %shift_left3A_34, %shift_right_logical3A_37 : vector<128x1024xi32>
    %xor3A_39 = arith.xori %or3A_38, %add3A_31 : vector<128x1024xi32>
    %add3A_40 = arith.addi %add3A_31, %xor3A_39 : vector<128x1024xi32>
    %shift_left3A_41 = arith.constant 6 : i32
    %shift_left3A_42 = vector.broadcast %shift_left3A_41 : i32 to vector<128x1024xi32>
    %shift_left3A_43 = arith.shli %xor3A_39, %shift_left3A_42 : vector<128x1024xi32>
    %shift_right_logical3A_44 = arith.constant 26 : i32
    %shift_right_logical3A_45 = vector.broadcast %shift_right_logical3A_44 : i32 to vector<128x1024xi32>
    %shift_right_logical3A_46 = arith.shrui %xor3A_39, %shift_right_logical3A_45 : vector<128x1024xi32>
    %or3A_47 = arith.ori %shift_left3A_43, %shift_right_logical3A_46 : vector<128x1024xi32>
    %xor3A_48 = arith.xori %or3A_47, %add3A_40 : vector<128x1024xi32>
    %add3A_49 = arith.constant 7 : i32
    %add3A_50 = vector.broadcast %add3A_49 : i32 to vector<128x1024xi32>
    %add3A_51 = arith.addi %add3A_40, %add3A_50 : vector<128x1024xi32>
    %add3A_52 = arith.constant 466688990 : i32
    %add3A_53 = vector.broadcast %add3A_52 : i32 to vector<128x1024xi32>
    %add3A_54 = arith.addi %xor3A_48, %add3A_53 : vector<128x1024xi32>
    %add3A_55 = arith.addi %add3A_51, %add3A_54 : vector<128x1024xi32>
    %shift_left3A_56 = arith.constant 17 : i32
    %shift_left3A_57 = vector.broadcast %shift_left3A_56 : i32 to vector<128x1024xi32>
    %shift_left3A_58 = arith.shli %add3A_54, %shift_left3A_57 : vector<128x1024xi32>
    %shift_right_logical3A_59 = arith.constant 15 : i32
    %shift_right_logical3A_60 = vector.broadcast %shift_right_logical3A_59 : i32 to vector<128x1024xi32>
    %shift_right_logical3A_61 = arith.shrui %add3A_54, %shift_right_logical3A_60 : vector<128x1024xi32>
    %or3A_62 = arith.ori %shift_left3A_58, %shift_right_logical3A_61 : vector<128x1024xi32>
    %xor3A_63 = arith.xori %or3A_62, %add3A_55 : vector<128x1024xi32>
    %add3A_64 = arith.addi %add3A_55, %xor3A_63 : vector<128x1024xi32>
    %shift_left3A_65 = arith.constant 29 : i32
    %shift_left3A_66 = vector.broadcast %shift_left3A_65 : i32 to vector<128x1024xi32>
    %shift_left3A_67 = arith.shli %xor3A_63, %shift_left3A_66 : vector<128x1024xi32>
    %shift_right_logical3A_68 = arith.constant 3 : i32
    %shift_right_logical3A_69 = vector.broadcast %shift_right_logical3A_68 : i32 to vector<128x1024xi32>
    %shift_right_logical3A_70 = arith.shrui %xor3A_63, %shift_right_logical3A_69 : vector<128x1024xi32>
    %or3A_71 = arith.ori %shift_left3A_67, %shift_right_logical3A_70 : vector<128x1024xi32>
    %xor3A_72 = arith.xori %or3A_71, %add3A_64 : vector<128x1024xi32>
    %add3A_73 = arith.addi %add3A_64, %xor3A_72 : vector<128x1024xi32>
    %shift_left3A_74 = arith.constant 16 : i32
    %shift_left3A_75 = vector.broadcast %shift_left3A_74 : i32 to vector<128x1024xi32>
    %shift_left3A_76 = arith.shli %xor3A_72, %shift_left3A_75 : vector<128x1024xi32>
    %shift_right_logical3A_77 = arith.constant 16 : i32
    %shift_right_logical3A_78 = vector.broadcast %shift_right_logical3A_77 : i32 to vector<128x1024xi32>
    %shift_right_logical3A_79 = arith.shrui %xor3A_72, %shift_right_logical3A_78 : vector<128x1024xi32>
    %or3A_80 = arith.ori %shift_left3A_76, %shift_right_logical3A_79 : vector<128x1024xi32>
    %xor3A_81 = arith.xori %or3A_80, %add3A_73 : vector<128x1024xi32>
    %add3A_82 = arith.addi %add3A_73, %xor3A_81 : vector<128x1024xi32>
    %shift_left3A_83 = arith.constant 24 : i32
    %shift_left3A_84 = vector.broadcast %shift_left3A_83 : i32 to vector<128x1024xi32>
    %shift_left3A_85 = arith.shli %xor3A_81, %shift_left3A_84 : vector<128x1024xi32>
    %shift_right_logical3A_86 = arith.constant 8 : i32
    %shift_right_logical3A_87 = vector.broadcast %shift_right_logical3A_86 : i32 to vector<128x1024xi32>
    %shift_right_logical3A_88 = arith.shrui %xor3A_81, %shift_right_logical3A_87 : vector<128x1024xi32>
    %or3A_89 = arith.ori %shift_left3A_85, %shift_right_logical3A_88 : vector<128x1024xi32>
    %xor3A_90 = arith.xori %or3A_89, %add3A_82 : vector<128x1024xi32>
    %add3A_91 = arith.constant 466688989 : i32
    %add3A_92 = vector.broadcast %add3A_91 : i32 to vector<128x1024xi32>
    %add3A_93 = arith.addi %add3A_82, %add3A_92 : vector<128x1024xi32>
    %add3A_94 = arith.constant 2 : i32
    %add3A_95 = vector.broadcast %add3A_94 : i32 to vector<128x1024xi32>
    %add3A_96 = arith.addi %xor3A_90, %add3A_95 : vector<128x1024xi32>
    %add3A_97 = arith.addi %add3A_93, %add3A_96 : vector<128x1024xi32>
    %shift_left3A_98 = arith.constant 13 : i32
    %shift_left3A_99 = vector.broadcast %shift_left3A_98 : i32 to vector<128x1024xi32>
    %shift_left3A_100 = arith.shli %add3A_96, %shift_left3A_99 : vector<128x1024xi32>
    %shift_right_logical3A_101 = arith.constant 19 : i32
    %shift_right_logical3A_102 = vector.broadcast %shift_right_logical3A_101 : i32 to vector<128x1024xi32>
    %shift_right_logical3A_103 = arith.shrui %add3A_96, %shift_right_logical3A_102 : vector<128x1024xi32>
    %or3A_104 = arith.ori %shift_left3A_100, %shift_right_logical3A_103 : vector<128x1024xi32>
    %xor3A_105 = arith.xori %or3A_104, %add3A_97 : vector<128x1024xi32>
    %add3A_106 = arith.addi %add3A_97, %xor3A_105 : vector<128x1024xi32>
    %shift_left3A_107 = arith.constant 15 : i32
    %shift_left3A_108 = vector.broadcast %shift_left3A_107 : i32 to vector<128x1024xi32>
    %shift_left3A_109 = arith.shli %xor3A_105, %shift_left3A_108 : vector<128x1024xi32>
    %shift_right_logical3A_110 = arith.constant 17 : i32
    %shift_right_logical3A_111 = vector.broadcast %shift_right_logical3A_110 : i32 to vector<128x1024xi32>
    %shift_right_logical3A_112 = arith.shrui %xor3A_105, %shift_right_logical3A_111 : vector<128x1024xi32>
    %or3A_113 = arith.ori %shift_left3A_109, %shift_right_logical3A_112 : vector<128x1024xi32>
    %xor3A_114 = arith.xori %or3A_113, %add3A_106 : vector<128x1024xi32>
    %add3A_115 = arith.addi %add3A_106, %xor3A_114 : vector<128x1024xi32>
    %shift_left3A_116 = arith.constant 26 : i32
    %shift_left3A_117 = vector.broadcast %shift_left3A_116 : i32 to vector<128x1024xi32>
    %shift_left3A_118 = arith.shli %xor3A_114, %shift_left3A_117 : vector<128x1024xi32>
    %shift_right_logical3A_119 = arith.constant 6 : i32
    %shift_right_logical3A_120 = vector.broadcast %shift_right_logical3A_119 : i32 to vector<128x1024xi32>
    %shift_right_logical3A_121 = arith.shrui %xor3A_114, %shift_right_logical3A_120 : vector<128x1024xi32>
    %or3A_122 = arith.ori %shift_left3A_118, %shift_right_logical3A_121 : vector<128x1024xi32>
    %xor3A_123 = arith.xori %or3A_122, %add3A_115 : vector<128x1024xi32>
    %add3A_124 = arith.addi %add3A_115, %xor3A_123 : vector<128x1024xi32>
    %shift_left3A_125 = arith.constant 6 : i32
    %shift_left3A_126 = vector.broadcast %shift_left3A_125 : i32 to vector<128x1024xi32>
    %shift_left3A_127 = arith.shli %xor3A_123, %shift_left3A_126 : vector<128x1024xi32>
    %shift_right_logical3A_128 = arith.constant 26 : i32
    %shift_right_logical3A_129 = vector.broadcast %shift_right_logical3A_128 : i32 to vector<128x1024xi32>
    %shift_right_logical3A_130 = arith.shrui %xor3A_123, %shift_right_logical3A_129 : vector<128x1024xi32>
    %or3A_131 = arith.ori %shift_left3A_127, %shift_right_logical3A_130 : vector<128x1024xi32>
    %xor3A_132 = arith.xori %or3A_131, %add3A_124 : vector<128x1024xi32>
    %add3A_133 = arith.constant 10 : i32
    %add3A_134 = vector.broadcast %add3A_133 : i32 to vector<128x1024xi32>
    %add3A_135 = arith.addi %xor3A_132, %add3A_134 : vector<128x1024xi32>
    %add3A_136 = arith.addi %add3A_124, %add3A_135 : vector<128x1024xi32>
    %shift_left3A_137 = arith.constant 17 : i32
    %shift_left3A_138 = vector.broadcast %shift_left3A_137 : i32 to vector<128x1024xi32>
    %shift_left3A_139 = arith.shli %add3A_135, %shift_left3A_138 : vector<128x1024xi32>
    %shift_right_logical3A_140 = arith.constant 15 : i32
    %shift_right_logical3A_141 = vector.broadcast %shift_right_logical3A_140 : i32 to vector<128x1024xi32>
    %shift_right_logical3A_142 = arith.shrui %add3A_135, %shift_right_logical3A_141 : vector<128x1024xi32>
    %or3A_143 = arith.ori %shift_left3A_139, %shift_right_logical3A_142 : vector<128x1024xi32>
    %xor3A_144 = arith.xori %or3A_143, %add3A_136 : vector<128x1024xi32>
    %add3A_145 = arith.addi %add3A_136, %xor3A_144 : vector<128x1024xi32>
    %shift_left3A_146 = arith.constant 29 : i32
    %shift_left3A_147 = vector.broadcast %shift_left3A_146 : i32 to vector<128x1024xi32>
    %shift_left3A_148 = arith.shli %xor3A_144, %shift_left3A_147 : vector<128x1024xi32>
    %shift_right_logical3A_149 = arith.constant 3 : i32
    %shift_right_logical3A_150 = vector.broadcast %shift_right_logical3A_149 : i32 to vector<128x1024xi32>
    %shift_right_logical3A_151 = arith.shrui %xor3A_144, %shift_right_logical3A_150 : vector<128x1024xi32>
    %or3A_152 = arith.ori %shift_left3A_148, %shift_right_logical3A_151 : vector<128x1024xi32>
    %xor3A_153 = arith.xori %or3A_152, %add3A_145 : vector<128x1024xi32>
    %add3A_154 = arith.addi %add3A_145, %xor3A_153 : vector<128x1024xi32>
    %shift_left3A_155 = arith.constant 16 : i32
    %shift_left3A_156 = vector.broadcast %shift_left3A_155 : i32 to vector<128x1024xi32>
    %shift_left3A_157 = arith.shli %xor3A_153, %shift_left3A_156 : vector<128x1024xi32>
    %shift_right_logical3A_158 = arith.constant 16 : i32
    %shift_right_logical3A_159 = vector.broadcast %shift_right_logical3A_158 : i32 to vector<128x1024xi32>
    %shift_right_logical3A_160 = arith.shrui %xor3A_153, %shift_right_logical3A_159 : vector<128x1024xi32>
    %or3A_161 = arith.ori %shift_left3A_157, %shift_right_logical3A_160 : vector<128x1024xi32>
    %xor3A_162 = arith.xori %or3A_161, %add3A_154 : vector<128x1024xi32>
    %add3A_163 = arith.addi %add3A_154, %xor3A_162 : vector<128x1024xi32>
    %shift_left3A_164 = arith.constant 24 : i32
    %shift_left3A_165 = vector.broadcast %shift_left3A_164 : i32 to vector<128x1024xi32>
    %shift_left3A_166 = arith.shli %xor3A_162, %shift_left3A_165 : vector<128x1024xi32>
    %shift_right_logical3A_167 = arith.constant 8 : i32
    %shift_right_logical3A_168 = vector.broadcast %shift_right_logical3A_167 : i32 to vector<128x1024xi32>
    %shift_right_logical3A_169 = arith.shrui %xor3A_162, %shift_right_logical3A_168 : vector<128x1024xi32>
    %or3A_170 = arith.ori %shift_left3A_166, %shift_right_logical3A_169 : vector<128x1024xi32>
    %xor3A_171 = arith.xori %or3A_170, %add3A_163 : vector<128x1024xi32>
    %add3A_172 = arith.constant 7 : i32
    %add3A_173 = vector.broadcast %add3A_172 : i32 to vector<128x1024xi32>
    %add3A_174 = arith.addi %add3A_163, %add3A_173 : vector<128x1024xi32>
    %add3A_175 = arith.constant 466688993 : i32
    %add3A_176 = vector.broadcast %add3A_175 : i32 to vector<128x1024xi32>
    %add3A_177 = arith.addi %xor3A_171, %add3A_176 : vector<128x1024xi32>
    %add3A_178 = arith.addi %add3A_174, %add3A_177 : vector<128x1024xi32>
    %shift_left3A_179 = arith.constant 13 : i32
    %shift_left3A_180 = vector.broadcast %shift_left3A_179 : i32 to vector<128x1024xi32>
    %shift_left3A_181 = arith.shli %add3A_177, %shift_left3A_180 : vector<128x1024xi32>
    %shift_right_logical3A_182 = arith.constant 19 : i32
    %shift_right_logical3A_183 = vector.broadcast %shift_right_logical3A_182 : i32 to vector<128x1024xi32>
    %shift_right_logical3A_184 = arith.shrui %add3A_177, %shift_right_logical3A_183 : vector<128x1024xi32>
    %or3A_185 = arith.ori %shift_left3A_181, %shift_right_logical3A_184 : vector<128x1024xi32>
    %xor3A_186 = arith.xori %or3A_185, %add3A_178 : vector<128x1024xi32>
    %add3A_187 = arith.addi %add3A_178, %xor3A_186 : vector<128x1024xi32>
    %shift_left3A_188 = arith.constant 15 : i32
    %shift_left3A_189 = vector.broadcast %shift_left3A_188 : i32 to vector<128x1024xi32>
    %shift_left3A_190 = arith.shli %xor3A_186, %shift_left3A_189 : vector<128x1024xi32>
    %shift_right_logical3A_191 = arith.constant 17 : i32
    %shift_right_logical3A_192 = vector.broadcast %shift_right_logical3A_191 : i32 to vector<128x1024xi32>
    %shift_right_logical3A_193 = arith.shrui %xor3A_186, %shift_right_logical3A_192 : vector<128x1024xi32>
    %or3A_194 = arith.ori %shift_left3A_190, %shift_right_logical3A_193 : vector<128x1024xi32>
    %xor3A_195 = arith.xori %or3A_194, %add3A_187 : vector<128x1024xi32>
    %add3A_196 = arith.addi %add3A_187, %xor3A_195 : vector<128x1024xi32>
    %shift_left3A_197 = arith.constant 26 : i32
    %shift_left3A_198 = vector.broadcast %shift_left3A_197 : i32 to vector<128x1024xi32>
    %shift_left3A_199 = arith.shli %xor3A_195, %shift_left3A_198 : vector<128x1024xi32>
    %shift_right_logical3A_200 = arith.constant 6 : i32
    %shift_right_logical3A_201 = vector.broadcast %shift_right_logical3A_200 : i32 to vector<128x1024xi32>
    %shift_right_logical3A_202 = arith.shrui %xor3A_195, %shift_right_logical3A_201 : vector<128x1024xi32>
    %or3A_203 = arith.ori %shift_left3A_199, %shift_right_logical3A_202 : vector<128x1024xi32>
    %xor3A_204 = arith.xori %or3A_203, %add3A_196 : vector<128x1024xi32>
    %add3A_205 = arith.addi %add3A_196, %xor3A_204 : vector<128x1024xi32>
    %shift_left3A_206 = arith.constant 6 : i32
    %shift_left3A_207 = vector.broadcast %shift_left3A_206 : i32 to vector<128x1024xi32>
    %shift_left3A_208 = arith.shli %xor3A_204, %shift_left3A_207 : vector<128x1024xi32>
    %shift_right_logical3A_209 = arith.constant 26 : i32
    %shift_right_logical3A_210 = vector.broadcast %shift_right_logical3A_209 : i32 to vector<128x1024xi32>
    %shift_right_logical3A_211 = arith.shrui %xor3A_204, %shift_right_logical3A_210 : vector<128x1024xi32>
    %or3A_212 = arith.ori %shift_left3A_208, %shift_right_logical3A_211 : vector<128x1024xi32>
    %xor3A_213 = arith.xori %or3A_212, %add3A_205 : vector<128x1024xi32>
    %add3A_214 = arith.constant 466688989 : i32
    %add3A_215 = vector.broadcast %add3A_214 : i32 to vector<128x1024xi32>
    %add3A_216 = arith.addi %add3A_205, %add3A_215 : vector<128x1024xi32>
    %add3A_217 = arith.constant 5 : i32
    %add3A_218 = vector.broadcast %add3A_217 : i32 to vector<128x1024xi32>
    %add3A_219 = arith.addi %xor3A_213, %add3A_218 : vector<128x1024xi32>
    %xor3A_220 = arith.xori %add3A_216, %add3A_219 : vector<128x1024xi32>
    %get3A = arith.constant 0 : index
    %get3A_221 = arith.constant 0 : index
    %get3A_222 = vector.load %arg1[%get3A, %get3A_221] : memref<8x1024xf32, #tpu.memory_space<vmem>>, vector<1x1024xf32>
    %shift_right_logical3A_223 = arith.constant 9 : i32
    %shift_right_logical3A_224 = vector.broadcast %shift_right_logical3A_223 : i32 to vector<128x1024xi32>
    %shift_right_logical3A_225 = arith.shrui %xor3A_220, %shift_right_logical3A_224 : vector<128x1024xi32>
    %or3A_226 = arith.constant 1065353216 : i32
    %or3A_227 = vector.broadcast %or3A_226 : i32 to vector<128x1024xi32>
    %or3A_228 = arith.ori %shift_right_logical3A_225, %or3A_227 : vector<128x1024xi32>
    %bitcast_convert_type3A = tpu.bitcast %or3A_228 : vector<128x1024xi32> -> vector<128x1024xf32>
    %sub3A = arith.constant 1.000000e+00 : f32
    %sub3A_229 = vector.broadcast %sub3A : f32 to vector<128x1024xf32>
    %sub3A_230 = arith.subf %bitcast_convert_type3A, %sub3A_229 : vector<128x1024xf32>
    %log3A = math.log %sub3A_230 : vector<128x1024xf32>
    %mul3A_231 = vector.broadcast %get3A_222 : vector<1x1024xf32> to vector<128x1024xf32>
    %mul3A_232 = arith.mulf %log3A, %mul3A_231 : vector<128x1024xf32>
    %lt3A = arith.cmpf olt, %mul3A_232, %broadcast_in_dim3A_9 : vector<128x1024xf32>
    %select_n3A = arith.select %lt3A, %mul3A_232, %broadcast_in_dim3A_9 : vector<128x1024xi1>, vector<128x1024xf32>
    %add3A_233 = arith.constant 0 : i32
    %add3A_234 = vector.broadcast %add3A_233 : i32 to vector<128x1024xi32>
    %add3A_235 = arith.addi %add3A_234, %iota3A_0 : vector<128x1024xi32>
    %select_n3A_236 = arith.select %lt3A, %add3A_235, %broadcast_in_dim3A_11 : vector<128x1024xi1>, vector<128x1024xi32>
    %add3A_237 = arith.constant 1024 : i32
    %add3A_238 = vector.broadcast %add3A_237 : i32 to vector<128x1024xi32>
    %add3A_239 = arith.addi %add3A_8, %add3A_238 : vector<128x1024xi32>
    %add3A_240 = arith.constant 7 : i32
    %add3A_241 = vector.broadcast %add3A_240 : i32 to vector<128x1024xi32>
    %add3A_242 = arith.addi %add3A_239, %add3A_241 : vector<128x1024xi32>
    %shift_left3A_243 = arith.constant 13 : i32
    %shift_left3A_244 = vector.broadcast %shift_left3A_243 : i32 to vector<128x1024xi32>
    %shift_left3A_245 = arith.shli %add3A_242, %shift_left3A_244 : vector<128x1024xi32>
    %shift_right_logical3A_246 = arith.constant 19 : i32
    %shift_right_logical3A_247 = vector.broadcast %shift_right_logical3A_246 : i32 to vector<128x1024xi32>
    %shift_right_logical3A_248 = arith.shrui %add3A_242, %shift_right_logical3A_247 : vector<128x1024xi32>
    %or3A_249 = arith.ori %shift_left3A_245, %shift_right_logical3A_248 : vector<128x1024xi32>
    %xor3A_250 = arith.xori %or3A_249, %add3A_242 : vector<128x1024xi32>
    %add3A_251 = arith.addi %add3A_242, %xor3A_250 : vector<128x1024xi32>
    %shift_left3A_252 = arith.constant 15 : i32
    %shift_left3A_253 = vector.broadcast %shift_left3A_252 : i32 to vector<128x1024xi32>
    %shift_left3A_254 = arith.shli %xor3A_250, %shift_left3A_253 : vector<128x1024xi32>
    %shift_right_logical3A_255 = arith.constant 17 : i32
    %shift_right_logical3A_256 = vector.broadcast %shift_right_logical3A_255 : i32 to vector<128x1024xi32>
    %shift_right_logical3A_257 = arith.shrui %xor3A_250, %shift_right_logical3A_256 : vector<128x1024xi32>
    %or3A_258 = arith.ori %shift_left3A_254, %shift_right_logical3A_257 : vector<128x1024xi32>
    %xor3A_259 = arith.xori %or3A_258, %add3A_251 : vector<128x1024xi32>
    %add3A_260 = arith.addi %add3A_251, %xor3A_259 : vector<128x1024xi32>
    %shift_left3A_261 = arith.constant 26 : i32
    %shift_left3A_262 = vector.broadcast %shift_left3A_261 : i32 to vector<128x1024xi32>
    %shift_left3A_263 = arith.shli %xor3A_259, %shift_left3A_262 : vector<128x1024xi32>
    %shift_right_logical3A_264 = arith.constant 6 : i32
    %shift_right_logical3A_265 = vector.broadcast %shift_right_logical3A_264 : i32 to vector<128x1024xi32>
    %shift_right_logical3A_266 = arith.shrui %xor3A_259, %shift_right_logical3A_265 : vector<128x1024xi32>
    %or3A_267 = arith.ori %shift_left3A_263, %shift_right_logical3A_266 : vector<128x1024xi32>
    %xor3A_268 = arith.xori %or3A_267, %add3A_260 : vector<128x1024xi32>
    %add3A_269 = arith.addi %add3A_260, %xor3A_268 : vector<128x1024xi32>
    %shift_left3A_270 = arith.constant 6 : i32
    %shift_left3A_271 = vector.broadcast %shift_left3A_270 : i32 to vector<128x1024xi32>
    %shift_left3A_272 = arith.shli %xor3A_268, %shift_left3A_271 : vector<128x1024xi32>
    %shift_right_logical3A_273 = arith.constant 26 : i32
    %shift_right_logical3A_274 = vector.broadcast %shift_right_logical3A_273 : i32 to vector<128x1024xi32>
    %shift_right_logical3A_275 = arith.shrui %xor3A_268, %shift_right_logical3A_274 : vector<128x1024xi32>
    %or3A_276 = arith.ori %shift_left3A_272, %shift_right_logical3A_275 : vector<128x1024xi32>
    %xor3A_277 = arith.xori %or3A_276, %add3A_269 : vector<128x1024xi32>
    %add3A_278 = arith.constant 7 : i32
    %add3A_279 = vector.broadcast %add3A_278 : i32 to vector<128x1024xi32>
    %add3A_280 = arith.addi %add3A_269, %add3A_279 : vector<128x1024xi32>
    %add3A_281 = arith.constant 466688990 : i32
    %add3A_282 = vector.broadcast %add3A_281 : i32 to vector<128x1024xi32>
    %add3A_283 = arith.addi %xor3A_277, %add3A_282 : vector<128x1024xi32>
    %add3A_284 = arith.addi %add3A_280, %add3A_283 : vector<128x1024xi32>
    %shift_left3A_285 = arith.constant 17 : i32
    %shift_left3A_286 = vector.broadcast %shift_left3A_285 : i32 to vector<128x1024xi32>
    %shift_left3A_287 = arith.shli %add3A_283, %shift_left3A_286 : vector<128x1024xi32>
    %shift_right_logical3A_288 = arith.constant 15 : i32
    %shift_right_logical3A_289 = vector.broadcast %shift_right_logical3A_288 : i32 to vector<128x1024xi32>
    %shift_right_logical3A_290 = arith.shrui %add3A_283, %shift_right_logical3A_289 : vector<128x1024xi32>
    %or3A_291 = arith.ori %shift_left3A_287, %shift_right_logical3A_290 : vector<128x1024xi32>
    %xor3A_292 = arith.xori %or3A_291, %add3A_284 : vector<128x1024xi32>
    %add3A_293 = arith.addi %add3A_284, %xor3A_292 : vector<128x1024xi32>
    %shift_left3A_294 = arith.constant 29 : i32
    %shift_left3A_295 = vector.broadcast %shift_left3A_294 : i32 to vector<128x1024xi32>
    %shift_left3A_296 = arith.shli %xor3A_292, %shift_left3A_295 : vector<128x1024xi32>
    %shift_right_logical3A_297 = arith.constant 3 : i32
    %shift_right_logical3A_298 = vector.broadcast %shift_right_logical3A_297 : i32 to vector<128x1024xi32>
    %shift_right_logical3A_299 = arith.shrui %xor3A_292, %shift_right_logical3A_298 : vector<128x1024xi32>
    %or3A_300 = arith.ori %shift_left3A_296, %shift_right_logical3A_299 : vector<128x1024xi32>
    %xor3A_301 = arith.xori %or3A_300, %add3A_293 : vector<128x1024xi32>
    %add3A_302 = arith.addi %add3A_293, %xor3A_301 : vector<128x1024xi32>
    %shift_left3A_303 = arith.constant 16 : i32
    %shift_left3A_304 = vector.broadcast %shift_left3A_303 : i32 to vector<128x1024xi32>
    %shift_left3A_305 = arith.shli %xor3A_301, %shift_left3A_304 : vector<128x1024xi32>
    %shift_right_logical3A_306 = arith.constant 16 : i32
    %shift_right_logical3A_307 = vector.broadcast %shift_right_logical3A_306 : i32 to vector<128x1024xi32>
    %shift_right_logical3A_308 = arith.shrui %xor3A_301, %shift_right_logical3A_307 : vector<128x1024xi32>
    %or3A_309 = arith.ori %shift_left3A_305, %shift_right_logical3A_308 : vector<128x1024xi32>
    %xor3A_310 = arith.xori %or3A_309, %add3A_302 : vector<128x1024xi32>
    %add3A_311 = arith.addi %add3A_302, %xor3A_310 : vector<128x1024xi32>
    %shift_left3A_312 = arith.constant 24 : i32
    %shift_left3A_313 = vector.broadcast %shift_left3A_312 : i32 to vector<128x1024xi32>
    %shift_left3A_314 = arith.shli %xor3A_310, %shift_left3A_313 : vector<128x1024xi32>
    %shift_right_logical3A_315 = arith.constant 8 : i32
    %shift_right_logical3A_316 = vector.broadcast %shift_right_logical3A_315 : i32 to vector<128x1024xi32>
    %shift_right_logical3A_317 = arith.shrui %xor3A_310, %shift_right_logical3A_316 : vector<128x1024xi32>
    %or3A_318 = arith.ori %shift_left3A_314, %shift_right_logical3A_317 : vector<128x1024xi32>
    %xor3A_319 = arith.xori %or3A_318, %add3A_311 : vector<128x1024xi32>
    %add3A_320 = arith.constant 466688989 : i32
    %add3A_321 = vector.broadcast %add3A_320 : i32 to vector<128x1024xi32>
    %add3A_322 = arith.addi %add3A_311, %add3A_321 : vector<128x1024xi32>
    %add3A_323 = arith.constant 2 : i32
    %add3A_324 = vector.broadcast %add3A_323 : i32 to vector<128x1024xi32>
    %add3A_325 = arith.addi %xor3A_319, %add3A_324 : vector<128x1024xi32>
    %add3A_326 = arith.addi %add3A_322, %add3A_325 : vector<128x1024xi32>
    %shift_left3A_327 = arith.constant 13 : i32
    %shift_left3A_328 = vector.broadcast %shift_left3A_327 : i32 to vector<128x1024xi32>
    %shift_left3A_329 = arith.shli %add3A_325, %shift_left3A_328 : vector<128x1024xi32>
    %shift_right_logical3A_330 = arith.constant 19 : i32
    %shift_right_logical3A_331 = vector.broadcast %shift_right_logical3A_330 : i32 to vector<128x1024xi32>
    %shift_right_logical3A_332 = arith.shrui %add3A_325, %shift_right_logical3A_331 : vector<128x1024xi32>
    %or3A_333 = arith.ori %shift_left3A_329, %shift_right_logical3A_332 : vector<128x1024xi32>
    %xor3A_334 = arith.xori %or3A_333, %add3A_326 : vector<128x1024xi32>
    %add3A_335 = arith.addi %add3A_326, %xor3A_334 : vector<128x1024xi32>
    %shift_left3A_336 = arith.constant 15 : i32
    %shift_left3A_337 = vector.broadcast %shift_left3A_336 : i32 to vector<128x1024xi32>
    %shift_left3A_338 = arith.shli %xor3A_334, %shift_left3A_337 : vector<128x1024xi32>
    %shift_right_logical3A_339 = arith.constant 17 : i32
    %shift_right_logical3A_340 = vector.broadcast %shift_right_logical3A_339 : i32 to vector<128x1024xi32>
    %shift_right_logical3A_341 = arith.shrui %xor3A_334, %shift_right_logical3A_340 : vector<128x1024xi32>
    %or3A_342 = arith.ori %shift_left3A_338, %shift_right_logical3A_341 : vector<128x1024xi32>
    %xor3A_343 = arith.xori %or3A_342, %add3A_335 : vector<128x1024xi32>
    %add3A_344 = arith.addi %add3A_335, %xor3A_343 : vector<128x1024xi32>
    %shift_left3A_345 = arith.constant 26 : i32
    %shift_left3A_346 = vector.broadcast %shift_left3A_345 : i32 to vector<128x1024xi32>
    %shift_left3A_347 = arith.shli %xor3A_343, %shift_left3A_346 : vector<128x1024xi32>
    %shift_right_logical3A_348 = arith.constant 6 : i32
    %shift_right_logical3A_349 = vector.broadcast %shift_right_logical3A_348 : i32 to vector<128x1024xi32>
    %shift_right_logical3A_350 = arith.shrui %xor3A_343, %shift_right_logical3A_349 : vector<128x1024xi32>
    %or3A_351 = arith.ori %shift_left3A_347, %shift_right_logical3A_350 : vector<128x1024xi32>
    %xor3A_352 = arith.xori %or3A_351, %add3A_344 : vector<128x1024xi32>
    %add3A_353 = arith.addi %add3A_344, %xor3A_352 : vector<128x1024xi32>
    %shift_left3A_354 = arith.constant 6 : i32
    %shift_left3A_355 = vector.broadcast %shift_left3A_354 : i32 to vector<128x1024xi32>
    %shift_left3A_356 = arith.shli %xor3A_352, %shift_left3A_355 : vector<128x1024xi32>
    %shift_right_logical3A_357 = arith.constant 26 : i32
    %shift_right_logical3A_358 = vector.broadcast %shift_right_logical3A_357 : i32 to vector<128x1024xi32>
    %shift_right_logical3A_359 = arith.shrui %xor3A_352, %shift_right_logical3A_358 : vector<128x1024xi32>
    %or3A_360 = arith.ori %shift_left3A_356, %shift_right_logical3A_359 : vector<128x1024xi32>
    %xor3A_361 = arith.xori %or3A_360, %add3A_353 : vector<128x1024xi32>
    %add3A_362 = arith.constant 10 : i32
    %add3A_363 = vector.broadcast %add3A_362 : i32 to vector<128x1024xi32>
    %add3A_364 = arith.addi %xor3A_361, %add3A_363 : vector<128x1024xi32>
    %add3A_365 = arith.addi %add3A_353, %add3A_364 : vector<128x1024xi32>
    %shift_left3A_366 = arith.constant 17 : i32
    %shift_left3A_367 = vector.broadcast %shift_left3A_366 : i32 to vector<128x1024xi32>
    %shift_left3A_368 = arith.shli %add3A_364, %shift_left3A_367 : vector<128x1024xi32>
    %shift_right_logical3A_369 = arith.constant 15 : i32
    %shift_right_logical3A_370 = vector.broadcast %shift_right_logical3A_369 : i32 to vector<128x1024xi32>
    %shift_right_logical3A_371 = arith.shrui %add3A_364, %shift_right_logical3A_370 : vector<128x1024xi32>
    %or3A_372 = arith.ori %shift_left3A_368, %shift_right_logical3A_371 : vector<128x1024xi32>
    %xor3A_373 = arith.xori %or3A_372, %add3A_365 : vector<128x1024xi32>
    %add3A_374 = arith.addi %add3A_365, %xor3A_373 : vector<128x1024xi32>
    %shift_left3A_375 = arith.constant 29 : i32
    %shift_left3A_376 = vector.broadcast %shift_left3A_375 : i32 to vector<128x1024xi32>
    %shift_left3A_377 = arith.shli %xor3A_373, %shift_left3A_376 : vector<128x1024xi32>
    %shift_right_logical3A_378 = arith.constant 3 : i32
    %shift_right_logical3A_379 = vector.broadcast %shift_right_logical3A_378 : i32 to vector<128x1024xi32>
    %shift_right_logical3A_380 = arith.shrui %xor3A_373, %shift_right_logical3A_379 : vector<128x1024xi32>
    %or3A_381 = arith.ori %shift_left3A_377, %shift_right_logical3A_380 : vector<128x1024xi32>
    %xor3A_382 = arith.xori %or3A_381, %add3A_374 : vector<128x1024xi32>
    %add3A_383 = arith.addi %add3A_374, %xor3A_382 : vector<128x1024xi32>
    %shift_left3A_384 = arith.constant 16 : i32
    %shift_left3A_385 = vector.broadcast %shift_left3A_384 : i32 to vector<128x1024xi32>
    %shift_left3A_386 = arith.shli %xor3A_382, %shift_left3A_385 : vector<128x1024xi32>
    %shift_right_logical3A_387 = arith.constant 16 : i32
    %shift_right_logical3A_388 = vector.broadcast %shift_right_logical3A_387 : i32 to vector<128x1024xi32>
    %shift_right_logical3A_389 = arith.shrui %xor3A_382, %shift_right_logical3A_388 : vector<128x1024xi32>
    %or3A_390 = arith.ori %shift_left3A_386, %shift_right_logical3A_389 : vector<128x1024xi32>
    %xor3A_391 = arith.xori %or3A_390, %add3A_383 : vector<128x1024xi32>
    %add3A_392 = arith.addi %add3A_383, %xor3A_391 : vector<128x1024xi32>
    %shift_left3A_393 = arith.constant 24 : i32
    %shift_left3A_394 = vector.broadcast %shift_left3A_393 : i32 to vector<128x1024xi32>
    %shift_left3A_395 = arith.shli %xor3A_391, %shift_left3A_394 : vector<128x1024xi32>
    %shift_right_logical3A_396 = arith.constant 8 : i32
    %shift_right_logical3A_397 = vector.broadcast %shift_right_logical3A_396 : i32 to vector<128x1024xi32>
    %shift_right_logical3A_398 = arith.shrui %xor3A_391, %shift_right_logical3A_397 : vector<128x1024xi32>
    %or3A_399 = arith.ori %shift_left3A_395, %shift_right_logical3A_398 : vector<128x1024xi32>
    %xor3A_400 = arith.xori %or3A_399, %add3A_392 : vector<128x1024xi32>
    %add3A_401 = arith.constant 7 : i32
    %add3A_402 = vector.broadcast %add3A_401 : i32 to vector<128x1024xi32>
    %add3A_403 = arith.addi %add3A_392, %add3A_402 : vector<128x1024xi32>
    %add3A_404 = arith.constant 466688993 : i32
    %add3A_405 = vector.broadcast %add3A_404 : i32 to vector<128x1024xi32>
    %add3A_406 = arith.addi %xor3A_400, %add3A_405 : vector<128x1024xi32>
    %add3A_407 = arith.addi %add3A_403, %add3A_406 : vector<128x1024xi32>
    %shift_left3A_408 = arith.constant 13 : i32
    %shift_left3A_409 = vector.broadcast %shift_left3A_408 : i32 to vector<128x1024xi32>
    %shift_left3A_410 = arith.shli %add3A_406, %shift_left3A_409 : vector<128x1024xi32>
    %shift_right_logical3A_411 = arith.constant 19 : i32
    %shift_right_logical3A_412 = vector.broadcast %shift_right_logical3A_411 : i32 to vector<128x1024xi32>
    %shift_right_logical3A_413 = arith.shrui %add3A_406, %shift_right_logical3A_412 : vector<128x1024xi32>
    %or3A_414 = arith.ori %shift_left3A_410, %shift_right_logical3A_413 : vector<128x1024xi32>
    %xor3A_415 = arith.xori %or3A_414, %add3A_407 : vector<128x1024xi32>
    %add3A_416 = arith.addi %add3A_407, %xor3A_415 : vector<128x1024xi32>
    %shift_left3A_417 = arith.constant 15 : i32
    %shift_left3A_418 = vector.broadcast %shift_left3A_417 : i32 to vector<128x1024xi32>
    %shift_left3A_419 = arith.shli %xor3A_415, %shift_left3A_418 : vector<128x1024xi32>
    %shift_right_logical3A_420 = arith.constant 17 : i32
    %shift_right_logical3A_421 = vector.broadcast %shift_right_logical3A_420 : i32 to vector<128x1024xi32>
    %shift_right_logical3A_422 = arith.shrui %xor3A_415, %shift_right_logical3A_421 : vector<128x1024xi32>
    %or3A_423 = arith.ori %shift_left3A_419, %shift_right_logical3A_422 : vector<128x1024xi32>
    %xor3A_424 = arith.xori %or3A_423, %add3A_416 : vector<128x1024xi32>
    %add3A_425 = arith.addi %add3A_416, %xor3A_424 : vector<128x1024xi32>
    %shift_left3A_426 = arith.constant 26 : i32
    %shift_left3A_427 = vector.broadcast %shift_left3A_426 : i32 to vector<128x1024xi32>
    %shift_left3A_428 = arith.shli %xor3A_424, %shift_left3A_427 : vector<128x1024xi32>
    %shift_right_logical3A_429 = arith.constant 6 : i32
    %shift_right_logical3A_430 = vector.broadcast %shift_right_logical3A_429 : i32 to vector<128x1024xi32>
    %shift_right_logical3A_431 = arith.shrui %xor3A_424, %shift_right_logical3A_430 : vector<128x1024xi32>
    %or3A_432 = arith.ori %shift_left3A_428, %shift_right_logical3A_431 : vector<128x1024xi32>
    %xor3A_433 = arith.xori %or3A_432, %add3A_425 : vector<128x1024xi32>
    %add3A_434 = arith.addi %add3A_425, %xor3A_433 : vector<128x1024xi32>
    %shift_left3A_435 = arith.constant 6 : i32
    %shift_left3A_436 = vector.broadcast %shift_left3A_435 : i32 to vector<128x1024xi32>
    %shift_left3A_437 = arith.shli %xor3A_433, %shift_left3A_436 : vector<128x1024xi32>
    %shift_right_logical3A_438 = arith.constant 26 : i32
    %shift_right_logical3A_439 = vector.broadcast %shift_right_logical3A_438 : i32 to vector<128x1024xi32>
    %shift_right_logical3A_440 = arith.shrui %xor3A_433, %shift_right_logical3A_439 : vector<128x1024xi32>
    %or3A_441 = arith.ori %shift_left3A_437, %shift_right_logical3A_440 : vector<128x1024xi32>
    %xor3A_442 = arith.xori %or3A_441, %add3A_434 : vector<128x1024xi32>
    %add3A_443 = arith.constant 466688989 : i32
    %add3A_444 = vector.broadcast %add3A_443 : i32 to vector<128x1024xi32>
    %add3A_445 = arith.addi %add3A_434, %add3A_444 : vector<128x1024xi32>
    %add3A_446 = arith.constant 5 : i32
    %add3A_447 = vector.broadcast %add3A_446 : i32 to vector<128x1024xi32>
    %add3A_448 = arith.addi %xor3A_442, %add3A_447 : vector<128x1024xi32>
    %xor3A_449 = arith.xori %add3A_445, %add3A_448 : vector<128x1024xi32>
    %get3A_450 = arith.constant 1 : index
    %get3A_451 = arith.constant 0 : index
    %get3A_452 = vector.load %arg1[%get3A_450, %get3A_451] : memref<8x1024xf32, #tpu.memory_space<vmem>>, vector<1x1024xf32>
    %shift_right_logical3A_453 = arith.constant 9 : i32
    %shift_right_logical3A_454 = vector.broadcast %shift_right_logical3A_453 : i32 to vector<128x1024xi32>
    %shift_right_logical3A_455 = arith.shrui %xor3A_449, %shift_right_logical3A_454 : vector<128x1024xi32>
    %or3A_456 = arith.constant 1065353216 : i32
    %or3A_457 = vector.broadcast %or3A_456 : i32 to vector<128x1024xi32>
    %or3A_458 = arith.ori %shift_right_logical3A_455, %or3A_457 : vector<128x1024xi32>
    %bitcast_convert_type3A_459 = tpu.bitcast %or3A_458 : vector<128x1024xi32> -> vector<128x1024xf32>
    %sub3A_460 = arith.constant 1.000000e+00 : f32
    %sub3A_461 = vector.broadcast %sub3A_460 : f32 to vector<128x1024xf32>
    %sub3A_462 = arith.subf %bitcast_convert_type3A_459, %sub3A_461 : vector<128x1024xf32>
    %log3A_463 = math.log %sub3A_462 : vector<128x1024xf32>
    %mul3A_464 = vector.broadcast %get3A_452 : vector<1x1024xf32> to vector<128x1024xf32>
    %mul3A_465 = arith.mulf %log3A_463, %mul3A_464 : vector<128x1024xf32>
    %lt3A_466 = arith.cmpf olt, %mul3A_465, %select_n3A : vector<128x1024xf32>
    %select_n3A_467 = arith.select %lt3A_466, %mul3A_465, %select_n3A : vector<128x1024xi1>, vector<128x1024xf32>
    %add3A_468 = arith.constant 1024 : i32
    %add3A_469 = vector.broadcast %add3A_468 : i32 to vector<128x1024xi32>
    %add3A_470 = arith.addi %add3A_469, %iota3A_0 : vector<128x1024xi32>
    %select_n3A_471 = arith.select %lt3A_466, %add3A_470, %select_n3A_236 : vector<128x1024xi1>, vector<128x1024xi32>
    %add3A_472 = arith.constant 2048 : i32
    %add3A_473 = vector.broadcast %add3A_472 : i32 to vector<128x1024xi32>
    %add3A_474 = arith.addi %add3A_8, %add3A_473 : vector<128x1024xi32>
    %add3A_475 = arith.constant 7 : i32
    %add3A_476 = vector.broadcast %add3A_475 : i32 to vector<128x1024xi32>
    %add3A_477 = arith.addi %add3A_474, %add3A_476 : vector<128x1024xi32>
    %shift_left3A_478 = arith.constant 13 : i32
    %shift_left3A_479 = vector.broadcast %shift_left3A_478 : i32 to vector<128x1024xi32>
    %shift_left3A_480 = arith.shli %add3A_477, %shift_left3A_479 : vector<128x1024xi32>
    %shift_right_logical3A_481 = arith.constant 19 : i32
    %shift_right_logical3A_482 = vector.broadcast %shift_right_logical3A_481 : i32 to vector<128x1024xi32>
    %shift_right_logical3A_483 = arith.shrui %add3A_477, %shift_right_logical3A_482 : vector<128x1024xi32>
    %or3A_484 = arith.ori %shift_left3A_480, %shift_right_logical3A_483 : vector<128x1024xi32>
    %xor3A_485 = arith.xori %or3A_484, %add3A_477 : vector<128x1024xi32>
    %add3A_486 = arith.addi %add3A_477, %xor3A_485 : vector<128x1024xi32>
    %shift_left3A_487 = arith.constant 15 : i32
    %shift_left3A_488 = vector.broadcast %shift_left3A_487 : i32 to vector<128x1024xi32>
    %shift_left3A_489 = arith.shli %xor3A_485, %shift_left3A_488 : vector<128x1024xi32>
    %shift_right_logical3A_490 = arith.constant 17 : i32
    %shift_right_logical3A_491 = vector.broadcast %shift_right_logical3A_490 : i32 to vector<128x1024xi32>
    %shift_right_logical3A_492 = arith.shrui %xor3A_485, %shift_right_logical3A_491 : vector<128x1024xi32>
    %or3A_493 = arith.ori %shift_left3A_489, %shift_right_logical3A_492 : vector<128x1024xi32>
    %xor3A_494 = arith.xori %or3A_493, %add3A_486 : vector<128x1024xi32>
    %add3A_495 = arith.addi %add3A_486, %xor3A_494 : vector<128x1024xi32>
    %shift_left3A_496 = arith.constant 26 : i32
    %shift_left3A_497 = vector.broadcast %shift_left3A_496 : i32 to vector<128x1024xi32>
    %shift_left3A_498 = arith.shli %xor3A_494, %shift_left3A_497 : vector<128x1024xi32>
    %shift_right_logical3A_499 = arith.constant 6 : i32
    %shift_right_logical3A_500 = vector.broadcast %shift_right_logical3A_499 : i32 to vector<128x1024xi32>
    %shift_right_logical3A_501 = arith.shrui %xor3A_494, %shift_right_logical3A_500 : vector<128x1024xi32>
    %or3A_502 = arith.ori %shift_left3A_498, %shift_right_logical3A_501 : vector<128x1024xi32>
    %xor3A_503 = arith.xori %or3A_502, %add3A_495 : vector<128x1024xi32>
    %add3A_504 = arith.addi %add3A_495, %xor3A_503 : vector<128x1024xi32>
    %shift_left3A_505 = arith.constant 6 : i32
    %shift_left3A_506 = vector.broadcast %shift_left3A_505 : i32 to vector<128x1024xi32>
    %shift_left3A_507 = arith.shli %xor3A_503, %shift_left3A_506 : vector<128x1024xi32>
    %shift_right_logical3A_508 = arith.constant 26 : i32
    %shift_right_logical3A_509 = vector.broadcast %shift_right_logical3A_508 : i32 to vector<128x1024xi32>
    %shift_right_logical3A_510 = arith.shrui %xor3A_503, %shift_right_logical3A_509 : vector<128x1024xi32>
    %or3A_511 = arith.ori %shift_left3A_507, %shift_right_logical3A_510 : vector<128x1024xi32>
    %xor3A_512 = arith.xori %or3A_511, %add3A_504 : vector<128x1024xi32>
    %add3A_513 = arith.constant 7 : i32
    %add3A_514 = vector.broadcast %add3A_513 : i32 to vector<128x1024xi32>
    %add3A_515 = arith.addi %add3A_504, %add3A_514 : vector<128x1024xi32>
    %add3A_516 = arith.constant 466688990 : i32
    %add3A_517 = vector.broadcast %add3A_516 : i32 to vector<128x1024xi32>
    %add3A_518 = arith.addi %xor3A_512, %add3A_517 : vector<128x1024xi32>
    %add3A_519 = arith.addi %add3A_515, %add3A_518 : vector<128x1024xi32>
    %shift_left3A_520 = arith.constant 17 : i32
    %shift_left3A_521 = vector.broadcast %shift_left3A_520 : i32 to vector<128x1024xi32>
    %shift_left3A_522 = arith.shli %add3A_518, %shift_left3A_521 : vector<128x1024xi32>
    %shift_right_logical3A_523 = arith.constant 15 : i32
    %shift_right_logical3A_524 = vector.broadcast %shift_right_logical3A_523 : i32 to vector<128x1024xi32>
    %shift_right_logical3A_525 = arith.shrui %add3A_518, %shift_right_logical3A_524 : vector<128x1024xi32>
    %or3A_526 = arith.ori %shift_left3A_522, %shift_right_logical3A_525 : vector<128x1024xi32>
    %xor3A_527 = arith.xori %or3A_526, %add3A_519 : vector<128x1024xi32>
    %add3A_528 = arith.addi %add3A_519, %xor3A_527 : vector<128x1024xi32>
    %shift_left3A_529 = arith.constant 29 : i32
    %shift_left3A_530 = vector.broadcast %shift_left3A_529 : i32 to vector<128x1024xi32>
    %shift_left3A_531 = arith.shli %xor3A_527, %shift_left3A_530 : vector<128x1024xi32>
    %shift_right_logical3A_532 = arith.constant 3 : i32
    %shift_right_logical3A_533 = vector.broadcast %shift_right_logical3A_532 : i32 to vector<128x1024xi32>
    %shift_right_logical3A_534 = arith.shrui %xor3A_527, %shift_right_logical3A_533 : vector<128x1024xi32>
    %or3A_535 = arith.ori %shift_left3A_531, %shift_right_logical3A_534 : vector<128x1024xi32>
    %xor3A_536 = arith.xori %or3A_535, %add3A_528 : vector<128x1024xi32>
    %add3A_537 = arith.addi %add3A_528, %xor3A_536 : vector<128x1024xi32>
    %shift_left3A_538 = arith.constant 16 : i32
    %shift_left3A_539 = vector.broadcast %shift_left3A_538 : i32 to vector<128x1024xi32>
    %shift_left3A_540 = arith.shli %xor3A_536, %shift_left3A_539 : vector<128x1024xi32>
    %shift_right_logical3A_541 = arith.constant 16 : i32
    %shift_right_logical3A_542 = vector.broadcast %shift_right_logical3A_541 : i32 to vector<128x1024xi32>
    %shift_right_logical3A_543 = arith.shrui %xor3A_536, %shift_right_logical3A_542 : vector<128x1024xi32>
    %or3A_544 = arith.ori %shift_left3A_540, %shift_right_logical3A_543 : vector<128x1024xi32>
    %xor3A_545 = arith.xori %or3A_544, %add3A_537 : vector<128x1024xi32>
    %add3A_546 = arith.addi %add3A_537, %xor3A_545 : vector<128x1024xi32>
    %shift_left3A_547 = arith.constant 24 : i32
    %shift_left3A_548 = vector.broadcast %shift_left3A_547 : i32 to vector<128x1024xi32>
    %shift_left3A_549 = arith.shli %xor3A_545, %shift_left3A_548 : vector<128x1024xi32>
    %shift_right_logical3A_550 = arith.constant 8 : i32
    %shift_right_logical3A_551 = vector.broadcast %shift_right_logical3A_550 : i32 to vector<128x1024xi32>
    %shift_right_logical3A_552 = arith.shrui %xor3A_545, %shift_right_logical3A_551 : vector<128x1024xi32>
    %or3A_553 = arith.ori %shift_left3A_549, %shift_right_logical3A_552 : vector<128x1024xi32>
    %xor3A_554 = arith.xori %or3A_553, %add3A_546 : vector<128x1024xi32>
    %add3A_555 = arith.constant 466688989 : i32
    %add3A_556 = vector.broadcast %add3A_555 : i32 to vector<128x1024xi32>
    %add3A_557 = arith.addi %add3A_546, %add3A_556 : vector<128x1024xi32>
    %add3A_558 = arith.constant 2 : i32
    %add3A_559 = vector.broadcast %add3A_558 : i32 to vector<128x1024xi32>
    %add3A_560 = arith.addi %xor3A_554, %add3A_559 : vector<128x1024xi32>
    %add3A_561 = arith.addi %add3A_557, %add3A_560 : vector<128x1024xi32>
    %shift_left3A_562 = arith.constant 13 : i32
    %shift_left3A_563 = vector.broadcast %shift_left3A_562 : i32 to vector<128x1024xi32>
    %shift_left3A_564 = arith.shli %add3A_560, %shift_left3A_563 : vector<128x1024xi32>
    %shift_right_logical3A_565 = arith.constant 19 : i32
    %shift_right_logical3A_566 = vector.broadcast %shift_right_logical3A_565 : i32 to vector<128x1024xi32>
    %shift_right_logical3A_567 = arith.shrui %add3A_560, %shift_right_logical3A_566 : vector<128x1024xi32>
    %or3A_568 = arith.ori %shift_left3A_564, %shift_right_logical3A_567 : vector<128x1024xi32>
    %xor3A_569 = arith.xori %or3A_568, %add3A_561 : vector<128x1024xi32>
    %add3A_570 = arith.addi %add3A_561, %xor3A_569 : vector<128x1024xi32>
    %shift_left3A_571 = arith.constant 15 : i32
    %shift_left3A_572 = vector.broadcast %shift_left3A_571 : i32 to vector<128x1024xi32>
    %shift_left3A_573 = arith.shli %xor3A_569, %shift_left3A_572 : vector<128x1024xi32>
    %shift_right_logical3A_574 = arith.constant 17 : i32
    %shift_right_logical3A_575 = vector.broadcast %shift_right_logical3A_574 : i32 to vector<128x1024xi32>
    %shift_right_logical3A_576 = arith.shrui %xor3A_569, %shift_right_logical3A_575 : vector<128x1024xi32>
    %or3A_577 = arith.ori %shift_left3A_573, %shift_right_logical3A_576 : vector<128x1024xi32>
    %xor3A_578 = arith.xori %or3A_577, %add3A_570 : vector<128x1024xi32>
    %add3A_579 = arith.addi %add3A_570, %xor3A_578 : vector<128x1024xi32>
    %shift_left3A_580 = arith.constant 26 : i32
    %shift_left3A_581 = vector.broadcast %shift_left3A_580 : i32 to vector<128x1024xi32>
    %shift_left3A_582 = arith.shli %xor3A_578, %shift_left3A_581 : vector<128x1024xi32>
    %shift_right_logical3A_583 = arith.constant 6 : i32
    %shift_right_logical3A_584 = vector.broadcast %shift_right_logical3A_583 : i32 to vector<128x1024xi32>
    %shift_right_logical3A_585 = arith.shrui %xor3A_578, %shift_right_logical3A_584 : vector<128x1024xi32>
    %or3A_586 = arith.ori %shift_left3A_582, %shift_right_logical3A_585 : vector<128x1024xi32>
    %xor3A_587 = arith.xori %or3A_586, %add3A_579 : vector<128x1024xi32>
    %add3A_588 = arith.addi %add3A_579, %xor3A_587 : vector<128x1024xi32>
    %shift_left3A_589 = arith.constant 6 : i32
    %shift_left3A_590 = vector.broadcast %shift_left3A_589 : i32 to vector<128x1024xi32>
    %shift_left3A_591 = arith.shli %xor3A_587, %shift_left3A_590 : vector<128x1024xi32>
    %shift_right_logical3A_592 = arith.constant 26 : i32
    %shift_right_logical3A_593 = vector.broadcast %shift_right_logical3A_592 : i32 to vector<128x1024xi32>
    %shift_right_logical3A_594 = arith.shrui %xor3A_587, %shift_right_logical3A_593 : vector<128x1024xi32>
    %or3A_595 = arith.ori %shift_left3A_591, %shift_right_logical3A_594 : vector<128x1024xi32>
    %xor3A_596 = arith.xori %or3A_595, %add3A_588 : vector<128x1024xi32>
    %add3A_597 = arith.constant 10 : i32
    %add3A_598 = vector.broadcast %add3A_597 : i32 to vector<128x1024xi32>
    %add3A_599 = arith.addi %xor3A_596, %add3A_598 : vector<128x1024xi32>
    %add3A_600 = arith.addi %add3A_588, %add3A_599 : vector<128x1024xi32>
    %shift_left3A_601 = arith.constant 17 : i32
    %shift_left3A_602 = vector.broadcast %shift_left3A_601 : i32 to vector<128x1024xi32>
    %shift_left3A_603 = arith.shli %add3A_599, %shift_left3A_602 : vector<128x1024xi32>
    %shift_right_logical3A_604 = arith.constant 15 : i32
    %shift_right_logical3A_605 = vector.broadcast %shift_right_logical3A_604 : i32 to vector<128x1024xi32>
    %shift_right_logical3A_606 = arith.shrui %add3A_599, %shift_right_logical3A_605 : vector<128x1024xi32>
    %or3A_607 = arith.ori %shift_left3A_603, %shift_right_logical3A_606 : vector<128x1024xi32>
    %xor3A_608 = arith.xori %or3A_607, %add3A_600 : vector<128x1024xi32>
    %add3A_609 = arith.addi %add3A_600, %xor3A_608 : vector<128x1024xi32>
    %shift_left3A_610 = arith.constant 29 : i32
    %shift_left3A_611 = vector.broadcast %shift_left3A_610 : i32 to vector<128x1024xi32>
    %shift_left3A_612 = arith.shli %xor3A_608, %shift_left3A_611 : vector<128x1024xi32>
    %shift_right_logical3A_613 = arith.constant 3 : i32
    %shift_right_logical3A_614 = vector.broadcast %shift_right_logical3A_613 : i32 to vector<128x1024xi32>
    %shift_right_logical3A_615 = arith.shrui %xor3A_608, %shift_right_logical3A_614 : vector<128x1024xi32>
    %or3A_616 = arith.ori %shift_left3A_612, %shift_right_logical3A_615 : vector<128x1024xi32>
    %xor3A_617 = arith.xori %or3A_616, %add3A_609 : vector<128x1024xi32>
    %add3A_618 = arith.addi %add3A_609, %xor3A_617 : vector<128x1024xi32>
    %shift_left3A_619 = arith.constant 16 : i32
    %shift_left3A_620 = vector.broadcast %shift_left3A_619 : i32 to vector<128x1024xi32>
    %shift_left3A_621 = arith.shli %xor3A_617, %shift_left3A_620 : vector<128x1024xi32>
    %shift_right_logical3A_622 = arith.constant 16 : i32
    %shift_right_logical3A_623 = vector.broadcast %shift_right_logical3A_622 : i32 to vector<128x1024xi32>
    %shift_right_logical3A_624 = arith.shrui %xor3A_617, %shift_right_logical3A_623 : vector<128x1024xi32>
    %or3A_625 = arith.ori %shift_left3A_621, %shift_right_logical3A_624 : vector<128x1024xi32>
    %xor3A_626 = arith.xori %or3A_625, %add3A_618 : vector<128x1024xi32>
    %add3A_627 = arith.addi %add3A_618, %xor3A_626 : vector<128x1024xi32>
    %shift_left3A_628 = arith.constant 24 : i32
    %shift_left3A_629 = vector.broadcast %shift_left3A_628 : i32 to vector<128x1024xi32>
    %shift_left3A_630 = arith.shli %xor3A_626, %shift_left3A_629 : vector<128x1024xi32>
    %shift_right_logical3A_631 = arith.constant 8 : i32
    %shift_right_logical3A_632 = vector.broadcast %shift_right_logical3A_631 : i32 to vector<128x1024xi32>
    %shift_right_logical3A_633 = arith.shrui %xor3A_626, %shift_right_logical3A_632 : vector<128x1024xi32>
    %or3A_634 = arith.ori %shift_left3A_630, %shift_right_logical3A_633 : vector<128x1024xi32>
    %xor3A_635 = arith.xori %or3A_634, %add3A_627 : vector<128x1024xi32>
    %add3A_636 = arith.constant 7 : i32
    %add3A_637 = vector.broadcast %add3A_636 : i32 to vector<128x1024xi32>
    %add3A_638 = arith.addi %add3A_627, %add3A_637 : vector<128x1024xi32>
    %add3A_639 = arith.constant 466688993 : i32
    %add3A_640 = vector.broadcast %add3A_639 : i32 to vector<128x1024xi32>
    %add3A_641 = arith.addi %xor3A_635, %add3A_640 : vector<128x1024xi32>
    %add3A_642 = arith.addi %add3A_638, %add3A_641 : vector<128x1024xi32>
    %shift_left3A_643 = arith.constant 13 : i32
    %shift_left3A_644 = vector.broadcast %shift_left3A_643 : i32 to vector<128x1024xi32>
    %shift_left3A_645 = arith.shli %add3A_641, %shift_left3A_644 : vector<128x1024xi32>
    %shift_right_logical3A_646 = arith.constant 19 : i32
    %shift_right_logical3A_647 = vector.broadcast %shift_right_logical3A_646 : i32 to vector<128x1024xi32>
    %shift_right_logical3A_648 = arith.shrui %add3A_641, %shift_right_logical3A_647 : vector<128x1024xi32>
    %or3A_649 = arith.ori %shift_left3A_645, %shift_right_logical3A_648 : vector<128x1024xi32>
    %xor3A_650 = arith.xori %or3A_649, %add3A_642 : vector<128x1024xi32>
    %add3A_651 = arith.addi %add3A_642, %xor3A_650 : vector<128x1024xi32>
    %shift_left3A_652 = arith.constant 15 : i32
    %shift_left3A_653 = vector.broadcast %shift_left3A_652 : i32 to vector<128x1024xi32>
    %shift_left3A_654 = arith.shli %xor3A_650, %shift_left3A_653 : vector<128x1024xi32>
    %shift_right_logical3A_655 = arith.constant 17 : i32
    %shift_right_logical3A_656 = vector.broadcast %shift_right_logical3A_655 : i32 to vector<128x1024xi32>
    %shift_right_logical3A_657 = arith.shrui %xor3A_650, %shift_right_logical3A_656 : vector<128x1024xi32>
    %or3A_658 = arith.ori %shift_left3A_654, %shift_right_logical3A_657 : vector<128x1024xi32>
    %xor3A_659 = arith.xori %or3A_658, %add3A_651 : vector<128x1024xi32>
    %add3A_660 = arith.addi %add3A_651, %xor3A_659 : vector<128x1024xi32>
    %shift_left3A_661 = arith.constant 26 : i32
    %shift_left3A_662 = vector.broadcast %shift_left3A_661 : i32 to vector<128x1024xi32>
    %shift_left3A_663 = arith.shli %xor3A_659, %shift_left3A_662 : vector<128x1024xi32>
    %shift_right_logical3A_664 = arith.constant 6 : i32
    %shift_right_logical3A_665 = vector.broadcast %shift_right_logical3A_664 : i32 to vector<128x1024xi32>
    %shift_right_logical3A_666 = arith.shrui %xor3A_659, %shift_right_logical3A_665 : vector<128x1024xi32>
    %or3A_667 = arith.ori %shift_left3A_663, %shift_right_logical3A_666 : vector<128x1024xi32>
    %xor3A_668 = arith.xori %or3A_667, %add3A_660 : vector<128x1024xi32>
    %add3A_669 = arith.addi %add3A_660, %xor3A_668 : vector<128x1024xi32>
    %shift_left3A_670 = arith.constant 6 : i32
    %shift_left3A_671 = vector.broadcast %shift_left3A_670 : i32 to vector<128x1024xi32>
    %shift_left3A_672 = arith.shli %xor3A_668, %shift_left3A_671 : vector<128x1024xi32>
    %shift_right_logical3A_673 = arith.constant 26 : i32
    %shift_right_logical3A_674 = vector.broadcast %shift_right_logical3A_673 : i32 to vector<128x1024xi32>
    %shift_right_logical3A_675 = arith.shrui %xor3A_668, %shift_right_logical3A_674 : vector<128x1024xi32>
    %or3A_676 = arith.ori %shift_left3A_672, %shift_right_logical3A_675 : vector<128x1024xi32>
    %xor3A_677 = arith.xori %or3A_676, %add3A_669 : vector<128x1024xi32>
    %add3A_678 = arith.constant 466688989 : i32
    %add3A_679 = vector.broadcast %add3A_678 : i32 to vector<128x1024xi32>
    %add3A_680 = arith.addi %add3A_669, %add3A_679 : vector<128x1024xi32>
    %add3A_681 = arith.constant 5 : i32
    %add3A_682 = vector.broadcast %add3A_681 : i32 to vector<128x1024xi32>
    %add3A_683 = arith.addi %xor3A_677, %add3A_682 : vector<128x1024xi32>
    %xor3A_684 = arith.xori %add3A_680, %add3A_683 : vector<128x1024xi32>
    %get3A_685 = arith.constant 2 : index
    %get3A_686 = arith.constant 0 : index
    %get3A_687 = vector.load %arg1[%get3A_685, %get3A_686] : memref<8x1024xf32, #tpu.memory_space<vmem>>, vector<1x1024xf32>
    %shift_right_logical3A_688 = arith.constant 9 : i32
    %shift_right_logical3A_689 = vector.broadcast %shift_right_logical3A_688 : i32 to vector<128x1024xi32>
    %shift_right_logical3A_690 = arith.shrui %xor3A_684, %shift_right_logical3A_689 : vector<128x1024xi32>
    %or3A_691 = arith.constant 1065353216 : i32
    %or3A_692 = vector.broadcast %or3A_691 : i32 to vector<128x1024xi32>
    %or3A_693 = arith.ori %shift_right_logical3A_690, %or3A_692 : vector<128x1024xi32>
    %bitcast_convert_type3A_694 = tpu.bitcast %or3A_693 : vector<128x1024xi32> -> vector<128x1024xf32>
    %sub3A_695 = arith.constant 1.000000e+00 : f32
    %sub3A_696 = vector.broadcast %sub3A_695 : f32 to vector<128x1024xf32>
    %sub3A_697 = arith.subf %bitcast_convert_type3A_694, %sub3A_696 : vector<128x1024xf32>
    %log3A_698 = math.log %sub3A_697 : vector<128x1024xf32>
    %mul3A_699 = vector.broadcast %get3A_687 : vector<1x1024xf32> to vector<128x1024xf32>
    %mul3A_700 = arith.mulf %log3A_698, %mul3A_699 : vector<128x1024xf32>
    %lt3A_701 = arith.cmpf olt, %mul3A_700, %select_n3A_467 : vector<128x1024xf32>
    %select_n3A_702 = arith.select %lt3A_701, %mul3A_700, %select_n3A_467 : vector<128x1024xi1>, vector<128x1024xf32>
    %add3A_703 = arith.constant 2048 : i32
    %add3A_704 = vector.broadcast %add3A_703 : i32 to vector<128x1024xi32>
    %add3A_705 = arith.addi %add3A_704, %iota3A_0 : vector<128x1024xi32>
    %select_n3A_706 = arith.select %lt3A_701, %add3A_705, %select_n3A_471 : vector<128x1024xi1>, vector<128x1024xi32>
    %add3A_707 = arith.constant 3072 : i32
    %add3A_708 = vector.broadcast %add3A_707 : i32 to vector<128x1024xi32>
    %add3A_709 = arith.addi %add3A_8, %add3A_708 : vector<128x1024xi32>
    %add3A_710 = arith.constant 7 : i32
    %add3A_711 = vector.broadcast %add3A_710 : i32 to vector<128x1024xi32>
    %add3A_712 = arith.addi %add3A_709, %add3A_711 : vector<128x1024xi32>
    %shift_left3A_713 = arith.constant 13 : i32
    %shift_left3A_714 = vector.broadcast %shift_left3A_713 : i32 to vector<128x1024xi32>
    %shift_left3A_715 = arith.shli %add3A_712, %shift_left3A_714 : vector<128x1024xi32>
    %shift_right_logical3A_716 = arith.constant 19 : i32
    %shift_right_logical3A_717 = vector.broadcast %shift_right_logical3A_716 : i32 to vector<128x1024xi32>
    %shift_right_logical3A_718 = arith.shrui %add3A_712, %shift_right_logical3A_717 : vector<128x1024xi32>
    %or3A_719 = arith.ori %shift_left3A_715, %shift_right_logical3A_718 : vector<128x1024xi32>
    %xor3A_720 = arith.xori %or3A_719, %add3A_712 : vector<128x1024xi32>
    %add3A_721 = arith.addi %add3A_712, %xor3A_720 : vector<128x1024xi32>
    %shift_left3A_722 = arith.constant 15 : i32
    %shift_left3A_723 = vector.broadcast %shift_left3A_722 : i32 to vector<128x1024xi32>
    %shift_left3A_724 = arith.shli %xor3A_720, %shift_left3A_723 : vector<128x1024xi32>
    %shift_right_logical3A_725 = arith.constant 17 : i32
    %shift_right_logical3A_726 = vector.broadcast %shift_right_logical3A_725 : i32 to vector<128x1024xi32>
    %shift_right_logical3A_727 = arith.shrui %xor3A_720, %shift_right_logical3A_726 : vector<128x1024xi32>
    %or3A_728 = arith.ori %shift_left3A_724, %shift_right_logical3A_727 : vector<128x1024xi32>
    %xor3A_729 = arith.xori %or3A_728, %add3A_721 : vector<128x1024xi32>
    %add3A_730 = arith.addi %add3A_721, %xor3A_729 : vector<128x1024xi32>
    %shift_left3A_731 = arith.constant 26 : i32
    %shift_left3A_732 = vector.broadcast %shift_left3A_731 : i32 to vector<128x1024xi32>
    %shift_left3A_733 = arith.shli %xor3A_729, %shift_left3A_732 : vector<128x1024xi32>
    %shift_right_logical3A_734 = arith.constant 6 : i32
    %shift_right_logical3A_735 = vector.broadcast %shift_right_logical3A_734 : i32 to vector<128x1024xi32>
    %shift_right_logical3A_736 = arith.shrui %xor3A_729, %shift_right_logical3A_735 : vector<128x1024xi32>
    %or3A_737 = arith.ori %shift_left3A_733, %shift_right_logical3A_736 : vector<128x1024xi32>
    %xor3A_738 = arith.xori %or3A_737, %add3A_730 : vector<128x1024xi32>
    %add3A_739 = arith.addi %add3A_730, %xor3A_738 : vector<128x1024xi32>
    %shift_left3A_740 = arith.constant 6 : i32
    %shift_left3A_741 = vector.broadcast %shift_left3A_740 : i32 to vector<128x1024xi32>
    %shift_left3A_742 = arith.shli %xor3A_738, %shift_left3A_741 : vector<128x1024xi32>
    %shift_right_logical3A_743 = arith.constant 26 : i32
    %shift_right_logical3A_744 = vector.broadcast %shift_right_logical3A_743 : i32 to vector<128x1024xi32>
    %shift_right_logical3A_745 = arith.shrui %xor3A_738, %shift_right_logical3A_744 : vector<128x1024xi32>
    %or3A_746 = arith.ori %shift_left3A_742, %shift_right_logical3A_745 : vector<128x1024xi32>
    %xor3A_747 = arith.xori %or3A_746, %add3A_739 : vector<128x1024xi32>
    %add3A_748 = arith.constant 7 : i32
    %add3A_749 = vector.broadcast %add3A_748 : i32 to vector<128x1024xi32>
    %add3A_750 = arith.addi %add3A_739, %add3A_749 : vector<128x1024xi32>
    %add3A_751 = arith.constant 466688990 : i32
    %add3A_752 = vector.broadcast %add3A_751 : i32 to vector<128x1024xi32>
    %add3A_753 = arith.addi %xor3A_747, %add3A_752 : vector<128x1024xi32>
    %add3A_754 = arith.addi %add3A_750, %add3A_753 : vector<128x1024xi32>
    %shift_left3A_755 = arith.constant 17 : i32
    %shift_left3A_756 = vector.broadcast %shift_left3A_755 : i32 to vector<128x1024xi32>
    %shift_left3A_757 = arith.shli %add3A_753, %shift_left3A_756 : vector<128x1024xi32>
    %shift_right_logical3A_758 = arith.constant 15 : i32
    %shift_right_logical3A_759 = vector.broadcast %shift_right_logical3A_758 : i32 to vector<128x1024xi32>
    %shift_right_logical3A_760 = arith.shrui %add3A_753, %shift_right_logical3A_759 : vector<128x1024xi32>
    %or3A_761 = arith.ori %shift_left3A_757, %shift_right_logical3A_760 : vector<128x1024xi32>
    %xor3A_762 = arith.xori %or3A_761, %add3A_754 : vector<128x1024xi32>
    %add3A_763 = arith.addi %add3A_754, %xor3A_762 : vector<128x1024xi32>
    %shift_left3A_764 = arith.constant 29 : i32
    %shift_left3A_765 = vector.broadcast %shift_left3A_764 : i32 to vector<128x1024xi32>
    %shift_left3A_766 = arith.shli %xor3A_762, %shift_left3A_765 : vector<128x1024xi32>
    %shift_right_logical3A_767 = arith.constant 3 : i32
    %shift_right_logical3A_768 = vector.broadcast %shift_right_logical3A_767 : i32 to vector<128x1024xi32>
    %shift_right_logical3A_769 = arith.shrui %xor3A_762, %shift_right_logical3A_768 : vector<128x1024xi32>
    %or3A_770 = arith.ori %shift_left3A_766, %shift_right_logical3A_769 : vector<128x1024xi32>
    %xor3A_771 = arith.xori %or3A_770, %add3A_763 : vector<128x1024xi32>
    %add3A_772 = arith.addi %add3A_763, %xor3A_771 : vector<128x1024xi32>
    %shift_left3A_773 = arith.constant 16 : i32
    %shift_left3A_774 = vector.broadcast %shift_left3A_773 : i32 to vector<128x1024xi32>
    %shift_left3A_775 = arith.shli %xor3A_771, %shift_left3A_774 : vector<128x1024xi32>
    %shift_right_logical3A_776 = arith.constant 16 : i32
    %shift_right_logical3A_777 = vector.broadcast %shift_right_logical3A_776 : i32 to vector<128x1024xi32>
    %shift_right_logical3A_778 = arith.shrui %xor3A_771, %shift_right_logical3A_777 : vector<128x1024xi32>
    %or3A_779 = arith.ori %shift_left3A_775, %shift_right_logical3A_778 : vector<128x1024xi32>
    %xor3A_780 = arith.xori %or3A_779, %add3A_772 : vector<128x1024xi32>
    %add3A_781 = arith.addi %add3A_772, %xor3A_780 : vector<128x1024xi32>
    %shift_left3A_782 = arith.constant 24 : i32
    %shift_left3A_783 = vector.broadcast %shift_left3A_782 : i32 to vector<128x1024xi32>
    %shift_left3A_784 = arith.shli %xor3A_780, %shift_left3A_783 : vector<128x1024xi32>
    %shift_right_logical3A_785 = arith.constant 8 : i32
    %shift_right_logical3A_786 = vector.broadcast %shift_right_logical3A_785 : i32 to vector<128x1024xi32>
    %shift_right_logical3A_787 = arith.shrui %xor3A_780, %shift_right_logical3A_786 : vector<128x1024xi32>
    %or3A_788 = arith.ori %shift_left3A_784, %shift_right_logical3A_787 : vector<128x1024xi32>
    %xor3A_789 = arith.xori %or3A_788, %add3A_781 : vector<128x1024xi32>
    %add3A_790 = arith.constant 466688989 : i32
    %add3A_791 = vector.broadcast %add3A_790 : i32 to vector<128x1024xi32>
    %add3A_792 = arith.addi %add3A_781, %add3A_791 : vector<128x1024xi32>
    %add3A_793 = arith.constant 2 : i32
    %add3A_794 = vector.broadcast %add3A_793 : i32 to vector<128x1024xi32>
    %add3A_795 = arith.addi %xor3A_789, %add3A_794 : vector<128x1024xi32>
    %add3A_796 = arith.addi %add3A_792, %add3A_795 : vector<128x1024xi32>
    %shift_left3A_797 = arith.constant 13 : i32
    %shift_left3A_798 = vector.broadcast %shift_left3A_797 : i32 to vector<128x1024xi32>
    %shift_left3A_799 = arith.shli %add3A_795, %shift_left3A_798 : vector<128x1024xi32>
    %shift_right_logical3A_800 = arith.constant 19 : i32
    %shift_right_logical3A_801 = vector.broadcast %shift_right_logical3A_800 : i32 to vector<128x1024xi32>
    %shift_right_logical3A_802 = arith.shrui %add3A_795, %shift_right_logical3A_801 : vector<128x1024xi32>
    %or3A_803 = arith.ori %shift_left3A_799, %shift_right_logical3A_802 : vector<128x1024xi32>
    %xor3A_804 = arith.xori %or3A_803, %add3A_796 : vector<128x1024xi32>
    %add3A_805 = arith.addi %add3A_796, %xor3A_804 : vector<128x1024xi32>
    %shift_left3A_806 = arith.constant 15 : i32
    %shift_left3A_807 = vector.broadcast %shift_left3A_806 : i32 to vector<128x1024xi32>
    %shift_left3A_808 = arith.shli %xor3A_804, %shift_left3A_807 : vector<128x1024xi32>
    %shift_right_logical3A_809 = arith.constant 17 : i32
    %shift_right_logical3A_810 = vector.broadcast %shift_right_logical3A_809 : i32 to vector<128x1024xi32>
    %shift_right_logical3A_811 = arith.shrui %xor3A_804, %shift_right_logical3A_810 : vector<128x1024xi32>
    %or3A_812 = arith.ori %shift_left3A_808, %shift_right_logical3A_811 : vector<128x1024xi32>
    %xor3A_813 = arith.xori %or3A_812, %add3A_805 : vector<128x1024xi32>
    %add3A_814 = arith.addi %add3A_805, %xor3A_813 : vector<128x1024xi32>
    %shift_left3A_815 = arith.constant 26 : i32
    %shift_left3A_816 = vector.broadcast %shift_left3A_815 : i32 to vector<128x1024xi32>
    %shift_left3A_817 = arith.shli %xor3A_813, %shift_left3A_816 : vector<128x1024xi32>
    %shift_right_logical3A_818 = arith.constant 6 : i32
    %shift_right_logical3A_819 = vector.broadcast %shift_right_logical3A_818 : i32 to vector<128x1024xi32>
    %shift_right_logical3A_820 = arith.shrui %xor3A_813, %shift_right_logical3A_819 : vector<128x1024xi32>
    %or3A_821 = arith.ori %shift_left3A_817, %shift_right_logical3A_820 : vector<128x1024xi32>
    %xor3A_822 = arith.xori %or3A_821, %add3A_814 : vector<128x1024xi32>
    %add3A_823 = arith.addi %add3A_814, %xor3A_822 : vector<128x1024xi32>
    %shift_left3A_824 = arith.constant 6 : i32
    %shift_left3A_825 = vector.broadcast %shift_left3A_824 : i32 to vector<128x1024xi32>
    %shift_left3A_826 = arith.shli %xor3A_822, %shift_left3A_825 : vector<128x1024xi32>
    %shift_right_logical3A_827 = arith.constant 26 : i32
    %shift_right_logical3A_828 = vector.broadcast %shift_right_logical3A_827 : i32 to vector<128x1024xi32>
    %shift_right_logical3A_829 = arith.shrui %xor3A_822, %shift_right_logical3A_828 : vector<128x1024xi32>
    %or3A_830 = arith.ori %shift_left3A_826, %shift_right_logical3A_829 : vector<128x1024xi32>
    %xor3A_831 = arith.xori %or3A_830, %add3A_823 : vector<128x1024xi32>
    %add3A_832 = arith.constant 10 : i32
    %add3A_833 = vector.broadcast %add3A_832 : i32 to vector<128x1024xi32>
    %add3A_834 = arith.addi %xor3A_831, %add3A_833 : vector<128x1024xi32>
    %add3A_835 = arith.addi %add3A_823, %add3A_834 : vector<128x1024xi32>
    %shift_left3A_836 = arith.constant 17 : i32
    %shift_left3A_837 = vector.broadcast %shift_left3A_836 : i32 to vector<128x1024xi32>
    %shift_left3A_838 = arith.shli %add3A_834, %shift_left3A_837 : vector<128x1024xi32>
    %shift_right_logical3A_839 = arith.constant 15 : i32
    %shift_right_logical3A_840 = vector.broadcast %shift_right_logical3A_839 : i32 to vector<128x1024xi32>
    %shift_right_logical3A_841 = arith.shrui %add3A_834, %shift_right_logical3A_840 : vector<128x1024xi32>
    %or3A_842 = arith.ori %shift_left3A_838, %shift_right_logical3A_841 : vector<128x1024xi32>
    %xor3A_843 = arith.xori %or3A_842, %add3A_835 : vector<128x1024xi32>
    %add3A_844 = arith.addi %add3A_835, %xor3A_843 : vector<128x1024xi32>
    %shift_left3A_845 = arith.constant 29 : i32
    %shift_left3A_846 = vector.broadcast %shift_left3A_845 : i32 to vector<128x1024xi32>
    %shift_left3A_847 = arith.shli %xor3A_843, %shift_left3A_846 : vector<128x1024xi32>
    %shift_right_logical3A_848 = arith.constant 3 : i32
    %shift_right_logical3A_849 = vector.broadcast %shift_right_logical3A_848 : i32 to vector<128x1024xi32>
    %shift_right_logical3A_850 = arith.shrui %xor3A_843, %shift_right_logical3A_849 : vector<128x1024xi32>
    %or3A_851 = arith.ori %shift_left3A_847, %shift_right_logical3A_850 : vector<128x1024xi32>
    %xor3A_852 = arith.xori %or3A_851, %add3A_844 : vector<128x1024xi32>
    %add3A_853 = arith.addi %add3A_844, %xor3A_852 : vector<128x1024xi32>
    %shift_left3A_854 = arith.constant 16 : i32
    %shift_left3A_855 = vector.broadcast %shift_left3A_854 : i32 to vector<128x1024xi32>
    %shift_left3A_856 = arith.shli %xor3A_852, %shift_left3A_855 : vector<128x1024xi32>
    %shift_right_logical3A_857 = arith.constant 16 : i32
    %shift_right_logical3A_858 = vector.broadcast %shift_right_logical3A_857 : i32 to vector<128x1024xi32>
    %shift_right_logical3A_859 = arith.shrui %xor3A_852, %shift_right_logical3A_858 : vector<128x1024xi32>
    %or3A_860 = arith.ori %shift_left3A_856, %shift_right_logical3A_859 : vector<128x1024xi32>
    %xor3A_861 = arith.xori %or3A_860, %add3A_853 : vector<128x1024xi32>
    %add3A_862 = arith.addi %add3A_853, %xor3A_861 : vector<128x1024xi32>
    %shift_left3A_863 = arith.constant 24 : i32
    %shift_left3A_864 = vector.broadcast %shift_left3A_863 : i32 to vector<128x1024xi32>
    %shift_left3A_865 = arith.shli %xor3A_861, %shift_left3A_864 : vector<128x1024xi32>
    %shift_right_logical3A_866 = arith.constant 8 : i32
    %shift_right_logical3A_867 = vector.broadcast %shift_right_logical3A_866 : i32 to vector<128x1024xi32>
    %shift_right_logical3A_868 = arith.shrui %xor3A_861, %shift_right_logical3A_867 : vector<128x1024xi32>
    %or3A_869 = arith.ori %shift_left3A_865, %shift_right_logical3A_868 : vector<128x1024xi32>
    %xor3A_870 = arith.xori %or3A_869, %add3A_862 : vector<128x1024xi32>
    %add3A_871 = arith.constant 7 : i32
    %add3A_872 = vector.broadcast %add3A_871 : i32 to vector<128x1024xi32>
    %add3A_873 = arith.addi %add3A_862, %add3A_872 : vector<128x1024xi32>
    %add3A_874 = arith.constant 466688993 : i32
    %add3A_875 = vector.broadcast %add3A_874 : i32 to vector<128x1024xi32>
    %add3A_876 = arith.addi %xor3A_870, %add3A_875 : vector<128x1024xi32>
    %add3A_877 = arith.addi %add3A_873, %add3A_876 : vector<128x1024xi32>
    %shift_left3A_878 = arith.constant 13 : i32
    %shift_left3A_879 = vector.broadcast %shift_left3A_878 : i32 to vector<128x1024xi32>
    %shift_left3A_880 = arith.shli %add3A_876, %shift_left3A_879 : vector<128x1024xi32>
    %shift_right_logical3A_881 = arith.constant 19 : i32
    %shift_right_logical3A_882 = vector.broadcast %shift_right_logical3A_881 : i32 to vector<128x1024xi32>
    %shift_right_logical3A_883 = arith.shrui %add3A_876, %shift_right_logical3A_882 : vector<128x1024xi32>
    %or3A_884 = arith.ori %shift_left3A_880, %shift_right_logical3A_883 : vector<128x1024xi32>
    %xor3A_885 = arith.xori %or3A_884, %add3A_877 : vector<128x1024xi32>
    %add3A_886 = arith.addi %add3A_877, %xor3A_885 : vector<128x1024xi32>
    %shift_left3A_887 = arith.constant 15 : i32
    %shift_left3A_888 = vector.broadcast %shift_left3A_887 : i32 to vector<128x1024xi32>
    %shift_left3A_889 = arith.shli %xor3A_885, %shift_left3A_888 : vector<128x1024xi32>
    %shift_right_logical3A_890 = arith.constant 17 : i32
    %shift_right_logical3A_891 = vector.broadcast %shift_right_logical3A_890 : i32 to vector<128x1024xi32>
    %shift_right_logical3A_892 = arith.shrui %xor3A_885, %shift_right_logical3A_891 : vector<128x1024xi32>
    %or3A_893 = arith.ori %shift_left3A_889, %shift_right_logical3A_892 : vector<128x1024xi32>
    %xor3A_894 = arith.xori %or3A_893, %add3A_886 : vector<128x1024xi32>
    %add3A_895 = arith.addi %add3A_886, %xor3A_894 : vector<128x1024xi32>
    %shift_left3A_896 = arith.constant 26 : i32
    %shift_left3A_897 = vector.broadcast %shift_left3A_896 : i32 to vector<128x1024xi32>
    %shift_left3A_898 = arith.shli %xor3A_894, %shift_left3A_897 : vector<128x1024xi32>
    %shift_right_logical3A_899 = arith.constant 6 : i32
    %shift_right_logical3A_900 = vector.broadcast %shift_right_logical3A_899 : i32 to vector<128x1024xi32>
    %shift_right_logical3A_901 = arith.shrui %xor3A_894, %shift_right_logical3A_900 : vector<128x1024xi32>
    %or3A_902 = arith.ori %shift_left3A_898, %shift_right_logical3A_901 : vector<128x1024xi32>
    %xor3A_903 = arith.xori %or3A_902, %add3A_895 : vector<128x1024xi32>
    %add3A_904 = arith.addi %add3A_895, %xor3A_903 : vector<128x1024xi32>
    %shift_left3A_905 = arith.constant 6 : i32
    %shift_left3A_906 = vector.broadcast %shift_left3A_905 : i32 to vector<128x1024xi32>
    %shift_left3A_907 = arith.shli %xor3A_903, %shift_left3A_906 : vector<128x1024xi32>
    %shift_right_logical3A_908 = arith.constant 26 : i32
    %shift_right_logical3A_909 = vector.broadcast %shift_right_logical3A_908 : i32 to vector<128x1024xi32>
    %shift_right_logical3A_910 = arith.shrui %xor3A_903, %shift_right_logical3A_909 : vector<128x1024xi32>
    %or3A_911 = arith.ori %shift_left3A_907, %shift_right_logical3A_910 : vector<128x1024xi32>
    %xor3A_912 = arith.xori %or3A_911, %add3A_904 : vector<128x1024xi32>
    %add3A_913 = arith.constant 466688989 : i32
    %add3A_914 = vector.broadcast %add3A_913 : i32 to vector<128x1024xi32>
    %add3A_915 = arith.addi %add3A_904, %add3A_914 : vector<128x1024xi32>
    %add3A_916 = arith.constant 5 : i32
    %add3A_917 = vector.broadcast %add3A_916 : i32 to vector<128x1024xi32>
    %add3A_918 = arith.addi %xor3A_912, %add3A_917 : vector<128x1024xi32>
    %xor3A_919 = arith.xori %add3A_915, %add3A_918 : vector<128x1024xi32>
    %get3A_920 = arith.constant 3 : index
    %get3A_921 = arith.constant 0 : index
    %get3A_922 = vector.load %arg1[%get3A_920, %get3A_921] : memref<8x1024xf32, #tpu.memory_space<vmem>>, vector<1x1024xf32>
    %shift_right_logical3A_923 = arith.constant 9 : i32
    %shift_right_logical3A_924 = vector.broadcast %shift_right_logical3A_923 : i32 to vector<128x1024xi32>
    %shift_right_logical3A_925 = arith.shrui %xor3A_919, %shift_right_logical3A_924 : vector<128x1024xi32>
    %or3A_926 = arith.constant 1065353216 : i32
    %or3A_927 = vector.broadcast %or3A_926 : i32 to vector<128x1024xi32>
    %or3A_928 = arith.ori %shift_right_logical3A_925, %or3A_927 : vector<128x1024xi32>
    %bitcast_convert_type3A_929 = tpu.bitcast %or3A_928 : vector<128x1024xi32> -> vector<128x1024xf32>
    %sub3A_930 = arith.constant 1.000000e+00 : f32
    %sub3A_931 = vector.broadcast %sub3A_930 : f32 to vector<128x1024xf32>
    %sub3A_932 = arith.subf %bitcast_convert_type3A_929, %sub3A_931 : vector<128x1024xf32>
    %log3A_933 = math.log %sub3A_932 : vector<128x1024xf32>
    %mul3A_934 = vector.broadcast %get3A_922 : vector<1x1024xf32> to vector<128x1024xf32>
    %mul3A_935 = arith.mulf %log3A_933, %mul3A_934 : vector<128x1024xf32>
    %lt3A_936 = arith.cmpf olt, %mul3A_935, %select_n3A_702 : vector<128x1024xf32>
    %select_n3A_937 = arith.select %lt3A_936, %mul3A_935, %select_n3A_702 : vector<128x1024xi1>, vector<128x1024xf32>
    %add3A_938 = arith.constant 3072 : i32
    %add3A_939 = vector.broadcast %add3A_938 : i32 to vector<128x1024xi32>
    %add3A_940 = arith.addi %add3A_939, %iota3A_0 : vector<128x1024xi32>
    %select_n3A_941 = arith.select %lt3A_936, %add3A_940, %select_n3A_706 : vector<128x1024xi1>, vector<128x1024xi32>
    %add3A_942 = arith.constant 4096 : i32
    %add3A_943 = vector.broadcast %add3A_942 : i32 to vector<128x1024xi32>
    %add3A_944 = arith.addi %add3A_8, %add3A_943 : vector<128x1024xi32>
    %add3A_945 = arith.constant 7 : i32
    %add3A_946 = vector.broadcast %add3A_945 : i32 to vector<128x1024xi32>
    %add3A_947 = arith.addi %add3A_944, %add3A_946 : vector<128x1024xi32>
    %shift_left3A_948 = arith.constant 13 : i32
    %shift_left3A_949 = vector.broadcast %shift_left3A_948 : i32 to vector<128x1024xi32>
    %shift_left3A_950 = arith.shli %add3A_947, %shift_left3A_949 : vector<128x1024xi32>
    %shift_right_logical3A_951 = arith.constant 19 : i32
    %shift_right_logical3A_952 = vector.broadcast %shift_right_logical3A_951 : i32 to vector<128x1024xi32>
    %shift_right_logical3A_953 = arith.shrui %add3A_947, %shift_right_logical3A_952 : vector<128x1024xi32>
    %or3A_954 = arith.ori %shift_left3A_950, %shift_right_logical3A_953 : vector<128x1024xi32>
    %xor3A_955 = arith.xori %or3A_954, %add3A_947 : vector<128x1024xi32>
    %add3A_956 = arith.addi %add3A_947, %xor3A_955 : vector<128x1024xi32>
    %shift_left3A_957 = arith.constant 15 : i32
    %shift_left3A_958 = vector.broadcast %shift_left3A_957 : i32 to vector<128x1024xi32>
    %shift_left3A_959 = arith.shli %xor3A_955, %shift_left3A_958 : vector<128x1024xi32>
    %shift_right_logical3A_960 = arith.constant 17 : i32
    %shift_right_logical3A_961 = vector.broadcast %shift_right_logical3A_960 : i32 to vector<128x1024xi32>
    %shift_right_logical3A_962 = arith.shrui %xor3A_955, %shift_right_logical3A_961 : vector<128x1024xi32>
    %or3A_963 = arith.ori %shift_left3A_959, %shift_right_logical3A_962 : vector<128x1024xi32>
    %xor3A_964 = arith.xori %or3A_963, %add3A_956 : vector<128x1024xi32>
    %add3A_965 = arith.addi %add3A_956, %xor3A_964 : vector<128x1024xi32>
    %shift_left3A_966 = arith.constant 26 : i32
    %shift_left3A_967 = vector.broadcast %shift_left3A_966 : i32 to vector<128x1024xi32>
    %shift_left3A_968 = arith.shli %xor3A_964, %shift_left3A_967 : vector<128x1024xi32>
    %shift_right_logical3A_969 = arith.constant 6 : i32
    %shift_right_logical3A_970 = vector.broadcast %shift_right_logical3A_969 : i32 to vector<128x1024xi32>
    %shift_right_logical3A_971 = arith.shrui %xor3A_964, %shift_right_logical3A_970 : vector<128x1024xi32>
    %or3A_972 = arith.ori %shift_left3A_968, %shift_right_logical3A_971 : vector<128x1024xi32>
    %xor3A_973 = arith.xori %or3A_972, %add3A_965 : vector<128x1024xi32>
    %add3A_974 = arith.addi %add3A_965, %xor3A_973 : vector<128x1024xi32>
    %shift_left3A_975 = arith.constant 6 : i32
    %shift_left3A_976 = vector.broadcast %shift_left3A_975 : i32 to vector<128x1024xi32>
    %shift_left3A_977 = arith.shli %xor3A_973, %shift_left3A_976 : vector<128x1024xi32>
    %shift_right_logical3A_978 = arith.constant 26 : i32
    %shift_right_logical3A_979 = vector.broadcast %shift_right_logical3A_978 : i32 to vector<128x1024xi32>
    %shift_right_logical3A_980 = arith.shrui %xor3A_973, %shift_right_logical3A_979 : vector<128x1024xi32>
    %or3A_981 = arith.ori %shift_left3A_977, %shift_right_logical3A_980 : vector<128x1024xi32>
    %xor3A_982 = arith.xori %or3A_981, %add3A_974 : vector<128x1024xi32>
    %add3A_983 = arith.constant 7 : i32
    %add3A_984 = vector.broadcast %add3A_983 : i32 to vector<128x1024xi32>
    %add3A_985 = arith.addi %add3A_974, %add3A_984 : vector<128x1024xi32>
    %add3A_986 = arith.constant 466688990 : i32
    %add3A_987 = vector.broadcast %add3A_986 : i32 to vector<128x1024xi32>
    %add3A_988 = arith.addi %xor3A_982, %add3A_987 : vector<128x1024xi32>
    %add3A_989 = arith.addi %add3A_985, %add3A_988 : vector<128x1024xi32>
    %shift_left3A_990 = arith.constant 17 : i32
    %shift_left3A_991 = vector.broadcast %shift_left3A_990 : i32 to vector<128x1024xi32>
    %shift_left3A_992 = arith.shli %add3A_988, %shift_left3A_991 : vector<128x1024xi32>
    %shift_right_logical3A_993 = arith.constant 15 : i32
    %shift_right_logical3A_994 = vector.broadcast %shift_right_logical3A_993 : i32 to vector<128x1024xi32>
    %shift_right_logical3A_995 = arith.shrui %add3A_988, %shift_right_logical3A_994 : vector<128x1024xi32>
    %or3A_996 = arith.ori %shift_left3A_992, %shift_right_logical3A_995 : vector<128x1024xi32>
    %xor3A_997 = arith.xori %or3A_996, %add3A_989 : vector<128x1024xi32>
    %add3A_998 = arith.addi %add3A_989, %xor3A_997 : vector<128x1024xi32>
    %shift_left3A_999 = arith.constant 29 : i32
    %shift_left3A_1000 = vector.broadcast %shift_left3A_999 : i32 to vector<128x1024xi32>
    %shift_left3A_1001 = arith.shli %xor3A_997, %shift_left3A_1000 : vector<128x1024xi32>
    %shift_right_logical3A_1002 = arith.constant 3 : i32
    %shift_right_logical3A_1003 = vector.broadcast %shift_right_logical3A_1002 : i32 to vector<128x1024xi32>
    %shift_right_logical3A_1004 = arith.shrui %xor3A_997, %shift_right_logical3A_1003 : vector<128x1024xi32>
    %or3A_1005 = arith.ori %shift_left3A_1001, %shift_right_logical3A_1004 : vector<128x1024xi32>
    %xor3A_1006 = arith.xori %or3A_1005, %add3A_998 : vector<128x1024xi32>
    %add3A_1007 = arith.addi %add3A_998, %xor3A_1006 : vector<128x1024xi32>
    %shift_left3A_1008 = arith.constant 16 : i32
    %shift_left3A_1009 = vector.broadcast %shift_left3A_1008 : i32 to vector<128x1024xi32>
    %shift_left3A_1010 = arith.shli %xor3A_1006, %shift_left3A_1009 : vector<128x1024xi32>
    %shift_right_logical3A_1011 = arith.constant 16 : i32
    %shift_right_logical3A_1012 = vector.broadcast %shift_right_logical3A_1011 : i32 to vector<128x1024xi32>
    %shift_right_logical3A_1013 = arith.shrui %xor3A_1006, %shift_right_logical3A_1012 : vector<128x1024xi32>
    %or3A_1014 = arith.ori %shift_left3A_1010, %shift_right_logical3A_1013 : vector<128x1024xi32>
    %xor3A_1015 = arith.xori %or3A_1014, %add3A_1007 : vector<128x1024xi32>
    %add3A_1016 = arith.addi %add3A_1007, %xor3A_1015 : vector<128x1024xi32>
    %shift_left3A_1017 = arith.constant 24 : i32
    %shift_left3A_1018 = vector.broadcast %shift_left3A_1017 : i32 to vector<128x1024xi32>
    %shift_left3A_1019 = arith.shli %xor3A_1015, %shift_left3A_1018 : vector<128x1024xi32>
    %shift_right_logical3A_1020 = arith.constant 8 : i32
    %shift_right_logical3A_1021 = vector.broadcast %shift_right_logical3A_1020 : i32 to vector<128x1024xi32>
    %shift_right_logical3A_1022 = arith.shrui %xor3A_1015, %shift_right_logical3A_1021 : vector<128x1024xi32>
    %or3A_1023 = arith.ori %shift_left3A_1019, %shift_right_logical3A_1022 : vector<128x1024xi32>
    %xor3A_1024 = arith.xori %or3A_1023, %add3A_1016 : vector<128x1024xi32>
    %add3A_1025 = arith.constant 466688989 : i32
    %add3A_1026 = vector.broadcast %add3A_1025 : i32 to vector<128x1024xi32>
    %add3A_1027 = arith.addi %add3A_1016, %add3A_1026 : vector<128x1024xi32>
    %add3A_1028 = arith.constant 2 : i32
    %add3A_1029 = vector.broadcast %add3A_1028 : i32 to vector<128x1024xi32>
    %add3A_1030 = arith.addi %xor3A_1024, %add3A_1029 : vector<128x1024xi32>
    %add3A_1031 = arith.addi %add3A_1027, %add3A_1030 : vector<128x1024xi32>
    %shift_left3A_1032 = arith.constant 13 : i32
    %shift_left3A_1033 = vector.broadcast %shift_left3A_1032 : i32 to vector<128x1024xi32>
    %shift_left3A_1034 = arith.shli %add3A_1030, %shift_left3A_1033 : vector<128x1024xi32>
    %shift_right_logical3A_1035 = arith.constant 19 : i32
    %shift_right_logical3A_1036 = vector.broadcast %shift_right_logical3A_1035 : i32 to vector<128x1024xi32>
    %shift_right_logical3A_1037 = arith.shrui %add3A_1030, %shift_right_logical3A_1036 : vector<128x1024xi32>
    %or3A_1038 = arith.ori %shift_left3A_1034, %shift_right_logical3A_1037 : vector<128x1024xi32>
    %xor3A_1039 = arith.xori %or3A_1038, %add3A_1031 : vector<128x1024xi32>
    %add3A_1040 = arith.addi %add3A_1031, %xor3A_1039 : vector<128x1024xi32>
    %shift_left3A_1041 = arith.constant 15 : i32
    %shift_left3A_1042 = vector.broadcast %shift_left3A_1041 : i32 to vector<128x1024xi32>
    %shift_left3A_1043 = arith.shli %xor3A_1039, %shift_left3A_1042 : vector<128x1024xi32>
    %shift_right_logical3A_1044 = arith.constant 17 : i32
    %shift_right_logical3A_1045 = vector.broadcast %shift_right_logical3A_1044 : i32 to vector<128x1024xi32>
    %shift_right_logical3A_1046 = arith.shrui %xor3A_1039, %shift_right_logical3A_1045 : vector<128x1024xi32>
    %or3A_1047 = arith.ori %shift_left3A_1043, %shift_right_logical3A_1046 : vector<128x1024xi32>
    %xor3A_1048 = arith.xori %or3A_1047, %add3A_1040 : vector<128x1024xi32>
    %add3A_1049 = arith.addi %add3A_1040, %xor3A_1048 : vector<128x1024xi32>
    %shift_left3A_1050 = arith.constant 26 : i32
    %shift_left3A_1051 = vector.broadcast %shift_left3A_1050 : i32 to vector<128x1024xi32>
    %shift_left3A_1052 = arith.shli %xor3A_1048, %shift_left3A_1051 : vector<128x1024xi32>
    %shift_right_logical3A_1053 = arith.constant 6 : i32
    %shift_right_logical3A_1054 = vector.broadcast %shift_right_logical3A_1053 : i32 to vector<128x1024xi32>
    %shift_right_logical3A_1055 = arith.shrui %xor3A_1048, %shift_right_logical3A_1054 : vector<128x1024xi32>
    %or3A_1056 = arith.ori %shift_left3A_1052, %shift_right_logical3A_1055 : vector<128x1024xi32>
    %xor3A_1057 = arith.xori %or3A_1056, %add3A_1049 : vector<128x1024xi32>
    %add3A_1058 = arith.addi %add3A_1049, %xor3A_1057 : vector<128x1024xi32>
    %shift_left3A_1059 = arith.constant 6 : i32
    %shift_left3A_1060 = vector.broadcast %shift_left3A_1059 : i32 to vector<128x1024xi32>
    %shift_left3A_1061 = arith.shli %xor3A_1057, %shift_left3A_1060 : vector<128x1024xi32>
    %shift_right_logical3A_1062 = arith.constant 26 : i32
    %shift_right_logical3A_1063 = vector.broadcast %shift_right_logical3A_1062 : i32 to vector<128x1024xi32>
    %shift_right_logical3A_1064 = arith.shrui %xor3A_1057, %shift_right_logical3A_1063 : vector<128x1024xi32>
    %or3A_1065 = arith.ori %shift_left3A_1061, %shift_right_logical3A_1064 : vector<128x1024xi32>
    %xor3A_1066 = arith.xori %or3A_1065, %add3A_1058 : vector<128x1024xi32>
    %add3A_1067 = arith.constant 10 : i32
    %add3A_1068 = vector.broadcast %add3A_1067 : i32 to vector<128x1024xi32>
    %add3A_1069 = arith.addi %xor3A_1066, %add3A_1068 : vector<128x1024xi32>
    %add3A_1070 = arith.addi %add3A_1058, %add3A_1069 : vector<128x1024xi32>
    %shift_left3A_1071 = arith.constant 17 : i32
    %shift_left3A_1072 = vector.broadcast %shift_left3A_1071 : i32 to vector<128x1024xi32>
    %shift_left3A_1073 = arith.shli %add3A_1069, %shift_left3A_1072 : vector<128x1024xi32>
    %shift_right_logical3A_1074 = arith.constant 15 : i32
    %shift_right_logical3A_1075 = vector.broadcast %shift_right_logical3A_1074 : i32 to vector<128x1024xi32>
    %shift_right_logical3A_1076 = arith.shrui %add3A_1069, %shift_right_logical3A_1075 : vector<128x1024xi32>
    %or3A_1077 = arith.ori %shift_left3A_1073, %shift_right_logical3A_1076 : vector<128x1024xi32>
    %xor3A_1078 = arith.xori %or3A_1077, %add3A_1070 : vector<128x1024xi32>
    %add3A_1079 = arith.addi %add3A_1070, %xor3A_1078 : vector<128x1024xi32>
    %shift_left3A_1080 = arith.constant 29 : i32
    %shift_left3A_1081 = vector.broadcast %shift_left3A_1080 : i32 to vector<128x1024xi32>
    %shift_left3A_1082 = arith.shli %xor3A_1078, %shift_left3A_1081 : vector<128x1024xi32>
    %shift_right_logical3A_1083 = arith.constant 3 : i32
    %shift_right_logical3A_1084 = vector.broadcast %shift_right_logical3A_1083 : i32 to vector<128x1024xi32>
    %shift_right_logical3A_1085 = arith.shrui %xor3A_1078, %shift_right_logical3A_1084 : vector<128x1024xi32>
    %or3A_1086 = arith.ori %shift_left3A_1082, %shift_right_logical3A_1085 : vector<128x1024xi32>
    %xor3A_1087 = arith.xori %or3A_1086, %add3A_1079 : vector<128x1024xi32>
    %add3A_1088 = arith.addi %add3A_1079, %xor3A_1087 : vector<128x1024xi32>
    %shift_left3A_1089 = arith.constant 16 : i32
    %shift_left3A_1090 = vector.broadcast %shift_left3A_1089 : i32 to vector<128x1024xi32>
    %shift_left3A_1091 = arith.shli %xor3A_1087, %shift_left3A_1090 : vector<128x1024xi32>
    %shift_right_logical3A_1092 = arith.constant 16 : i32
    %shift_right_logical3A_1093 = vector.broadcast %shift_right_logical3A_1092 : i32 to vector<128x1024xi32>
    %shift_right_logical3A_1094 = arith.shrui %xor3A_1087, %shift_right_logical3A_1093 : vector<128x1024xi32>
    %or3A_1095 = arith.ori %shift_left3A_1091, %shift_right_logical3A_1094 : vector<128x1024xi32>
    %xor3A_1096 = arith.xori %or3A_1095, %add3A_1088 : vector<128x1024xi32>
    %add3A_1097 = arith.addi %add3A_1088, %xor3A_1096 : vector<128x1024xi32>
    %shift_left3A_1098 = arith.constant 24 : i32
    %shift_left3A_1099 = vector.broadcast %shift_left3A_1098 : i32 to vector<128x1024xi32>
    %shift_left3A_1100 = arith.shli %xor3A_1096, %shift_left3A_1099 : vector<128x1024xi32>
    %shift_right_logical3A_1101 = arith.constant 8 : i32
    %shift_right_logical3A_1102 = vector.broadcast %shift_right_logical3A_1101 : i32 to vector<128x1024xi32>
    %shift_right_logical3A_1103 = arith.shrui %xor3A_1096, %shift_right_logical3A_1102 : vector<128x1024xi32>
    %or3A_1104 = arith.ori %shift_left3A_1100, %shift_right_logical3A_1103 : vector<128x1024xi32>
    %xor3A_1105 = arith.xori %or3A_1104, %add3A_1097 : vector<128x1024xi32>
    %add3A_1106 = arith.constant 7 : i32
    %add3A_1107 = vector.broadcast %add3A_1106 : i32 to vector<128x1024xi32>
    %add3A_1108 = arith.addi %add3A_1097, %add3A_1107 : vector<128x1024xi32>
    %add3A_1109 = arith.constant 466688993 : i32
    %add3A_1110 = vector.broadcast %add3A_1109 : i32 to vector<128x1024xi32>
    %add3A_1111 = arith.addi %xor3A_1105, %add3A_1110 : vector<128x1024xi32>
    %add3A_1112 = arith.addi %add3A_1108, %add3A_1111 : vector<128x1024xi32>
    %shift_left3A_1113 = arith.constant 13 : i32
    %shift_left3A_1114 = vector.broadcast %shift_left3A_1113 : i32 to vector<128x1024xi32>
    %shift_left3A_1115 = arith.shli %add3A_1111, %shift_left3A_1114 : vector<128x1024xi32>
    %shift_right_logical3A_1116 = arith.constant 19 : i32
    %shift_right_logical3A_1117 = vector.broadcast %shift_right_logical3A_1116 : i32 to vector<128x1024xi32>
    %shift_right_logical3A_1118 = arith.shrui %add3A_1111, %shift_right_logical3A_1117 : vector<128x1024xi32>
    %or3A_1119 = arith.ori %shift_left3A_1115, %shift_right_logical3A_1118 : vector<128x1024xi32>
    %xor3A_1120 = arith.xori %or3A_1119, %add3A_1112 : vector<128x1024xi32>
    %add3A_1121 = arith.addi %add3A_1112, %xor3A_1120 : vector<128x1024xi32>
    %shift_left3A_1122 = arith.constant 15 : i32
    %shift_left3A_1123 = vector.broadcast %shift_left3A_1122 : i32 to vector<128x1024xi32>
    %shift_left3A_1124 = arith.shli %xor3A_1120, %shift_left3A_1123 : vector<128x1024xi32>
    %shift_right_logical3A_1125 = arith.constant 17 : i32
    %shift_right_logical3A_1126 = vector.broadcast %shift_right_logical3A_1125 : i32 to vector<128x1024xi32>
    %shift_right_logical3A_1127 = arith.shrui %xor3A_1120, %shift_right_logical3A_1126 : vector<128x1024xi32>
    %or3A_1128 = arith.ori %shift_left3A_1124, %shift_right_logical3A_1127 : vector<128x1024xi32>
    %xor3A_1129 = arith.xori %or3A_1128, %add3A_1121 : vector<128x1024xi32>
    %add3A_1130 = arith.addi %add3A_1121, %xor3A_1129 : vector<128x1024xi32>
    %shift_left3A_1131 = arith.constant 26 : i32
    %shift_left3A_1132 = vector.broadcast %shift_left3A_1131 : i32 to vector<128x1024xi32>
    %shift_left3A_1133 = arith.shli %xor3A_1129, %shift_left3A_1132 : vector<128x1024xi32>
    %shift_right_logical3A_1134 = arith.constant 6 : i32
    %shift_right_logical3A_1135 = vector.broadcast %shift_right_logical3A_1134 : i32 to vector<128x1024xi32>
    %shift_right_logical3A_1136 = arith.shrui %xor3A_1129, %shift_right_logical3A_1135 : vector<128x1024xi32>
    %or3A_1137 = arith.ori %shift_left3A_1133, %shift_right_logical3A_1136 : vector<128x1024xi32>
    %xor3A_1138 = arith.xori %or3A_1137, %add3A_1130 : vector<128x1024xi32>
    %add3A_1139 = arith.addi %add3A_1130, %xor3A_1138 : vector<128x1024xi32>
    %shift_left3A_1140 = arith.constant 6 : i32
    %shift_left3A_1141 = vector.broadcast %shift_left3A_1140 : i32 to vector<128x1024xi32>
    %shift_left3A_1142 = arith.shli %xor3A_1138, %shift_left3A_1141 : vector<128x1024xi32>
    %shift_right_logical3A_1143 = arith.constant 26 : i32
    %shift_right_logical3A_1144 = vector.broadcast %shift_right_logical3A_1143 : i32 to vector<128x1024xi32>
    %shift_right_logical3A_1145 = arith.shrui %xor3A_1138, %shift_right_logical3A_1144 : vector<128x1024xi32>
    %or3A_1146 = arith.ori %shift_left3A_1142, %shift_right_logical3A_1145 : vector<128x1024xi32>
    %xor3A_1147 = arith.xori %or3A_1146, %add3A_1139 : vector<128x1024xi32>
    %add3A_1148 = arith.constant 466688989 : i32
    %add3A_1149 = vector.broadcast %add3A_1148 : i32 to vector<128x1024xi32>
    %add3A_1150 = arith.addi %add3A_1139, %add3A_1149 : vector<128x1024xi32>
    %add3A_1151 = arith.constant 5 : i32
    %add3A_1152 = vector.broadcast %add3A_1151 : i32 to vector<128x1024xi32>
    %add3A_1153 = arith.addi %xor3A_1147, %add3A_1152 : vector<128x1024xi32>
    %xor3A_1154 = arith.xori %add3A_1150, %add3A_1153 : vector<128x1024xi32>
    %get3A_1155 = arith.constant 4 : index
    %get3A_1156 = arith.constant 0 : index
    %get3A_1157 = vector.load %arg1[%get3A_1155, %get3A_1156] : memref<8x1024xf32, #tpu.memory_space<vmem>>, vector<1x1024xf32>
    %shift_right_logical3A_1158 = arith.constant 9 : i32
    %shift_right_logical3A_1159 = vector.broadcast %shift_right_logical3A_1158 : i32 to vector<128x1024xi32>
    %shift_right_logical3A_1160 = arith.shrui %xor3A_1154, %shift_right_logical3A_1159 : vector<128x1024xi32>
    %or3A_1161 = arith.constant 1065353216 : i32
    %or3A_1162 = vector.broadcast %or3A_1161 : i32 to vector<128x1024xi32>
    %or3A_1163 = arith.ori %shift_right_logical3A_1160, %or3A_1162 : vector<128x1024xi32>
    %bitcast_convert_type3A_1164 = tpu.bitcast %or3A_1163 : vector<128x1024xi32> -> vector<128x1024xf32>
    %sub3A_1165 = arith.constant 1.000000e+00 : f32
    %sub3A_1166 = vector.broadcast %sub3A_1165 : f32 to vector<128x1024xf32>
    %sub3A_1167 = arith.subf %bitcast_convert_type3A_1164, %sub3A_1166 : vector<128x1024xf32>
    %log3A_1168 = math.log %sub3A_1167 : vector<128x1024xf32>
    %mul3A_1169 = vector.broadcast %get3A_1157 : vector<1x1024xf32> to vector<128x1024xf32>
    %mul3A_1170 = arith.mulf %log3A_1168, %mul3A_1169 : vector<128x1024xf32>
    %lt3A_1171 = arith.cmpf olt, %mul3A_1170, %select_n3A_937 : vector<128x1024xf32>
    %select_n3A_1172 = arith.select %lt3A_1171, %mul3A_1170, %select_n3A_937 : vector<128x1024xi1>, vector<128x1024xf32>
    %add3A_1173 = arith.constant 4096 : i32
    %add3A_1174 = vector.broadcast %add3A_1173 : i32 to vector<128x1024xi32>
    %add3A_1175 = arith.addi %add3A_1174, %iota3A_0 : vector<128x1024xi32>
    %select_n3A_1176 = arith.select %lt3A_1171, %add3A_1175, %select_n3A_941 : vector<128x1024xi1>, vector<128x1024xi32>
    %add3A_1177 = arith.constant 5120 : i32
    %add3A_1178 = vector.broadcast %add3A_1177 : i32 to vector<128x1024xi32>
    %add3A_1179 = arith.addi %add3A_8, %add3A_1178 : vector<128x1024xi32>
    %add3A_1180 = arith.constant 7 : i32
    %add3A_1181 = vector.broadcast %add3A_1180 : i32 to vector<128x1024xi32>
    %add3A_1182 = arith.addi %add3A_1179, %add3A_1181 : vector<128x1024xi32>
    %shift_left3A_1183 = arith.constant 13 : i32
    %shift_left3A_1184 = vector.broadcast %shift_left3A_1183 : i32 to vector<128x1024xi32>
    %shift_left3A_1185 = arith.shli %add3A_1182, %shift_left3A_1184 : vector<128x1024xi32>
    %shift_right_logical3A_1186 = arith.constant 19 : i32
    %shift_right_logical3A_1187 = vector.broadcast %shift_right_logical3A_1186 : i32 to vector<128x1024xi32>
    %shift_right_logical3A_1188 = arith.shrui %add3A_1182, %shift_right_logical3A_1187 : vector<128x1024xi32>
    %or3A_1189 = arith.ori %shift_left3A_1185, %shift_right_logical3A_1188 : vector<128x1024xi32>
    %xor3A_1190 = arith.xori %or3A_1189, %add3A_1182 : vector<128x1024xi32>
    %add3A_1191 = arith.addi %add3A_1182, %xor3A_1190 : vector<128x1024xi32>
    %shift_left3A_1192 = arith.constant 15 : i32
    %shift_left3A_1193 = vector.broadcast %shift_left3A_1192 : i32 to vector<128x1024xi32>
    %shift_left3A_1194 = arith.shli %xor3A_1190, %shift_left3A_1193 : vector<128x1024xi32>
    %shift_right_logical3A_1195 = arith.constant 17 : i32
    %shift_right_logical3A_1196 = vector.broadcast %shift_right_logical3A_1195 : i32 to vector<128x1024xi32>
    %shift_right_logical3A_1197 = arith.shrui %xor3A_1190, %shift_right_logical3A_1196 : vector<128x1024xi32>
    %or3A_1198 = arith.ori %shift_left3A_1194, %shift_right_logical3A_1197 : vector<128x1024xi32>
    %xor3A_1199 = arith.xori %or3A_1198, %add3A_1191 : vector<128x1024xi32>
    %add3A_1200 = arith.addi %add3A_1191, %xor3A_1199 : vector<128x1024xi32>
    %shift_left3A_1201 = arith.constant 26 : i32
    %shift_left3A_1202 = vector.broadcast %shift_left3A_1201 : i32 to vector<128x1024xi32>
    %shift_left3A_1203 = arith.shli %xor3A_1199, %shift_left3A_1202 : vector<128x1024xi32>
    %shift_right_logical3A_1204 = arith.constant 6 : i32
    %shift_right_logical3A_1205 = vector.broadcast %shift_right_logical3A_1204 : i32 to vector<128x1024xi32>
    %shift_right_logical3A_1206 = arith.shrui %xor3A_1199, %shift_right_logical3A_1205 : vector<128x1024xi32>
    %or3A_1207 = arith.ori %shift_left3A_1203, %shift_right_logical3A_1206 : vector<128x1024xi32>
    %xor3A_1208 = arith.xori %or3A_1207, %add3A_1200 : vector<128x1024xi32>
    %add3A_1209 = arith.addi %add3A_1200, %xor3A_1208 : vector<128x1024xi32>
    %shift_left3A_1210 = arith.constant 6 : i32
    %shift_left3A_1211 = vector.broadcast %shift_left3A_1210 : i32 to vector<128x1024xi32>
    %shift_left3A_1212 = arith.shli %xor3A_1208, %shift_left3A_1211 : vector<128x1024xi32>
    %shift_right_logical3A_1213 = arith.constant 26 : i32
    %shift_right_logical3A_1214 = vector.broadcast %shift_right_logical3A_1213 : i32 to vector<128x1024xi32>
    %shift_right_logical3A_1215 = arith.shrui %xor3A_1208, %shift_right_logical3A_1214 : vector<128x1024xi32>
    %or3A_1216 = arith.ori %shift_left3A_1212, %shift_right_logical3A_1215 : vector<128x1024xi32>
    %xor3A_1217 = arith.xori %or3A_1216, %add3A_1209 : vector<128x1024xi32>
    %add3A_1218 = arith.constant 7 : i32
    %add3A_1219 = vector.broadcast %add3A_1218 : i32 to vector<128x1024xi32>
    %add3A_1220 = arith.addi %add3A_1209, %add3A_1219 : vector<128x1024xi32>
    %add3A_1221 = arith.constant 466688990 : i32
    %add3A_1222 = vector.broadcast %add3A_1221 : i32 to vector<128x1024xi32>
    %add3A_1223 = arith.addi %xor3A_1217, %add3A_1222 : vector<128x1024xi32>
    %add3A_1224 = arith.addi %add3A_1220, %add3A_1223 : vector<128x1024xi32>
    %shift_left3A_1225 = arith.constant 17 : i32
    %shift_left3A_1226 = vector.broadcast %shift_left3A_1225 : i32 to vector<128x1024xi32>
    %shift_left3A_1227 = arith.shli %add3A_1223, %shift_left3A_1226 : vector<128x1024xi32>
    %shift_right_logical3A_1228 = arith.constant 15 : i32
    %shift_right_logical3A_1229 = vector.broadcast %shift_right_logical3A_1228 : i32 to vector<128x1024xi32>
    %shift_right_logical3A_1230 = arith.shrui %add3A_1223, %shift_right_logical3A_1229 : vector<128x1024xi32>
    %or3A_1231 = arith.ori %shift_left3A_1227, %shift_right_logical3A_1230 : vector<128x1024xi32>
    %xor3A_1232 = arith.xori %or3A_1231, %add3A_1224 : vector<128x1024xi32>
    %add3A_1233 = arith.addi %add3A_1224, %xor3A_1232 : vector<128x1024xi32>
    %shift_left3A_1234 = arith.constant 29 : i32
    %shift_left3A_1235 = vector.broadcast %shift_left3A_1234 : i32 to vector<128x1024xi32>
    %shift_left3A_1236 = arith.shli %xor3A_1232, %shift_left3A_1235 : vector<128x1024xi32>
    %shift_right_logical3A_1237 = arith.constant 3 : i32
    %shift_right_logical3A_1238 = vector.broadcast %shift_right_logical3A_1237 : i32 to vector<128x1024xi32>
    %shift_right_logical3A_1239 = arith.shrui %xor3A_1232, %shift_right_logical3A_1238 : vector<128x1024xi32>
    %or3A_1240 = arith.ori %shift_left3A_1236, %shift_right_logical3A_1239 : vector<128x1024xi32>
    %xor3A_1241 = arith.xori %or3A_1240, %add3A_1233 : vector<128x1024xi32>
    %add3A_1242 = arith.addi %add3A_1233, %xor3A_1241 : vector<128x1024xi32>
    %shift_left3A_1243 = arith.constant 16 : i32
    %shift_left3A_1244 = vector.broadcast %shift_left3A_1243 : i32 to vector<128x1024xi32>
    %shift_left3A_1245 = arith.shli %xor3A_1241, %shift_left3A_1244 : vector<128x1024xi32>
    %shift_right_logical3A_1246 = arith.constant 16 : i32
    %shift_right_logical3A_1247 = vector.broadcast %shift_right_logical3A_1246 : i32 to vector<128x1024xi32>
    %shift_right_logical3A_1248 = arith.shrui %xor3A_1241, %shift_right_logical3A_1247 : vector<128x1024xi32>
    %or3A_1249 = arith.ori %shift_left3A_1245, %shift_right_logical3A_1248 : vector<128x1024xi32>
    %xor3A_1250 = arith.xori %or3A_1249, %add3A_1242 : vector<128x1024xi32>
    %add3A_1251 = arith.addi %add3A_1242, %xor3A_1250 : vector<128x1024xi32>
    %shift_left3A_1252 = arith.constant 24 : i32
    %shift_left3A_1253 = vector.broadcast %shift_left3A_1252 : i32 to vector<128x1024xi32>
    %shift_left3A_1254 = arith.shli %xor3A_1250, %shift_left3A_1253 : vector<128x1024xi32>
    %shift_right_logical3A_1255 = arith.constant 8 : i32
    %shift_right_logical3A_1256 = vector.broadcast %shift_right_logical3A_1255 : i32 to vector<128x1024xi32>
    %shift_right_logical3A_1257 = arith.shrui %xor3A_1250, %shift_right_logical3A_1256 : vector<128x1024xi32>
    %or3A_1258 = arith.ori %shift_left3A_1254, %shift_right_logical3A_1257 : vector<128x1024xi32>
    %xor3A_1259 = arith.xori %or3A_1258, %add3A_1251 : vector<128x1024xi32>
    %add3A_1260 = arith.constant 466688989 : i32
    %add3A_1261 = vector.broadcast %add3A_1260 : i32 to vector<128x1024xi32>
    %add3A_1262 = arith.addi %add3A_1251, %add3A_1261 : vector<128x1024xi32>
    %add3A_1263 = arith.constant 2 : i32
    %add3A_1264 = vector.broadcast %add3A_1263 : i32 to vector<128x1024xi32>
    %add3A_1265 = arith.addi %xor3A_1259, %add3A_1264 : vector<128x1024xi32>
    %add3A_1266 = arith.addi %add3A_1262, %add3A_1265 : vector<128x1024xi32>
    %shift_left3A_1267 = arith.constant 13 : i32
    %shift_left3A_1268 = vector.broadcast %shift_left3A_1267 : i32 to vector<128x1024xi32>
    %shift_left3A_1269 = arith.shli %add3A_1265, %shift_left3A_1268 : vector<128x1024xi32>
    %shift_right_logical3A_1270 = arith.constant 19 : i32
    %shift_right_logical3A_1271 = vector.broadcast %shift_right_logical3A_1270 : i32 to vector<128x1024xi32>
    %shift_right_logical3A_1272 = arith.shrui %add3A_1265, %shift_right_logical3A_1271 : vector<128x1024xi32>
    %or3A_1273 = arith.ori %shift_left3A_1269, %shift_right_logical3A_1272 : vector<128x1024xi32>
    %xor3A_1274 = arith.xori %or3A_1273, %add3A_1266 : vector<128x1024xi32>
    %add3A_1275 = arith.addi %add3A_1266, %xor3A_1274 : vector<128x1024xi32>
    %shift_left3A_1276 = arith.constant 15 : i32
    %shift_left3A_1277 = vector.broadcast %shift_left3A_1276 : i32 to vector<128x1024xi32>
    %shift_left3A_1278 = arith.shli %xor3A_1274, %shift_left3A_1277 : vector<128x1024xi32>
    %shift_right_logical3A_1279 = arith.constant 17 : i32
    %shift_right_logical3A_1280 = vector.broadcast %shift_right_logical3A_1279 : i32 to vector<128x1024xi32>
    %shift_right_logical3A_1281 = arith.shrui %xor3A_1274, %shift_right_logical3A_1280 : vector<128x1024xi32>
    %or3A_1282 = arith.ori %shift_left3A_1278, %shift_right_logical3A_1281 : vector<128x1024xi32>
    %xor3A_1283 = arith.xori %or3A_1282, %add3A_1275 : vector<128x1024xi32>
    %add3A_1284 = arith.addi %add3A_1275, %xor3A_1283 : vector<128x1024xi32>
    %shift_left3A_1285 = arith.constant 26 : i32
    %shift_left3A_1286 = vector.broadcast %shift_left3A_1285 : i32 to vector<128x1024xi32>
    %shift_left3A_1287 = arith.shli %xor3A_1283, %shift_left3A_1286 : vector<128x1024xi32>
    %shift_right_logical3A_1288 = arith.constant 6 : i32
    %shift_right_logical3A_1289 = vector.broadcast %shift_right_logical3A_1288 : i32 to vector<128x1024xi32>
    %shift_right_logical3A_1290 = arith.shrui %xor3A_1283, %shift_right_logical3A_1289 : vector<128x1024xi32>
    %or3A_1291 = arith.ori %shift_left3A_1287, %shift_right_logical3A_1290 : vector<128x1024xi32>
    %xor3A_1292 = arith.xori %or3A_1291, %add3A_1284 : vector<128x1024xi32>
    %add3A_1293 = arith.addi %add3A_1284, %xor3A_1292 : vector<128x1024xi32>
    %shift_left3A_1294 = arith.constant 6 : i32
    %shift_left3A_1295 = vector.broadcast %shift_left3A_1294 : i32 to vector<128x1024xi32>
    %shift_left3A_1296 = arith.shli %xor3A_1292, %shift_left3A_1295 : vector<128x1024xi32>
    %shift_right_logical3A_1297 = arith.constant 26 : i32
    %shift_right_logical3A_1298 = vector.broadcast %shift_right_logical3A_1297 : i32 to vector<128x1024xi32>
    %shift_right_logical3A_1299 = arith.shrui %xor3A_1292, %shift_right_logical3A_1298 : vector<128x1024xi32>
    %or3A_1300 = arith.ori %shift_left3A_1296, %shift_right_logical3A_1299 : vector<128x1024xi32>
    %xor3A_1301 = arith.xori %or3A_1300, %add3A_1293 : vector<128x1024xi32>
    %add3A_1302 = arith.constant 10 : i32
    %add3A_1303 = vector.broadcast %add3A_1302 : i32 to vector<128x1024xi32>
    %add3A_1304 = arith.addi %xor3A_1301, %add3A_1303 : vector<128x1024xi32>
    %add3A_1305 = arith.addi %add3A_1293, %add3A_1304 : vector<128x1024xi32>
    %shift_left3A_1306 = arith.constant 17 : i32
    %shift_left3A_1307 = vector.broadcast %shift_left3A_1306 : i32 to vector<128x1024xi32>
    %shift_left3A_1308 = arith.shli %add3A_1304, %shift_left3A_1307 : vector<128x1024xi32>
    %shift_right_logical3A_1309 = arith.constant 15 : i32
    %shift_right_logical3A_1310 = vector.broadcast %shift_right_logical3A_1309 : i32 to vector<128x1024xi32>
    %shift_right_logical3A_1311 = arith.shrui %add3A_1304, %shift_right_logical3A_1310 : vector<128x1024xi32>
    %or3A_1312 = arith.ori %shift_left3A_1308, %shift_right_logical3A_1311 : vector<128x1024xi32>
    %xor3A_1313 = arith.xori %or3A_1312, %add3A_1305 : vector<128x1024xi32>
    %add3A_1314 = arith.addi %add3A_1305, %xor3A_1313 : vector<128x1024xi32>
    %shift_left3A_1315 = arith.constant 29 : i32
    %shift_left3A_1316 = vector.broadcast %shift_left3A_1315 : i32 to vector<128x1024xi32>
    %shift_left3A_1317 = arith.shli %xor3A_1313, %shift_left3A_1316 : vector<128x1024xi32>
    %shift_right_logical3A_1318 = arith.constant 3 : i32
    %shift_right_logical3A_1319 = vector.broadcast %shift_right_logical3A_1318 : i32 to vector<128x1024xi32>
    %shift_right_logical3A_1320 = arith.shrui %xor3A_1313, %shift_right_logical3A_1319 : vector<128x1024xi32>
    %or3A_1321 = arith.ori %shift_left3A_1317, %shift_right_logical3A_1320 : vector<128x1024xi32>
    %xor3A_1322 = arith.xori %or3A_1321, %add3A_1314 : vector<128x1024xi32>
    %add3A_1323 = arith.addi %add3A_1314, %xor3A_1322 : vector<128x1024xi32>
    %shift_left3A_1324 = arith.constant 16 : i32
    %shift_left3A_1325 = vector.broadcast %shift_left3A_1324 : i32 to vector<128x1024xi32>
    %shift_left3A_1326 = arith.shli %xor3A_1322, %shift_left3A_1325 : vector<128x1024xi32>
    %shift_right_logical3A_1327 = arith.constant 16 : i32
    %shift_right_logical3A_1328 = vector.broadcast %shift_right_logical3A_1327 : i32 to vector<128x1024xi32>
    %shift_right_logical3A_1329 = arith.shrui %xor3A_1322, %shift_right_logical3A_1328 : vector<128x1024xi32>
    %or3A_1330 = arith.ori %shift_left3A_1326, %shift_right_logical3A_1329 : vector<128x1024xi32>
    %xor3A_1331 = arith.xori %or3A_1330, %add3A_1323 : vector<128x1024xi32>
    %add3A_1332 = arith.addi %add3A_1323, %xor3A_1331 : vector<128x1024xi32>
    %shift_left3A_1333 = arith.constant 24 : i32
    %shift_left3A_1334 = vector.broadcast %shift_left3A_1333 : i32 to vector<128x1024xi32>
    %shift_left3A_1335 = arith.shli %xor3A_1331, %shift_left3A_1334 : vector<128x1024xi32>
    %shift_right_logical3A_1336 = arith.constant 8 : i32
    %shift_right_logical3A_1337 = vector.broadcast %shift_right_logical3A_1336 : i32 to vector<128x1024xi32>
    %shift_right_logical3A_1338 = arith.shrui %xor3A_1331, %shift_right_logical3A_1337 : vector<128x1024xi32>
    %or3A_1339 = arith.ori %shift_left3A_1335, %shift_right_logical3A_1338 : vector<128x1024xi32>
    %xor3A_1340 = arith.xori %or3A_1339, %add3A_1332 : vector<128x1024xi32>
    %add3A_1341 = arith.constant 7 : i32
    %add3A_1342 = vector.broadcast %add3A_1341 : i32 to vector<128x1024xi32>
    %add3A_1343 = arith.addi %add3A_1332, %add3A_1342 : vector<128x1024xi32>
    %add3A_1344 = arith.constant 466688993 : i32
    %add3A_1345 = vector.broadcast %add3A_1344 : i32 to vector<128x1024xi32>
    %add3A_1346 = arith.addi %xor3A_1340, %add3A_1345 : vector<128x1024xi32>
    %add3A_1347 = arith.addi %add3A_1343, %add3A_1346 : vector<128x1024xi32>
    %shift_left3A_1348 = arith.constant 13 : i32
    %shift_left3A_1349 = vector.broadcast %shift_left3A_1348 : i32 to vector<128x1024xi32>
    %shift_left3A_1350 = arith.shli %add3A_1346, %shift_left3A_1349 : vector<128x1024xi32>
    %shift_right_logical3A_1351 = arith.constant 19 : i32
    %shift_right_logical3A_1352 = vector.broadcast %shift_right_logical3A_1351 : i32 to vector<128x1024xi32>
    %shift_right_logical3A_1353 = arith.shrui %add3A_1346, %shift_right_logical3A_1352 : vector<128x1024xi32>
    %or3A_1354 = arith.ori %shift_left3A_1350, %shift_right_logical3A_1353 : vector<128x1024xi32>
    %xor3A_1355 = arith.xori %or3A_1354, %add3A_1347 : vector<128x1024xi32>
    %add3A_1356 = arith.addi %add3A_1347, %xor3A_1355 : vector<128x1024xi32>
    %shift_left3A_1357 = arith.constant 15 : i32
    %shift_left3A_1358 = vector.broadcast %shift_left3A_1357 : i32 to vector<128x1024xi32>
    %shift_left3A_1359 = arith.shli %xor3A_1355, %shift_left3A_1358 : vector<128x1024xi32>
    %shift_right_logical3A_1360 = arith.constant 17 : i32
    %shift_right_logical3A_1361 = vector.broadcast %shift_right_logical3A_1360 : i32 to vector<128x1024xi32>
    %shift_right_logical3A_1362 = arith.shrui %xor3A_1355, %shift_right_logical3A_1361 : vector<128x1024xi32>
    %or3A_1363 = arith.ori %shift_left3A_1359, %shift_right_logical3A_1362 : vector<128x1024xi32>
    %xor3A_1364 = arith.xori %or3A_1363, %add3A_1356 : vector<128x1024xi32>
    %add3A_1365 = arith.addi %add3A_1356, %xor3A_1364 : vector<128x1024xi32>
    %shift_left3A_1366 = arith.constant 26 : i32
    %shift_left3A_1367 = vector.broadcast %shift_left3A_1366 : i32 to vector<128x1024xi32>
    %shift_left3A_1368 = arith.shli %xor3A_1364, %shift_left3A_1367 : vector<128x1024xi32>
    %shift_right_logical3A_1369 = arith.constant 6 : i32
    %shift_right_logical3A_1370 = vector.broadcast %shift_right_logical3A_1369 : i32 to vector<128x1024xi32>
    %shift_right_logical3A_1371 = arith.shrui %xor3A_1364, %shift_right_logical3A_1370 : vector<128x1024xi32>
    %or3A_1372 = arith.ori %shift_left3A_1368, %shift_right_logical3A_1371 : vector<128x1024xi32>
    %xor3A_1373 = arith.xori %or3A_1372, %add3A_1365 : vector<128x1024xi32>
    %add3A_1374 = arith.addi %add3A_1365, %xor3A_1373 : vector<128x1024xi32>
    %shift_left3A_1375 = arith.constant 6 : i32
    %shift_left3A_1376 = vector.broadcast %shift_left3A_1375 : i32 to vector<128x1024xi32>
    %shift_left3A_1377 = arith.shli %xor3A_1373, %shift_left3A_1376 : vector<128x1024xi32>
    %shift_right_logical3A_1378 = arith.constant 26 : i32
    %shift_right_logical3A_1379 = vector.broadcast %shift_right_logical3A_1378 : i32 to vector<128x1024xi32>
    %shift_right_logical3A_1380 = arith.shrui %xor3A_1373, %shift_right_logical3A_1379 : vector<128x1024xi32>
    %or3A_1381 = arith.ori %shift_left3A_1377, %shift_right_logical3A_1380 : vector<128x1024xi32>
    %xor3A_1382 = arith.xori %or3A_1381, %add3A_1374 : vector<128x1024xi32>
    %add3A_1383 = arith.constant 466688989 : i32
    %add3A_1384 = vector.broadcast %add3A_1383 : i32 to vector<128x1024xi32>
    %add3A_1385 = arith.addi %add3A_1374, %add3A_1384 : vector<128x1024xi32>
    %add3A_1386 = arith.constant 5 : i32
    %add3A_1387 = vector.broadcast %add3A_1386 : i32 to vector<128x1024xi32>
    %add3A_1388 = arith.addi %xor3A_1382, %add3A_1387 : vector<128x1024xi32>
    %xor3A_1389 = arith.xori %add3A_1385, %add3A_1388 : vector<128x1024xi32>
    %get3A_1390 = arith.constant 5 : index
    %get3A_1391 = arith.constant 0 : index
    %get3A_1392 = vector.load %arg1[%get3A_1390, %get3A_1391] : memref<8x1024xf32, #tpu.memory_space<vmem>>, vector<1x1024xf32>
    %shift_right_logical3A_1393 = arith.constant 9 : i32
    %shift_right_logical3A_1394 = vector.broadcast %shift_right_logical3A_1393 : i32 to vector<128x1024xi32>
    %shift_right_logical3A_1395 = arith.shrui %xor3A_1389, %shift_right_logical3A_1394 : vector<128x1024xi32>
    %or3A_1396 = arith.constant 1065353216 : i32
    %or3A_1397 = vector.broadcast %or3A_1396 : i32 to vector<128x1024xi32>
    %or3A_1398 = arith.ori %shift_right_logical3A_1395, %or3A_1397 : vector<128x1024xi32>
    %bitcast_convert_type3A_1399 = tpu.bitcast %or3A_1398 : vector<128x1024xi32> -> vector<128x1024xf32>
    %sub3A_1400 = arith.constant 1.000000e+00 : f32
    %sub3A_1401 = vector.broadcast %sub3A_1400 : f32 to vector<128x1024xf32>
    %sub3A_1402 = arith.subf %bitcast_convert_type3A_1399, %sub3A_1401 : vector<128x1024xf32>
    %log3A_1403 = math.log %sub3A_1402 : vector<128x1024xf32>
    %mul3A_1404 = vector.broadcast %get3A_1392 : vector<1x1024xf32> to vector<128x1024xf32>
    %mul3A_1405 = arith.mulf %log3A_1403, %mul3A_1404 : vector<128x1024xf32>
    %lt3A_1406 = arith.cmpf olt, %mul3A_1405, %select_n3A_1172 : vector<128x1024xf32>
    %select_n3A_1407 = arith.select %lt3A_1406, %mul3A_1405, %select_n3A_1172 : vector<128x1024xi1>, vector<128x1024xf32>
    %add3A_1408 = arith.constant 5120 : i32
    %add3A_1409 = vector.broadcast %add3A_1408 : i32 to vector<128x1024xi32>
    %add3A_1410 = arith.addi %add3A_1409, %iota3A_0 : vector<128x1024xi32>
    %select_n3A_1411 = arith.select %lt3A_1406, %add3A_1410, %select_n3A_1176 : vector<128x1024xi1>, vector<128x1024xi32>
    %add3A_1412 = arith.constant 6144 : i32
    %add3A_1413 = vector.broadcast %add3A_1412 : i32 to vector<128x1024xi32>
    %add3A_1414 = arith.addi %add3A_8, %add3A_1413 : vector<128x1024xi32>
    %add3A_1415 = arith.constant 7 : i32
    %add3A_1416 = vector.broadcast %add3A_1415 : i32 to vector<128x1024xi32>
    %add3A_1417 = arith.addi %add3A_1414, %add3A_1416 : vector<128x1024xi32>
    %shift_left3A_1418 = arith.constant 13 : i32
    %shift_left3A_1419 = vector.broadcast %shift_left3A_1418 : i32 to vector<128x1024xi32>
    %shift_left3A_1420 = arith.shli %add3A_1417, %shift_left3A_1419 : vector<128x1024xi32>
    %shift_right_logical3A_1421 = arith.constant 19 : i32
    %shift_right_logical3A_1422 = vector.broadcast %shift_right_logical3A_1421 : i32 to vector<128x1024xi32>
    %shift_right_logical3A_1423 = arith.shrui %add3A_1417, %shift_right_logical3A_1422 : vector<128x1024xi32>
    %or3A_1424 = arith.ori %shift_left3A_1420, %shift_right_logical3A_1423 : vector<128x1024xi32>
    %xor3A_1425 = arith.xori %or3A_1424, %add3A_1417 : vector<128x1024xi32>
    %add3A_1426 = arith.addi %add3A_1417, %xor3A_1425 : vector<128x1024xi32>
    %shift_left3A_1427 = arith.constant 15 : i32
    %shift_left3A_1428 = vector.broadcast %shift_left3A_1427 : i32 to vector<128x1024xi32>
    %shift_left3A_1429 = arith.shli %xor3A_1425, %shift_left3A_1428 : vector<128x1024xi32>
    %shift_right_logical3A_1430 = arith.constant 17 : i32
    %shift_right_logical3A_1431 = vector.broadcast %shift_right_logical3A_1430 : i32 to vector<128x1024xi32>
    %shift_right_logical3A_1432 = arith.shrui %xor3A_1425, %shift_right_logical3A_1431 : vector<128x1024xi32>
    %or3A_1433 = arith.ori %shift_left3A_1429, %shift_right_logical3A_1432 : vector<128x1024xi32>
    %xor3A_1434 = arith.xori %or3A_1433, %add3A_1426 : vector<128x1024xi32>
    %add3A_1435 = arith.addi %add3A_1426, %xor3A_1434 : vector<128x1024xi32>
    %shift_left3A_1436 = arith.constant 26 : i32
    %shift_left3A_1437 = vector.broadcast %shift_left3A_1436 : i32 to vector<128x1024xi32>
    %shift_left3A_1438 = arith.shli %xor3A_1434, %shift_left3A_1437 : vector<128x1024xi32>
    %shift_right_logical3A_1439 = arith.constant 6 : i32
    %shift_right_logical3A_1440 = vector.broadcast %shift_right_logical3A_1439 : i32 to vector<128x1024xi32>
    %shift_right_logical3A_1441 = arith.shrui %xor3A_1434, %shift_right_logical3A_1440 : vector<128x1024xi32>
    %or3A_1442 = arith.ori %shift_left3A_1438, %shift_right_logical3A_1441 : vector<128x1024xi32>
    %xor3A_1443 = arith.xori %or3A_1442, %add3A_1435 : vector<128x1024xi32>
    %add3A_1444 = arith.addi %add3A_1435, %xor3A_1443 : vector<128x1024xi32>
    %shift_left3A_1445 = arith.constant 6 : i32
    %shift_left3A_1446 = vector.broadcast %shift_left3A_1445 : i32 to vector<128x1024xi32>
    %shift_left3A_1447 = arith.shli %xor3A_1443, %shift_left3A_1446 : vector<128x1024xi32>
    %shift_right_logical3A_1448 = arith.constant 26 : i32
    %shift_right_logical3A_1449 = vector.broadcast %shift_right_logical3A_1448 : i32 to vector<128x1024xi32>
    %shift_right_logical3A_1450 = arith.shrui %xor3A_1443, %shift_right_logical3A_1449 : vector<128x1024xi32>
    %or3A_1451 = arith.ori %shift_left3A_1447, %shift_right_logical3A_1450 : vector<128x1024xi32>
    %xor3A_1452 = arith.xori %or3A_1451, %add3A_1444 : vector<128x1024xi32>
    %add3A_1453 = arith.constant 7 : i32
    %add3A_1454 = vector.broadcast %add3A_1453 : i32 to vector<128x1024xi32>
    %add3A_1455 = arith.addi %add3A_1444, %add3A_1454 : vector<128x1024xi32>
    %add3A_1456 = arith.constant 466688990 : i32
    %add3A_1457 = vector.broadcast %add3A_1456 : i32 to vector<128x1024xi32>
    %add3A_1458 = arith.addi %xor3A_1452, %add3A_1457 : vector<128x1024xi32>
    %add3A_1459 = arith.addi %add3A_1455, %add3A_1458 : vector<128x1024xi32>
    %shift_left3A_1460 = arith.constant 17 : i32
    %shift_left3A_1461 = vector.broadcast %shift_left3A_1460 : i32 to vector<128x1024xi32>
    %shift_left3A_1462 = arith.shli %add3A_1458, %shift_left3A_1461 : vector<128x1024xi32>
    %shift_right_logical3A_1463 = arith.constant 15 : i32
    %shift_right_logical3A_1464 = vector.broadcast %shift_right_logical3A_1463 : i32 to vector<128x1024xi32>
    %shift_right_logical3A_1465 = arith.shrui %add3A_1458, %shift_right_logical3A_1464 : vector<128x1024xi32>
    %or3A_1466 = arith.ori %shift_left3A_1462, %shift_right_logical3A_1465 : vector<128x1024xi32>
    %xor3A_1467 = arith.xori %or3A_1466, %add3A_1459 : vector<128x1024xi32>
    %add3A_1468 = arith.addi %add3A_1459, %xor3A_1467 : vector<128x1024xi32>
    %shift_left3A_1469 = arith.constant 29 : i32
    %shift_left3A_1470 = vector.broadcast %shift_left3A_1469 : i32 to vector<128x1024xi32>
    %shift_left3A_1471 = arith.shli %xor3A_1467, %shift_left3A_1470 : vector<128x1024xi32>
    %shift_right_logical3A_1472 = arith.constant 3 : i32
    %shift_right_logical3A_1473 = vector.broadcast %shift_right_logical3A_1472 : i32 to vector<128x1024xi32>
    %shift_right_logical3A_1474 = arith.shrui %xor3A_1467, %shift_right_logical3A_1473 : vector<128x1024xi32>
    %or3A_1475 = arith.ori %shift_left3A_1471, %shift_right_logical3A_1474 : vector<128x1024xi32>
    %xor3A_1476 = arith.xori %or3A_1475, %add3A_1468 : vector<128x1024xi32>
    %add3A_1477 = arith.addi %add3A_1468, %xor3A_1476 : vector<128x1024xi32>
    %shift_left3A_1478 = arith.constant 16 : i32
    %shift_left3A_1479 = vector.broadcast %shift_left3A_1478 : i32 to vector<128x1024xi32>
    %shift_left3A_1480 = arith.shli %xor3A_1476, %shift_left3A_1479 : vector<128x1024xi32>
    %shift_right_logical3A_1481 = arith.constant 16 : i32
    %shift_right_logical3A_1482 = vector.broadcast %shift_right_logical3A_1481 : i32 to vector<128x1024xi32>
    %shift_right_logical3A_1483 = arith.shrui %xor3A_1476, %shift_right_logical3A_1482 : vector<128x1024xi32>
    %or3A_1484 = arith.ori %shift_left3A_1480, %shift_right_logical3A_1483 : vector<128x1024xi32>
    %xor3A_1485 = arith.xori %or3A_1484, %add3A_1477 : vector<128x1024xi32>
    %add3A_1486 = arith.addi %add3A_1477, %xor3A_1485 : vector<128x1024xi32>
    %shift_left3A_1487 = arith.constant 24 : i32
    %shift_left3A_1488 = vector.broadcast %shift_left3A_1487 : i32 to vector<128x1024xi32>
    %shift_left3A_1489 = arith.shli %xor3A_1485, %shift_left3A_1488 : vector<128x1024xi32>
    %shift_right_logical3A_1490 = arith.constant 8 : i32
    %shift_right_logical3A_1491 = vector.broadcast %shift_right_logical3A_1490 : i32 to vector<128x1024xi32>
    %shift_right_logical3A_1492 = arith.shrui %xor3A_1485, %shift_right_logical3A_1491 : vector<128x1024xi32>
    %or3A_1493 = arith.ori %shift_left3A_1489, %shift_right_logical3A_1492 : vector<128x1024xi32>
    %xor3A_1494 = arith.xori %or3A_1493, %add3A_1486 : vector<128x1024xi32>
    %add3A_1495 = arith.constant 466688989 : i32
    %add3A_1496 = vector.broadcast %add3A_1495 : i32 to vector<128x1024xi32>
    %add3A_1497 = arith.addi %add3A_1486, %add3A_1496 : vector<128x1024xi32>
    %add3A_1498 = arith.constant 2 : i32
    %add3A_1499 = vector.broadcast %add3A_1498 : i32 to vector<128x1024xi32>
    %add3A_1500 = arith.addi %xor3A_1494, %add3A_1499 : vector<128x1024xi32>
    %add3A_1501 = arith.addi %add3A_1497, %add3A_1500 : vector<128x1024xi32>
    %shift_left3A_1502 = arith.constant 13 : i32
    %shift_left3A_1503 = vector.broadcast %shift_left3A_1502 : i32 to vector<128x1024xi32>
    %shift_left3A_1504 = arith.shli %add3A_1500, %shift_left3A_1503 : vector<128x1024xi32>
    %shift_right_logical3A_1505 = arith.constant 19 : i32
    %shift_right_logical3A_1506 = vector.broadcast %shift_right_logical3A_1505 : i32 to vector<128x1024xi32>
    %shift_right_logical3A_1507 = arith.shrui %add3A_1500, %shift_right_logical3A_1506 : vector<128x1024xi32>
    %or3A_1508 = arith.ori %shift_left3A_1504, %shift_right_logical3A_1507 : vector<128x1024xi32>
    %xor3A_1509 = arith.xori %or3A_1508, %add3A_1501 : vector<128x1024xi32>
    %add3A_1510 = arith.addi %add3A_1501, %xor3A_1509 : vector<128x1024xi32>
    %shift_left3A_1511 = arith.constant 15 : i32
    %shift_left3A_1512 = vector.broadcast %shift_left3A_1511 : i32 to vector<128x1024xi32>
    %shift_left3A_1513 = arith.shli %xor3A_1509, %shift_left3A_1512 : vector<128x1024xi32>
    %shift_right_logical3A_1514 = arith.constant 17 : i32
    %shift_right_logical3A_1515 = vector.broadcast %shift_right_logical3A_1514 : i32 to vector<128x1024xi32>
    %shift_right_logical3A_1516 = arith.shrui %xor3A_1509, %shift_right_logical3A_1515 : vector<128x1024xi32>
    %or3A_1517 = arith.ori %shift_left3A_1513, %shift_right_logical3A_1516 : vector<128x1024xi32>
    %xor3A_1518 = arith.xori %or3A_1517, %add3A_1510 : vector<128x1024xi32>
    %add3A_1519 = arith.addi %add3A_1510, %xor3A_1518 : vector<128x1024xi32>
    %shift_left3A_1520 = arith.constant 26 : i32
    %shift_left3A_1521 = vector.broadcast %shift_left3A_1520 : i32 to vector<128x1024xi32>
    %shift_left3A_1522 = arith.shli %xor3A_1518, %shift_left3A_1521 : vector<128x1024xi32>
    %shift_right_logical3A_1523 = arith.constant 6 : i32
    %shift_right_logical3A_1524 = vector.broadcast %shift_right_logical3A_1523 : i32 to vector<128x1024xi32>
    %shift_right_logical3A_1525 = arith.shrui %xor3A_1518, %shift_right_logical3A_1524 : vector<128x1024xi32>
    %or3A_1526 = arith.ori %shift_left3A_1522, %shift_right_logical3A_1525 : vector<128x1024xi32>
    %xor3A_1527 = arith.xori %or3A_1526, %add3A_1519 : vector<128x1024xi32>
    %add3A_1528 = arith.addi %add3A_1519, %xor3A_1527 : vector<128x1024xi32>
    %shift_left3A_1529 = arith.constant 6 : i32
    %shift_left3A_1530 = vector.broadcast %shift_left3A_1529 : i32 to vector<128x1024xi32>
    %shift_left3A_1531 = arith.shli %xor3A_1527, %shift_left3A_1530 : vector<128x1024xi32>
    %shift_right_logical3A_1532 = arith.constant 26 : i32
    %shift_right_logical3A_1533 = vector.broadcast %shift_right_logical3A_1532 : i32 to vector<128x1024xi32>
    %shift_right_logical3A_1534 = arith.shrui %xor3A_1527, %shift_right_logical3A_1533 : vector<128x1024xi32>
    %or3A_1535 = arith.ori %shift_left3A_1531, %shift_right_logical3A_1534 : vector<128x1024xi32>
    %xor3A_1536 = arith.xori %or3A_1535, %add3A_1528 : vector<128x1024xi32>
    %add3A_1537 = arith.constant 10 : i32
    %add3A_1538 = vector.broadcast %add3A_1537 : i32 to vector<128x1024xi32>
    %add3A_1539 = arith.addi %xor3A_1536, %add3A_1538 : vector<128x1024xi32>
    %add3A_1540 = arith.addi %add3A_1528, %add3A_1539 : vector<128x1024xi32>
    %shift_left3A_1541 = arith.constant 17 : i32
    %shift_left3A_1542 = vector.broadcast %shift_left3A_1541 : i32 to vector<128x1024xi32>
    %shift_left3A_1543 = arith.shli %add3A_1539, %shift_left3A_1542 : vector<128x1024xi32>
    %shift_right_logical3A_1544 = arith.constant 15 : i32
    %shift_right_logical3A_1545 = vector.broadcast %shift_right_logical3A_1544 : i32 to vector<128x1024xi32>
    %shift_right_logical3A_1546 = arith.shrui %add3A_1539, %shift_right_logical3A_1545 : vector<128x1024xi32>
    %or3A_1547 = arith.ori %shift_left3A_1543, %shift_right_logical3A_1546 : vector<128x1024xi32>
    %xor3A_1548 = arith.xori %or3A_1547, %add3A_1540 : vector<128x1024xi32>
    %add3A_1549 = arith.addi %add3A_1540, %xor3A_1548 : vector<128x1024xi32>
    %shift_left3A_1550 = arith.constant 29 : i32
    %shift_left3A_1551 = vector.broadcast %shift_left3A_1550 : i32 to vector<128x1024xi32>
    %shift_left3A_1552 = arith.shli %xor3A_1548, %shift_left3A_1551 : vector<128x1024xi32>
    %shift_right_logical3A_1553 = arith.constant 3 : i32
    %shift_right_logical3A_1554 = vector.broadcast %shift_right_logical3A_1553 : i32 to vector<128x1024xi32>
    %shift_right_logical3A_1555 = arith.shrui %xor3A_1548, %shift_right_logical3A_1554 : vector<128x1024xi32>
    %or3A_1556 = arith.ori %shift_left3A_1552, %shift_right_logical3A_1555 : vector<128x1024xi32>
    %xor3A_1557 = arith.xori %or3A_1556, %add3A_1549 : vector<128x1024xi32>
    %add3A_1558 = arith.addi %add3A_1549, %xor3A_1557 : vector<128x1024xi32>
    %shift_left3A_1559 = arith.constant 16 : i32
    %shift_left3A_1560 = vector.broadcast %shift_left3A_1559 : i32 to vector<128x1024xi32>
    %shift_left3A_1561 = arith.shli %xor3A_1557, %shift_left3A_1560 : vector<128x1024xi32>
    %shift_right_logical3A_1562 = arith.constant 16 : i32
    %shift_right_logical3A_1563 = vector.broadcast %shift_right_logical3A_1562 : i32 to vector<128x1024xi32>
    %shift_right_logical3A_1564 = arith.shrui %xor3A_1557, %shift_right_logical3A_1563 : vector<128x1024xi32>
    %or3A_1565 = arith.ori %shift_left3A_1561, %shift_right_logical3A_1564 : vector<128x1024xi32>
    %xor3A_1566 = arith.xori %or3A_1565, %add3A_1558 : vector<128x1024xi32>
    %add3A_1567 = arith.addi %add3A_1558, %xor3A_1566 : vector<128x1024xi32>
    %shift_left3A_1568 = arith.constant 24 : i32
    %shift_left3A_1569 = vector.broadcast %shift_left3A_1568 : i32 to vector<128x1024xi32>
    %shift_left3A_1570 = arith.shli %xor3A_1566, %shift_left3A_1569 : vector<128x1024xi32>
    %shift_right_logical3A_1571 = arith.constant 8 : i32
    %shift_right_logical3A_1572 = vector.broadcast %shift_right_logical3A_1571 : i32 to vector<128x1024xi32>
    %shift_right_logical3A_1573 = arith.shrui %xor3A_1566, %shift_right_logical3A_1572 : vector<128x1024xi32>
    %or3A_1574 = arith.ori %shift_left3A_1570, %shift_right_logical3A_1573 : vector<128x1024xi32>
    %xor3A_1575 = arith.xori %or3A_1574, %add3A_1567 : vector<128x1024xi32>
    %add3A_1576 = arith.constant 7 : i32
    %add3A_1577 = vector.broadcast %add3A_1576 : i32 to vector<128x1024xi32>
    %add3A_1578 = arith.addi %add3A_1567, %add3A_1577 : vector<128x1024xi32>
    %add3A_1579 = arith.constant 466688993 : i32
    %add3A_1580 = vector.broadcast %add3A_1579 : i32 to vector<128x1024xi32>
    %add3A_1581 = arith.addi %xor3A_1575, %add3A_1580 : vector<128x1024xi32>
    %add3A_1582 = arith.addi %add3A_1578, %add3A_1581 : vector<128x1024xi32>
    %shift_left3A_1583 = arith.constant 13 : i32
    %shift_left3A_1584 = vector.broadcast %shift_left3A_1583 : i32 to vector<128x1024xi32>
    %shift_left3A_1585 = arith.shli %add3A_1581, %shift_left3A_1584 : vector<128x1024xi32>
    %shift_right_logical3A_1586 = arith.constant 19 : i32
    %shift_right_logical3A_1587 = vector.broadcast %shift_right_logical3A_1586 : i32 to vector<128x1024xi32>
    %shift_right_logical3A_1588 = arith.shrui %add3A_1581, %shift_right_logical3A_1587 : vector<128x1024xi32>
    %or3A_1589 = arith.ori %shift_left3A_1585, %shift_right_logical3A_1588 : vector<128x1024xi32>
    %xor3A_1590 = arith.xori %or3A_1589, %add3A_1582 : vector<128x1024xi32>
    %add3A_1591 = arith.addi %add3A_1582, %xor3A_1590 : vector<128x1024xi32>
    %shift_left3A_1592 = arith.constant 15 : i32
    %shift_left3A_1593 = vector.broadcast %shift_left3A_1592 : i32 to vector<128x1024xi32>
    %shift_left3A_1594 = arith.shli %xor3A_1590, %shift_left3A_1593 : vector<128x1024xi32>
    %shift_right_logical3A_1595 = arith.constant 17 : i32
    %shift_right_logical3A_1596 = vector.broadcast %shift_right_logical3A_1595 : i32 to vector<128x1024xi32>
    %shift_right_logical3A_1597 = arith.shrui %xor3A_1590, %shift_right_logical3A_1596 : vector<128x1024xi32>
    %or3A_1598 = arith.ori %shift_left3A_1594, %shift_right_logical3A_1597 : vector<128x1024xi32>
    %xor3A_1599 = arith.xori %or3A_1598, %add3A_1591 : vector<128x1024xi32>
    %add3A_1600 = arith.addi %add3A_1591, %xor3A_1599 : vector<128x1024xi32>
    %shift_left3A_1601 = arith.constant 26 : i32
    %shift_left3A_1602 = vector.broadcast %shift_left3A_1601 : i32 to vector<128x1024xi32>
    %shift_left3A_1603 = arith.shli %xor3A_1599, %shift_left3A_1602 : vector<128x1024xi32>
    %shift_right_logical3A_1604 = arith.constant 6 : i32
    %shift_right_logical3A_1605 = vector.broadcast %shift_right_logical3A_1604 : i32 to vector<128x1024xi32>
    %shift_right_logical3A_1606 = arith.shrui %xor3A_1599, %shift_right_logical3A_1605 : vector<128x1024xi32>
    %or3A_1607 = arith.ori %shift_left3A_1603, %shift_right_logical3A_1606 : vector<128x1024xi32>
    %xor3A_1608 = arith.xori %or3A_1607, %add3A_1600 : vector<128x1024xi32>
    %add3A_1609 = arith.addi %add3A_1600, %xor3A_1608 : vector<128x1024xi32>
    %shift_left3A_1610 = arith.constant 6 : i32
    %shift_left3A_1611 = vector.broadcast %shift_left3A_1610 : i32 to vector<128x1024xi32>
    %shift_left3A_1612 = arith.shli %xor3A_1608, %shift_left3A_1611 : vector<128x1024xi32>
    %shift_right_logical3A_1613 = arith.constant 26 : i32
    %shift_right_logical3A_1614 = vector.broadcast %shift_right_logical3A_1613 : i32 to vector<128x1024xi32>
    %shift_right_logical3A_1615 = arith.shrui %xor3A_1608, %shift_right_logical3A_1614 : vector<128x1024xi32>
    %or3A_1616 = arith.ori %shift_left3A_1612, %shift_right_logical3A_1615 : vector<128x1024xi32>
    %xor3A_1617 = arith.xori %or3A_1616, %add3A_1609 : vector<128x1024xi32>
    %add3A_1618 = arith.constant 466688989 : i32
    %add3A_1619 = vector.broadcast %add3A_1618 : i32 to vector<128x1024xi32>
    %add3A_1620 = arith.addi %add3A_1609, %add3A_1619 : vector<128x1024xi32>
    %add3A_1621 = arith.constant 5 : i32
    %add3A_1622 = vector.broadcast %add3A_1621 : i32 to vector<128x1024xi32>
    %add3A_1623 = arith.addi %xor3A_1617, %add3A_1622 : vector<128x1024xi32>
    %xor3A_1624 = arith.xori %add3A_1620, %add3A_1623 : vector<128x1024xi32>
    %get3A_1625 = arith.constant 6 : index
    %get3A_1626 = arith.constant 0 : index
    %get3A_1627 = vector.load %arg1[%get3A_1625, %get3A_1626] : memref<8x1024xf32, #tpu.memory_space<vmem>>, vector<1x1024xf32>
    %shift_right_logical3A_1628 = arith.constant 9 : i32
    %shift_right_logical3A_1629 = vector.broadcast %shift_right_logical3A_1628 : i32 to vector<128x1024xi32>
    %shift_right_logical3A_1630 = arith.shrui %xor3A_1624, %shift_right_logical3A_1629 : vector<128x1024xi32>
    %or3A_1631 = arith.constant 1065353216 : i32
    %or3A_1632 = vector.broadcast %or3A_1631 : i32 to vector<128x1024xi32>
    %or3A_1633 = arith.ori %shift_right_logical3A_1630, %or3A_1632 : vector<128x1024xi32>
    %bitcast_convert_type3A_1634 = tpu.bitcast %or3A_1633 : vector<128x1024xi32> -> vector<128x1024xf32>
    %sub3A_1635 = arith.constant 1.000000e+00 : f32
    %sub3A_1636 = vector.broadcast %sub3A_1635 : f32 to vector<128x1024xf32>
    %sub3A_1637 = arith.subf %bitcast_convert_type3A_1634, %sub3A_1636 : vector<128x1024xf32>
    %log3A_1638 = math.log %sub3A_1637 : vector<128x1024xf32>
    %mul3A_1639 = vector.broadcast %get3A_1627 : vector<1x1024xf32> to vector<128x1024xf32>
    %mul3A_1640 = arith.mulf %log3A_1638, %mul3A_1639 : vector<128x1024xf32>
    %lt3A_1641 = arith.cmpf olt, %mul3A_1640, %select_n3A_1407 : vector<128x1024xf32>
    %select_n3A_1642 = arith.select %lt3A_1641, %mul3A_1640, %select_n3A_1407 : vector<128x1024xi1>, vector<128x1024xf32>
    %add3A_1643 = arith.constant 6144 : i32
    %add3A_1644 = vector.broadcast %add3A_1643 : i32 to vector<128x1024xi32>
    %add3A_1645 = arith.addi %add3A_1644, %iota3A_0 : vector<128x1024xi32>
    %select_n3A_1646 = arith.select %lt3A_1641, %add3A_1645, %select_n3A_1411 : vector<128x1024xi1>, vector<128x1024xi32>
    %add3A_1647 = arith.constant 7168 : i32
    %add3A_1648 = vector.broadcast %add3A_1647 : i32 to vector<128x1024xi32>
    %add3A_1649 = arith.addi %add3A_8, %add3A_1648 : vector<128x1024xi32>
    %add3A_1650 = arith.constant 7 : i32
    %add3A_1651 = vector.broadcast %add3A_1650 : i32 to vector<128x1024xi32>
    %add3A_1652 = arith.addi %add3A_1649, %add3A_1651 : vector<128x1024xi32>
    %shift_left3A_1653 = arith.constant 13 : i32
    %shift_left3A_1654 = vector.broadcast %shift_left3A_1653 : i32 to vector<128x1024xi32>
    %shift_left3A_1655 = arith.shli %add3A_1652, %shift_left3A_1654 : vector<128x1024xi32>
    %shift_right_logical3A_1656 = arith.constant 19 : i32
    %shift_right_logical3A_1657 = vector.broadcast %shift_right_logical3A_1656 : i32 to vector<128x1024xi32>
    %shift_right_logical3A_1658 = arith.shrui %add3A_1652, %shift_right_logical3A_1657 : vector<128x1024xi32>
    %or3A_1659 = arith.ori %shift_left3A_1655, %shift_right_logical3A_1658 : vector<128x1024xi32>
    %xor3A_1660 = arith.xori %or3A_1659, %add3A_1652 : vector<128x1024xi32>
    %add3A_1661 = arith.addi %add3A_1652, %xor3A_1660 : vector<128x1024xi32>
    %shift_left3A_1662 = arith.constant 15 : i32
    %shift_left3A_1663 = vector.broadcast %shift_left3A_1662 : i32 to vector<128x1024xi32>
    %shift_left3A_1664 = arith.shli %xor3A_1660, %shift_left3A_1663 : vector<128x1024xi32>
    %shift_right_logical3A_1665 = arith.constant 17 : i32
    %shift_right_logical3A_1666 = vector.broadcast %shift_right_logical3A_1665 : i32 to vector<128x1024xi32>
    %shift_right_logical3A_1667 = arith.shrui %xor3A_1660, %shift_right_logical3A_1666 : vector<128x1024xi32>
    %or3A_1668 = arith.ori %shift_left3A_1664, %shift_right_logical3A_1667 : vector<128x1024xi32>
    %xor3A_1669 = arith.xori %or3A_1668, %add3A_1661 : vector<128x1024xi32>
    %add3A_1670 = arith.addi %add3A_1661, %xor3A_1669 : vector<128x1024xi32>
    %shift_left3A_1671 = arith.constant 26 : i32
    %shift_left3A_1672 = vector.broadcast %shift_left3A_1671 : i32 to vector<128x1024xi32>
    %shift_left3A_1673 = arith.shli %xor3A_1669, %shift_left3A_1672 : vector<128x1024xi32>
    %shift_right_logical3A_1674 = arith.constant 6 : i32
    %shift_right_logical3A_1675 = vector.broadcast %shift_right_logical3A_1674 : i32 to vector<128x1024xi32>
    %shift_right_logical3A_1676 = arith.shrui %xor3A_1669, %shift_right_logical3A_1675 : vector<128x1024xi32>
    %or3A_1677 = arith.ori %shift_left3A_1673, %shift_right_logical3A_1676 : vector<128x1024xi32>
    %xor3A_1678 = arith.xori %or3A_1677, %add3A_1670 : vector<128x1024xi32>
    %add3A_1679 = arith.addi %add3A_1670, %xor3A_1678 : vector<128x1024xi32>
    %shift_left3A_1680 = arith.constant 6 : i32
    %shift_left3A_1681 = vector.broadcast %shift_left3A_1680 : i32 to vector<128x1024xi32>
    %shift_left3A_1682 = arith.shli %xor3A_1678, %shift_left3A_1681 : vector<128x1024xi32>
    %shift_right_logical3A_1683 = arith.constant 26 : i32
    %shift_right_logical3A_1684 = vector.broadcast %shift_right_logical3A_1683 : i32 to vector<128x1024xi32>
    %shift_right_logical3A_1685 = arith.shrui %xor3A_1678, %shift_right_logical3A_1684 : vector<128x1024xi32>
    %or3A_1686 = arith.ori %shift_left3A_1682, %shift_right_logical3A_1685 : vector<128x1024xi32>
    %xor3A_1687 = arith.xori %or3A_1686, %add3A_1679 : vector<128x1024xi32>
    %add3A_1688 = arith.constant 7 : i32
    %add3A_1689 = vector.broadcast %add3A_1688 : i32 to vector<128x1024xi32>
    %add3A_1690 = arith.addi %add3A_1679, %add3A_1689 : vector<128x1024xi32>
    %add3A_1691 = arith.constant 466688990 : i32
    %add3A_1692 = vector.broadcast %add3A_1691 : i32 to vector<128x1024xi32>
    %add3A_1693 = arith.addi %xor3A_1687, %add3A_1692 : vector<128x1024xi32>
    %add3A_1694 = arith.addi %add3A_1690, %add3A_1693 : vector<128x1024xi32>
    %shift_left3A_1695 = arith.constant 17 : i32
    %shift_left3A_1696 = vector.broadcast %shift_left3A_1695 : i32 to vector<128x1024xi32>
    %shift_left3A_1697 = arith.shli %add3A_1693, %shift_left3A_1696 : vector<128x1024xi32>
    %shift_right_logical3A_1698 = arith.constant 15 : i32
    %shift_right_logical3A_1699 = vector.broadcast %shift_right_logical3A_1698 : i32 to vector<128x1024xi32>
    %shift_right_logical3A_1700 = arith.shrui %add3A_1693, %shift_right_logical3A_1699 : vector<128x1024xi32>
    %or3A_1701 = arith.ori %shift_left3A_1697, %shift_right_logical3A_1700 : vector<128x1024xi32>
    %xor3A_1702 = arith.xori %or3A_1701, %add3A_1694 : vector<128x1024xi32>
    %add3A_1703 = arith.addi %add3A_1694, %xor3A_1702 : vector<128x1024xi32>
    %shift_left3A_1704 = arith.constant 29 : i32
    %shift_left3A_1705 = vector.broadcast %shift_left3A_1704 : i32 to vector<128x1024xi32>
    %shift_left3A_1706 = arith.shli %xor3A_1702, %shift_left3A_1705 : vector<128x1024xi32>
    %shift_right_logical3A_1707 = arith.constant 3 : i32
    %shift_right_logical3A_1708 = vector.broadcast %shift_right_logical3A_1707 : i32 to vector<128x1024xi32>
    %shift_right_logical3A_1709 = arith.shrui %xor3A_1702, %shift_right_logical3A_1708 : vector<128x1024xi32>
    %or3A_1710 = arith.ori %shift_left3A_1706, %shift_right_logical3A_1709 : vector<128x1024xi32>
    %xor3A_1711 = arith.xori %or3A_1710, %add3A_1703 : vector<128x1024xi32>
    %add3A_1712 = arith.addi %add3A_1703, %xor3A_1711 : vector<128x1024xi32>
    %shift_left3A_1713 = arith.constant 16 : i32
    %shift_left3A_1714 = vector.broadcast %shift_left3A_1713 : i32 to vector<128x1024xi32>
    %shift_left3A_1715 = arith.shli %xor3A_1711, %shift_left3A_1714 : vector<128x1024xi32>
    %shift_right_logical3A_1716 = arith.constant 16 : i32
    %shift_right_logical3A_1717 = vector.broadcast %shift_right_logical3A_1716 : i32 to vector<128x1024xi32>
    %shift_right_logical3A_1718 = arith.shrui %xor3A_1711, %shift_right_logical3A_1717 : vector<128x1024xi32>
    %or3A_1719 = arith.ori %shift_left3A_1715, %shift_right_logical3A_1718 : vector<128x1024xi32>
    %xor3A_1720 = arith.xori %or3A_1719, %add3A_1712 : vector<128x1024xi32>
    %add3A_1721 = arith.addi %add3A_1712, %xor3A_1720 : vector<128x1024xi32>
    %shift_left3A_1722 = arith.constant 24 : i32
    %shift_left3A_1723 = vector.broadcast %shift_left3A_1722 : i32 to vector<128x1024xi32>
    %shift_left3A_1724 = arith.shli %xor3A_1720, %shift_left3A_1723 : vector<128x1024xi32>
    %shift_right_logical3A_1725 = arith.constant 8 : i32
    %shift_right_logical3A_1726 = vector.broadcast %shift_right_logical3A_1725 : i32 to vector<128x1024xi32>
    %shift_right_logical3A_1727 = arith.shrui %xor3A_1720, %shift_right_logical3A_1726 : vector<128x1024xi32>
    %or3A_1728 = arith.ori %shift_left3A_1724, %shift_right_logical3A_1727 : vector<128x1024xi32>
    %xor3A_1729 = arith.xori %or3A_1728, %add3A_1721 : vector<128x1024xi32>
    %add3A_1730 = arith.constant 466688989 : i32
    %add3A_1731 = vector.broadcast %add3A_1730 : i32 to vector<128x1024xi32>
    %add3A_1732 = arith.addi %add3A_1721, %add3A_1731 : vector<128x1024xi32>
    %add3A_1733 = arith.constant 2 : i32
    %add3A_1734 = vector.broadcast %add3A_1733 : i32 to vector<128x1024xi32>
    %add3A_1735 = arith.addi %xor3A_1729, %add3A_1734 : vector<128x1024xi32>
    %add3A_1736 = arith.addi %add3A_1732, %add3A_1735 : vector<128x1024xi32>
    %shift_left3A_1737 = arith.constant 13 : i32
    %shift_left3A_1738 = vector.broadcast %shift_left3A_1737 : i32 to vector<128x1024xi32>
    %shift_left3A_1739 = arith.shli %add3A_1735, %shift_left3A_1738 : vector<128x1024xi32>
    %shift_right_logical3A_1740 = arith.constant 19 : i32
    %shift_right_logical3A_1741 = vector.broadcast %shift_right_logical3A_1740 : i32 to vector<128x1024xi32>
    %shift_right_logical3A_1742 = arith.shrui %add3A_1735, %shift_right_logical3A_1741 : vector<128x1024xi32>
    %or3A_1743 = arith.ori %shift_left3A_1739, %shift_right_logical3A_1742 : vector<128x1024xi32>
    %xor3A_1744 = arith.xori %or3A_1743, %add3A_1736 : vector<128x1024xi32>
    %add3A_1745 = arith.addi %add3A_1736, %xor3A_1744 : vector<128x1024xi32>
    %shift_left3A_1746 = arith.constant 15 : i32
    %shift_left3A_1747 = vector.broadcast %shift_left3A_1746 : i32 to vector<128x1024xi32>
    %shift_left3A_1748 = arith.shli %xor3A_1744, %shift_left3A_1747 : vector<128x1024xi32>
    %shift_right_logical3A_1749 = arith.constant 17 : i32
    %shift_right_logical3A_1750 = vector.broadcast %shift_right_logical3A_1749 : i32 to vector<128x1024xi32>
    %shift_right_logical3A_1751 = arith.shrui %xor3A_1744, %shift_right_logical3A_1750 : vector<128x1024xi32>
    %or3A_1752 = arith.ori %shift_left3A_1748, %shift_right_logical3A_1751 : vector<128x1024xi32>
    %xor3A_1753 = arith.xori %or3A_1752, %add3A_1745 : vector<128x1024xi32>
    %add3A_1754 = arith.addi %add3A_1745, %xor3A_1753 : vector<128x1024xi32>
    %shift_left3A_1755 = arith.constant 26 : i32
    %shift_left3A_1756 = vector.broadcast %shift_left3A_1755 : i32 to vector<128x1024xi32>
    %shift_left3A_1757 = arith.shli %xor3A_1753, %shift_left3A_1756 : vector<128x1024xi32>
    %shift_right_logical3A_1758 = arith.constant 6 : i32
    %shift_right_logical3A_1759 = vector.broadcast %shift_right_logical3A_1758 : i32 to vector<128x1024xi32>
    %shift_right_logical3A_1760 = arith.shrui %xor3A_1753, %shift_right_logical3A_1759 : vector<128x1024xi32>
    %or3A_1761 = arith.ori %shift_left3A_1757, %shift_right_logical3A_1760 : vector<128x1024xi32>
    %xor3A_1762 = arith.xori %or3A_1761, %add3A_1754 : vector<128x1024xi32>
    %add3A_1763 = arith.addi %add3A_1754, %xor3A_1762 : vector<128x1024xi32>
    %shift_left3A_1764 = arith.constant 6 : i32
    %shift_left3A_1765 = vector.broadcast %shift_left3A_1764 : i32 to vector<128x1024xi32>
    %shift_left3A_1766 = arith.shli %xor3A_1762, %shift_left3A_1765 : vector<128x1024xi32>
    %shift_right_logical3A_1767 = arith.constant 26 : i32
    %shift_right_logical3A_1768 = vector.broadcast %shift_right_logical3A_1767 : i32 to vector<128x1024xi32>
    %shift_right_logical3A_1769 = arith.shrui %xor3A_1762, %shift_right_logical3A_1768 : vector<128x1024xi32>
    %or3A_1770 = arith.ori %shift_left3A_1766, %shift_right_logical3A_1769 : vector<128x1024xi32>
    %xor3A_1771 = arith.xori %or3A_1770, %add3A_1763 : vector<128x1024xi32>
    %add3A_1772 = arith.constant 10 : i32
    %add3A_1773 = vector.broadcast %add3A_1772 : i32 to vector<128x1024xi32>
    %add3A_1774 = arith.addi %xor3A_1771, %add3A_1773 : vector<128x1024xi32>
    %add3A_1775 = arith.addi %add3A_1763, %add3A_1774 : vector<128x1024xi32>
    %shift_left3A_1776 = arith.constant 17 : i32
    %shift_left3A_1777 = vector.broadcast %shift_left3A_1776 : i32 to vector<128x1024xi32>
    %shift_left3A_1778 = arith.shli %add3A_1774, %shift_left3A_1777 : vector<128x1024xi32>
    %shift_right_logical3A_1779 = arith.constant 15 : i32
    %shift_right_logical3A_1780 = vector.broadcast %shift_right_logical3A_1779 : i32 to vector<128x1024xi32>
    %shift_right_logical3A_1781 = arith.shrui %add3A_1774, %shift_right_logical3A_1780 : vector<128x1024xi32>
    %or3A_1782 = arith.ori %shift_left3A_1778, %shift_right_logical3A_1781 : vector<128x1024xi32>
    %xor3A_1783 = arith.xori %or3A_1782, %add3A_1775 : vector<128x1024xi32>
    %add3A_1784 = arith.addi %add3A_1775, %xor3A_1783 : vector<128x1024xi32>
    %shift_left3A_1785 = arith.constant 29 : i32
    %shift_left3A_1786 = vector.broadcast %shift_left3A_1785 : i32 to vector<128x1024xi32>
    %shift_left3A_1787 = arith.shli %xor3A_1783, %shift_left3A_1786 : vector<128x1024xi32>
    %shift_right_logical3A_1788 = arith.constant 3 : i32
    %shift_right_logical3A_1789 = vector.broadcast %shift_right_logical3A_1788 : i32 to vector<128x1024xi32>
    %shift_right_logical3A_1790 = arith.shrui %xor3A_1783, %shift_right_logical3A_1789 : vector<128x1024xi32>
    %or3A_1791 = arith.ori %shift_left3A_1787, %shift_right_logical3A_1790 : vector<128x1024xi32>
    %xor3A_1792 = arith.xori %or3A_1791, %add3A_1784 : vector<128x1024xi32>
    %add3A_1793 = arith.addi %add3A_1784, %xor3A_1792 : vector<128x1024xi32>
    %shift_left3A_1794 = arith.constant 16 : i32
    %shift_left3A_1795 = vector.broadcast %shift_left3A_1794 : i32 to vector<128x1024xi32>
    %shift_left3A_1796 = arith.shli %xor3A_1792, %shift_left3A_1795 : vector<128x1024xi32>
    %shift_right_logical3A_1797 = arith.constant 16 : i32
    %shift_right_logical3A_1798 = vector.broadcast %shift_right_logical3A_1797 : i32 to vector<128x1024xi32>
    %shift_right_logical3A_1799 = arith.shrui %xor3A_1792, %shift_right_logical3A_1798 : vector<128x1024xi32>
    %or3A_1800 = arith.ori %shift_left3A_1796, %shift_right_logical3A_1799 : vector<128x1024xi32>
    %xor3A_1801 = arith.xori %or3A_1800, %add3A_1793 : vector<128x1024xi32>
    %add3A_1802 = arith.addi %add3A_1793, %xor3A_1801 : vector<128x1024xi32>
    %shift_left3A_1803 = arith.constant 24 : i32
    %shift_left3A_1804 = vector.broadcast %shift_left3A_1803 : i32 to vector<128x1024xi32>
    %shift_left3A_1805 = arith.shli %xor3A_1801, %shift_left3A_1804 : vector<128x1024xi32>
    %shift_right_logical3A_1806 = arith.constant 8 : i32
    %shift_right_logical3A_1807 = vector.broadcast %shift_right_logical3A_1806 : i32 to vector<128x1024xi32>
    %shift_right_logical3A_1808 = arith.shrui %xor3A_1801, %shift_right_logical3A_1807 : vector<128x1024xi32>
    %or3A_1809 = arith.ori %shift_left3A_1805, %shift_right_logical3A_1808 : vector<128x1024xi32>
    %xor3A_1810 = arith.xori %or3A_1809, %add3A_1802 : vector<128x1024xi32>
    %add3A_1811 = arith.constant 7 : i32
    %add3A_1812 = vector.broadcast %add3A_1811 : i32 to vector<128x1024xi32>
    %add3A_1813 = arith.addi %add3A_1802, %add3A_1812 : vector<128x1024xi32>
    %add3A_1814 = arith.constant 466688993 : i32
    %add3A_1815 = vector.broadcast %add3A_1814 : i32 to vector<128x1024xi32>
    %add3A_1816 = arith.addi %xor3A_1810, %add3A_1815 : vector<128x1024xi32>
    %add3A_1817 = arith.addi %add3A_1813, %add3A_1816 : vector<128x1024xi32>
    %shift_left3A_1818 = arith.constant 13 : i32
    %shift_left3A_1819 = vector.broadcast %shift_left3A_1818 : i32 to vector<128x1024xi32>
    %shift_left3A_1820 = arith.shli %add3A_1816, %shift_left3A_1819 : vector<128x1024xi32>
    %shift_right_logical3A_1821 = arith.constant 19 : i32
    %shift_right_logical3A_1822 = vector.broadcast %shift_right_logical3A_1821 : i32 to vector<128x1024xi32>
    %shift_right_logical3A_1823 = arith.shrui %add3A_1816, %shift_right_logical3A_1822 : vector<128x1024xi32>
    %or3A_1824 = arith.ori %shift_left3A_1820, %shift_right_logical3A_1823 : vector<128x1024xi32>
    %xor3A_1825 = arith.xori %or3A_1824, %add3A_1817 : vector<128x1024xi32>
    %add3A_1826 = arith.addi %add3A_1817, %xor3A_1825 : vector<128x1024xi32>
    %shift_left3A_1827 = arith.constant 15 : i32
    %shift_left3A_1828 = vector.broadcast %shift_left3A_1827 : i32 to vector<128x1024xi32>
    %shift_left3A_1829 = arith.shli %xor3A_1825, %shift_left3A_1828 : vector<128x1024xi32>
    %shift_right_logical3A_1830 = arith.constant 17 : i32
    %shift_right_logical3A_1831 = vector.broadcast %shift_right_logical3A_1830 : i32 to vector<128x1024xi32>
    %shift_right_logical3A_1832 = arith.shrui %xor3A_1825, %shift_right_logical3A_1831 : vector<128x1024xi32>
    %or3A_1833 = arith.ori %shift_left3A_1829, %shift_right_logical3A_1832 : vector<128x1024xi32>
    %xor3A_1834 = arith.xori %or3A_1833, %add3A_1826 : vector<128x1024xi32>
    %add3A_1835 = arith.addi %add3A_1826, %xor3A_1834 : vector<128x1024xi32>
    %shift_left3A_1836 = arith.constant 26 : i32
    %shift_left3A_1837 = vector.broadcast %shift_left3A_1836 : i32 to vector<128x1024xi32>
    %shift_left3A_1838 = arith.shli %xor3A_1834, %shift_left3A_1837 : vector<128x1024xi32>
    %shift_right_logical3A_1839 = arith.constant 6 : i32
    %shift_right_logical3A_1840 = vector.broadcast %shift_right_logical3A_1839 : i32 to vector<128x1024xi32>
    %shift_right_logical3A_1841 = arith.shrui %xor3A_1834, %shift_right_logical3A_1840 : vector<128x1024xi32>
    %or3A_1842 = arith.ori %shift_left3A_1838, %shift_right_logical3A_1841 : vector<128x1024xi32>
    %xor3A_1843 = arith.xori %or3A_1842, %add3A_1835 : vector<128x1024xi32>
    %add3A_1844 = arith.addi %add3A_1835, %xor3A_1843 : vector<128x1024xi32>
    %shift_left3A_1845 = arith.constant 6 : i32
    %shift_left3A_1846 = vector.broadcast %shift_left3A_1845 : i32 to vector<128x1024xi32>
    %shift_left3A_1847 = arith.shli %xor3A_1843, %shift_left3A_1846 : vector<128x1024xi32>
    %shift_right_logical3A_1848 = arith.constant 26 : i32
    %shift_right_logical3A_1849 = vector.broadcast %shift_right_logical3A_1848 : i32 to vector<128x1024xi32>
    %shift_right_logical3A_1850 = arith.shrui %xor3A_1843, %shift_right_logical3A_1849 : vector<128x1024xi32>
    %or3A_1851 = arith.ori %shift_left3A_1847, %shift_right_logical3A_1850 : vector<128x1024xi32>
    %xor3A_1852 = arith.xori %or3A_1851, %add3A_1844 : vector<128x1024xi32>
    %add3A_1853 = arith.constant 466688989 : i32
    %add3A_1854 = vector.broadcast %add3A_1853 : i32 to vector<128x1024xi32>
    %add3A_1855 = arith.addi %add3A_1844, %add3A_1854 : vector<128x1024xi32>
    %add3A_1856 = arith.constant 5 : i32
    %add3A_1857 = vector.broadcast %add3A_1856 : i32 to vector<128x1024xi32>
    %add3A_1858 = arith.addi %xor3A_1852, %add3A_1857 : vector<128x1024xi32>
    %xor3A_1859 = arith.xori %add3A_1855, %add3A_1858 : vector<128x1024xi32>
    %get3A_1860 = arith.constant 7 : index
    %get3A_1861 = arith.constant 0 : index
    %get3A_1862 = vector.load %arg1[%get3A_1860, %get3A_1861] : memref<8x1024xf32, #tpu.memory_space<vmem>>, vector<1x1024xf32>
    %shift_right_logical3A_1863 = arith.constant 9 : i32
    %shift_right_logical3A_1864 = vector.broadcast %shift_right_logical3A_1863 : i32 to vector<128x1024xi32>
    %shift_right_logical3A_1865 = arith.shrui %xor3A_1859, %shift_right_logical3A_1864 : vector<128x1024xi32>
    %or3A_1866 = arith.constant 1065353216 : i32
    %or3A_1867 = vector.broadcast %or3A_1866 : i32 to vector<128x1024xi32>
    %or3A_1868 = arith.ori %shift_right_logical3A_1865, %or3A_1867 : vector<128x1024xi32>
    %bitcast_convert_type3A_1869 = tpu.bitcast %or3A_1868 : vector<128x1024xi32> -> vector<128x1024xf32>
    %sub3A_1870 = arith.constant 1.000000e+00 : f32
    %sub3A_1871 = vector.broadcast %sub3A_1870 : f32 to vector<128x1024xf32>
    %sub3A_1872 = arith.subf %bitcast_convert_type3A_1869, %sub3A_1871 : vector<128x1024xf32>
    %log3A_1873 = math.log %sub3A_1872 : vector<128x1024xf32>
    %mul3A_1874 = vector.broadcast %get3A_1862 : vector<1x1024xf32> to vector<128x1024xf32>
    %mul3A_1875 = arith.mulf %log3A_1873, %mul3A_1874 : vector<128x1024xf32>
    %lt3A_1876 = arith.cmpf olt, %mul3A_1875, %select_n3A_1642 : vector<128x1024xf32>
    %select_n3A_1877 = arith.select %lt3A_1876, %mul3A_1875, %select_n3A_1642 : vector<128x1024xi1>, vector<128x1024xf32>
    %add3A_1878 = arith.constant 7168 : i32
    %add3A_1879 = vector.broadcast %add3A_1878 : i32 to vector<128x1024xi32>
    %add3A_1880 = arith.addi %add3A_1879, %iota3A_0 : vector<128x1024xi32>
    %select_n3A_1881 = arith.select %lt3A_1876, %add3A_1880, %select_n3A_1646 : vector<128x1024xi1>, vector<128x1024xi32>
    %reduce_min3A = arith.constant dense<0x7F800000> : vector<128xf32>
    %reduce_min3A_1882 = vector.multi_reduction <minimumf>, %select_n3A_1877, %reduce_min3A [1] : vector<128x1024xf32> to vector<128xf32>
    %broadcast_in_dim3A_1883 = vector.shape_cast %reduce_min3A_1882 : vector<128xf32> to vector<128x1xf32>
    %eq3A = vector.broadcast %broadcast_in_dim3A_1883 : vector<128x1xf32> to vector<128x1024xf32>
    %eq3A_1884 = arith.cmpf oeq, %select_n3A_1877, %eq3A : vector<128x1024xf32>
    %jit3A = arith.constant 8192 : i32
    %broadcast_in_dim3A_1885 = vector.broadcast %jit3A : i32 to vector<128x1024xi32>
    %select_n3A_1886 = arith.select %eq3A_1884, %select_n3A_1881, %broadcast_in_dim3A_1885 : vector<128x1024xi1>, vector<128x1024xi32>
    %reduce_min3A_1887 = arith.constant dense<2147483647> : vector<128xi32>
    %reduce_min3A_1888 = vector.multi_reduction <minsi>, %select_n3A_1886, %reduce_min3A_1887 [1] : vector<128x1024xi32> to vector<128xi32>
    %broadcast_in_dim3A_1889 = vector.shape_cast %reduce_min3A_1888 : vector<128xi32> to vector<128x1xi32>
    %reshape3A = vector.shape_cast %broadcast_in_dim3A_1889 : vector<128x1xi32> to vector<1x128x1xi32>
    %swap3A = arith.constant 0 : index
    %swap3A_1890 = arith.constant 0 : index
    %swap3A_1891 = arith.constant 0 : index
    %swap3A_1892 = vector.load %arg2[%swap3A, %swap3A_1890, %swap3A_1891] : memref<1x128x1xi32, #tpu.memory_space<vmem>>, vector<1x128x1xi32>
    tpu.vector_store %arg2[%swap3A, %swap3A_1890, %swap3A_1891], %reshape3A {strides = array<i32>} : memref<1x128x1xi32, #tpu.memory_space<vmem>>, vector<1x128x1xi32>,
    return
  }
  func.func @transform_0(%arg0: i32) -> (i32, i32) {
    %c0_i32 = arith.constant 0 : i32
    %c0_i32_0 = arith.constant 0 : i32
    %c0_i32_1 = arith.constant 0 : i32
    return %c0_i32, %c0_i32_0 : i32, i32
  }
  func.func @transform_1(%arg0: i32) -> (i32, i32, i32) {
    %c0_i32 = arith.constant 0 : i32
    %c0_i32_0 = arith.constant 0 : i32
    %c0_i32_1 = arith.constant 0 : i32
    return %arg0, %c0_i32, %c0_i32_0 : i32, i32, i32
  }
}

module attributes {stable_mosaic.version = 14 : i64} {
  func.func @_sample_light_body(%arg0: i32, %arg1: memref<128x8192xi32, #tpu.memory_space<vmem>>, %arg2: memref<8x1024xf32, #tpu.memory_space<vmem>>, %arg3: memref<1x128x1xi32, #tpu.memory_space<vmem>>) attributes {dimension_semantics = [#tpu.dimension_semantics<arbitrary>], iteration_bounds = array<i64: 18>, scalar_prefetch = 0 : i64, scratch_operands = 0 : i64, tpu.core_type = #tpu.core_type<tc>, window_params = [{transform_indices = @transform_0, window_bounds = array<i64: 128, 8192>}, {pipeline_mode = #tpu.pipeline_mode<synchronous>, transform_indices = @transform_1, window_bounds = array<i64: 8, 1024>}, {transform_indices = @transform_2, window_bounds = array<i64: 1, 128, 1>}]} {
    %iota3A = tpu.iota {dimensions = array<i32: 1>} : vector<128x1024xi32>
    %broadcast_in_dim3A = arith.constant 0x7F800000 : f32
    %broadcast_in_dim3A_0 = vector.broadcast %broadcast_in_dim3A : f32 to vector<128x1024xf32>
    %broadcast_in_dim3A_1 = arith.constant 0 : i32
    %broadcast_in_dim3A_2 = vector.broadcast %broadcast_in_dim3A_1 : i32 to vector<128x1024xi32>
    %get3A = arith.constant 0 : index
    %get3A_3 = arith.constant 0 : index
    %get3A_4 = vector.load %arg1[%get3A, %get3A_3] : memref<128x8192xi32, #tpu.memory_space<vmem>>, vector<128x1024xi32>
    %get3A_5 = arith.constant 0 : index
    %get3A_6 = arith.constant 0 : index
    %get3A_7 = vector.load %arg2[%get3A_5, %get3A_6] : memref<8x1024xf32, #tpu.memory_space<vmem>>, vector<1x1024xf32>
    %shift_right_logical3A = arith.constant 9 : i32
    %shift_right_logical3A_8 = vector.broadcast %shift_right_logical3A : i32 to vector<128x1024xi32>
    %shift_right_logical3A_9 = arith.shrui %get3A_4, %shift_right_logical3A_8 : vector<128x1024xi32>
    %or3A = arith.constant 1065353216 : i32
    %or3A_10 = vector.broadcast %or3A : i32 to vector<128x1024xi32>
    %or3A_11 = arith.ori %shift_right_logical3A_9, %or3A_10 : vector<128x1024xi32>
    %bitcast_convert_type3A = tpu.bitcast %or3A_11 : vector<128x1024xi32> -> vector<128x1024xf32>
    %sub3A = arith.constant 1.000000e+00 : f32
    %sub3A_12 = vector.broadcast %sub3A : f32 to vector<128x1024xf32>
    %sub3A_13 = arith.subf %bitcast_convert_type3A, %sub3A_12 : vector<128x1024xf32>
    %log3A = math.log %sub3A_13 : vector<128x1024xf32>
    %mul3A = vector.broadcast %get3A_7 : vector<1x1024xf32> to vector<128x1024xf32>
    %mul3A_14 = arith.mulf %log3A, %mul3A : vector<128x1024xf32>
    %lt3A = arith.cmpf olt, %mul3A_14, %broadcast_in_dim3A_0 : vector<128x1024xf32>
    %select_n3A = arith.select %lt3A, %mul3A_14, %broadcast_in_dim3A_0 : vector<128x1024xi1>, vector<128x1024xf32>
    %add3A = arith.constant 0 : i32
    %add3A_15 = vector.broadcast %add3A : i32 to vector<128x1024xi32>
    %add3A_16 = arith.addi %add3A_15, %iota3A : vector<128x1024xi32>
    %select_n3A_17 = arith.select %lt3A, %add3A_16, %broadcast_in_dim3A_2 : vector<128x1024xi1>, vector<128x1024xi32>
    %get3A_18 = arith.constant 0 : index
    %get3A_19 = arith.constant 1024 : index
    %get3A_20 = vector.load %arg1[%get3A_18, %get3A_19] : memref<128x8192xi32, #tpu.memory_space<vmem>>, vector<128x1024xi32>
    %get3A_21 = arith.constant 1 : index
    %get3A_22 = arith.constant 0 : index
    %get3A_23 = vector.load %arg2[%get3A_21, %get3A_22] : memref<8x1024xf32, #tpu.memory_space<vmem>>, vector<1x1024xf32>
    %shift_right_logical3A_24 = arith.constant 9 : i32
    %shift_right_logical3A_25 = vector.broadcast %shift_right_logical3A_24 : i32 to vector<128x1024xi32>
    %shift_right_logical3A_26 = arith.shrui %get3A_20, %shift_right_logical3A_25 : vector<128x1024xi32>
    %or3A_27 = arith.constant 1065353216 : i32
    %or3A_28 = vector.broadcast %or3A_27 : i32 to vector<128x1024xi32>
    %or3A_29 = arith.ori %shift_right_logical3A_26, %or3A_28 : vector<128x1024xi32>
    %bitcast_convert_type3A_30 = tpu.bitcast %or3A_29 : vector<128x1024xi32> -> vector<128x1024xf32>
    %sub3A_31 = arith.constant 1.000000e+00 : f32
    %sub3A_32 = vector.broadcast %sub3A_31 : f32 to vector<128x1024xf32>
    %sub3A_33 = arith.subf %bitcast_convert_type3A_30, %sub3A_32 : vector<128x1024xf32>
    %log3A_34 = math.log %sub3A_33 : vector<128x1024xf32>
    %mul3A_35 = vector.broadcast %get3A_23 : vector<1x1024xf32> to vector<128x1024xf32>
    %mul3A_36 = arith.mulf %log3A_34, %mul3A_35 : vector<128x1024xf32>
    %lt3A_37 = arith.cmpf olt, %mul3A_36, %select_n3A : vector<128x1024xf32>
    %select_n3A_38 = arith.select %lt3A_37, %mul3A_36, %select_n3A : vector<128x1024xi1>, vector<128x1024xf32>
    %add3A_39 = arith.constant 1024 : i32
    %add3A_40 = vector.broadcast %add3A_39 : i32 to vector<128x1024xi32>
    %add3A_41 = arith.addi %add3A_40, %iota3A : vector<128x1024xi32>
    %select_n3A_42 = arith.select %lt3A_37, %add3A_41, %select_n3A_17 : vector<128x1024xi1>, vector<128x1024xi32>
    %get3A_43 = arith.constant 0 : index
    %get3A_44 = arith.constant 2048 : index
    %get3A_45 = vector.load %arg1[%get3A_43, %get3A_44] : memref<128x8192xi32, #tpu.memory_space<vmem>>, vector<128x1024xi32>
    %get3A_46 = arith.constant 2 : index
    %get3A_47 = arith.constant 0 : index
    %get3A_48 = vector.load %arg2[%get3A_46, %get3A_47] : memref<8x1024xf32, #tpu.memory_space<vmem>>, vector<1x1024xf32>
    %shift_right_logical3A_49 = arith.constant 9 : i32
    %shift_right_logical3A_50 = vector.broadcast %shift_right_logical3A_49 : i32 to vector<128x1024xi32>
    %shift_right_logical3A_51 = arith.shrui %get3A_45, %shift_right_logical3A_50 : vector<128x1024xi32>
    %or3A_52 = arith.constant 1065353216 : i32
    %or3A_53 = vector.broadcast %or3A_52 : i32 to vector<128x1024xi32>
    %or3A_54 = arith.ori %shift_right_logical3A_51, %or3A_53 : vector<128x1024xi32>
    %bitcast_convert_type3A_55 = tpu.bitcast %or3A_54 : vector<128x1024xi32> -> vector<128x1024xf32>
    %sub3A_56 = arith.constant 1.000000e+00 : f32
    %sub3A_57 = vector.broadcast %sub3A_56 : f32 to vector<128x1024xf32>
    %sub3A_58 = arith.subf %bitcast_convert_type3A_55, %sub3A_57 : vector<128x1024xf32>
    %log3A_59 = math.log %sub3A_58 : vector<128x1024xf32>
    %mul3A_60 = vector.broadcast %get3A_48 : vector<1x1024xf32> to vector<128x1024xf32>
    %mul3A_61 = arith.mulf %log3A_59, %mul3A_60 : vector<128x1024xf32>
    %lt3A_62 = arith.cmpf olt, %mul3A_61, %select_n3A_38 : vector<128x1024xf32>
    %select_n3A_63 = arith.select %lt3A_62, %mul3A_61, %select_n3A_38 : vector<128x1024xi1>, vector<128x1024xf32>
    %add3A_64 = arith.constant 2048 : i32
    %add3A_65 = vector.broadcast %add3A_64 : i32 to vector<128x1024xi32>
    %add3A_66 = arith.addi %add3A_65, %iota3A : vector<128x1024xi32>
    %select_n3A_67 = arith.select %lt3A_62, %add3A_66, %select_n3A_42 : vector<128x1024xi1>, vector<128x1024xi32>
    %get3A_68 = arith.constant 0 : index
    %get3A_69 = arith.constant 3072 : index
    %get3A_70 = vector.load %arg1[%get3A_68, %get3A_69] : memref<128x8192xi32, #tpu.memory_space<vmem>>, vector<128x1024xi32>
    %get3A_71 = arith.constant 3 : index
    %get3A_72 = arith.constant 0 : index
    %get3A_73 = vector.load %arg2[%get3A_71, %get3A_72] : memref<8x1024xf32, #tpu.memory_space<vmem>>, vector<1x1024xf32>
    %shift_right_logical3A_74 = arith.constant 9 : i32
    %shift_right_logical3A_75 = vector.broadcast %shift_right_logical3A_74 : i32 to vector<128x1024xi32>
    %shift_right_logical3A_76 = arith.shrui %get3A_70, %shift_right_logical3A_75 : vector<128x1024xi32>
    %or3A_77 = arith.constant 1065353216 : i32
    %or3A_78 = vector.broadcast %or3A_77 : i32 to vector<128x1024xi32>
    %or3A_79 = arith.ori %shift_right_logical3A_76, %or3A_78 : vector<128x1024xi32>
    %bitcast_convert_type3A_80 = tpu.bitcast %or3A_79 : vector<128x1024xi32> -> vector<128x1024xf32>
    %sub3A_81 = arith.constant 1.000000e+00 : f32
    %sub3A_82 = vector.broadcast %sub3A_81 : f32 to vector<128x1024xf32>
    %sub3A_83 = arith.subf %bitcast_convert_type3A_80, %sub3A_82 : vector<128x1024xf32>
    %log3A_84 = math.log %sub3A_83 : vector<128x1024xf32>
    %mul3A_85 = vector.broadcast %get3A_73 : vector<1x1024xf32> to vector<128x1024xf32>
    %mul3A_86 = arith.mulf %log3A_84, %mul3A_85 : vector<128x1024xf32>
    %lt3A_87 = arith.cmpf olt, %mul3A_86, %select_n3A_63 : vector<128x1024xf32>
    %select_n3A_88 = arith.select %lt3A_87, %mul3A_86, %select_n3A_63 : vector<128x1024xi1>, vector<128x1024xf32>
    %add3A_89 = arith.constant 3072 : i32
    %add3A_90 = vector.broadcast %add3A_89 : i32 to vector<128x1024xi32>
    %add3A_91 = arith.addi %add3A_90, %iota3A : vector<128x1024xi32>
    %select_n3A_92 = arith.select %lt3A_87, %add3A_91, %select_n3A_67 : vector<128x1024xi1>, vector<128x1024xi32>
    %get3A_93 = arith.constant 0 : index
    %get3A_94 = arith.constant 4096 : index
    %get3A_95 = vector.load %arg1[%get3A_93, %get3A_94] : memref<128x8192xi32, #tpu.memory_space<vmem>>, vector<128x1024xi32>
    %get3A_96 = arith.constant 4 : index
    %get3A_97 = arith.constant 0 : index
    %get3A_98 = vector.load %arg2[%get3A_96, %get3A_97] : memref<8x1024xf32, #tpu.memory_space<vmem>>, vector<1x1024xf32>
    %shift_right_logical3A_99 = arith.constant 9 : i32
    %shift_right_logical3A_100 = vector.broadcast %shift_right_logical3A_99 : i32 to vector<128x1024xi32>
    %shift_right_logical3A_101 = arith.shrui %get3A_95, %shift_right_logical3A_100 : vector<128x1024xi32>
    %or3A_102 = arith.constant 1065353216 : i32
    %or3A_103 = vector.broadcast %or3A_102 : i32 to vector<128x1024xi32>
    %or3A_104 = arith.ori %shift_right_logical3A_101, %or3A_103 : vector<128x1024xi32>
    %bitcast_convert_type3A_105 = tpu.bitcast %or3A_104 : vector<128x1024xi32> -> vector<128x1024xf32>
    %sub3A_106 = arith.constant 1.000000e+00 : f32
    %sub3A_107 = vector.broadcast %sub3A_106 : f32 to vector<128x1024xf32>
    %sub3A_108 = arith.subf %bitcast_convert_type3A_105, %sub3A_107 : vector<128x1024xf32>
    %log3A_109 = math.log %sub3A_108 : vector<128x1024xf32>
    %mul3A_110 = vector.broadcast %get3A_98 : vector<1x1024xf32> to vector<128x1024xf32>
    %mul3A_111 = arith.mulf %log3A_109, %mul3A_110 : vector<128x1024xf32>
    %lt3A_112 = arith.cmpf olt, %mul3A_111, %select_n3A_88 : vector<128x1024xf32>
    %select_n3A_113 = arith.select %lt3A_112, %mul3A_111, %select_n3A_88 : vector<128x1024xi1>, vector<128x1024xf32>
    %add3A_114 = arith.constant 4096 : i32
    %add3A_115 = vector.broadcast %add3A_114 : i32 to vector<128x1024xi32>
    %add3A_116 = arith.addi %add3A_115, %iota3A : vector<128x1024xi32>
    %select_n3A_117 = arith.select %lt3A_112, %add3A_116, %select_n3A_92 : vector<128x1024xi1>, vector<128x1024xi32>
    %get3A_118 = arith.constant 0 : index
    %get3A_119 = arith.constant 5120 : index
    %get3A_120 = vector.load %arg1[%get3A_118, %get3A_119] : memref<128x8192xi32, #tpu.memory_space<vmem>>, vector<128x1024xi32>
    %get3A_121 = arith.constant 5 : index
    %get3A_122 = arith.constant 0 : index
    %get3A_123 = vector.load %arg2[%get3A_121, %get3A_122] : memref<8x1024xf32, #tpu.memory_space<vmem>>, vector<1x1024xf32>
    %shift_right_logical3A_124 = arith.constant 9 : i32
    %shift_right_logical3A_125 = vector.broadcast %shift_right_logical3A_124 : i32 to vector<128x1024xi32>
    %shift_right_logical3A_126 = arith.shrui %get3A_120, %shift_right_logical3A_125 : vector<128x1024xi32>
    %or3A_127 = arith.constant 1065353216 : i32
    %or3A_128 = vector.broadcast %or3A_127 : i32 to vector<128x1024xi32>
    %or3A_129 = arith.ori %shift_right_logical3A_126, %or3A_128 : vector<128x1024xi32>
    %bitcast_convert_type3A_130 = tpu.bitcast %or3A_129 : vector<128x1024xi32> -> vector<128x1024xf32>
    %sub3A_131 = arith.constant 1.000000e+00 : f32
    %sub3A_132 = vector.broadcast %sub3A_131 : f32 to vector<128x1024xf32>
    %sub3A_133 = arith.subf %bitcast_convert_type3A_130, %sub3A_132 : vector<128x1024xf32>
    %log3A_134 = math.log %sub3A_133 : vector<128x1024xf32>
    %mul3A_135 = vector.broadcast %get3A_123 : vector<1x1024xf32> to vector<128x1024xf32>
    %mul3A_136 = arith.mulf %log3A_134, %mul3A_135 : vector<128x1024xf32>
    %lt3A_137 = arith.cmpf olt, %mul3A_136, %select_n3A_113 : vector<128x1024xf32>
    %select_n3A_138 = arith.select %lt3A_137, %mul3A_136, %select_n3A_113 : vector<128x1024xi1>, vector<128x1024xf32>
    %add3A_139 = arith.constant 5120 : i32
    %add3A_140 = vector.broadcast %add3A_139 : i32 to vector<128x1024xi32>
    %add3A_141 = arith.addi %add3A_140, %iota3A : vector<128x1024xi32>
    %select_n3A_142 = arith.select %lt3A_137, %add3A_141, %select_n3A_117 : vector<128x1024xi1>, vector<128x1024xi32>
    %get3A_143 = arith.constant 0 : index
    %get3A_144 = arith.constant 6144 : index
    %get3A_145 = vector.load %arg1[%get3A_143, %get3A_144] : memref<128x8192xi32, #tpu.memory_space<vmem>>, vector<128x1024xi32>
    %get3A_146 = arith.constant 6 : index
    %get3A_147 = arith.constant 0 : index
    %get3A_148 = vector.load %arg2[%get3A_146, %get3A_147] : memref<8x1024xf32, #tpu.memory_space<vmem>>, vector<1x1024xf32>
    %shift_right_logical3A_149 = arith.constant 9 : i32
    %shift_right_logical3A_150 = vector.broadcast %shift_right_logical3A_149 : i32 to vector<128x1024xi32>
    %shift_right_logical3A_151 = arith.shrui %get3A_145, %shift_right_logical3A_150 : vector<128x1024xi32>
    %or3A_152 = arith.constant 1065353216 : i32
    %or3A_153 = vector.broadcast %or3A_152 : i32 to vector<128x1024xi32>
    %or3A_154 = arith.ori %shift_right_logical3A_151, %or3A_153 : vector<128x1024xi32>
    %bitcast_convert_type3A_155 = tpu.bitcast %or3A_154 : vector<128x1024xi32> -> vector<128x1024xf32>
    %sub3A_156 = arith.constant 1.000000e+00 : f32
    %sub3A_157 = vector.broadcast %sub3A_156 : f32 to vector<128x1024xf32>
    %sub3A_158 = arith.subf %bitcast_convert_type3A_155, %sub3A_157 : vector<128x1024xf32>
    %log3A_159 = math.log %sub3A_158 : vector<128x1024xf32>
    %mul3A_160 = vector.broadcast %get3A_148 : vector<1x1024xf32> to vector<128x1024xf32>
    %mul3A_161 = arith.mulf %log3A_159, %mul3A_160 : vector<128x1024xf32>
    %lt3A_162 = arith.cmpf olt, %mul3A_161, %select_n3A_138 : vector<128x1024xf32>
    %select_n3A_163 = arith.select %lt3A_162, %mul3A_161, %select_n3A_138 : vector<128x1024xi1>, vector<128x1024xf32>
    %add3A_164 = arith.constant 6144 : i32
    %add3A_165 = vector.broadcast %add3A_164 : i32 to vector<128x1024xi32>
    %add3A_166 = arith.addi %add3A_165, %iota3A : vector<128x1024xi32>
    %select_n3A_167 = arith.select %lt3A_162, %add3A_166, %select_n3A_142 : vector<128x1024xi1>, vector<128x1024xi32>
    %get3A_168 = arith.constant 0 : index
    %get3A_169 = arith.constant 7168 : index
    %get3A_170 = vector.load %arg1[%get3A_168, %get3A_169] : memref<128x8192xi32, #tpu.memory_space<vmem>>, vector<128x1024xi32>
    %get3A_171 = arith.constant 7 : index
    %get3A_172 = arith.constant 0 : index
    %get3A_173 = vector.load %arg2[%get3A_171, %get3A_172] : memref<8x1024xf32, #tpu.memory_space<vmem>>, vector<1x1024xf32>
    %shift_right_logical3A_174 = arith.constant 9 : i32
    %shift_right_logical3A_175 = vector.broadcast %shift_right_logical3A_174 : i32 to vector<128x1024xi32>
    %shift_right_logical3A_176 = arith.shrui %get3A_170, %shift_right_logical3A_175 : vector<128x1024xi32>
    %or3A_177 = arith.constant 1065353216 : i32
    %or3A_178 = vector.broadcast %or3A_177 : i32 to vector<128x1024xi32>
    %or3A_179 = arith.ori %shift_right_logical3A_176, %or3A_178 : vector<128x1024xi32>
    %bitcast_convert_type3A_180 = tpu.bitcast %or3A_179 : vector<128x1024xi32> -> vector<128x1024xf32>
    %sub3A_181 = arith.constant 1.000000e+00 : f32
    %sub3A_182 = vector.broadcast %sub3A_181 : f32 to vector<128x1024xf32>
    %sub3A_183 = arith.subf %bitcast_convert_type3A_180, %sub3A_182 : vector<128x1024xf32>
    %log3A_184 = math.log %sub3A_183 : vector<128x1024xf32>
    %mul3A_185 = vector.broadcast %get3A_173 : vector<1x1024xf32> to vector<128x1024xf32>
    %mul3A_186 = arith.mulf %log3A_184, %mul3A_185 : vector<128x1024xf32>
    %lt3A_187 = arith.cmpf olt, %mul3A_186, %select_n3A_163 : vector<128x1024xf32>
    %select_n3A_188 = arith.select %lt3A_187, %mul3A_186, %select_n3A_163 : vector<128x1024xi1>, vector<128x1024xf32>
    %add3A_189 = arith.constant 7168 : i32
    %add3A_190 = vector.broadcast %add3A_189 : i32 to vector<128x1024xi32>
    %add3A_191 = arith.addi %add3A_190, %iota3A : vector<128x1024xi32>
    %select_n3A_192 = arith.select %lt3A_187, %add3A_191, %select_n3A_167 : vector<128x1024xi1>, vector<128x1024xi32>
    %reduce_min3A = arith.constant dense<0x7F800000> : vector<128xf32>
    %reduce_min3A_193 = vector.multi_reduction <minimumf>, %select_n3A_188, %reduce_min3A [1] : vector<128x1024xf32> to vector<128xf32>
    %broadcast_in_dim3A_194 = vector.shape_cast %reduce_min3A_193 : vector<128xf32> to vector<128x1xf32>
    %eq3A = vector.broadcast %broadcast_in_dim3A_194 : vector<128x1xf32> to vector<128x1024xf32>
    %eq3A_195 = arith.cmpf oeq, %select_n3A_188, %eq3A : vector<128x1024xf32>
    %jit3A = arith.constant 8192 : i32
    %broadcast_in_dim3A_196 = vector.broadcast %jit3A : i32 to vector<128x1024xi32>
    %select_n3A_197 = arith.select %eq3A_195, %select_n3A_192, %broadcast_in_dim3A_196 : vector<128x1024xi1>, vector<128x1024xi32>
    %reduce_min3A_198 = arith.constant dense<2147483647> : vector<128xi32>
    %reduce_min3A_199 = vector.multi_reduction <minsi>, %select_n3A_197, %reduce_min3A_198 [1] : vector<128x1024xi32> to vector<128xi32>
    %broadcast_in_dim3A_200 = vector.shape_cast %reduce_min3A_199 : vector<128xi32> to vector<128x1xi32>
    %reshape3A = vector.shape_cast %broadcast_in_dim3A_200 : vector<128x1xi32> to vector<1x128x1xi32>
    %swap3A = arith.constant 0 : index
    %swap3A_201 = arith.constant 0 : index
    %swap3A_202 = arith.constant 0 : index
    %swap3A_203 = vector.load %arg3[%swap3A, %swap3A_201, %swap3A_202] : memref<1x128x1xi32, #tpu.memory_space<vmem>>, vector<1x128x1xi32>
    tpu.vector_store %arg3[%swap3A, %swap3A_201, %swap3A_202], %reshape3A {strides = array<i32>} : memref<1x128x1xi32, #tpu.memory_space<vmem>>, vector<1x128x1xi32>,
    return
  }
  func.func @transform_0(%arg0: i32) -> (i32, i32) {
    %c0_i32 = arith.constant 0 : i32
    %c0_i32_0 = arith.constant 0 : i32
    return %arg0, %c0_i32 : i32, i32
  }
  func.func @transform_1(%arg0: i32) -> (i32, i32) {
    %c0_i32 = arith.constant 0 : i32
    %c0_i32_0 = arith.constant 0 : i32
    %c0_i32_1 = arith.constant 0 : i32
    return %c0_i32, %c0_i32_0 : i32, i32
  }
  func.func @transform_2(%arg0: i32) -> (i32, i32, i32) {
    %c0_i32 = arith.constant 0 : i32
    %c0_i32_0 = arith.constant 0 : i32
    %c0_i32_1 = arith.constant 0 : i32
    return %arg0, %c0_i32, %c0_i32_0 : i32, i32, i32
  }
}

</mosaic_0001>

<sc_bundles>
// kernel: kernel.11.cloned.1.call-start
scs
__scs_entry_jumppad:
0x0: {  	(pc) =	sbr.rel $0x88, $3  }
0x1: {  	(tag) =	ssettag $0x0;
	lr =	simm.s32 $0x1  }
0x2: {  	[smem:$0x3F95] =	sst lr;
	_ =	strace $0xD0000000  }
0x3: {  	_ = 	snop  }
0x4: {  	_ = 	snop  }
0x5: {  	_ = 	snop  }
0x6: {  	_ = 	snop  }
0x7: {  	_ = 	snop  }
__scs_overlays_trampoline_lowered:
0x8: {  	[smem:$0x3FA4] =	sst s0  }
0x9: {  	[smem:$0x3FA5] =	sst s1  }
0xa: {  	[smem:$0x3FA6] =	sst s2  }
0xb: {  	[smem:$0x3FA7] =	sst s3  }
0xc: {  	[smem:$0x3FA8] =	sst s4  }
0xd: {  	[smem:$0x3FA9] =	sst s5  }
0xe: {  	[smem:$0x3FAA] =	sst s6  }
0xf: {  	[smem:$0x3FAB] =	sst s7  }
0x10: {  	[smem:$0x3FAC] =	sst s8  }
0x11: {  	[smem:$0x3FAD] =	sst s9;
	s0 =	simm.s32 @!p0 $0x0  }
0x12: {  	s1 =	sld [smem:$0x3F93];
	s0 =	simm.s32 @p0 $0x1  }
0x13: {  	[smem:$0x3FAE] =	sst s0;
	s0 =	simm.s32 @!p1 $0x0  }
0x14: {  	s2 =	sld [smem:$0x3F92];
	s0 =	simm.s32 @p1 $0x1  }
0x15: {  	[smem:$0x3FAF] =	sst s0;
	s0 =	simm.s32 @!p2 $0x0  }
0x16: {  	s3 =	sld [smem:$0x3FDB];
	s0 =	simm.s32 @p2 $0x1  }
0x17: {  	s4 =	simm.s32 $0x1BF5;
	[smem:$0x3FB1] =	sst s0  }
0x18: {  	s0 =	sld [smem:$0x3F94];
	_ =	swait.ge [sflag:s4], $0x0  }
0x19: {  	s7 =	sld [smem:$0x3F95]  }
0x1a: {  	s8 =	sadd.s32 $0xFFFFE003, lr  }
0x1b: {  	s9 =	sadd.s32 $0xFFFFFEF7, lr;
	s5 =	simm.s32 $0xFFFFFFFF;
	p2 =	slt.u32 s8, $0xFFFFF086  }
0x1c: {  	p1 =	slt.u32 s9, $0xF7A;
	s5 =	simm.s32 @!p2 $0x0  }
0x1d: {  	s5 =	simm.s32 @p1 $0x1;
	p0 =	seq.s32 s7, s2  }
0x1e: {  	s7 =	smul.u32 @!p0 $0xF7A, s2;
	p2 =	seq.s32 @!p0 s5, $0x0  }
0x1f: {  	s9 =	smul.u32 $0xF7A, s1;
	s8 =	simm.s32 @!p0 $0x1BF5;
	p2 =	por !p2, p0  }
0x20: {  	[sflag:s8] =	ssyncset.s32 @!p0 $0xFFFFF086;
	s6 =	sadd.s32 @!p0 s3, s7;
	s7 =	simm.s32 @!p0 $0x108  }
0x21: {  	s3 =	sadd.s32 s3, s9;
	s6 =	sadd.s32 @!p0 $0x88, s6;
	s7 =	simm.s32 @p2 $0x1082  }
0x22: {  	[simem:s7], [sflag:s8] =	dma.local @!p0 [hbm:s6], $0xF7A  }
0x23: {  	s9 =	sor.u32 $0xD0000000, s2;
	s6 =	simm.s32 $0x108;
	_ =	swait.ge @!p0 [sflag:s8], $0x0  }
0x24: {  	s3 =	sadd.s32 $0x88, s3;
	s6 =	simm.s32 @!p1 $0x1082;
	[sflag:s4] =	ssyncset.s32 $0xFFFFF086  }
0x25: {  	[simem:s6], [sflag:s4] =	dma.local [hbm:s3], $0xF7A  }
0x26: {  	[smem:$0x3F95] =	sst s1;
	(tag) =	ssettag s2;
	_ =	strace s9  }
0x27: {  	s1 =	sld [smem:$0x3FA5]  }
0x28: {  	s2 =	sld [smem:$0x3FA6]  }
0x29: {  	s4 =	sld [smem:$0x3FA8]  }
0x2a: {  	p0 =	seq.s32 s5, $0x0;
	s5 =	sld [smem:$0x3FA9]  }
0x2b: {  	s6 =	sld [smem:$0x3FAA]  }
0x2c: {  	s7 =	sld [smem:$0x3FAB]  }
0x2d: {  	s3 =	simm.s32 $0x108;
	s8 =	sld [smem:$0x3FAC]  }
0x2e: {  	s3 =	simm.s32 @!p0 $0x1082;
	s9 =	sld [smem:$0x3FAD]  }
0x2f: {  	lr =	sadd.s32 s0, s3;
	s0 =	sld [smem:$0x3FA4]  }
0x30: {  	s3 =	sld [smem:$0x3FA7]  }
0x31: {  	[smem:$0x3FB0] =	sst s10  }
0x32: {  	s10 =	sld [smem:$0x3FAE];
	_ =	sdelay $0x3  }
0x33: {  	p0 =	seq.s32 s10, $0x1;
	s10 =	sld [smem:$0x3FB0];
	_ =	sdelay $0x3  }
0x34: {  	[smem:$0x3FB0] =	sst s10  }
0x35: {  	s10 =	sld [smem:$0x3FAF];
	_ =	sdelay $0x3  }
0x36: {  	p1 =	seq.s32 s10, $0x1;
	s10 =	sld [smem:$0x3FB0];
	_ =	sdelay $0x3  }
0x37: {  	[smem:$0x3FB0] =	sst s10  }
0x38: {  	s10 =	sld [smem:$0x3FB1]  }
0x39: {  	_ = 	snop;
	(pc) =	sbr.ind lr, $3  }
0x3a: {  	_ = 	snop  }
0x3b: {  	_ = 	snop  }
0x3c: {  	p2 =	seq.s32 s10, $0x1;
	s10 =	sld [smem:$0x3FB0]  }
0x3d: {  	_ =	shalt  }
0x3e: {  	_ =	shalt  }
0x3f: {  	_ =	shalt  }
0x40: {  	_ =	shalt  }
0x41: {  	_ =	shalt  }
0x42: {  	_ =	shalt  }
0x43: {  	_ =	shalt  }
0x44: {  	_ =	shalt  }
0x45: {  	_ =	shalt  }
0x46: {  	_ =	shalt  }
0x47: {  	_ =	shalt  }
0x48: {  	_ =	shalt  }
0x49: {  	_ =	shalt  }
0x4a: {  	_ =	shalt  }
0x4b: {  	_ =	shalt  }
0x4c: {  	_ =	shalt  }
0x4d: {  	_ =	shalt  }
0x4e: {  	_ =	shalt  }
0x4f: {  	_ =	shalt  }
0x50: {  	_ =	shalt  }
0x51: {  	_ =	shalt  }
0x52: {  	_ =	shalt  }
0x53: {  	_ =	shalt  }
0x54: {  	_ =	shalt  }
0x55: {  	_ =	shalt  }
0x56: {  	_ =	shalt  }
0x57: {  	_ =	shalt  }
0x58: {  	_ =	shalt  }
0x59: {  	_ =	shalt  }
0x5a: {  	_ =	shalt  }
0x5b: {  	_ =	shalt  }
0x5c: {  	_ =	shalt  }
0x5d: {  	_ =	shalt  }
0x5e: {  	_ =	shalt  }
0x5f: {  	_ =	shalt  }
0x60: {  	_ =	shalt  }
0x61: {  	_ =	shalt  }
0x62: {  	_ =	shalt  }
0x63: {  	_ =	shalt  }
0x64: {  	_ =	shalt  }
0x65: {  	_ =	shalt  }
0x66: {  	_ =	shalt  }
0x67: {  	_ =	shalt  }
0x68: {  	_ =	shalt  }
0x69: {  	_ =	shalt  }
0x6a: {  	_ =	shalt  }
0x6b: {  	_ =	shalt  }
0x6c: {  	_ =	shalt  }
0x6d: {  	_ =	shalt  }
0x6e: {  	_ =	shalt  }
0x6f: {  	_ =	shalt  }
0x70: {  	_ =	shalt  }
0x71: {  	_ =	shalt  }
0x72: {  	_ =	shalt  }
0x73: {  	_ =	shalt  }
0x74: {  	_ =	shalt  }
0x75: {  	_ =	shalt  }
0x76: {  	_ =	shalt  }
0x77: {  	_ =	shalt  }
0x78: {  	_ =	shalt  }
0x79: {  	_ =	shalt  }
0x7a: {  	_ =	shalt  }
0x7b: {  	_ =	shalt  }
0x7c: {  	_ =	shalt  }
0x7d: {  	_ =	shalt  }
0x7e: {  	_ =	shalt  }
0x7f: {  	_ =	shalt  }
0x80: {  	_ =	shalt  }
0x81: {  	_ =	shalt  }
0x82: {  	_ =	shalt  }
0x83: {  	_ =	shalt  }
0x84: {  	_ =	shalt  }
0x85: {  	_ =	shalt  }
0x86: {  	_ =	shalt  }
0x87: {  	_ =	shalt  }
.Lfunc_end0:
.L_simem_size_0:
called_computation.1_lowered:
.L_overlay_start_0:
0x88: {  	s2 =	sld [smem:$0x3FD9]  }
0x89: {  	s3 =	sld [smem:$0x3FFE];
	_ =	sdelay $0x1  }
0x8a: {  	s1 =	srdreg.scid  }
0x8b: {  	s0 =	sand.u32 $0x1, s1  }
0x8c: {  	s14 =	sshll.u32 s0, $0xA;
	s2 =	sadd.s32 s3, s2  }
0x8d: {  	s2 =	sadd.s32 s2, s14  }
0x8e: {  	[smem:$0x3FBC] =	sst s2  }
0x8f: {  	_ = 	snop  }
0x90: {  	s2 =	sld [smem:$0x3FD0];
	_ =	sdelay $0x2  }
0x91: {  	s15 =	simm.s32 $0xA;
	s4 =	simm.s32 $0x10  }
0x92: {  	[smem:s4], [sflag:s15] =	dma.local [hbm:s2], $0x1  }
0x93: {  	_ =	swait.eq [sflag:s15], $0x1  }
0x94: {  	[sflag:s15] =	ssyncset.done $0x0  }
0x95: {  	[sflag:s15] =	ssyncadd.s32 $0xFFFFFFFF  }
0x96: {  	s16 =	sld [smem:$0x11];
	(tm) =	ssettm $0x1  }
0x97: {  	s17 =	sld [smem:$0x3FFB];
	_ =	sdelay $0x3  }
0x98: {  	_ =	strace s17  }
0x99: {  	s3 =	sld [smem:$0x3FFC];
	_ =	sdelay $0x3  }
0x9a: {  	_ =	strace s3  }
0x9b: {  	s3 =	sld [smem:$0x3FFD];
	_ =	sdelay $0x3  }
0x9c: {  	_ =	strace s3  }
0x9d: {  	_ =	strace $0x8FFFFFFF  }
0x9e: {  	s18 =	sld [smem:$0x3FDB];
	_ =	sdelay $0x1  }
0x9f: {  	s19 =	simm.s32 $_scs_section_size  }
0xa0: {  	s5 =	simm.s32 $_size__tile_overlayer_lowered;
	s6 =	simm.s32 $_tile_overlayer_lowered  }
0xa1: {  	s22 =	simm.s32 $0x1BFF;
	s21 =	sshll.u32 s6, $0x1;
	s3 =	sadd.s32 s19, s18  }
0xa2: {  	s7 =	simm.s32 $0x0;
	s20 =	sshll.u32 s5, $0x1;
	s5 =	sadd.s32 s21, s3  }
0xa3: {  	[timem:s7], [sflag:s22] =	dma.local [hbm:s5], s20  }
0xa4: {  	_ =	swait.ge [sflag:s22], s20  }
0xa5: {  	s4 =	ssub.s32 $0x0, s20;
	[sflag:s22] =	ssyncset.done $0x0  }
0xa6: {  	[sflag:s22] =	ssyncadd.s32 s4;
	_ =	sdelay $0x1  }
0xa7: {  	s23 =	simm.s32 $0x1B8B  }
0xa8: {  	_ =	swait.ge [sflag:s23], $0x1  }
0xa9: {  	[sflag:s23] =	ssyncset.done $0x0  }
0xaa: {  	s25 =	simm.s32 $0x1B8E;
	s24 =	sld [smem:$0x3FFE];
	[sflag:s23] =	ssyncadd.s32 $0xFFFFFFFF  }
0xab: {  	s26 =	simm.s32 $execute0_lowered;
	[smem:$0x3FD2] =	sst s25  }
0xac: {  	s5 =	sshll.u32 s26, $0x1;
	_ =	strace $0x80000049;
	[dreg:$0x1] =	wrdreg $0xFFFFFFFF  }
0xad: {  	s28 =	simm.s32 $_size_execute0_lowered;
	s3 =	sadd.s32 s3, s5;
	[dreg:$0x0] =	wrdreg $0x0  }
0xae: {  	s5 =	sshll.u32 s28, $0x1;
	[dreg:$0x2] =	wrdreg s3  }
0xaf: {  	[dreg:$0x3] =	wrdreg s5  }
0xb0: {  	[dreg:$0x4] =	wrdreg $0xC0  }
0xb1: {  	_ =	task [dreg:s7], $0x5FFFF  }
0xb2: {  	[dreg:$0x1] =	wrdreg $0xFFFFFFFF  }
0xb3: {  	[dreg:$0x0] =	wrdreg $0x60  }
0xb4: {  	[dreg:$0x2] =	wrdreg s24  }
0xb5: {  	[dreg:$0x3] =	wrdreg s16  }
0xb6: {  	[dreg:$0x4] =	wrdreg $0x9  }
0xb7: {  	_ =	task.clear_ibuf [dreg:s7], $0x5FFFF;
	_ =	strace $0x90000049  }
0xb8: {  	s29 =	simm.s32 $0x9;
	_ =	strace $0x8000004B  }
0xb9: {  	_ =	swait.ge [sflag:s29], $0x1  }
0xba: {  	[sflag:s29] =	ssyncadd.s32 $0xFFFFFFFF  }
0xbb: {  	_ =	strace $0x9000004B  }
0xbc: {  	_ =	sfence  }
0xbd: {  	s30 =	sld [smem:$0x0];
	_ =	sdelay $0x2  }
0xbe: {  	s31 =	sshll.u32 s1, $0xD;
	s1 =	sshrl.u32 s1, $0x2  }
0xbf: {  	s3 =	sand.u32 $0x4000, s31;
	s1 =	sadd.s32 s1, s30  }
0xc0: {  	s0 =	sor.u32 s3, s0;
	s1 =	sshll.u32 s1, $0x11  }
0xc1: {  	s0 =	sor.u32 s1, s0  }
0xc2: {  	s0 =	sadd.s32 $0x8F2B, s0  }
0xc3: {  	[sflag:s0] =	ssyncadd.remote.s32 $0x1  }
0xc4: {  	_ =	sfence.sel $0xFFFF  }
0xc5: {  	[dreg:$0x0] =	wrdreg $0xFFFFFFFF;
	(pc) =	sbr.abs _section_cstart, $3  }
0xc6: {  	[dreg:$0x1] =	wrdreg $0xFFFFFFFF  }
0xc7: {  	_ =	task.clear_ibuf [dreg:s7], $0x2FFFF;
	_ =	strace $0x9FFFFFFF  }
0xc8: {  	(tm) =	ssettm $0x7FFFFFFF  }
0xc9: {  	_ =	shalt  }
tec
execute0_lowered:
.L_overlay_start_1:
0x0: {  	(tag) =	ssettag $0x1  }
0x1: {  	s10 =	rddreg [dreg:$0x0]  }
0x2: {  	s1 =	srdreg.scid;
	s0 =	stileid.u32  }
0x3: {  	s3 =	rddreg [dreg:$0x1];
	s11 =	sand.u32 $0x1, s1;
	s4 =	sshll.u32 s0, $0x1  }
0x4: {  	s2 =	simm.s32 $0x0;
	s1 =	rddreg [dreg:$0x2];
	s12 =	sor.u32 s11, s4  }
0x5: {  	[smem:$0x7FF] =	sst s2;
	s4 =	sshll.u32 s12, $0x5  }
0x6: {  	_ =	strace $0x8000004A;
	s4 =	sadd.s32 s3, s4;
	s3 =	simm.s32 $0x2  }
0x7: {  	[tilespmem:s2], [sflag:$0x2] =	stream.linear.gather [hbm4b:s4+s2], $0x100, $0x38;
	[tilespmem:$0x8100] =	vst v63  }
0x8: {  	_ =	swait.ge [sflag:s3], $0x100  }
0x9: {  	s6 =	simm.s32 $0x80;
	[sflag:s3] =	ssyncset.done $0x0  }
0xa: {  	s7 =	simm.s32 $0x100;
	s5 =	sadd.s32 $0x241400, s10;
	[sflag:s3] =	ssyncadd.s32 $0xFFFFFF00  }
0xb: {  	[tilespmem:s7], [sflag:$0x1] =	stream.indirect.gather [hbm4b:s5+s6], $0x80, s2, s6, $0xb8;
	[tilespmem:$0x8100] =	vst v63  }
0xc: {  	s8 =	simm.s32 $0x4100;
	s9 =	simm.s32 $0x1;
	s11 =	ssub.s32 $0x2, s11  }
0xd: {  	[tilespmem:s8], [sflag:$0x1] =	stream.indirect.gather [hbm4b:s5+s6], $0x80, s6, s6, $0xb8;
	[tilespmem:$0x8100] =	vst v63  }
0xe: {  	s13 =	sshrl.u32 s11, $0x1;
	_ =	swait.ge [sflag:s9], $0x4000  }
0xf: {  	s11 =	ssub.s32 s11, s13;
	[sflag:s9] =	ssyncset.done $0x0  }
0x10: {  	s11 =	smax.u32 s11, $0x1;
	[sflag:s9] =	ssyncadd.s32 $0xFFFFC000  }
0x11: {  	s12 =	sshll.u32 s12, $0xC;
	p0 =	sne.s32 s11, $0x1;
	_ =	swait.ge [sflag:s9], $0x4000  }
.Ltmp0:
0x12: {  	s10 =	sadd.s32 s12, s10;
	[sflag:s9] =	ssyncset.done $0x0;
	(pc) =	sbr.rel @!p0 .LBB2_2-.Ltmp0, $4  }
0x13: {  	s10 =	sadd.s32 $0x1400, s10;
	[sflag:s9] =	ssyncadd.s32 $0xFFFFC000  }
0x14: {  	[hbm4b:s10+s2] =	stream.linear.scatter [tilespmem:s7], [sflag:$0x2], $0x8000, $0x38;
	[tilespmem:$0x8100] =	vst v63  }
0x15: {  	_ =	swait.ge [sflag:s3], $0x8000  }
0x16: {  	s11 =	sadd.s32 $0xFFFFFFFF, s11;
	[sflag:s3] =	ssyncset.done $0x0  }
.LBB2_1:
0x17: {  	p0 =	sne.s32 s11, $0x1;
	s11 =	sadd.s32 $0xFFFFFFFF, s11;
	[sflag:s3] =	ssyncadd.s32 $0xFFFF8000  }
0x18: {  	[tilespmem:s2], [sflag:$0x2] =	stream.linear.gather [hbm4b:s4+s2], $0x100, $0x38;
	[tilespmem:$0x8100] =	vst v63  }
0x19: {  	_ =	swait.ge [sflag:s3], $0x100  }
0x1a: {  	[sflag:s3] =	ssyncset.done $0x0  }
0x1b: {  	[sflag:s3] =	ssyncadd.s32 $0xFFFFFF00  }
0x1c: {  	[tilespmem:s7], [sflag:$0x1] =	stream.indirect.gather [hbm4b:s5+s6], $0x80, s2, s6, $0xb8;
	[tilespmem:$0x8100] =	vst v63  }
0x1d: {  	_ = 	snop  }
0x1e: {  	[tilespmem:s8], [sflag:$0x1] =	stream.indirect.gather [hbm4b:s5+s6], $0x80, s6, s6, $0xb8;
	[tilespmem:$0x8100] =	vst v63  }
0x1f: {  	_ =	swait.ge [sflag:s9], $0x4000  }
0x20: {  	[sflag:s9] =	ssyncset.done $0x0  }
0x21: {  	[sflag:s9] =	ssyncadd.s32 $0xFFFFC000  }
0x22: {  	_ =	swait.ge [sflag:s9], $0x4000  }
.Ltmp1:
0x23: {  	[sflag:s9] =	ssyncset.done $0x0;
	(pc) =	sbr.rel @p0 .LBB2_1-.Ltmp1, $4  }
0x24: {  	[sflag:s9] =	ssyncadd.s32 $0xFFFFC000  }
0x25: {  	[hbm4b:s10+s2] =	stream.linear.scatter [tilespmem:s7], [sflag:$0x2], $0x8000, $0x38;
	[tilespmem:$0x8100] =	vst v63  }
0x26: {  	_ =	swait.ge [sflag:s3], $0x8000  }
0x27: {  	[sflag:s3] =	ssyncset.done $0x0  }
.LBB2_2:
0x28: {  	[sflag:s3] =	ssyncadd.s32 $0xFFFF8000  }
0x29: {  	_ =	sfence.sel $0x180000  }
0x2a: {  	[bflag:$0x0] =	sbarrier.arrive $0xFFFF  }
0x2b: {  	p0 =	sne.s32 s0, $0x0;
	_ =	strace $0x9000004A  }
0x2c: {  	s0 =	sadd.s32 @!p0 $0x100000, s1;
	[bflag:$0x2] =	sbarrier.arrive $0xFFFF  }
0x2d: {  	[sflag:s0] =	ssyncadd.tile.s32 @!p0 $0x1;
	_ =	shalt  }
.Lfunc_end2:
_tile_overlayer_lowered:
.L_overlay_start_2:
0x2e: {  	(tag) =	ssettag $0x2  }
0x2f: {  	s0 =	rddreg [dreg:$0x0];
	s2 =	stileid.u32  }
0x30: {  	s1 =	rddreg [dreg:$0x1];
	p0 =	sne.s32 s2, $0x0  }
0x31: {  	s3 =	rddreg [dreg:$0x2];
	[bflag:$0x3] =	sbarrier.arrive $0xFFFF;
	s2 =	simm.s32 @!p0 $0x1C02  }
0x32: {  	[timem:s3], [sflag:s2] =	dma.local @!p0 [hbm:s0], s1  }
0x33: {  	s0 =	simm.s32 @!p0 $0x2  }
0x34: {  	_ =	swait.ge @!p0 [sflag:s0], s1  }
0x35: {  	s1 =	ssub.s32 @!p0 $0x0, s1;
	[sflag:s0] =	ssyncset.done @!p0 $0x0  }
0x36: {  	[sflag:s0] =	ssyncadd.s32 @!p0 s1  }
0x37: {  	[bflag:$0x3] =	sbarrier.arrive $0xFFFF  }
0x38: {  	_ =	shalt  }

// kernel: kernel.8.cloned.1.call-start
scs
__scs_entry_jumppad:
0x0: {  	(pc) =	sbr.rel $0x88, $3  }
0x1: {  	(tag) =	ssettag $0x0;
	lr =	simm.s32 $0x1  }
0x2: {  	[smem:$0x3F95] =	sst lr;
	_ =	strace $0xD0000000  }
0x3: {  	_ = 	snop  }
0x4: {  	_ = 	snop  }
0x5: {  	_ = 	snop  }
0x6: {  	_ = 	snop  }
0x7: {  	_ = 	snop  }
__scs_overlays_trampoline_lowered:
0x8: {  	[smem:$0x3FA4] =	sst s0  }
0x9: {  	[smem:$0x3FA5] =	sst s1  }
0xa: {  	[smem:$0x3FA6] =	sst s2  }
0xb: {  	[smem:$0x3FA7] =	sst s3  }
0xc: {  	[smem:$0x3FA8] =	sst s4  }
0xd: {  	[smem:$0x3FA9] =	sst s5  }
0xe: {  	[smem:$0x3FAA] =	sst s6  }
0xf: {  	[smem:$0x3FAB] =	sst s7  }
0x10: {  	[smem:$0x3FAC] =	sst s8  }
0x11: {  	[smem:$0x3FAD] =	sst s9;
	s0 =	simm.s32 @!p0 $0x0  }
0x12: {  	s1 =	sld [smem:$0x3F93];
	s0 =	simm.s32 @p0 $0x1  }
0x13: {  	[smem:$0x3FAE] =	sst s0;
	s0 =	simm.s32 @!p1 $0x0  }
0x14: {  	s2 =	sld [smem:$0x3F92];
	s0 =	simm.s32 @p1 $0x1  }
0x15: {  	[smem:$0x3FAF] =	sst s0;
	s0 =	simm.s32 @!p2 $0x0  }
0x16: {  	s3 =	sld [smem:$0x3FDB];
	s0 =	simm.s32 @p2 $0x1  }
0x17: {  	s4 =	simm.s32 $0x1BF5;
	[smem:$0x3FB1] =	sst s0  }
0x18: {  	s0 =	sld [smem:$0x3F94];
	_ =	swait.ge [sflag:s4], $0x0  }
0x19: {  	s7 =	sld [smem:$0x3F95]  }
0x1a: {  	s8 =	sadd.s32 $0xFFFFE003, lr  }
0x1b: {  	s9 =	sadd.s32 $0xFFFFFEF7, lr;
	s5 =	simm.s32 $0xFFFFFFFF;
	p2 =	slt.u32 s8, $0xFFFFF086  }
0x1c: {  	p1 =	slt.u32 s9, $0xF7A;
	s5 =	simm.s32 @!p2 $0x0  }
0x1d: {  	s5 =	simm.s32 @p1 $0x1;
	p0 =	seq.s32 s7, s2  }
0x1e: {  	s7 =	smul.u32 @!p0 $0xF7A, s2;
	p2 =	seq.s32 @!p0 s5, $0x0  }
0x1f: {  	s9 =	smul.u32 $0xF7A, s1;
	s8 =	simm.s32 @!p0 $0x1BF5;
	p2 =	por !p2, p0  }
0x20: {  	[sflag:s8] =	ssyncset.s32 @!p0 $0xFFFFF086;
	s6 =	sadd.s32 @!p0 s3, s7;
	s7 =	simm.s32 @!p0 $0x108  }
0x21: {  	s3 =	sadd.s32 s3, s9;
	s6 =	sadd.s32 @!p0 $0x88, s6;
	s7 =	simm.s32 @p2 $0x1082  }
0x22: {  	[simem:s7], [sflag:s8] =	dma.local @!p0 [hbm:s6], $0xF7A  }
0x23: {  	s9 =	sor.u32 $0xD0000000, s2;
	s6 =	simm.s32 $0x108;
	_ =	swait.ge @!p0 [sflag:s8], $0x0  }
0x24: {  	s3 =	sadd.s32 $0x88, s3;
	s6 =	simm.s32 @!p1 $0x1082;
	[sflag:s4] =	ssyncset.s32 $0xFFFFF086  }
0x25: {  	[simem:s6], [sflag:s4] =	dma.local [hbm:s3], $0xF7A  }
0x26: {  	[smem:$0x3F95] =	sst s1;
	(tag) =	ssettag s2;
	_ =	strace s9  }
0x27: {  	s1 =	sld [smem:$0x3FA5]  }
0x28: {  	s2 =	sld [smem:$0x3FA6]  }
0x29: {  	s4 =	sld [smem:$0x3FA8]  }
0x2a: {  	p0 =	seq.s32 s5, $0x0;
	s5 =	sld [smem:$0x3FA9]  }
0x2b: {  	s6 =	sld [smem:$0x3FAA]  }
0x2c: {  	s7 =	sld [smem:$0x3FAB]  }
0x2d: {  	s3 =	simm.s32 $0x108;
	s8 =	sld [smem:$0x3FAC]  }
0x2e: {  	s3 =	simm.s32 @!p0 $0x1082;
	s9 =	sld [smem:$0x3FAD]  }
0x2f: {  	lr =	sadd.s32 s0, s3;
	s0 =	sld [smem:$0x3FA4]  }
0x30: {  	s3 =	sld [smem:$0x3FA7]  }
0x31: {  	[smem:$0x3FB0] =	sst s10  }
0x32: {  	s10 =	sld [smem:$0x3FAE];
	_ =	sdelay $0x3  }
0x33: {  	p0 =	seq.s32 s10, $0x1;
	s10 =	sld [smem:$0x3FB0];
	_ =	sdelay $0x3  }
0x34: {  	[smem:$0x3FB0] =	sst s10  }
0x35: {  	s10 =	sld [smem:$0x3FAF];
	_ =	sdelay $0x3  }
0x36: {  	p1 =	seq.s32 s10, $0x1;
	s10 =	sld [smem:$0x3FB0];
	_ =	sdelay $0x3  }
0x37: {  	[smem:$0x3FB0] =	sst s10  }
0x38: {  	s10 =	sld [smem:$0x3FB1]  }
0x39: {  	_ = 	snop;
	(pc) =	sbr.ind lr, $3  }
0x3a: {  	_ = 	snop  }
0x3b: {  	_ = 	snop  }
0x3c: {  	p2 =	seq.s32 s10, $0x1;
	s10 =	sld [smem:$0x3FB0]  }
0x3d: {  	_ =	shalt  }
0x3e: {  	_ =	shalt  }
0x3f: {  	_ =	shalt  }
0x40: {  	_ =	shalt  }
0x41: {  	_ =	shalt  }
0x42: {  	_ =	shalt  }
0x43: {  	_ =	shalt  }
0x44: {  	_ =	shalt  }
0x45: {  	_ =	shalt  }
0x46: {  	_ =	shalt  }
0x47: {  	_ =	shalt  }
0x48: {  	_ =	shalt  }
0x49: {  	_ =	shalt  }
0x4a: {  	_ =	shalt  }
0x4b: {  	_ =	shalt  }
0x4c: {  	_ =	shalt  }
0x4d: {  	_ =	shalt  }
0x4e: {  	_ =	shalt  }
0x4f: {  	_ =	shalt  }
0x50: {  	_ =	shalt  }
0x51: {  	_ =	shalt  }
0x52: {  	_ =	shalt  }
0x53: {  	_ =	shalt  }
0x54: {  	_ =	shalt  }
0x55: {  	_ =	shalt  }
0x56: {  	_ =	shalt  }
0x57: {  	_ =	shalt  }
0x58: {  	_ =	shalt  }
0x59: {  	_ =	shalt  }
0x5a: {  	_ =	shalt  }
0x5b: {  	_ =	shalt  }
0x5c: {  	_ =	shalt  }
0x5d: {  	_ =	shalt  }
0x5e: {  	_ =	shalt  }
0x5f: {  	_ =	shalt  }
0x60: {  	_ =	shalt  }
0x61: {  	_ =	shalt  }
0x62: {  	_ =	shalt  }
0x63: {  	_ =	shalt  }
0x64: {  	_ =	shalt  }
0x65: {  	_ =	shalt  }
0x66: {  	_ =	shalt  }
0x67: {  	_ =	shalt  }
0x68: {  	_ =	shalt  }
0x69: {  	_ =	shalt  }
0x6a: {  	_ =	shalt  }
0x6b: {  	_ =	shalt  }
0x6c: {  	_ =	shalt  }
0x6d: {  	_ =	shalt  }
0x6e: {  	_ =	shalt  }
0x6f: {  	_ =	shalt  }
0x70: {  	_ =	shalt  }
0x71: {  	_ =	shalt  }
0x72: {  	_ =	shalt  }
0x73: {  	_ =	shalt  }
0x74: {  	_ =	shalt  }
0x75: {  	_ =	shalt  }
0x76: {  	_ =	shalt  }
0x77: {  	_ =	shalt  }
0x78: {  	_ =	shalt  }
0x79: {  	_ =	shalt  }
0x7a: {  	_ =	shalt  }
0x7b: {  	_ =	shalt  }
0x7c: {  	_ =	shalt  }
0x7d: {  	_ =	shalt  }
0x7e: {  	_ =	shalt  }
0x7f: {  	_ =	shalt  }
0x80: {  	_ =	shalt  }
0x81: {  	_ =	shalt  }
0x82: {  	_ =	shalt  }
0x83: {  	_ =	shalt  }
0x84: {  	_ =	shalt  }
0x85: {  	_ =	shalt  }
0x86: {  	_ =	shalt  }
0x87: {  	_ =	shalt  }
.Lfunc_end0:
.L_simem_size_0:
called_computation_lowered:
.L_overlay_start_0:
0x88: {  	s2 =	sld [smem:$0x3FD9]  }
0x89: {  	s3 =	sld [smem:$0x3FFE];
	_ =	sdelay $0x1  }
0x8a: {  	s1 =	srdreg.scid  }
0x8b: {  	s0 =	sand.u32 $0x1, s1  }
0x8c: {  	s16 =	sshll.u32 s0, $0xA;
	s2 =	sadd.s32 s3, s2  }
0x8d: {  	s2 =	sadd.s32 s2, s16  }
0x8e: {  	[smem:$0x3FBC] =	sst s2  }
0x8f: {  	_ = 	snop  }
0x90: {  	(tm) =	ssettm $0x1  }
0x91: {  	s17 =	sld [smem:$0x3FFB];
	_ =	sdelay $0x3  }
0x92: {  	_ =	strace s17  }
0x93: {  	s2 =	sld [smem:$0x3FFC];
	_ =	sdelay $0x3  }
0x94: {  	_ =	strace s2  }
0x95: {  	s2 =	sld [smem:$0x3FFD];
	_ =	sdelay $0x3  }
0x96: {  	_ =	strace s2  }
0x97: {  	_ =	strace $0x8FFFFFFF  }
0x98: {  	s18 =	sld [smem:$0x3FDB];
	_ =	sdelay $0x1  }
0x99: {  	s19 =	simm.s32 $_scs_section_size  }
0x9a: {  	s4 =	simm.s32 $_size__tile_overlayer_lowered;
	s5 =	simm.s32 $_tile_overlayer_lowered  }
0x9b: {  	s22 =	simm.s32 $0x1BFF;
	s21 =	sshll.u32 s5, $0x1;
	s2 =	sadd.s32 s19, s18  }
0x9c: {  	s6 =	simm.s32 $0x0;
	s20 =	sshll.u32 s4, $0x1;
	s4 =	sadd.s32 s21, s2  }
0x9d: {  	[timem:s6], [sflag:s22] =	dma.local [hbm:s4], s20  }
0x9e: {  	_ =	swait.ge [sflag:s22], s20  }
0x9f: {  	s3 =	ssub.s32 $0x0, s20;
	[sflag:s22] =	ssyncset.done $0x0  }
0xa0: {  	[sflag:s22] =	ssyncadd.s32 s3;
	_ =	sdelay $0x1  }
0xa1: {  	s23 =	simm.s32 $0x1B8B  }
0xa2: {  	_ =	swait.ge [sflag:s23], $0x1  }
0xa3: {  	[sflag:s23] =	ssyncset.done $0x0  }
0xa4: {  	s25 =	simm.s32 $0x1B8E;
	s24 =	sld [smem:$0x3FFE];
	[sflag:s23] =	ssyncadd.s32 $0xFFFFFFFF  }
0xa5: {  	s26 =	simm.s32 $execute0_lowered;
	[smem:$0x3FD2] =	sst s25  }
0xa6: {  	s4 =	sshll.u32 s26, $0x1;
	_ =	strace $0x80000046;
	[dreg:$0x1] =	wrdreg $0xFFFFFFFF  }
0xa7: {  	s28 =	simm.s32 $_size_execute0_lowered;
	s2 =	sadd.s32 s2, s4;
	[dreg:$0x0] =	wrdreg $0x0  }
0xa8: {  	s4 =	sshll.u32 s28, $0x1;
	[dreg:$0x2] =	wrdreg s2  }
0xa9: {  	[dreg:$0x3] =	wrdreg s4  }
0xaa: {  	[dreg:$0x4] =	wrdreg $0xC0  }
0xab: {  	_ =	task [dreg:s6], $0x5FFFF  }
0xac: {  	[dreg:$0x1] =	wrdreg $0xFFFFFFFF  }
0xad: {  	[dreg:$0x0] =	wrdreg $0x60  }
0xae: {  	[dreg:$0x2] =	wrdreg s24  }
0xaf: {  	[dreg:$0x3] =	wrdreg $0x9  }
0xb0: {  	_ =	task.clear_ibuf [dreg:s6], $0x4FFFF;
	_ =	strace $0x90000046  }
0xb1: {  	s29 =	simm.s32 $0x9;
	_ =	strace $0x80000048  }
0xb2: {  	_ =	swait.ge [sflag:s29], $0x1  }
0xb3: {  	[sflag:s29] =	ssyncadd.s32 $0xFFFFFFFF  }
0xb4: {  	_ =	strace $0x90000048  }
0xb5: {  	_ =	sfence  }
0xb6: {  	s30 =	sld [smem:$0x0];
	_ =	sdelay $0x2  }
0xb7: {  	s31 =	sshll.u32 s1, $0xD;
	s1 =	sshrl.u32 s1, $0x2  }
0xb8: {  	s3 =	sand.u32 $0x4000, s31;
	s1 =	sadd.s32 s1, s30  }
0xb9: {  	s0 =	sor.u32 s3, s0;
	s1 =	sshll.u32 s1, $0x11  }
0xba: {  	s0 =	sor.u32 s1, s0  }
0xbb: {  	s0 =	sadd.s32 $0x8F2B, s0  }
0xbc: {  	[sflag:s0] =	ssyncadd.remote.s32 $0x1  }
0xbd: {  	_ =	sfence.sel $0xFFFF  }
0xbe: {  	[dreg:$0x0] =	wrdreg $0xFFFFFFFF;
	(pc) =	sbr.abs _section_cstart, $3  }
0xbf: {  	[dreg:$0x1] =	wrdreg $0xFFFFFFFF  }
0xc0: {  	_ =	task.clear_ibuf [dreg:s6], $0x2FFFF;
	_ =	strace $0x9FFFFFFF  }
0xc1: {  	(tm) =	ssettm $0x7FFFFFFF  }
tec
execute0_lowered:
.L_overlay_start_1:
0x0: {  	(tag) =	ssettag $0x1  }
0x1: {  	s3 =	rddreg [dreg:$0x0]  }
0x2: {  	s0 =	rddreg [dreg:$0x1]  }
0x3: {  	s2 =	simm.s32 $0x0;
	s4 =	srdreg.scid;
	s1 =	stileid.u32  }
0x4: {  	s10 =	simm.s32 $0x0;
	[smem:$0x7FF] =	sst s2;
	s4 =	sand.u32 $0x1, s4  }
0x5: {  	s6 =	sshll.u32 s1, $0x1;
	s7 =	smul.u32 $0x120000, s1;
	s3 =	sadd.s32 $0x1400, s3  }
0x6: {  	s5 =	ssub.s32 $0x2, s4;
	s6 =	sor.u32 s4, s6;
	s9 =	smul.u32 $0x90000, s4  }
0x7: {  	_ =	strace $0x80000047;
	s8 =	sshrl.u32 s5, $0x1;
	s4 =	smul.u32 $0x48, s6  }
0x8: {  	v0 =	vlaneseq.u32;
	s5 =	ssub.s32 s5, s8;
	s6 =	sadd.s32 s9, s7;
	s7 =	simm.s32 $0x80  }
0x9: {  	v0 =	vadd.s32 $0x7, v0;
	s8 =	simm.s32 $0x400;
	s9 =	simm.s32 $0x1;
	s5 =	smax.u32 s5, $0x1  }
.LBB2_1:
0xa: {  	s11 =	smov.u32 s6;
	s12 =	simm.s32 $0x0  }
.LBB2_2:
0xb: {  	s13 =	sadd.s32 $0x0, s11  }
0xc: {  	v2 =	vmov s13;
	v1 =	vor.u32 s13, v0;
	s14 =	sadd.s32 $0x10, s13;
	s15 =	sadd.s32 $0x70, s13  }
0xd: {  	s29 =	sadd.s32 $0x20, s13;
	s30 =	sadd.s32 $0x30, s13;
	v3 =	vshrl.u32 v2, $0x13;
	v2 =	vadd.s32 s14, v0;
	v4 =	vadd.s32 s15, v0  }
0xe: {  	s16 =	sadd.s32 $0x40, s13;
	s31 =	sadd.s32 $0x50, s13;
	s13 =	sadd.s32 $0x60, s13;
	v5 =	vmov s29;
	v8 =	vor.u32 s29, v0;
	v9 =	vadd.s32 s30, v0  }
0xf: {  	v10 =	vor.u32 s16, v0;
	v11 =	vadd.s32 s31, v0;
	v14 =	vmov s13  }
0x10: {  	v43 =	vshll.u32 v1, $0xD;
	v6 =	vshrl.u32 v4, $0x13;
	v7 =	vshll.u32 v4, $0xD  }
0x11: {  	v38 =	vshrl.u32 v2, $0x13;
	v15 =	vshll.u32 v2, $0xD;
	v5 =	vshrl.u32 v5, $0x13  }
0x12: {  	v39 =	vshll.u32 v8, $0xD;
	v40 =	vshrl.u32 v9, $0x13;
	v18 =	vshll.u32 v9, $0xD  }
0x13: {  	v41 =	vshll.u32 v10, $0xD;
	v42 =	vshrl.u32 v11, $0x13;
	v21 =	vshll.u32 v11, $0xD  }
0x14: {  	v14 =	vshrl.u32 v14, $0x13;
	v3 =	vor.u32 v3, v43;
	v6 =	vor.u32 v6, v7  }
0x15: {  	v7 =	vmov s16;
	v5 =	vor.u32 v5, v39;
	v46 =	vor.u32 v42, v21  }
0x16: {  	v3 =	vxor.u32 v1, v3;
	v6 =	vxor.u32 v4, v6;
	v7 =	vshrl.u32 v7, $0x13  }
0x17: {  	v5 =	vxor.u32 v8, v5;
	v29 =	vshrl.u32 v3, $0x11;
	v32 =	vshll.u32 v3, $0xF  }
0x18: {  	v3 =	vadd.s32 v1, v3;
	v12 =	vshrl.u32 v6, $0x11;
	v13 =	vshll.u32 v6, $0xF  }
0x19: {  	v4 =	vadd.s32 v4, v6;
	v7 =	vor.u32 v7, v41;
	v55 =	vshrl.u32 v5, $0x11  }
0x1a: {  	v56 =	vshll.u32 v5, $0xF;
	v37 =	vor.u32 v29, v32;
	v5 =	vadd.s32 v8, v5  }
0x1b: {  	v6 =	vor.u32 v12, v13;
	v13 =	vor.u32 s13, v0;
	v12 =	vor.u32 v38, v15  }
0x1c: {  	v7 =	vxor.u32 v10, v7;
	v15 =	vxor.u32 v11, v46;
	v6 =	vxor.u32 v4, v6  }
0x1d: {  	v23 =	vshll.u32 v13, $0xD;
	v16 =	vshrl.u32 v6, $0x6;
	v17 =	vshll.u32 v6, $0x1A  }
0x1e: {  	v12 =	vxor.u32 v2, v12;
	v4 =	vadd.s32 v4, v6;
	v6 =	vor.u32 v16, v17  }
0x1f: {  	v60 =	vshrl.u32 v7, $0x11;
	v61 =	vshll.u32 v7, $0xF;
	v6 =	vxor.u32 v4, v6  }
0x20: {  	v25 =	vshrl.u32 v15, $0x11;
	v19 =	vshrl.u32 v6, $0x1A;
	v20 =	vshll.u32 v6, $0x6  }
0x21: {  	v28 =	vshll.u32 v15, $0xF;
	v4 =	vadd.s32 v4, v6;
	v6 =	vor.u32 v19, v20  }
0x22: {  	v7 =	vadd.s32 v10, v7;
	v8 =	vadd.s32 v11, v15;
	v6 =	vxor.u32 v4, v6  }
0x23: {  	v14 =	vor.u32 v14, v23;
	v52 =	vshrl.u32 v12, $0x11;
	v6 =	vadd.s32 $0x1BD11BDE, v6  }
0x24: {  	v4 =	vadd.s32 v6, v4;
	v22 =	vshrl.u32 v6, $0xF;
	v6 =	vshll.u32 v6, $0x11  }
0x25: {  	v54 =	vshll.u32 v12, $0xF;
	v4 =	vadd.s32 $0x7, v4;
	v6 =	vor.u32 v22, v6  }
0x26: {  	v33 =	vor.u32 v25, v28;
	v2 =	vadd.s32 v2, v12;
	v6 =	vxor.u32 v4, v6  }
0x27: {  	v17 =	vor.u32 v40, v18;
	v44 =	vshrl.u32 v6, $0x3;
	v45 =	vshll.u32 v6, $0x1D  }
0x28: {  	v14 =	vxor.u32 v13, v14;
	v4 =	vadd.s32 v4, v6;
	v6 =	vor.u32 v44, v45  }
0x29: {  	v18 =	vor.u32 v55, v56;
	v49 =	vxor.u32 v9, v17;
	v6 =	vxor.u32 v4, v6  }
0x2a: {  	v62 =	vshrl.u32 v14, $0x11;
	v47 =	vshrl.u32 v6, $0x10;
	v48 =	vshll.u32 v6, $0x10  }
0x2b: {  	v63 =	vshll.u32 v14, $0xF;
	v4 =	vadd.s32 v4, v6;
	v6 =	vor.u32 v47, v48  }
0x2c: {  	v17 =	vor.u32 v52, v54;
	v10 =	vadd.s32 v13, v14;
	v6 =	vxor.u32 v4, v6  }
0x2d: {  	v11 =	vxor.u32 v5, v18;
	v50 =	vshrl.u32 v6, $0x8;
	v51 =	vshll.u32 v6, $0x18  }
0x2e: {  	v57 =	vshrl.u32 v49, $0x11;
	v4 =	vadd.s32 v4, v6;
	v6 =	vor.u32 v50, v51  }
0x2f: {  	v24 =	vshll.u32 v49, $0xF;
	v36 =	vor.u32 v62, v63;
	v6 =	vxor.u32 v4, v6  }
0x30: {  	v9 =	vadd.s32 v9, v49;
	v5 =	vadd.s32 v5, v11;
	v6 =	vadd.s32 $0x2, v6  }
0x31: {  	v4 =	vadd.s32 v6, v4;
	v53 =	vshrl.u32 v6, $0x13;
	v6 =	vshll.u32 v6, $0xD  }
0x32: {  	v46 =	vxor.u32 v10, v36;
	v4 =	vadd.s32 $0x1BD11BDD, v4;
	v6 =	vor.u32 v53, v6  }
0x33: {  	v62 =	vshrl.u32 v46, $0x6;
	v63 =	vshll.u32 v46, $0x1A;
	v6 =	vxor.u32 v4, v6  }
0x34: {  	v10 =	vadd.s32 v10, v46;
	v58 =	vshrl.u32 v6, $0x11;
	v59 =	vshll.u32 v6, $0xF  }
0x35: {  	v45 =	vxor.u32 v8, v33;
	v4 =	vadd.s32 v4, v6;
	v6 =	vor.u32 v58, v59  }
0x36: {  	v8 =	vadd.s32 v8, v45;
	v47 =	vxor.u32 v3, v37;
	v6 =	vxor.u32 v4, v6  }
0x37: {  	v36 =	vshrl.u32 v47, $0x6;
	v26 =	vshrl.u32 v6, $0x6;
	v27 =	vshll.u32 v6, $0x1A  }
0x38: {  	v3 =	vadd.s32 v3, v47;
	v4 =	vadd.s32 v4, v6;
	v6 =	vor.u32 v26, v27  }
0x39: {  	v50 =	vshrl.u32 v11, $0x6;
	v51 =	vshll.u32 v11, $0x1A;
	v6 =	vxor.u32 v4, v6  }
0x3a: {  	v18 =	vor.u32 v50, v51;
	v30 =	vshrl.u32 v6, $0x1A;
	v31 =	vshll.u32 v6, $0x6  }
0x3b: {  	v58 =	vshrl.u32 v45, $0x6;
	v4 =	vadd.s32 v4, v6;
	v6 =	vor.u32 v30, v31  }
0x3c: {  	v30 =	vor.u32 v57, v24;
	v31 =	vor.u32 v60, v61;
	v6 =	vxor.u32 v4, v6  }
0x3d: {  	v61 =	vshll.u32 v45, $0x1A;
	v12 =	vxor.u32 v9, v30;
	v6 =	vadd.s32 $0xA, v6  }
0x3e: {  	v44 =	vxor.u32 v7, v31;
	v34 =	vshrl.u32 v6, $0xF;
	v35 =	vshll.u32 v6, $0x11  }
0x3f: {  	v52 =	vshrl.u32 v12, $0x6;
	v4 =	vadd.s32 v4, v6;
	v6 =	vor.u32 v34, v35  }
0x40: {  	v55 =	vshll.u32 v12, $0x1A;
	v56 =	vshrl.u32 v44, $0x6;
	v6 =	vxor.u32 v4, v6  }
0x41: {  	v57 =	vshll.u32 v44, $0x1A;
	v38 =	vshrl.u32 v6, $0x3;
	v39 =	vshll.u32 v6, $0x1D  }
0x42: {  	v9 =	vadd.s32 v9, v12;
	v4 =	vadd.s32 v4, v6;
	v6 =	vor.u32 v38, v39  }
0x43: {  	v7 =	vadd.s32 v7, v44;
	v44 =	vxor.u32 v5, v18;
	v6 =	vxor.u32 v4, v6  }
0x44: {  	v18 =	vshrl.u32 v44, $0x1A;
	v5 =	vadd.s32 v5, v44;
	v40 =	vshrl.u32 v6, $0x10  }
0x45: {  	v41 =	vshll.u32 v6, $0x10;
	v1 =	vadd.s32 v4, v6;
	v6 =	vxor.u32 v2, v17  }
0x46: {  	v39 =	vshll.u32 v47, $0x1A;
	v4 =	vor.u32 v40, v41;
	v17 =	vshrl.u32 v6, $0x6  }
0x47: {  	v49 =	vshll.u32 v6, $0x1A;
	v40 =	vor.u32 v52, v55;
	v41 =	vor.u32 v56, v57  }
0x48: {  	v2 =	vadd.s32 v2, v6;
	v6 =	vor.u32 v62, v63;
	v4 =	vxor.u32 v1, v4  }
0x49: {  	v17 =	vor.u32 v17, v49;
	v45 =	vxor.u32 v9, v40;
	v46 =	vxor.u32 v7, v41  }
0x4a: {  	v6 =	vxor.u32 v10, v6;
	v49 =	vshll.u32 v44, $0x6;
	v42 =	vshrl.u32 v4, $0x8  }
0x4b: {  	v43 =	vshll.u32 v4, $0x18;
	v1 =	vadd.s32 v1, v4;
	v50 =	vshrl.u32 v45, $0x1A  }
0x4c: {  	v51 =	vshll.u32 v45, $0x6;
	v52 =	vshrl.u32 v46, $0x1A;
	v56 =	vshrl.u32 v6, $0x1A  }
0x4d: {  	v9 =	vadd.s32 v9, v45;
	v7 =	vadd.s32 v7, v46;
	v4 =	vor.u32 v42, v43  }
0x4e: {  	v42 =	vor.u32 v58, v61;
	v43 =	vxor.u32 v2, v17;
	v61 =	vor.u32 v50, v51  }
0x4f: {  	v4 =	vxor.u32 v1, v4;
	v47 =	vxor.u32 v8, v42;
	v17 =	vshll.u32 v43, $0x6  }
0x50: {  	v2 =	vadd.s32 v2, v43;
	v27 =	vxor.u32 v9, v61;
	v4 =	vadd.s32 $0x1BD11BE1, v4  }
0x51: {  	v55 =	vshll.u32 v47, $0x6;
	v8 =	vadd.s32 v8, v47;
	v11 =	vadd.s32 $0x1BD11BDE, v27  }
0x52: {  	v1 =	vadd.s32 v4, v1;
	v48 =	vshrl.u32 v4, $0x13;
	v4 =	vshll.u32 v4, $0xD  }
0x53: {  	v9 =	vadd.s32 v11, v9;
	v34 =	vshrl.u32 v11, $0xF;
	v11 =	vshll.u32 v11, $0x11  }
0x54: {  	v1 =	vadd.s32 $0x7, v1;
	v4 =	vor.u32 v48, v4;
	v48 =	vshrl.u32 v43, $0x1A  }
0x55: {  	v9 =	vadd.s32 $0x7, v9;
	v11 =	vor.u32 v34, v11;
	v4 =	vxor.u32 v1, v4  }
0x56: {  	v16 =	vor.u32 v48, v17;
	v11 =	vxor.u32 v9, v11;
	v53 =	vshrl.u32 v4, $0x11  }
0x57: {  	v54 =	vshll.u32 v4, $0xF;
	v1 =	vadd.s32 v1, v4;
	v43 =	vshrl.u32 v11, $0x3  }
0x58: {  	v44 =	vshll.u32 v11, $0x1D;
	v4 =	vor.u32 v53, v54;
	v53 =	vshll.u32 v46, $0x6  }
0x59: {  	v54 =	vshrl.u32 v47, $0x1A;
	v4 =	vxor.u32 v1, v4;
	v62 =	vor.u32 v52, v53  }
0x5a: {  	v63 =	vor.u32 v54, v55;
	v54 =	vor.u32 v43, v44;
	v59 =	vshrl.u32 v4, $0x6  }
0x5b: {  	v60 =	vshll.u32 v4, $0x1A;
	v1 =	vadd.s32 v1, v4;
	v28 =	vxor.u32 v7, v62  }
0x5c: {  	v30 =	vxor.u32 v8, v63;
	v4 =	vor.u32 v59, v60;
	v59 =	vshll.u32 v6, $0x6  }
0x5d: {  	v60 =	vor.u32 v18, v49;
	v6 =	vadd.s32 v10, v6;
	v12 =	vadd.s32 $0x1BD11BDE, v28  }
0x5e: {  	v14 =	vadd.s32 $0x1BD11BDE, v30;
	v4 =	vxor.u32 v1, v4;
	v24 =	vor.u32 v56, v59  }
0x5f: {  	v26 =	vxor.u32 v5, v60;
	v7 =	vadd.s32 v12, v7;
	v35 =	vshrl.u32 v12, $0xF  }
0x60: {  	v12 =	vshll.u32 v12, $0x11;
	v8 =	vadd.s32 v14, v8;
	v37 =	vshrl.u32 v4, $0x1A  }
0x61: {  	v38 =	vshll.u32 v4, $0x6;
	v1 =	vadd.s32 v1, v4;
	v31 =	vxor.u32 v6, v24  }
0x62: {  	v10 =	vadd.s32 $0x1BD11BDE, v26;
	v7 =	vadd.s32 $0x7, v7;
	v12 =	vor.u32 v35, v12  }
0x63: {  	v8 =	vadd.s32 $0x7, v8;
	v4 =	vor.u32 v37, v38;
	v15 =	vadd.s32 $0x1BD11BDE, v31  }
0x64: {  	v5 =	vadd.s32 v10, v5;
	v33 =	vshrl.u32 v10, $0xF;
	v10 =	vshll.u32 v10, $0x11  }
0x65: {  	v12 =	vxor.u32 v7, v12;
	v4 =	vxor.u32 v1, v4;
	v1 =	vadd.s32 $0x1BD11BDD, v1  }
0x66: {  	v6 =	vadd.s32 v15, v6;
	v37 =	vshrl.u32 v15, $0xF;
	v15 =	vshll.u32 v15, $0x11  }
0x67: {  	v5 =	vadd.s32 $0x7, v5;
	v10 =	vor.u32 v33, v10;
	v45 =	vshrl.u32 v12, $0x3  }
0x68: {  	v46 =	vshll.u32 v12, $0x1D;
	v7 =	vadd.s32 v7, v12;
	v4 =	vadd.s32 $0x5, v4  }
0x69: {  	v6 =	vadd.s32 $0x7, v6;
	v15 =	vor.u32 v37, v15;
	v10 =	vxor.u32 v5, v10  }
0x6a: {  	v55 =	vor.u32 v45, v46;
	v1 =	vxor.u32 v1, v4;
	v4 =	vor.u32 v36, v39  }
0x6b: {  	v36 =	vshrl.u32 v14, $0xF;
	v14 =	vshll.u32 v14, $0x11;
	v15 =	vxor.u32 v6, v15  }
0x6c: {  	v41 =	vshrl.u32 v10, $0x3;
	v42 =	vshll.u32 v10, $0x1D;
	v12 =	vxor.u32 v7, v55  }
0x6d: {  	v4 =	vxor.u32 v3, v4;
	v14 =	vor.u32 v36, v14;
	v49 =	vshrl.u32 v15, $0x3  }
0x6e: {  	v52 =	vshll.u32 v15, $0x1D;
	v53 =	vor.u32 v41, v42;
	v6 =	vadd.s32 v6, v15  }
0x6f: {  	v33 =	vshrl.u32 v12, $0x10;
	v34 =	vshll.u32 v12, $0x10;
	v7 =	vadd.s32 v7, v12  }
0x70: {  	v57 =	vshrl.u32 v4, $0x1A;
	v58 =	vshll.u32 v4, $0x6;
	v3 =	vadd.s32 v3, v4  }
0x71: {  	v4 =	vxor.u32 v2, v16;
	v14 =	vxor.u32 v8, v14;
	v43 =	vor.u32 v33, v34  }
0x72: {  	v25 =	vor.u32 v57, v58;
	v4 =	vadd.s32 $0x1BD11BDE, v4;
	v47 =	vshrl.u32 v14, $0x3  }
0x73: {  	v48 =	vshll.u32 v14, $0x1D;
	v57 =	vor.u32 v49, v52;
	v8 =	vadd.s32 v8, v14  }
0x74: {  	v12 =	vxor.u32 v7, v43;
	v29 =	vxor.u32 v3, v25;
	v2 =	vadd.s32 v4, v2  }
0x75: {  	v32 =	vshrl.u32 v4, $0xF;
	v4 =	vshll.u32 v4, $0x11;
	v56 =	vor.u32 v47, v48  }
0x76: {  	v15 =	vxor.u32 v6, v57;
	v57 =	vshll.u32 v12, $0x18;
	v7 =	vadd.s32 v7, v12  }
0x77: {  	v13 =	vadd.s32 $0x1BD11BDE, v29;
	v2 =	vadd.s32 $0x7, v2;
	v4 =	vor.u32 v32, v4  }
0x78: {  	v14 =	vxor.u32 v8, v56;
	v37 =	vshrl.u32 v15, $0x10;
	v6 =	vadd.s32 v6, v15  }
0x79: {  	v56 =	vshrl.u32 v12, $0x8;
	v3 =	vadd.s32 v13, v3;
	v38 =	vshrl.u32 v13, $0xF  }
0x7a: {  	v13 =	vshll.u32 v13, $0x11;
	v4 =	vxor.u32 v2, v4;
	v35 =	vshrl.u32 v14, $0x10  }
0x7b: {  	v36 =	vshll.u32 v14, $0x10;
	v8 =	vadd.s32 v8, v14;
	v33 =	vor.u32 v56, v57  }
0x7c: {  	v3 =	vadd.s32 $0x7, v3;
	v13 =	vor.u32 v38, v13;
	v39 =	vshrl.u32 v4, $0x3  }
0x7d: {  	v40 =	vshll.u32 v4, $0x1D;
	v2 =	vadd.s32 v2, v4;
	v4 =	vadd.s32 v5, v10  }
0x7e: {  	v5 =	vadd.s32 v9, v11;
	v38 =	vshll.u32 v15, $0x10;
	v45 =	vor.u32 v35, v36  }
0x7f: {  	v13 =	vxor.u32 v3, v13;
	v16 =	vor.u32 v39, v40;
	v10 =	vxor.u32 v4, v53  }
0x80: {  	v11 =	vxor.u32 v5, v54;
	v46 =	vor.u32 v37, v38;
	v47 =	vxor.u32 v8, v45  }
0x81: {  	v50 =	vshrl.u32 v13, $0x3;
	v51 =	vshll.u32 v13, $0x1D;
	v3 =	vadd.s32 v3, v13  }
0x82: {  	v59 =	vxor.u32 v2, v16;
	v61 =	vshrl.u32 v10, $0x10;
	v62 =	vshll.u32 v10, $0x10  }
0x83: {  	v63 =	vshrl.u32 v11, $0x10;
	v32 =	vshll.u32 v11, $0x10;
	v4 =	vadd.s32 v4, v10  }
0x84: {  	v5 =	vadd.s32 v5, v11;
	v8 =	vadd.s32 v8, v47;
	v58 =	vor.u32 v50, v51  }
0x85: {  	v16 =	vshrl.u32 v59, $0x10;
	v60 =	vshll.u32 v59, $0x10;
	v41 =	vor.u32 v61, v62  }
0x86: {  	v42 =	vor.u32 v63, v32;
	v2 =	vadd.s32 v2, v59;
	v50 =	vxor.u32 v6, v46  }
0x87: {  	v59 =	vshll.u32 v47, $0x18;
	v13 =	vxor.u32 v3, v58;
	v16 =	vor.u32 v16, v60  }
0x88: {  	v10 =	vxor.u32 v4, v41;
	v11 =	vxor.u32 v5, v42;
	v58 =	vshrl.u32 v47, $0x8  }
0x89: {  	v61 =	vshrl.u32 v50, $0x8;
	v62 =	vshll.u32 v50, $0x18;
	v6 =	vadd.s32 v6, v50  }
0x8a: {  	v39 =	vshrl.u32 v13, $0x10;
	v40 =	vshll.u32 v13, $0x10;
	v3 =	vadd.s32 v3, v13  }
0x8b: {  	v9 =	vxor.u32 v2, v16;
	v52 =	vshrl.u32 v10, $0x8;
	v53 =	vshll.u32 v10, $0x18  }
0x8c: {  	v54 =	vshrl.u32 v11, $0x8;
	v55 =	vshll.u32 v11, $0x18;
	v34 =	vor.u32 v58, v59  }
0x8d: {  	v36 =	vor.u32 v61, v62;
	v4 =	vadd.s32 v4, v10;
	v5 =	vadd.s32 v5, v11  }
0x8e: {  	v44 =	vor.u32 v39, v40;
	v49 =	vshrl.u32 v9, $0x8;
	v51 =	vshll.u32 v9, $0x18  }
0x8f: {  	v31 =	vor.u32 v52, v53;
	v32 =	vor.u32 v54, v55;
	v2 =	vadd.s32 v2, v9  }
0x90: {  	v40 =	vxor.u32 v7, v33;
	v41 =	vxor.u32 v8, v34;
	v9 =	vxor.u32 v6, v36  }
0x91: {  	v48 =	vxor.u32 v3, v44;
	v15 =	vor.u32 v49, v51;
	v38 =	vxor.u32 v4, v31  }
0x92: {  	v39 =	vxor.u32 v5, v32;
	v13 =	vadd.s32 $0x2, v40;
	v14 =	vadd.s32 $0x2, v41  }
0x93: {  	v9 =	vadd.s32 $0x2, v9;
	v60 =	vshrl.u32 v48, $0x8;
	v63 =	vshll.u32 v48, $0x18  }
0x94: {  	v3 =	vadd.s32 v3, v48;
	v37 =	vxor.u32 v2, v15;
	v11 =	vadd.s32 $0x2, v38  }
0x95: {  	v12 =	vadd.s32 $0x2, v39;
	v7 =	vadd.s32 v13, v7;
	v46 =	vshrl.u32 v13, $0x13  }
0x96: {  	v13 =	vshll.u32 v13, $0xD;
	v8 =	vadd.s32 v14, v8;
	v47 =	vshrl.u32 v14, $0x13  }
0x97: {  	v14 =	vshll.u32 v14, $0xD;
	v6 =	vadd.s32 v9, v6;
	v48 =	vshrl.u32 v9, $0x13  }
0x98: {  	v9 =	vshll.u32 v9, $0xD;
	v35 =	vor.u32 v60, v63;
	v10 =	vadd.s32 $0x2, v37  }
0x99: {  	v4 =	vadd.s32 v11, v4;
	v44 =	vshrl.u32 v11, $0x13;
	v11 =	vshll.u32 v11, $0xD  }
0x9a: {  	v5 =	vadd.s32 v12, v5;
	v45 =	vshrl.u32 v12, $0x13;
	v12 =	vshll.u32 v12, $0xD  }
0x9b: {  	v7 =	vadd.s32 $0x1BD11BDD, v7;
	v13 =	vor.u32 v46, v13;
	v8 =	vadd.s32 $0x1BD11BDD, v8  }
0x9c: {  	v14 =	vor.u32 v47, v14;
	v6 =	vadd.s32 $0x1BD11BDD, v6;
	v9 =	vor.u32 v48, v9  }
0x9d: {  	v42 =	vxor.u32 v3, v35;
	v2 =	vadd.s32 v10, v2;
	v43 =	vshrl.u32 v10, $0x13  }
0x9e: {  	v10 =	vshll.u32 v10, $0xD;
	v4 =	vadd.s32 $0x1BD11BDD, v4;
	v11 =	vor.u32 v44, v11  }
0x9f: {  	v5 =	vadd.s32 $0x1BD11BDD, v5;
	v12 =	vor.u32 v45, v12;
	v13 =	vxor.u32 v7, v13  }
0xa0: {  	v14 =	vxor.u32 v8, v14;
	v9 =	vxor.u32 v6, v9;
	v15 =	vadd.s32 $0x2, v42  }
0xa1: {  	v2 =	vadd.s32 $0x1BD11BDD, v2;
	v10 =	vor.u32 v43, v10;
	v11 =	vxor.u32 v4, v11  }
0xa2: {  	v12 =	vxor.u32 v5, v12;
	v56 =	vshrl.u32 v13, $0x11;
	v57 =	vshll.u32 v13, $0xF  }
0xa3: {  	v58 =	vshrl.u32 v14, $0x11;
	v59 =	vshll.u32 v14, $0xF;
	v61 =	vshrl.u32 v9, $0x11  }
0xa4: {  	v62 =	vshll.u32 v9, $0xF;
	v7 =	vadd.s32 v7, v13;
	v8 =	vadd.s32 v8, v14  }
0xa5: {  	v6 =	vadd.s32 v6, v9;
	v3 =	vadd.s32 v15, v3;
	v49 =	vshrl.u32 v15, $0x13  }
0xa6: {  	v15 =	vshll.u32 v15, $0xD;
	v10 =	vxor.u32 v2, v10;
	v52 =	vshrl.u32 v11, $0x11  }
0xa7: {  	v53 =	vshll.u32 v11, $0xF;
	v54 =	vshrl.u32 v12, $0x11;
	v55 =	vshll.u32 v12, $0xF  }
0xa8: {  	v34 =	vor.u32 v56, v57;
	v35 =	vor.u32 v58, v59;
	v37 =	vor.u32 v61, v62  }
0xa9: {  	v4 =	vadd.s32 v4, v11;
	v5 =	vadd.s32 v5, v12;
	v3 =	vadd.s32 $0x1BD11BDD, v3  }
0xaa: {  	v15 =	vor.u32 v49, v15;
	v50 =	vshrl.u32 v10, $0x11;
	v51 =	vshll.u32 v10, $0xF  }
0xab: {  	v32 =	vor.u32 v52, v53;
	v33 =	vor.u32 v54, v55;
	v2 =	vadd.s32 v2, v10  }
0xac: {  	v13 =	vxor.u32 v7, v34;
	v14 =	vxor.u32 v8, v35;
	v10 =	vxor.u32 v6, v37  }
0xad: {  	v15 =	vxor.u32 v3, v15;
	v16 =	vor.u32 v50, v51;
	v11 =	vxor.u32 v4, v32  }
0xae: {  	v12 =	vxor.u32 v5, v33;
	v44 =	vshrl.u32 v13, $0x6;
	v45 =	vshll.u32 v13, $0x1A  }
0xaf: {  	v46 =	vshrl.u32 v14, $0x6;
	v47 =	vshll.u32 v14, $0x1A;
	v48 =	vshrl.u32 v10, $0x6  }
0xb0: {  	v51 =	vshll.u32 v10, $0x1A;
	v7 =	vadd.s32 v7, v13;
	v8 =	vadd.s32 v8, v14  }
0xb1: {  	v6 =	vadd.s32 v6, v10;
	v60 =	vshrl.u32 v15, $0x11;
	v63 =	vshll.u32 v15, $0xF  }
0xb2: {  	v3 =	vadd.s32 v3, v15;
	v38 =	vxor.u32 v2, v16;
	v40 =	vshrl.u32 v11, $0x6  }
0xb3: {  	v41 =	vshll.u32 v11, $0x1A;
	v42 =	vshrl.u32 v12, $0x6;
	v43 =	vshll.u32 v12, $0x1A  }
0xb4: {  	v54 =	vor.u32 v44, v45;
	v55 =	vor.u32 v46, v47;
	v56 =	vor.u32 v48, v51  }
0xb5: {  	v4 =	vadd.s32 v4, v11;
	v5 =	vadd.s32 v5, v12;
	v36 =	vor.u32 v60, v63  }
0xb6: {  	v16 =	vshrl.u32 v38, $0x6;
	v39 =	vshll.u32 v38, $0x1A;
	v52 =	vor.u32 v40, v41  }
0xb7: {  	v53 =	vor.u32 v42, v43;
	v2 =	vadd.s32 v2, v38;
	v60 =	vxor.u32 v7, v54  }
0xb8: {  	v14 =	vxor.u32 v8, v55;
	v62 =	vxor.u32 v6, v56;
	v15 =	vxor.u32 v3, v36  }
0xb9: {  	v16 =	vor.u32 v16, v39;
	v58 =	vxor.u32 v4, v52;
	v59 =	vxor.u32 v5, v53  }
0xba: {  	v36 =	vshrl.u32 v60, $0x1A;
	v37 =	vshll.u32 v60, $0x6;
	v38 =	vshrl.u32 v14, $0x1A  }
0xbb: {  	v39 =	vshll.u32 v14, $0x6;
	v40 =	vshrl.u32 v62, $0x1A;
	v41 =	vshll.u32 v62, $0x6  }
0xbc: {  	v7 =	vadd.s32 v7, v60;
	v8 =	vadd.s32 v8, v14;
	v6 =	vadd.s32 v6, v62  }
0xbd: {  	v49 =	vshrl.u32 v15, $0x6;
	v50 =	vshll.u32 v15, $0x1A;
	v3 =	vadd.s32 v3, v15  }
0xbe: {  	v9 =	vxor.u32 v2, v16;
	v32 =	vshrl.u32 v58, $0x1A;
	v33 =	vshll.u32 v58, $0x6  }
0xbf: {  	v34 =	vshrl.u32 v59, $0x1A;
	v35 =	vshll.u32 v59, $0x6;
	v46 =	vor.u32 v36, v37  }
0xc0: {  	v48 =	vor.u32 v38, v39;
	v4 =	vadd.s32 v4, v58;
	v5 =	vadd.s32 v5, v59  }
0xc1: {  	v57 =	vor.u32 v49, v50;
	v16 =	vshrl.u32 v9, $0x1A;
	v63 =	vshll.u32 v9, $0x6  }
0xc2: {  	v44 =	vor.u32 v32, v33;
	v45 =	vor.u32 v34, v35;
	v49 =	vor.u32 v40, v41  }
0xc3: {  	v2 =	vadd.s32 v2, v9;
	v12 =	vxor.u32 v7, v46;
	v50 =	vxor.u32 v8, v48  }
0xc4: {  	v61 =	vxor.u32 v3, v57;
	v16 =	vor.u32 v16, v63;
	v10 =	vxor.u32 v4, v44  }
0xc5: {  	v11 =	vxor.u32 v5, v45;
	v15 =	vxor.u32 v6, v49;
	v12 =	vadd.s32 $0xA, v12  }
0xc6: {  	v13 =	vadd.s32 $0xA, v50;
	v42 =	vshrl.u32 v61, $0x1A;
	v43 =	vshll.u32 v61, $0x6  }
0xc7: {  	v3 =	vadd.s32 v3, v61;
	v9 =	vxor.u32 v2, v16;
	v10 =	vadd.s32 $0xA, v10  }
0xc8: {  	v11 =	vadd.s32 $0xA, v11;
	v15 =	vadd.s32 $0xA, v15;
	v58 =	vshrl.u32 v12, $0xF  }
0xc9: {  	v59 =	vshll.u32 v12, $0x11;
	v60 =	vshrl.u32 v13, $0xF;
	v61 =	vshll.u32 v13, $0x11  }
0xca: {  	v7 =	vadd.s32 v7, v12;
	v8 =	vadd.s32 v8, v13;
	v47 =	vor.u32 v42, v43  }
0xcb: {  	v9 =	vadd.s32 $0xA, v9;
	v54 =	vshrl.u32 v10, $0xF;
	v55 =	vshll.u32 v10, $0x11  }
0xcc: {  	v56 =	vshrl.u32 v11, $0xF;
	v57 =	vshll.u32 v11, $0x11;
	v62 =	vshrl.u32 v15, $0xF  }
0xcd: {  	v63 =	vshll.u32 v15, $0x11;
	v36 =	vor.u32 v58, v59;
	v38 =	vor.u32 v60, v61  }
0xce: {  	v4 =	vadd.s32 v4, v10;
	v5 =	vadd.s32 v5, v11;
	v6 =	vadd.s32 v6, v15  }
0xcf: {  	v51 =	vxor.u32 v3, v47;
	v52 =	vshrl.u32 v9, $0xF;
	v53 =	vshll.u32 v9, $0x11  }
0xd0: {  	v34 =	vor.u32 v54, v55;
	v35 =	vor.u32 v56, v57;
	v39 =	vor.u32 v62, v63  }
0xd1: {  	v2 =	vadd.s32 v2, v9;
	v12 =	vxor.u32 v7, v36;
	v13 =	vxor.u32 v8, v38  }
0xd2: {  	v14 =	vadd.s32 $0xA, v51;
	v16 =	vor.u32 v52, v53;
	v10 =	vxor.u32 v4, v34  }
0xd3: {  	v11 =	vxor.u32 v5, v35;
	v41 =	vxor.u32 v6, v39;
	v47 =	vshrl.u32 v12, $0x3  }
0xd4: {  	v48 =	vshll.u32 v12, $0x1D;
	v49 =	vshrl.u32 v13, $0x3;
	v50 =	vshll.u32 v13, $0x1D  }
0xd5: {  	v7 =	vadd.s32 v7, v12;
	v8 =	vadd.s32 v8, v13;
	v32 =	vshrl.u32 v14, $0xF  }
0xd6: {  	v33 =	vshll.u32 v14, $0x11;
	v3 =	vadd.s32 v3, v14;
	v9 =	vxor.u32 v2, v16  }
0xd7: {  	v43 =	vshrl.u32 v10, $0x3;
	v44 =	vshll.u32 v10, $0x1D;
	v45 =	vshrl.u32 v11, $0x3  }
0xd8: {  	v46 =	vshll.u32 v11, $0x1D;
	v52 =	vshrl.u32 v41, $0x3;
	v53 =	vshll.u32 v41, $0x1D  }
0xd9: {  	v57 =	vor.u32 v47, v48;
	v58 =	vor.u32 v49, v50;
	v4 =	vadd.s32 v4, v10  }
0xda: {  	v5 =	vadd.s32 v5, v11;
	v6 =	vadd.s32 v6, v41;
	v37 =	vor.u32 v32, v33  }
0xdb: {  	v40 =	vshrl.u32 v9, $0x3;
	v42 =	vshll.u32 v9, $0x1D;
	v55 =	vor.u32 v43, v44  }
0xdc: {  	v56 =	vor.u32 v45, v46;
	v2 =	vadd.s32 v2, v9;
	v60 =	vor.u32 v52, v53  }
0xdd: {  	v32 =	vxor.u32 v7, v57;
	v33 =	vxor.u32 v8, v58;
	v14 =	vxor.u32 v3, v37  }
0xde: {  	v15 =	vor.u32 v40, v42;
	v62 =	vxor.u32 v4, v55;
	v63 =	vxor.u32 v5, v56  }
0xdf: {  	v9 =	vxor.u32 v6, v60;
	v41 =	vshrl.u32 v32, $0x10;
	v42 =	vshll.u32 v32, $0x10  }
0xe0: {  	v43 =	vshrl.u32 v33, $0x10;
	v44 =	vshll.u32 v33, $0x10;
	v7 =	vadd.s32 v7, v32  }
0xe1: {  	v8 =	vadd.s32 v8, v33;
	v51 =	vshrl.u32 v14, $0x3;
	v54 =	vshll.u32 v14, $0x1D  }
0xe2: {  	v3 =	vadd.s32 v3, v14;
	v61 =	vxor.u32 v2, v15;
	v37 =	vshrl.u32 v62, $0x10  }
0xe3: {  	v38 =	vshll.u32 v62, $0x10;
	v39 =	vshrl.u32 v63, $0x10;
	v40 =	vshll.u32 v63, $0x10  }
0xe4: {  	v45 =	vshrl.u32 v9, $0x10;
	v48 =	vshll.u32 v9, $0x10;
	v52 =	vor.u32 v43, v44  }
0xe5: {  	v4 =	vadd.s32 v4, v62;
	v5 =	vadd.s32 v5, v63;
	v6 =	vadd.s32 v6, v9  }
0xe6: {  	v59 =	vor.u32 v51, v54;
	v35 =	vshrl.u32 v61, $0x10;
	v36 =	vshll.u32 v61, $0x10  }
0xe7: {  	v49 =	vor.u32 v37, v38;
	v50 =	vor.u32 v39, v40;
	v51 =	vor.u32 v41, v42  }
0xe8: {  	v53 =	vor.u32 v45, v48;
	v2 =	vadd.s32 v2, v61;
	v14 =	vxor.u32 v8, v52  }
0xe9: {  	v34 =	vxor.u32 v3, v59;
	v16 =	vor.u32 v35, v36;
	v55 =	vxor.u32 v4, v49  }
0xea: {  	v56 =	vxor.u32 v5, v50;
	v57 =	vxor.u32 v7, v51;
	v59 =	vxor.u32 v6, v53  }
0xeb: {  	v35 =	vshrl.u32 v14, $0x8;
	v36 =	vshll.u32 v14, $0x18;
	v8 =	vadd.s32 v8, v14  }
0xec: {  	v46 =	vshrl.u32 v34, $0x10;
	v47 =	vshll.u32 v34, $0x10;
	v3 =	vadd.s32 v3, v34  }
0xed: {  	v10 =	vxor.u32 v2, v16;
	v61 =	vshrl.u32 v55, $0x8;
	v62 =	vshll.u32 v55, $0x18  }
0xee: {  	v63 =	vshrl.u32 v56, $0x8;
	v32 =	vshll.u32 v56, $0x18;
	v33 =	vshrl.u32 v57, $0x8  }
0xef: {  	v34 =	vshll.u32 v57, $0x18;
	v37 =	vshrl.u32 v59, $0x8;
	v38 =	vshll.u32 v59, $0x18  }
0xf0: {  	v45 =	vor.u32 v35, v36;
	v4 =	vadd.s32 v4, v55;
	v5 =	vadd.s32 v5, v56  }
0xf1: {  	v7 =	vadd.s32 v7, v57;
	v6 =	vadd.s32 v6, v59;
	v54 =	vor.u32 v46, v47  }
0xf2: {  	v16 =	vshrl.u32 v10, $0x8;
	v60 =	vshll.u32 v10, $0x18;
	v41 =	vor.u32 v61, v62  }
0xf3: {  	v42 =	vor.u32 v63, v32;
	v43 =	vor.u32 v33, v34;
	v46 =	vor.u32 v37, v38  }
0xf4: {  	v2 =	vadd.s32 v2, v10;
	v49 =	vxor.u32 v8, v45;
	v58 =	vxor.u32 v3, v54  }
0xf5: {  	v16 =	vor.u32 v16, v60;
	v48 =	vxor.u32 v4, v41;
	v11 =	vxor.u32 v5, v42  }
0xf6: {  	v12 =	vxor.u32 v7, v43;
	v15 =	vxor.u32 v6, v46;
	v13 =	vadd.s32 $0x1BD11BE1, v49  }
0xf7: {  	v39 =	vshrl.u32 v58, $0x8;
	v40 =	vshll.u32 v58, $0x18;
	v3 =	vadd.s32 v3, v58  }
0xf8: {  	v47 =	vxor.u32 v2, v16;
	v10 =	vadd.s32 $0x1BD11BE1, v48;
	v11 =	vadd.s32 $0x1BD11BE1, v11  }
0xf9: {  	v12 =	vadd.s32 $0x1BD11BE1, v12;
	v15 =	vadd.s32 $0x1BD11BE1, v15;
	v8 =	vadd.s32 v13, v8  }
0xfa: {  	v55 =	vshrl.u32 v13, $0x13;
	v13 =	vshll.u32 v13, $0xD;
	v44 =	vor.u32 v39, v40  }
0xfb: {  	v9 =	vadd.s32 $0x1BD11BE1, v47;
	v4 =	vadd.s32 v10, v4;
	v52 =	vshrl.u32 v10, $0x13  }
0xfc: {  	v10 =	vshll.u32 v10, $0xD;
	v5 =	vadd.s32 v11, v5;
	v53 =	vshrl.u32 v11, $0x13  }
0xfd: {  	v11 =	vshll.u32 v11, $0xD;
	v7 =	vadd.s32 v12, v7;
	v54 =	vshrl.u32 v12, $0x13  }
0xfe: {  	v12 =	vshll.u32 v12, $0xD;
	v6 =	vadd.s32 v15, v6;
	v56 =	vshrl.u32 v15, $0x13  }
0xff: {  	v15 =	vshll.u32 v15, $0xD;
	v8 =	vadd.s32 $0x7, v8;
	v13 =	vor.u32 v55, v13  }
0x100: {  	v50 =	vxor.u32 v3, v44;
	v2 =	vadd.s32 v9, v2;
	v51 =	vshrl.u32 v9, $0x13  }
0x101: {  	v9 =	vshll.u32 v9, $0xD;
	v4 =	vadd.s32 $0x7, v4;
	v10 =	vor.u32 v52, v10  }
0x102: {  	v5 =	vadd.s32 $0x7, v5;
	v11 =	vor.u32 v53, v11;
	v7 =	vadd.s32 $0x7, v7  }
0x103: {  	v12 =	vor.u32 v54, v12;
	v6 =	vadd.s32 $0x7, v6;
	v15 =	vor.u32 v56, v15  }
0x104: {  	v13 =	vxor.u32 v8, v13;
	v14 =	vadd.s32 $0x1BD11BE1, v50;
	v2 =	vadd.s32 $0x7, v2  }
0x105: {  	v9 =	vor.u32 v51, v9;
	v10 =	vxor.u32 v4, v10;
	v11 =	vxor.u32 v5, v11  }
0x106: {  	v12 =	vxor.u32 v7, v12;
	v15 =	vxor.u32 v6, v15;
	v34 =	vshrl.u32 v13, $0x11  }
0x107: {  	v35 =	vshll.u32 v13, $0xF;
	v8 =	vadd.s32 v8, v13;
	v3 =	vadd.s32 v14, v3  }
0x108: {  	v57 =	vshrl.u32 v14, $0x13;
	v14 =	vshll.u32 v14, $0xD;
	v9 =	vxor.u32 v2, v9  }
0x109: {  	v60 =	vshrl.u32 v10, $0x11;
	v61 =	vshll.u32 v10, $0xF;
	v62 =	vshrl.u32 v11, $0x11  }
0x10a: {  	v63 =	vshll.u32 v11, $0xF;
	v32 =	vshrl.u32 v12, $0x11;
	v33 =	vshll.u32 v12, $0xF  }
0x10b: {  	v36 =	vshrl.u32 v15, $0x11;
	v37 =	vshll.u32 v15, $0xF;
	v44 =	vor.u32 v34, v35  }
0x10c: {  	v4 =	vadd.s32 v4, v10;
	v5 =	vadd.s32 v5, v11;
	v7 =	vadd.s32 v7, v12  }
0x10d: {  	v6 =	vadd.s32 v6, v15;
	v3 =	vadd.s32 $0x7, v3;
	v14 =	vor.u32 v57, v14  }
0x10e: {  	v58 =	vshrl.u32 v9, $0x11;
	v59 =	vshll.u32 v9, $0xF;
	v40 =	vor.u32 v60, v61  }
0x10f: {  	v41 =	vor.u32 v62, v63;
	v42 =	vor.u32 v32, v33;
	v45 =	vor.u32 v36, v37  }
0x110: {  	v2 =	vadd.s32 v2, v9;
	v13 =	vxor.u32 v8, v44;
	v14 =	vxor.u32 v3, v14  }
0x111: {  	v16 =	vor.u32 v58, v59;
	v10 =	vxor.u32 v4, v40;
	v11 =	vxor.u32 v5, v41  }
0x112: {  	v12 =	vxor.u32 v7, v42;
	v47 =	vxor.u32 v6, v45;
	v55 =	vshrl.u32 v13, $0x6  }
0x113: {  	v56 =	vshll.u32 v13, $0x1A;
	v8 =	vadd.s32 v8, v13;
	v38 =	vshrl.u32 v14, $0x11  }
0x114: {  	v39 =	vshll.u32 v14, $0xF;
	v3 =	vadd.s32 v3, v14;
	v9 =	vxor.u32 v2, v16  }
0x115: {  	v49 =	vshrl.u32 v10, $0x6;
	v50 =	vshll.u32 v10, $0x1A;
	v51 =	vshrl.u32 v11, $0x6  }
0x116: {  	v52 =	vshll.u32 v11, $0x1A;
	v53 =	vshrl.u32 v12, $0x6;
	v54 =	vshll.u32 v12, $0x1A  }
0x117: {  	v58 =	vshrl.u32 v47, $0x6;
	v59 =	vshll.u32 v47, $0x1A;
	v30 =	vor.u32 v55, v56  }
0x118: {  	v4 =	vadd.s32 v4, v10;
	v5 =	vadd.s32 v5, v11;
	v7 =	vadd.s32 v7, v12  }
0x119: {  	v6 =	vadd.s32 v6, v47;
	v43 =	vor.u32 v38, v39;
	v46 =	vshrl.u32 v9, $0x6  }
0x11a: {  	v48 =	vshll.u32 v9, $0x1A;
	v61 =	vor.u32 v49, v50;
	v62 =	vor.u32 v51, v52  }
0x11b: {  	v63 =	vor.u32 v53, v54;
	v2 =	vadd.s32 v2, v9;
	v32 =	vor.u32 v58, v59  }
0x11c: {  	v37 =	vxor.u32 v8, v30;
	v14 =	vxor.u32 v3, v43;
	v15 =	vor.u32 v46, v48  }
0x11d: {  	v34 =	vxor.u32 v4, v61;
	v35 =	vxor.u32 v5, v62;
	v36 =	vxor.u32 v7, v63  }
0x11e: {  	v9 =	vxor.u32 v6, v32;
	v47 =	vshrl.u32 v37, $0x1A;
	v48 =	vshll.u32 v37, $0x6  }
0x11f: {  	v8 =	vadd.s32 v8, v37;
	v57 =	vshrl.u32 v14, $0x6;
	v60 =	vshll.u32 v14, $0x1A  }
0x120: {  	v3 =	vadd.s32 v3, v14;
	v33 =	vxor.u32 v2, v15;
	v41 =	vshrl.u32 v34, $0x1A  }
0x121: {  	v42 =	vshll.u32 v34, $0x6;
	v43 =	vshrl.u32 v35, $0x1A;
	v44 =	vshll.u32 v35, $0x6  }
0x122: {  	v45 =	vshrl.u32 v36, $0x1A;
	v46 =	vshll.u32 v36, $0x6;
	v49 =	vshrl.u32 v9, $0x1A  }
0x123: {  	v52 =	vshll.u32 v9, $0x6;
	v56 =	vor.u32 v47, v48;
	v4 =	vadd.s32 v4, v34  }
0x124: {  	v5 =	vadd.s32 v5, v35;
	v7 =	vadd.s32 v7, v36;
	v6 =	vadd.s32 v6, v9  }
0x125: {  	v31 =	vor.u32 v57, v60;
	v39 =	vshrl.u32 v33, $0x1A;
	v40 =	vshll.u32 v33, $0x6  }
0x126: {  	v53 =	vor.u32 v41, v42;
	v54 =	vor.u32 v43, v44;
	v55 =	vor.u32 v45, v46  }
0x127: {  	v57 =	vor.u32 v49, v52;
	v2 =	vadd.s32 v2, v33;
	v14 =	vxor.u32 v8, v56  }
0x128: {  	v8 =	vadd.s32 $0x1BD11BDD, v8;
	v38 =	vxor.u32 v3, v31;
	v16 =	vor.u32 v39, v40  }
0x129: {  	v59 =	vxor.u32 v4, v53;
	v60 =	vxor.u32 v5, v54;
	v61 =	vxor.u32 v7, v55  }
0x12a: {  	v63 =	vxor.u32 v6, v57;
	v14 =	vadd.s32 $0x5, v14;
	v4 =	vadd.s32 $0x1BD11BDD, v4  }
0x12b: {  	v5 =	vadd.s32 $0x1BD11BDD, v5;
	v7 =	vadd.s32 $0x1BD11BDD, v7;
	v6 =	vadd.s32 $0x1BD11BDD, v6  }
0x12c: {  	v50 =	vshrl.u32 v38, $0x1A;
	v51 =	vshll.u32 v38, $0x6;
	v3 =	vadd.s32 v3, v38  }
0x12d: {  	v10 =	vxor.u32 v2, v16;
	v9 =	vadd.s32 $0x5, v59;
	v11 =	vadd.s32 $0x5, v60  }
0x12e: {  	s14 =	simm.s32 $0x40;
	v12 =	vadd.s32 $0x5, v61;
	v15 =	vadd.s32 $0x5, v63;
	v2 =	vadd.s32 $0x1BD11BDD, v2  }
0x12f: {  	[tilespmem:s14+$0x30] =	vst v1;
	v58 =	vor.u32 v50, v51;
	v10 =	vadd.s32 $0x5, v10;
	v1 =	vadd.s32 $0x1BD11BDD, v3  }
0x130: {  	v5 =	vxor.u32 v5, v11;
	v62 =	vxor.u32 v3, v58;
	v2 =	vxor.u32 v2, v10  }
0x131: {  	v3 =	vxor.u32 v7, v12;
	v13 =	vadd.s32 $0x5, v62;
	[tilespmem:s14+$0xFFFFFFD0] =	vst v2;
	v2 =	vxor.u32 v4, v9  }
0x132: {  	s15 =	simm.s32 $0x100;
	s16 =	sadd.s32 $0x80, s11;
	s13 =	sadd.s32 s4, s12;
	v4 =	vxor.u32 v8, v14;
	v1 =	vxor.u32 v1, v13;
	[tilespmem:s14+$0xFFFFFFE0] =	vst v2;
	v2 =	vxor.u32 v6, v15  }
.LBB2_3:
0x133: {  	p0 =	sne.s32 s15, $0x1F80;
	v7 =	vmov s16;
	v6 =	vor.u32 s16, v0;
	s17 =	sadd.s32 $0x10, s16;
	s18 =	sadd.s32 $0x70, s16;
	[tilespmem:s14+$0xFFFFFFF0] =	vst v5  }
0x134: {  	s19 =	sadd.s32 $0x30, s16;
	s20 =	sadd.s32 $0x40, s16;
	v8 =	vshrl.u32 v7, $0x13;
	v5 =	vadd.s32 s17, v0;
	s17 =	sadd.s32 $0x20, s16;
	v7 =	vadd.s32 s18, v0;
	[tilespmem:s14+$0x0] =	vst v3  }
0x135: {  	s18 =	sadd.s32 $0x50, s16;
	s16 =	sadd.s32 $0x60, s16;
	v9 =	vmov s17;
	v10 =	vshrl.u32 v7, $0x13;
	v11 =	vshll.u32 v7, $0xD;
	[tilespmem:s14+$0x10] =	vst v4  }
0x136: {  	v3 =	vadd.s32 s19, v0;
	v4 =	vor.u32 s17, v0;
	v10 =	vor.u32 v10, v11;
	[tilespmem:s14+$0x20] =	vst v2  }
0x137: {  	v11 =	vmov s20;
	v2 =	vor.u32 s20, v0;
	v10 =	vxor.u32 v7, v10;
	[tilespmem:s14+$0xFFFFFFC0] =	vst v1  }
0x138: {  	v1 =	vadd.s32 s18, v0;
	v12 =	vshrl.u32 v10, $0x11;
	v13 =	vshll.u32 v10, $0xF  }
0x139: {  	v14 =	vmov s16;
	v10 =	vadd.s32 v7, v10;
	v12 =	vor.u32 v12, v13  }
0x13a: {  	v7 =	vor.u32 s16, v0;
	v13 =	vshrl.u32 v5, $0x13;
	v12 =	vxor.u32 v10, v12  }
0x13b: {  	v15 =	vshll.u32 v5, $0xD;
	v16 =	vshrl.u32 v12, $0x6;
	v17 =	vshll.u32 v12, $0x1A  }
0x13c: {  	v9 =	vshrl.u32 v9, $0x13;
	v10 =	vadd.s32 v10, v12;
	v12 =	vor.u32 v16, v17  }
0x13d: {  	v16 =	vshll.u32 v4, $0xD;
	v17 =	vshrl.u32 v3, $0x13;
	v12 =	vxor.u32 v10, v12  }
0x13e: {  	v18 =	vshll.u32 v3, $0xD;
	v19 =	vshrl.u32 v12, $0x1A;
	v20 =	vshll.u32 v12, $0x6  }
0x13f: {  	v11 =	vshrl.u32 v11, $0x13;
	v10 =	vadd.s32 v10, v12;
	v12 =	vor.u32 v19, v20  }
0x140: {  	v19 =	vshll.u32 v2, $0xD;
	v20 =	vshrl.u32 v1, $0x13;
	v12 =	vxor.u32 v10, v12  }
0x141: {  	v14 =	vshrl.u32 v14, $0x13;
	v21 =	vshll.u32 v1, $0xD;
	v12 =	vadd.s32 $0x1BD11BDE, v12  }
0x142: {  	v10 =	vadd.s32 v12, v10;
	v22 =	vshrl.u32 v12, $0xF;
	v12 =	vshll.u32 v12, $0x11  }
0x143: {  	v23 =	vshll.u32 v7, $0xD;
	v10 =	vadd.s32 $0x7, v10;
	v12 =	vor.u32 v22, v12  }
0x144: {  	v13 =	vor.u32 v13, v15;
	v22 =	vshll.u32 v6, $0xD;
	v12 =	vxor.u32 v10, v12  }
0x145: {  	v9 =	vor.u32 v9, v16;
	v15 =	vshrl.u32 v12, $0x3;
	v16 =	vshll.u32 v12, $0x1D  }
0x146: {  	v17 =	vor.u32 v17, v18;
	v10 =	vadd.s32 v10, v12;
	v12 =	vor.u32 v15, v16  }
0x147: {  	v11 =	vor.u32 v11, v19;
	v15 =	vor.u32 v20, v21;
	v12 =	vxor.u32 v10, v12  }
0x148: {  	v14 =	vor.u32 v14, v23;
	v16 =	vshrl.u32 v12, $0x10;
	v18 =	vshll.u32 v12, $0x10  }
0x149: {  	v8 =	vor.u32 v8, v22;
	v10 =	vadd.s32 v10, v12;
	v12 =	vor.u32 v16, v18  }
0x14a: {  	v13 =	vxor.u32 v5, v13;
	v9 =	vxor.u32 v4, v9;
	v12 =	vxor.u32 v10, v12  }
0x14b: {  	v16 =	vxor.u32 v3, v17;
	v17 =	vshrl.u32 v12, $0x8;
	v18 =	vshll.u32 v12, $0x18  }
0x14c: {  	v11 =	vxor.u32 v2, v11;
	v10 =	vadd.s32 v10, v12;
	v12 =	vor.u32 v17, v18  }
0x14d: {  	v14 =	vxor.u32 v7, v14;
	v15 =	vxor.u32 v1, v15;
	v12 =	vxor.u32 v10, v12  }
0x14e: {  	v8 =	vxor.u32 v6, v8;
	v17 =	vshrl.u32 v13, $0x11;
	v12 =	vadd.s32 $0x2, v12  }
0x14f: {  	v10 =	vadd.s32 v12, v10;
	v18 =	vshrl.u32 v12, $0x13;
	v12 =	vshll.u32 v12, $0xD  }
0x150: {  	v19 =	vshll.u32 v13, $0xF;
	v10 =	vadd.s32 $0x1BD11BDD, v10;
	v12 =	vor.u32 v18, v12  }
0x151: {  	v20 =	vshll.u32 v9, $0xF;
	v18 =	vshrl.u32 v9, $0x11;
	v12 =	vxor.u32 v10, v12  }
0x152: {  	v21 =	vshrl.u32 v16, $0x11;
	v22 =	vshrl.u32 v12, $0x11;
	v23 =	vshll.u32 v12, $0xF  }
0x153: {  	v24 =	vshll.u32 v16, $0xF;
	v10 =	vadd.s32 v10, v12;
	v12 =	vor.u32 v22, v23  }
0x154: {  	v22 =	vshrl.u32 v11, $0x11;
	v23 =	vshll.u32 v11, $0xF;
	v12 =	vxor.u32 v10, v12  }
0x155: {  	v25 =	vshrl.u32 v15, $0x11;
	v26 =	vshrl.u32 v12, $0x6;
	v27 =	vshll.u32 v12, $0x1A  }
0x156: {  	v28 =	vshll.u32 v15, $0xF;
	v10 =	vadd.s32 v10, v12;
	v12 =	vor.u32 v26, v27  }
0x157: {  	v26 =	vshrl.u32 v14, $0x11;
	v27 =	vshll.u32 v14, $0xF;
	v12 =	vxor.u32 v10, v12  }
0x158: {  	v29 =	vshrl.u32 v8, $0x11;
	v30 =	vshrl.u32 v12, $0x1A;
	v31 =	vshll.u32 v12, $0x6  }
0x159: {  	v32 =	vshll.u32 v8, $0xF;
	v10 =	vadd.s32 v10, v12;
	v12 =	vor.u32 v30, v31  }
0x15a: {  	v17 =	vor.u32 v17, v19;
	v18 =	vor.u32 v18, v20;
	v12 =	vxor.u32 v10, v12  }
0x15b: {  	v19 =	vor.u32 v21, v24;
	v20 =	vor.u32 v22, v23;
	v12 =	vadd.s32 $0xA, v12  }
0x15c: {  	v21 =	vor.u32 v25, v28;
	v22 =	vshrl.u32 v12, $0xF;
	v23 =	vshll.u32 v12, $0x11  }
0x15d: {  	v24 =	vor.u32 v26, v27;
	v10 =	vadd.s32 v10, v12;
	v12 =	vor.u32 v22, v23  }
0x15e: {  	v5 =	vadd.s32 v5, v13;
	v22 =	vor.u32 v29, v32;
	v12 =	vxor.u32 v10, v12  }
0x15f: {  	v4 =	vadd.s32 v4, v9;
	v9 =	vshrl.u32 v12, $0x3;
	v13 =	vshll.u32 v12, $0x1D  }
0x160: {  	v3 =	vadd.s32 v3, v16;
	v10 =	vadd.s32 v10, v12;
	v9 =	vor.u32 v9, v13  }
0x161: {  	v2 =	vadd.s32 v2, v11;
	v1 =	vadd.s32 v1, v15;
	v9 =	vxor.u32 v10, v9  }
0x162: {  	v7 =	vadd.s32 v7, v14;
	v11 =	vshrl.u32 v9, $0x10;
	v12 =	vshll.u32 v9, $0x10  }
0x163: {  	v6 =	vadd.s32 v6, v8;
	v8 =	vadd.s32 v10, v9;
	v9 =	vor.u32 v11, v12  }
0x164: {  	v10 =	vxor.u32 v5, v17;
	v11 =	vxor.u32 v4, v18;
	v9 =	vxor.u32 v8, v9  }
0x165: {  	v12 =	vxor.u32 v3, v19;
	v13 =	vshrl.u32 v9, $0x8;
	v14 =	vshll.u32 v9, $0x18  }
0x166: {  	v15 =	vxor.u32 v2, v20;
	v8 =	vadd.s32 v8, v9;
	v9 =	vor.u32 v13, v14  }
0x167: {  	v13 =	vxor.u32 v1, v21;
	v14 =	vxor.u32 v7, v24;
	v9 =	vxor.u32 v8, v9  }
0x168: {  	v16 =	vxor.u32 v6, v22;
	v17 =	vshrl.u32 v10, $0x6;
	v9 =	vadd.s32 $0x1BD11BE1, v9  }
0x169: {  	v8 =	vadd.s32 v9, v8;
	v18 =	vshrl.u32 v9, $0x13;
	v9 =	vshll.u32 v9, $0xD  }
0x16a: {  	v19 =	vshll.u32 v10, $0x1A;
	v8 =	vadd.s32 $0x7, v8;
	v9 =	vor.u32 v18, v9  }
0x16b: {  	v20 =	vshll.u32 v11, $0x1A;
	v18 =	vshrl.u32 v11, $0x6;
	v9 =	vxor.u32 v8, v9  }
0x16c: {  	v21 =	vshrl.u32 v12, $0x6;
	v22 =	vshrl.u32 v9, $0x11;
	v23 =	vshll.u32 v9, $0xF  }
0x16d: {  	v24 =	vshll.u32 v12, $0x1A;
	v8 =	vadd.s32 v8, v9;
	v9 =	vor.u32 v22, v23  }
0x16e: {  	v22 =	vshrl.u32 v15, $0x6;
	v23 =	vshll.u32 v15, $0x1A;
	v9 =	vxor.u32 v8, v9  }
0x16f: {  	v25 =	vshrl.u32 v13, $0x6;
	v26 =	vshrl.u32 v9, $0x6;
	v27 =	vshll.u32 v9, $0x1A  }
0x170: {  	v28 =	vshll.u32 v13, $0x1A;
	v8 =	vadd.s32 v8, v9;
	v9 =	vor.u32 v26, v27  }
0x171: {  	v26 =	vshrl.u32 v14, $0x6;
	v27 =	vshll.u32 v14, $0x1A;
	v9 =	vxor.u32 v8, v9  }
0x172: {  	v29 =	vshrl.u32 v16, $0x6;
	v30 =	vshrl.u32 v9, $0x1A;
	v31 =	vshll.u32 v9, $0x6  }
0x173: {  	v32 =	vshll.u32 v16, $0x1A;
	v8 =	vadd.s32 v8, v9;
	v9 =	vor.u32 v30, v31  }
0x174: {  	v17 =	vor.u32 v17, v19;
	v18 =	vor.u32 v18, v20;
	v9 =	vxor.u32 v8, v9  }
0x175: {  	v19 =	vor.u32 v21, v24;
	v8 =	vadd.s32 $0x1BD11BDD, v8;
	v9 =	vadd.s32 $0x5, v9  }
0x176: {  	s14 =	sadd.s32 $0x80, s14;
	v21 =	vor.u32 v25, v28;
	v20 =	vor.u32 v22, v23;
	v8 =	vxor.u32 v8, v9  }
0x177: {  	v5 =	vadd.s32 v5, v10;
	v10 =	vor.u32 v26, v27;
	v9 =	vor.u32 v29, v32;
	[tilespmem:s14+$0x30] =	vst v8  }
0x178: {  	v2 =	vadd.s32 v2, v15;
	v4 =	vadd.s32 v4, v11;
	v3 =	vadd.s32 v3, v12  }
0x179: {  	v6 =	vadd.s32 v6, v16;
	v1 =	vadd.s32 v1, v13;
	v7 =	vadd.s32 v7, v14  }
0x17a: {  	v12 =	vxor.u32 v3, v19;
	v11 =	vxor.u32 v4, v18;
	v8 =	vxor.u32 v5, v17  }
0x17b: {  	v13 =	vxor.u32 v2, v20;
	v14 =	vxor.u32 v1, v21;
	v10 =	vxor.u32 v7, v10  }
0x17c: {  	v9 =	vxor.u32 v6, v9;
	v15 =	vshrl.u32 v8, $0x1A;
	v16 =	vshll.u32 v8, $0x6  }
0x17d: {  	v19 =	vshrl.u32 v12, $0x1A;
	v18 =	vshll.u32 v11, $0x6;
	v17 =	vshrl.u32 v11, $0x1A  }
0x17e: {  	v20 =	vshll.u32 v12, $0x6;
	v21 =	vshrl.u32 v13, $0x1A;
	v22 =	vshll.u32 v13, $0x6  }
0x17f: {  	v23 =	vshrl.u32 v14, $0x1A;
	v24 =	vshll.u32 v14, $0x6;
	v25 =	vshrl.u32 v10, $0x1A  }
0x180: {  	v28 =	vshll.u32 v10, $0x6;
	v26 =	vshrl.u32 v9, $0x1A;
	v27 =	vshll.u32 v9, $0x6  }
0x181: {  	v15 =	vor.u32 v15, v16;
	v16 =	vor.u32 v17, v18;
	v17 =	vor.u32 v19, v20  }
0x182: {  	v18 =	vor.u32 v21, v22;
	v19 =	vor.u32 v23, v24;
	v20 =	vor.u32 v25, v28  }
0x183: {  	v4 =	vadd.s32 v4, v11;
	v5 =	vadd.s32 v5, v8;
	v21 =	vor.u32 v26, v27  }
0x184: {  	v3 =	vadd.s32 v3, v12;
	v2 =	vadd.s32 v2, v13;
	v1 =	vadd.s32 v1, v14  }
0x185: {  	v7 =	vadd.s32 v7, v10;
	v6 =	vadd.s32 v6, v9;
	v8 =	vxor.u32 v5, v15  }
0x186: {  	v9 =	vxor.u32 v4, v16;
	v10 =	vxor.u32 v3, v17;
	v11 =	vxor.u32 v2, v18  }
0x187: {  	v12 =	vxor.u32 v6, v21;
	v13 =	vxor.u32 v1, v19;
	v14 =	vxor.u32 v7, v20  }
0x188: {  	v8 =	vadd.s32 $0x1BD11BDE, v8;
	v9 =	vadd.s32 $0x1BD11BDE, v9;
	v10 =	vadd.s32 $0x1BD11BDE, v10  }
0x189: {  	v11 =	vadd.s32 $0x1BD11BDE, v11;
	v13 =	vadd.s32 $0x1BD11BDE, v13;
	v14 =	vadd.s32 $0x1BD11BDE, v14  }
0x18a: {  	v12 =	vadd.s32 $0x1BD11BDE, v12;
	v5 =	vadd.s32 v8, v5;
	v15 =	vshrl.u32 v8, $0xF  }
0x18b: {  	v8 =	vshll.u32 v8, $0x11;
	v4 =	vadd.s32 v9, v4;
	v16 =	vshrl.u32 v9, $0xF  }
0x18c: {  	v9 =	vshll.u32 v9, $0x11;
	v3 =	vadd.s32 v10, v3;
	v17 =	vshrl.u32 v10, $0xF  }
0x18d: {  	v10 =	vshll.u32 v10, $0x11;
	v2 =	vadd.s32 v11, v2;
	v18 =	vshrl.u32 v11, $0xF  }
0x18e: {  	v11 =	vshll.u32 v11, $0x11;
	v1 =	vadd.s32 v13, v1;
	v19 =	vshrl.u32 v13, $0xF  }
0x18f: {  	v13 =	vshll.u32 v13, $0x11;
	v7 =	vadd.s32 v14, v7;
	v20 =	vshrl.u32 v14, $0xF  }
0x190: {  	v6 =	vadd.s32 v12, v6;
	v21 =	vshrl.u32 v12, $0xF;
	v14 =	vshll.u32 v14, $0x11  }
0x191: {  	v12 =	vshll.u32 v12, $0x11;
	v5 =	vadd.s32 $0x7, v5;
	v8 =	vor.u32 v15, v8  }
0x192: {  	v4 =	vadd.s32 $0x7, v4;
	v9 =	vor.u32 v16, v9;
	v3 =	vadd.s32 $0x7, v3  }
0x193: {  	v10 =	vor.u32 v17, v10;
	v2 =	vadd.s32 $0x7, v2;
	v11 =	vor.u32 v18, v11  }
0x194: {  	v1 =	vadd.s32 $0x7, v1;
	v13 =	vor.u32 v19, v13;
	v7 =	vadd.s32 $0x7, v7  }
0x195: {  	v6 =	vadd.s32 $0x7, v6;
	v12 =	vor.u32 v21, v12;
	v14 =	vor.u32 v20, v14  }
0x196: {  	v8 =	vxor.u32 v5, v8;
	v9 =	vxor.u32 v4, v9;
	v10 =	vxor.u32 v3, v10  }
0x197: {  	v11 =	vxor.u32 v2, v11;
	v13 =	vxor.u32 v1, v13;
	v14 =	vxor.u32 v7, v14  }
0x198: {  	v12 =	vxor.u32 v6, v12;
	v15 =	vshrl.u32 v8, $0x3;
	v16 =	vshll.u32 v8, $0x1D  }
0x199: {  	v17 =	vshrl.u32 v9, $0x3;
	v18 =	vshll.u32 v9, $0x1D;
	v19 =	vshrl.u32 v10, $0x3  }
0x19a: {  	v20 =	vshll.u32 v10, $0x1D;
	v21 =	vshrl.u32 v11, $0x3;
	v22 =	vshll.u32 v11, $0x1D  }
0x19b: {  	v23 =	vshrl.u32 v13, $0x3;
	v24 =	vshll.u32 v13, $0x1D;
	v25 =	vshrl.u32 v14, $0x3  }
0x19c: {  	v26 =	vshrl.u32 v12, $0x3;
	v27 =	vshll.u32 v12, $0x1D;
	v28 =	vshll.u32 v14, $0x1D  }
0x19d: {  	v15 =	vor.u32 v15, v16;
	v16 =	vor.u32 v17, v18;
	v17 =	vor.u32 v19, v20  }
0x19e: {  	v18 =	vor.u32 v21, v22;
	v19 =	vor.u32 v23, v24;
	v20 =	vor.u32 v25, v28  }
0x19f: {  	v5 =	vadd.s32 v5, v8;
	v4 =	vadd.s32 v4, v9;
	v21 =	vor.u32 v26, v27  }
0x1a0: {  	v3 =	vadd.s32 v3, v10;
	v2 =	vadd.s32 v2, v11;
	v1 =	vadd.s32 v1, v13  }
0x1a1: {  	v6 =	vadd.s32 v6, v12;
	v7 =	vadd.s32 v7, v14;
	v8 =	vxor.u32 v5, v15  }
0x1a2: {  	v9 =	vxor.u32 v4, v16;
	v10 =	vxor.u32 v3, v17;
	v11 =	vxor.u32 v2, v18  }
0x1a3: {  	v12 =	vxor.u32 v6, v21;
	v13 =	vxor.u32 v1, v19;
	v14 =	vxor.u32 v7, v20  }
0x1a4: {  	v15 =	vshrl.u32 v8, $0x10;
	v16 =	vshll.u32 v8, $0x10;
	v17 =	vshrl.u32 v9, $0x10  }
0x1a5: {  	v18 =	vshll.u32 v9, $0x10;
	v19 =	vshrl.u32 v10, $0x10;
	v20 =	vshll.u32 v10, $0x10  }
0x1a6: {  	v21 =	vshrl.u32 v11, $0x10;
	v22 =	vshll.u32 v11, $0x10;
	v23 =	vshrl.u32 v13, $0x10  }
0x1a7: {  	v24 =	vshll.u32 v13, $0x10;
	v25 =	vshrl.u32 v14, $0x10;
	v26 =	vshll.u32 v14, $0x10  }
0x1a8: {  	v27 =	vshrl.u32 v12, $0x10;
	v28 =	vshll.u32 v12, $0x10;
	v15 =	vor.u32 v15, v16  }
0x1a9: {  	v16 =	vor.u32 v17, v18;
	v17 =	vor.u32 v19, v20;
	v18 =	vor.u32 v21, v22  }
0x1aa: {  	v19 =	vor.u32 v27, v28;
	v20 =	vor.u32 v23, v24;
	v21 =	vor.u32 v25, v26  }
0x1ab: {  	v5 =	vadd.s32 v5, v8;
	v4 =	vadd.s32 v4, v9;
	v3 =	vadd.s32 v3, v10  }
0x1ac: {  	v2 =	vadd.s32 v2, v11;
	v1 =	vadd.s32 v1, v13;
	v7 =	vadd.s32 v7, v14  }
0x1ad: {  	v6 =	vadd.s32 v6, v12;
	v8 =	vxor.u32 v5, v15;
	v9 =	vxor.u32 v4, v16  }
0x1ae: {  	v10 =	vxor.u32 v3, v17;
	v11 =	vxor.u32 v2, v18;
	v12 =	vxor.u32 v1, v20  }
0x1af: {  	v13 =	vxor.u32 v6, v19;
	v15 =	vxor.u32 v7, v21;
	v14 =	vshrl.u32 v8, $0x8  }
0x1b0: {  	v16 =	vshll.u32 v8, $0x18;
	v17 =	vshrl.u32 v9, $0x8;
	v18 =	vshll.u32 v9, $0x18  }
0x1b1: {  	v19 =	vshrl.u32 v10, $0x8;
	v20 =	vshll.u32 v10, $0x18;
	v21 =	vshrl.u32 v11, $0x8  }
0x1b2: {  	v22 =	vshll.u32 v11, $0x18;
	v23 =	vshrl.u32 v12, $0x8;
	v24 =	vshll.u32 v12, $0x18  }
0x1b3: {  	v25 =	vshrl.u32 v13, $0x8;
	v26 =	vshrl.u32 v15, $0x8;
	v27 =	vshll.u32 v15, $0x18  }
0x1b4: {  	v28 =	vshll.u32 v13, $0x18;
	v14 =	vor.u32 v14, v16;
	v16 =	vor.u32 v17, v18  }
0x1b5: {  	v17 =	vor.u32 v19, v20;
	v18 =	vor.u32 v21, v22;
	v19 =	vor.u32 v23, v24  }
0x1b6: {  	v5 =	vadd.s32 v5, v8;
	v20 =	vor.u32 v25, v28;
	v8 =	vor.u32 v26, v27  }
0x1b7: {  	v4 =	vadd.s32 v4, v9;
	v3 =	vadd.s32 v3, v10;
	v2 =	vadd.s32 v2, v11  }
0x1b8: {  	v6 =	vadd.s32 v6, v13;
	v1 =	vadd.s32 v1, v12;
	v7 =	vadd.s32 v7, v15  }
0x1b9: {  	v9 =	vxor.u32 v5, v14;
	v10 =	vxor.u32 v4, v16;
	v11 =	vxor.u32 v3, v17  }
0x1ba: {  	v12 =	vxor.u32 v2, v18;
	v13 =	vxor.u32 v1, v19;
	v8 =	vxor.u32 v7, v8  }
0x1bb: {  	v14 =	vxor.u32 v6, v20;
	v9 =	vadd.s32 $0x2, v9;
	v10 =	vadd.s32 $0x2, v10  }
0x1bc: {  	v11 =	vadd.s32 $0x2, v11;
	v12 =	vadd.s32 $0x2, v12;
	v13 =	vadd.s32 $0x2, v13  }
0x1bd: {  	v14 =	vadd.s32 $0x2, v14;
	v8 =	vadd.s32 $0x2, v8;
	v5 =	vadd.s32 v9, v5  }
0x1be: {  	v15 =	vshrl.u32 v9, $0x13;
	v9 =	vshll.u32 v9, $0xD;
	v4 =	vadd.s32 v10, v4  }
0x1bf: {  	v16 =	vshrl.u32 v10, $0x13;
	v10 =	vshll.u32 v10, $0xD;
	v3 =	vadd.s32 v11, v3  }
0x1c0: {  	v17 =	vshrl.u32 v11, $0x13;
	v11 =	vshll.u32 v11, $0xD;
	v2 =	vadd.s32 v12, v2  }
0x1c1: {  	v18 =	vshrl.u32 v12, $0x13;
	v12 =	vshll.u32 v12, $0xD;
	v1 =	vadd.s32 v13, v1  }
0x1c2: {  	v19 =	vshrl.u32 v13, $0x13;
	v13 =	vshll.u32 v13, $0xD;
	v7 =	vadd.s32 v8, v7  }
0x1c3: {  	v6 =	vadd.s32 v14, v6;
	v20 =	vshrl.u32 v8, $0x13;
	v8 =	vshll.u32 v8, $0xD  }
0x1c4: {  	v21 =	vshrl.u32 v14, $0x13;
	v14 =	vshll.u32 v14, $0xD;
	v5 =	vadd.s32 $0x1BD11BDD, v5  }
0x1c5: {  	v9 =	vor.u32 v15, v9;
	v4 =	vadd.s32 $0x1BD11BDD, v4;
	v10 =	vor.u32 v16, v10  }
0x1c6: {  	v3 =	vadd.s32 $0x1BD11BDD, v3;
	v11 =	vor.u32 v17, v11;
	v2 =	vadd.s32 $0x1BD11BDD, v2  }
0x1c7: {  	v12 =	vor.u32 v18, v12;
	v1 =	vadd.s32 $0x1BD11BDD, v1;
	v13 =	vor.u32 v19, v13  }
0x1c8: {  	v6 =	vadd.s32 $0x1BD11BDD, v6;
	v7 =	vadd.s32 $0x1BD11BDD, v7;
	v8 =	vor.u32 v20, v8  }
0x1c9: {  	v14 =	vor.u32 v21, v14;
	v9 =	vxor.u32 v5, v9;
	v10 =	vxor.u32 v4, v10  }
0x1ca: {  	v11 =	vxor.u32 v3, v11;
	v12 =	vxor.u32 v2, v12;
	v13 =	vxor.u32 v1, v13  }
0x1cb: {  	v14 =	vxor.u32 v6, v14;
	v8 =	vxor.u32 v7, v8;
	v15 =	vshrl.u32 v9, $0x11  }
0x1cc: {  	v16 =	vshll.u32 v9, $0xF;
	v17 =	vshrl.u32 v10, $0x11;
	v18 =	vshll.u32 v10, $0xF  }
0x1cd: {  	v19 =	vshrl.u32 v11, $0x11;
	v20 =	vshll.u32 v11, $0xF;
	v21 =	vshrl.u32 v12, $0x11  }
0x1ce: {  	v22 =	vshll.u32 v12, $0xF;
	v23 =	vshrl.u32 v13, $0x11;
	v24 =	vshll.u32 v13, $0xF  }
0x1cf: {  	v25 =	vshrl.u32 v14, $0x11;
	v26 =	vshrl.u32 v8, $0x11;
	v27 =	vshll.u32 v8, $0xF  }
0x1d0: {  	v28 =	vshll.u32 v14, $0xF;
	v15 =	vor.u32 v15, v16;
	v16 =	vor.u32 v17, v18  }
0x1d1: {  	v17 =	vor.u32 v19, v20;
	v18 =	vor.u32 v21, v22;
	v19 =	vor.u32 v23, v24  }
0x1d2: {  	v5 =	vadd.s32 v5, v9;
	v20 =	vor.u32 v25, v28;
	v9 =	vor.u32 v26, v27  }
0x1d3: {  	v4 =	vadd.s32 v4, v10;
	v3 =	vadd.s32 v3, v11;
	v2 =	vadd.s32 v2, v12  }
0x1d4: {  	v6 =	vadd.s32 v6, v14;
	v1 =	vadd.s32 v1, v13;
	v7 =	vadd.s32 v7, v8  }
0x1d5: {  	v8 =	vxor.u32 v5, v15;
	v10 =	vxor.u32 v4, v16;
	v11 =	vxor.u32 v3, v17  }
0x1d6: {  	v12 =	vxor.u32 v2, v18;
	v13 =	vxor.u32 v1, v19;
	v9 =	vxor.u32 v7, v9  }
0x1d7: {  	v14 =	vxor.u32 v6, v20;
	v15 =	vshrl.u32 v8, $0x6;
	v16 =	vshll.u32 v8, $0x1A  }
0x1d8: {  	v17 =	vshrl.u32 v10, $0x6;
	v18 =	vshll.u32 v10, $0x1A;
	v19 =	vshrl.u32 v11, $0x6  }
0x1d9: {  	v20 =	vshll.u32 v11, $0x1A;
	v21 =	vshrl.u32 v12, $0x6;
	v22 =	vshll.u32 v12, $0x1A  }
0x1da: {  	v23 =	vshrl.u32 v13, $0x6;
	v24 =	vshll.u32 v13, $0x1A;
	v25 =	vshrl.u32 v9, $0x6  }
0x1db: {  	v26 =	vshrl.u32 v14, $0x6;
	v27 =	vshll.u32 v14, $0x1A;
	v28 =	vshll.u32 v9, $0x1A  }
0x1dc: {  	v15 =	vor.u32 v15, v16;
	v16 =	vor.u32 v17, v18;
	v17 =	vor.u32 v19, v20  }
0x1dd: {  	v18 =	vor.u32 v21, v22;
	v19 =	vor.u32 v23, v24;
	v20 =	vor.u32 v25, v28  }
0x1de: {  	v5 =	vadd.s32 v5, v8;
	v4 =	vadd.s32 v4, v10;
	v21 =	vor.u32 v26, v27  }
0x1df: {  	v3 =	vadd.s32 v3, v11;
	v2 =	vadd.s32 v2, v12;
	v1 =	vadd.s32 v1, v13  }
0x1e0: {  	v6 =	vadd.s32 v6, v14;
	v7 =	vadd.s32 v7, v9;
	v8 =	vxor.u32 v5, v15  }
0x1e1: {  	v9 =	vxor.u32 v4, v16;
	v10 =	vxor.u32 v3, v17;
	v11 =	vxor.u32 v2, v18  }
0x1e2: {  	v12 =	vxor.u32 v6, v21;
	v13 =	vxor.u32 v1, v19;
	v14 =	vxor.u32 v7, v20  }
0x1e3: {  	v15 =	vshrl.u32 v8, $0x1A;
	v16 =	vshll.u32 v8, $0x6;
	v17 =	vshrl.u32 v9, $0x1A  }
0x1e4: {  	v18 =	vshll.u32 v9, $0x6;
	v19 =	vshrl.u32 v10, $0x1A;
	v20 =	vshll.u32 v10, $0x6  }
0x1e5: {  	v21 =	vshrl.u32 v11, $0x1A;
	v22 =	vshll.u32 v11, $0x6;
	v23 =	vshrl.u32 v13, $0x1A  }
0x1e6: {  	v24 =	vshll.u32 v13, $0x6;
	v25 =	vshrl.u32 v14, $0x1A;
	v26 =	vshll.u32 v14, $0x6  }
0x1e7: {  	v27 =	vshrl.u32 v12, $0x1A;
	v28 =	vshll.u32 v12, $0x6;
	v15 =	vor.u32 v15, v16  }
0x1e8: {  	v16 =	vor.u32 v17, v18;
	v17 =	vor.u32 v19, v20;
	v18 =	vor.u32 v21, v22  }
0x1e9: {  	v19 =	vor.u32 v27, v28;
	v20 =	vor.u32 v23, v24;
	v21 =	vor.u32 v25, v26  }
0x1ea: {  	v5 =	vadd.s32 v5, v8;
	v4 =	vadd.s32 v4, v9;
	v3 =	vadd.s32 v3, v10  }
0x1eb: {  	v2 =	vadd.s32 v2, v11;
	v1 =	vadd.s32 v1, v13;
	v7 =	vadd.s32 v7, v14  }
0x1ec: {  	v6 =	vadd.s32 v6, v12;
	v8 =	vxor.u32 v5, v15;
	v9 =	vxor.u32 v4, v16  }
0x1ed: {  	v10 =	vxor.u32 v3, v17;
	v11 =	vxor.u32 v2, v18;
	v12 =	vxor.u32 v1, v20  }
0x1ee: {  	v13 =	vxor.u32 v6, v19;
	v14 =	vxor.u32 v7, v21;
	v8 =	vadd.s32 $0xA, v8  }
0x1ef: {  	v9 =	vadd.s32 $0xA, v9;
	v10 =	vadd.s32 $0xA, v10;
	v11 =	vadd.s32 $0xA, v11  }
0x1f0: {  	v13 =	vadd.s32 $0xA, v13;
	v12 =	vadd.s32 $0xA, v12;
	v14 =	vadd.s32 $0xA, v14  }
0x1f1: {  	v15 =	vshrl.u32 v8, $0xF;
	v16 =	vshll.u32 v8, $0x11;
	v17 =	vshrl.u32 v9, $0xF  }
0x1f2: {  	v18 =	vshll.u32 v9, $0x11;
	v19 =	vshrl.u32 v10, $0xF;
	v20 =	vshll.u32 v10, $0x11  }
0x1f3: {  	v21 =	vshrl.u32 v11, $0xF;
	v22 =	vshll.u32 v11, $0x11;
	v23 =	vshrl.u32 v12, $0xF  }
0x1f4: {  	v24 =	vshll.u32 v12, $0x11;
	v25 =	vshrl.u32 v14, $0xF;
	v26 =	vshll.u32 v14, $0x11  }
0x1f5: {  	v27 =	vshrl.u32 v13, $0xF;
	v28 =	vshll.u32 v13, $0x11;
	v15 =	vor.u32 v15, v16  }
0x1f6: {  	v16 =	vor.u32 v17, v18;
	v17 =	vor.u32 v19, v20;
	v18 =	vor.u32 v21, v22  }
0x1f7: {  	v19 =	vor.u32 v27, v28;
	v20 =	vor.u32 v23, v24;
	v21 =	vor.u32 v25, v26  }
0x1f8: {  	v5 =	vadd.s32 v5, v8;
	v4 =	vadd.s32 v4, v9;
	v3 =	vadd.s32 v3, v10  }
0x1f9: {  	v2 =	vadd.s32 v2, v11;
	v1 =	vadd.s32 v1, v12;
	v7 =	vadd.s32 v7, v14  }
0x1fa: {  	v6 =	vadd.s32 v6, v13;
	v8 =	vxor.u32 v5, v15;
	v9 =	vxor.u32 v4, v16  }
0x1fb: {  	v10 =	vxor.u32 v3, v17;
	v11 =	vxor.u32 v2, v18;
	v12 =	vxor.u32 v1, v20  }
0x1fc: {  	v13 =	vxor.u32 v6, v19;
	v15 =	vxor.u32 v7, v21;
	v14 =	vshrl.u32 v8, $0x3  }
0x1fd: {  	v16 =	vshll.u32 v8, $0x1D;
	v17 =	vshrl.u32 v9, $0x3;
	v18 =	vshll.u32 v9, $0x1D  }
0x1fe: {  	v19 =	vshrl.u32 v10, $0x3;
	v20 =	vshll.u32 v10, $0x1D;
	v21 =	vshrl.u32 v11, $0x3  }
0x1ff: {  	v22 =	vshll.u32 v11, $0x1D;
	v23 =	vshrl.u32 v12, $0x3;
	v24 =	vshll.u32 v12, $0x1D  }
0x200: {  	v25 =	vshrl.u32 v13, $0x3;
	v26 =	vshrl.u32 v15, $0x3;
	v27 =	vshll.u32 v15, $0x1D  }
0x201: {  	v28 =	vshll.u32 v13, $0x1D;
	v14 =	vor.u32 v14, v16;
	v16 =	vor.u32 v17, v18  }
0x202: {  	v17 =	vor.u32 v19, v20;
	v18 =	vor.u32 v21, v22;
	v19 =	vor.u32 v23, v24  }
0x203: {  	v5 =	vadd.s32 v5, v8;
	v20 =	vor.u32 v25, v28;
	v8 =	vor.u32 v26, v27  }
0x204: {  	v4 =	vadd.s32 v4, v9;
	v3 =	vadd.s32 v3, v10;
	v2 =	vadd.s32 v2, v11  }
0x205: {  	v6 =	vadd.s32 v6, v13;
	v1 =	vadd.s32 v1, v12;
	v7 =	vadd.s32 v7, v15  }
0x206: {  	v9 =	vxor.u32 v5, v14;
	v10 =	vxor.u32 v4, v16;
	v11 =	vxor.u32 v3, v17  }
0x207: {  	v12 =	vxor.u32 v2, v18;
	v13 =	vxor.u32 v1, v19;
	v8 =	vxor.u32 v7, v8  }
0x208: {  	v14 =	vxor.u32 v6, v20;
	v15 =	vshrl.u32 v9, $0x10;
	v16 =	vshll.u32 v9, $0x10  }
0x209: {  	v17 =	vshrl.u32 v10, $0x10;
	v18 =	vshll.u32 v10, $0x10;
	v19 =	vshrl.u32 v11, $0x10  }
0x20a: {  	v20 =	vshll.u32 v11, $0x10;
	v21 =	vshrl.u32 v12, $0x10;
	v22 =	vshll.u32 v12, $0x10  }
0x20b: {  	v23 =	vshrl.u32 v13, $0x10;
	v24 =	vshll.u32 v13, $0x10;
	v25 =	vshrl.u32 v8, $0x10  }
0x20c: {  	v26 =	vshrl.u32 v14, $0x10;
	v27 =	vshll.u32 v14, $0x10;
	v28 =	vshll.u32 v8, $0x10  }
0x20d: {  	v15 =	vor.u32 v15, v16;
	v16 =	vor.u32 v17, v18;
	v17 =	vor.u32 v19, v20  }
0x20e: {  	v18 =	vor.u32 v21, v22;
	v19 =	vor.u32 v23, v24;
	v20 =	vor.u32 v25, v28  }
0x20f: {  	v5 =	vadd.s32 v5, v9;
	v4 =	vadd.s32 v4, v10;
	v21 =	vor.u32 v26, v27  }
0x210: {  	v3 =	vadd.s32 v3, v11;
	v2 =	vadd.s32 v2, v12;
	v1 =	vadd.s32 v1, v13  }
0x211: {  	v6 =	vadd.s32 v6, v14;
	v7 =	vadd.s32 v7, v8;
	v9 =	vxor.u32 v5, v15  }
0x212: {  	v8 =	vxor.u32 v4, v16;
	v10 =	vxor.u32 v3, v17;
	v11 =	vxor.u32 v2, v18  }
0x213: {  	v12 =	vxor.u32 v6, v21;
	v13 =	vxor.u32 v1, v19;
	v14 =	vxor.u32 v7, v20  }
0x214: {  	v15 =	vshrl.u32 v9, $0x8;
	v16 =	vshll.u32 v9, $0x18;
	v17 =	vshrl.u32 v8, $0x8  }
0x215: {  	v18 =	vshll.u32 v8, $0x18;
	v19 =	vshrl.u32 v10, $0x8;
	v20 =	vshll.u32 v10, $0x18  }
0x216: {  	v21 =	vshrl.u32 v11, $0x8;
	v22 =	vshll.u32 v11, $0x18;
	v23 =	vshrl.u32 v13, $0x8  }
0x217: {  	v24 =	vshll.u32 v13, $0x18;
	v25 =	vshrl.u32 v14, $0x8;
	v26 =	vshll.u32 v14, $0x18  }
0x218: {  	v27 =	vshrl.u32 v12, $0x8;
	v28 =	vshll.u32 v12, $0x18;
	v15 =	vor.u32 v15, v16  }
0x219: {  	v16 =	vor.u32 v17, v18;
	v17 =	vor.u32 v19, v20;
	v18 =	vor.u32 v21, v22  }
0x21a: {  	v19 =	vor.u32 v27, v28;
	v20 =	vor.u32 v23, v24;
	v21 =	vor.u32 v25, v26  }
0x21b: {  	v5 =	vadd.s32 v5, v9;
	v4 =	vadd.s32 v4, v8;
	v3 =	vadd.s32 v3, v10  }
0x21c: {  	v2 =	vadd.s32 v2, v11;
	v1 =	vadd.s32 v1, v13;
	v7 =	vadd.s32 v7, v14  }
0x21d: {  	v6 =	vadd.s32 v6, v12;
	v8 =	vxor.u32 v5, v15;
	v9 =	vxor.u32 v4, v16  }
0x21e: {  	v10 =	vxor.u32 v3, v17;
	v11 =	vxor.u32 v2, v18;
	v12 =	vxor.u32 v1, v20  }
0x21f: {  	v13 =	vxor.u32 v6, v19;
	v14 =	vxor.u32 v7, v21;
	v8 =	vadd.s32 $0x1BD11BE1, v8  }
0x220: {  	v9 =	vadd.s32 $0x1BD11BE1, v9;
	v10 =	vadd.s32 $0x1BD11BE1, v10;
	v11 =	vadd.s32 $0x1BD11BE1, v11  }
0x221: {  	v13 =	vadd.s32 $0x1BD11BE1, v13;
	v12 =	vadd.s32 $0x1BD11BE1, v12;
	v14 =	vadd.s32 $0x1BD11BE1, v14  }
0x222: {  	v5 =	vadd.s32 v8, v5;
	v15 =	vshrl.u32 v8, $0x13;
	v8 =	vshll.u32 v8, $0xD  }
0x223: {  	v4 =	vadd.s32 v9, v4;
	v16 =	vshrl.u32 v9, $0x13;
	v9 =	vshll.u32 v9, $0xD  }
0x224: {  	v3 =	vadd.s32 v10, v3;
	v17 =	vshrl.u32 v10, $0x13;
	v10 =	vshll.u32 v10, $0xD  }
0x225: {  	v2 =	vadd.s32 v11, v2;
	v18 =	vshrl.u32 v11, $0x13;
	v11 =	vshll.u32 v11, $0xD  }
0x226: {  	v1 =	vadd.s32 v12, v1;
	v19 =	vshrl.u32 v12, $0x13;
	v12 =	vshll.u32 v12, $0xD  }
0x227: {  	v7 =	vadd.s32 v14, v7;
	v20 =	vshrl.u32 v14, $0x13;
	v14 =	vshll.u32 v14, $0xD  }
0x228: {  	v6 =	vadd.s32 v13, v6;
	v21 =	vshrl.u32 v13, $0x13;
	v13 =	vshll.u32 v13, $0xD  }
0x229: {  	v5 =	vadd.s32 $0x7, v5;
	v8 =	vor.u32 v15, v8;
	v4 =	vadd.s32 $0x7, v4  }
0x22a: {  	v9 =	vor.u32 v16, v9;
	v3 =	vadd.s32 $0x7, v3;
	v10 =	vor.u32 v17, v10  }
0x22b: {  	v2 =	vadd.s32 $0x7, v2;
	v11 =	vor.u32 v18, v11;
	v1 =	vadd.s32 $0x7, v1  }
0x22c: {  	v12 =	vor.u32 v19, v12;
	v7 =	vadd.s32 $0x7, v7;
	v14 =	vor.u32 v20, v14  }
0x22d: {  	v6 =	vadd.s32 $0x7, v6;
	v13 =	vor.u32 v21, v13;
	v8 =	vxor.u32 v5, v8  }
0x22e: {  	v9 =	vxor.u32 v4, v9;
	v10 =	vxor.u32 v3, v10;
	v11 =	vxor.u32 v2, v11  }
0x22f: {  	v13 =	vxor.u32 v6, v13;
	v12 =	vxor.u32 v1, v12;
	v14 =	vxor.u32 v7, v14  }
0x230: {  	v15 =	vshrl.u32 v8, $0x11;
	v16 =	vshll.u32 v8, $0xF;
	v17 =	vshrl.u32 v9, $0x11  }
0x231: {  	v18 =	vshll.u32 v9, $0xF;
	v19 =	vshrl.u32 v10, $0x11;
	v20 =	vshll.u32 v10, $0xF  }
0x232: {  	v21 =	vshrl.u32 v11, $0x11;
	v22 =	vshll.u32 v11, $0xF;
	v23 =	vshrl.u32 v12, $0x11  }
0x233: {  	v24 =	vshll.u32 v12, $0xF;
	v25 =	vshrl.u32 v14, $0x11;
	v26 =	vshll.u32 v14, $0xF  }
0x234: {  	v27 =	vshrl.u32 v13, $0x11;
	v28 =	vshll.u32 v13, $0xF;
	v15 =	vor.u32 v15, v16  }
0x235: {  	v16 =	vor.u32 v17, v18;
	v17 =	vor.u32 v19, v20;
	v18 =	vor.u32 v21, v22  }
0x236: {  	v19 =	vor.u32 v27, v28;
	v20 =	vor.u32 v23, v24;
	v21 =	vor.u32 v25, v26  }
0x237: {  	v5 =	vadd.s32 v5, v8;
	v4 =	vadd.s32 v4, v9;
	v3 =	vadd.s32 v3, v10  }
0x238: {  	v2 =	vadd.s32 v2, v11;
	v1 =	vadd.s32 v1, v12;
	v7 =	vadd.s32 v7, v14  }
0x239: {  	v6 =	vadd.s32 v6, v13;
	v8 =	vxor.u32 v5, v15;
	v9 =	vxor.u32 v4, v16  }
0x23a: {  	v10 =	vxor.u32 v3, v17;
	v11 =	vxor.u32 v2, v18;
	v12 =	vxor.u32 v1, v20  }
0x23b: {  	v13 =	vxor.u32 v6, v19;
	v15 =	vxor.u32 v7, v21;
	v14 =	vshrl.u32 v8, $0x6  }
0x23c: {  	v16 =	vshll.u32 v8, $0x1A;
	v17 =	vshrl.u32 v9, $0x6;
	v18 =	vshll.u32 v9, $0x1A  }
0x23d: {  	v19 =	vshrl.u32 v10, $0x6;
	v20 =	vshll.u32 v10, $0x1A;
	v21 =	vshrl.u32 v11, $0x6  }
0x23e: {  	v22 =	vshll.u32 v11, $0x1A;
	v23 =	vshrl.u32 v12, $0x6;
	v24 =	vshll.u32 v12, $0x1A  }
0x23f: {  	v25 =	vshrl.u32 v13, $0x6;
	v26 =	vshrl.u32 v15, $0x6;
	v27 =	vshll.u32 v15, $0x1A  }
0x240: {  	v28 =	vshll.u32 v13, $0x1A;
	v14 =	vor.u32 v14, v16;
	v16 =	vor.u32 v17, v18  }
0x241: {  	v17 =	vor.u32 v19, v20;
	v18 =	vor.u32 v21, v22;
	v19 =	vor.u32 v23, v24  }
0x242: {  	v5 =	vadd.s32 v5, v8;
	v20 =	vor.u32 v25, v28;
	v8 =	vor.u32 v26, v27  }
0x243: {  	v4 =	vadd.s32 v4, v9;
	v3 =	vadd.s32 v3, v10;
	v2 =	vadd.s32 v2, v11  }
0x244: {  	v6 =	vadd.s32 v6, v13;
	v1 =	vadd.s32 v1, v12;
	v7 =	vadd.s32 v7, v15  }
0x245: {  	v9 =	vxor.u32 v5, v14;
	v10 =	vxor.u32 v4, v16;
	v11 =	vxor.u32 v3, v17  }
0x246: {  	v12 =	vxor.u32 v2, v18;
	v13 =	vxor.u32 v1, v19;
	v8 =	vxor.u32 v7, v8  }
0x247: {  	v14 =	vxor.u32 v6, v20;
	v15 =	vshrl.u32 v9, $0x1A;
	v16 =	vshll.u32 v9, $0x6  }
0x248: {  	v17 =	vshrl.u32 v10, $0x1A;
	v18 =	vshll.u32 v10, $0x6;
	v19 =	vshrl.u32 v11, $0x1A  }
0x249: {  	v20 =	vshll.u32 v11, $0x6;
	v21 =	vshrl.u32 v12, $0x1A;
	v22 =	vshll.u32 v12, $0x6  }
0x24a: {  	v23 =	vshrl.u32 v13, $0x1A;
	v24 =	vshll.u32 v13, $0x6;
	v25 =	vshrl.u32 v8, $0x1A  }
0x24b: {  	v26 =	vshrl.u32 v14, $0x1A;
	v27 =	vshll.u32 v14, $0x6;
	v28 =	vshll.u32 v8, $0x6  }
0x24c: {  	v15 =	vor.u32 v15, v16;
	v16 =	vor.u32 v17, v18;
	v17 =	vor.u32 v19, v20  }
0x24d: {  	v18 =	vor.u32 v21, v22;
	v19 =	vor.u32 v23, v24;
	v20 =	vor.u32 v25, v28  }
0x24e: {  	v5 =	vadd.s32 v5, v9;
	v4 =	vadd.s32 v4, v10;
	v21 =	vor.u32 v26, v27  }
0x24f: {  	v3 =	vadd.s32 v3, v11;
	v2 =	vadd.s32 v2, v12;
	v1 =	vadd.s32 v1, v13  }
0x250: {  	v6 =	vadd.s32 v6, v14;
	v7 =	vadd.s32 v7, v8;
	v9 =	vxor.u32 v5, v15  }
0x251: {  	v8 =	vxor.u32 v4, v16;
	v10 =	vxor.u32 v3, v17;
	v11 =	vxor.u32 v2, v18  }
0x252: {  	v12 =	vxor.u32 v6, v21;
	v13 =	vxor.u32 v1, v19;
	v14 =	vxor.u32 v7, v20  }
0x253: {  	v9 =	vadd.s32 $0x5, v9;
	v8 =	vadd.s32 $0x5, v8;
	v10 =	vadd.s32 $0x5, v10  }
0x254: {  	v11 =	vadd.s32 $0x5, v11;
	v13 =	vadd.s32 $0x5, v13;
	v14 =	vadd.s32 $0x5, v14  }
.Ltmp0:
0x255: {  	v5 =	vadd.s32 $0x1BD11BDD, v5;
	v4 =	vadd.s32 $0x1BD11BDD, v4;
	v12 =	vadd.s32 $0x5, v12;
	(pc) =	sbr.rel @p0 .LBB2_3-.Ltmp0, $4  }
0x256: {  	v3 =	vadd.s32 $0x1BD11BDD, v3;
	v2 =	vadd.s32 $0x1BD11BDD, v2;
	v15 =	vadd.s32 $0x1BD11BDD, v1  }
0x257: {  	v1 =	vadd.s32 $0x1BD11BDD, v6;
	v6 =	vadd.s32 $0x1BD11BDD, v7;
	v5 =	vxor.u32 v5, v9  }
0x258: {  	v4 =	vxor.u32 v4, v8;
	[tilespmem:s14+$0xFFFFFFD0] =	vst v5;
	v5 =	vxor.u32 v3, v10;
	v3 =	vxor.u32 v2, v11  }
0x259: {  	s16 =	sadd.s32 s15, s11;
	s15 =	sadd.s32 $0x80, s15;
	v1 =	vxor.u32 v1, v12;
	v2 =	vxor.u32 v6, v14;
	[tilespmem:s14+$0xFFFFFFE0] =	vst v4;
	v4 =	vxor.u32 v15, v13  }
0x25a: {  	s15 =	sadd.s32 $0x70, s16;
	v7 =	vmov s16  }
0x25b: {  	v6 =	vor.u32 s16, v0;
	s24 =	sadd.s32 $0x10, s16;
	s17 =	sadd.s32 $0x20, s16;
	s25 =	sadd.s32 $0x30, s16;
	v9 =	vadd.s32 s15, v0;
	v11 =	vshrl.u32 v7, $0x13  }
0x25c: {  	s26 =	sadd.s32 $0x40, s16;
	s28 =	sadd.s32 $0x50, s16;
	s29 =	sadd.s32 $0x60, s16;
	v7 =	vadd.s32 s24, v0;
	v29 =	vmov s17;
	v15 =	vadd.s32 s25, v0  }
0x25d: {  	v31 =	vmov s26;
	v16 =	vadd.s32 s28, v0;
	v19 =	vmov s29  }
0x25e: {  	v39 =	vshll.u32 v6, $0xD;
	v8 =	vshrl.u32 v9, $0x13;
	v10 =	vshll.u32 v9, $0xD  }
0x25f: {  	v33 =	vshrl.u32 v7, $0x13;
	v20 =	vshll.u32 v7, $0xD;
	v36 =	vshrl.u32 v15, $0x13  }
0x260: {  	v23 =	vshll.u32 v15, $0xD;
	v37 =	vshrl.u32 v16, $0x13;
	v26 =	vshll.u32 v16, $0xD  }
0x261: {  	v19 =	vshrl.u32 v19, $0x13;
	v11 =	vor.u32 v11, v39;
	v8 =	vor.u32 v8, v10  }
0x262: {  	v10 =	vshrl.u32 v29, $0x13;
	v43 =	vor.u32 v37, v26;
	v12 =	vxor.u32 v9, v8  }
0x263: {  	v11 =	vxor.u32 v6, v11;
	v8 =	vor.u32 s17, v0;
	v13 =	vshrl.u32 v12, $0x11  }
0x264: {  	v14 =	vshll.u32 v12, $0xF;
	v9 =	vadd.s32 v9, v12;
	v35 =	vshll.u32 v8, $0xD  }
0x265: {  	v30 =	vor.u32 v13, v14;
	v14 =	vor.u32 s26, v0;
	v13 =	vshrl.u32 v31, $0x13  }
0x266: {  	v10 =	vor.u32 v10, v35;
	v12 =	vxor.u32 v9, v30;
	v25 =	vshll.u32 v14, $0xD  }
0x267: {  	v10 =	vxor.u32 v8, v10;
	v17 =	vshrl.u32 v12, $0x6;
	v18 =	vshll.u32 v12, $0x1A  }
0x268: {  	v9 =	vadd.s32 v9, v12;
	v13 =	vor.u32 v13, v25;
	v53 =	vshrl.u32 v10, $0x11  }
0x269: {  	v54 =	vshll.u32 v10, $0xF;
	v8 =	vadd.s32 v8, v10;
	v32 =	vor.u32 v17, v18  }
0x26a: {  	v18 =	vor.u32 s29, v0;
	v17 =	vor.u32 v33, v20;
	v13 =	vxor.u32 v14, v13  }
0x26b: {  	v20 =	vxor.u32 v16, v43;
	v12 =	vxor.u32 v9, v32;
	v29 =	vshll.u32 v18, $0xD  }
0x26c: {  	v17 =	vxor.u32 v7, v17;
	v60 =	vshrl.u32 v13, $0x11;
	v61 =	vshll.u32 v13, $0xF  }
0x26d: {  	v30 =	vshrl.u32 v20, $0x11;
	v62 =	vshll.u32 v20, $0xF;
	v13 =	vadd.s32 v14, v13  }
0x26e: {  	v14 =	vadd.s32 v16, v20;
	v21 =	vshrl.u32 v12, $0x1A;
	v22 =	vshll.u32 v12, $0x6  }
0x26f: {  	v9 =	vadd.s32 v9, v12;
	v19 =	vor.u32 v19, v29;
	v34 =	vor.u32 v21, v22  }
0x270: {  	v48 =	vshrl.u32 v17, $0x11;
	v51 =	vshll.u32 v17, $0xF;
	v12 =	vxor.u32 v9, v34  }
0x271: {  	v7 =	vadd.s32 v7, v17;
	v22 =	vor.u32 v36, v23;
	v12 =	vadd.s32 $0x1BD11BDE, v12  }
0x272: {  	v9 =	vadd.s32 v12, v9;
	v24 =	vshrl.u32 v12, $0xF;
	v12 =	vshll.u32 v12, $0x11  }
0x273: {  	v19 =	vxor.u32 v18, v19;
	v9 =	vadd.s32 $0x7, v9;
	v12 =	vor.u32 v24, v12  }
0x274: {  	v23 =	vor.u32 v53, v54;
	v21 =	vxor.u32 v15, v22;
	v12 =	vxor.u32 v9, v12  }
0x275: {  	v63 =	vshrl.u32 v19, $0x11;
	v27 =	vshrl.u32 v12, $0x3;
	v28 =	vshll.u32 v12, $0x1D  }
0x276: {  	v22 =	vor.u32 v48, v51;
	v9 =	vadd.s32 v9, v12;
	v38 =	vor.u32 v27, v28  }
0x277: {  	v36 =	vshll.u32 v19, $0xF;
	v16 =	vadd.s32 v18, v19;
	v12 =	vxor.u32 v9, v38  }
0x278: {  	v53 =	vxor.u32 v8, v23;
	v40 =	vshrl.u32 v12, $0x10;
	v41 =	vshll.u32 v12, $0x10  }
0x279: {  	v55 =	vshrl.u32 v21, $0x11;
	v9 =	vadd.s32 v9, v12;
	v42 =	vor.u32 v40, v41  }
0x27a: {  	v58 =	vshll.u32 v21, $0xF;
	v15 =	vadd.s32 v15, v21;
	v12 =	vxor.u32 v9, v42  }
0x27b: {  	v8 =	vadd.s32 v8, v53;
	v44 =	vshrl.u32 v12, $0x8;
	v45 =	vshll.u32 v12, $0x18  }
0x27c: {  	v27 =	vor.u32 v60, v61;
	v9 =	vadd.s32 v9, v12;
	v46 =	vor.u32 v44, v45  }
0x27d: {  	v38 =	vor.u32 v55, v58;
	v55 =	vxor.u32 v13, v27;
	v12 =	vxor.u32 v9, v46  }
0x27e: {  	v54 =	vxor.u32 v15, v38;
	v13 =	vadd.s32 v13, v55;
	v12 =	vadd.s32 $0x2, v12  }
0x27f: {  	v9 =	vadd.s32 v12, v9;
	v47 =	vshrl.u32 v12, $0x13;
	v12 =	vshll.u32 v12, $0xD  }
0x280: {  	v41 =	vshrl.u32 v11, $0x11;
	v9 =	vadd.s32 $0x1BD11BDD, v9;
	v12 =	vor.u32 v47, v12  }
0x281: {  	v15 =	vadd.s32 v15, v54;
	v42 =	vshll.u32 v11, $0xF;
	v12 =	vxor.u32 v9, v12  }
0x282: {  	v11 =	vadd.s32 v6, v11;
	v49 =	vshrl.u32 v12, $0x11;
	v50 =	vshll.u32 v12, $0xF  }
0x283: {  	v24 =	vor.u32 v41, v42;
	v9 =	vadd.s32 v9, v12;
	v52 =	vor.u32 v49, v50  }
0x284: {  	v42 =	vshrl.u32 v55, $0x6;
	v58 =	vxor.u32 v11, v24;
	v12 =	vxor.u32 v9, v52  }
0x285: {  	v11 =	vadd.s32 v11, v58;
	v56 =	vshrl.u32 v12, $0x6;
	v57 =	vshll.u32 v12, $0x1A  }
0x286: {  	v52 =	vxor.u32 v7, v22;
	v9 =	vadd.s32 v9, v12;
	v59 =	vor.u32 v56, v57  }
0x287: {  	v22 =	vshrl.u32 v52, $0x6;
	v61 =	vshll.u32 v52, $0x1A;
	v12 =	vxor.u32 v9, v59  }
0x288: {  	v7 =	vadd.s32 v7, v52;
	v31 =	vshrl.u32 v12, $0x1A;
	v32 =	vshll.u32 v12, $0x6  }
0x289: {  	v9 =	vadd.s32 v9, v12;
	v12 =	vor.u32 v30, v62;
	v31 =	vor.u32 v31, v32  }
0x28a: {  	v22 =	vor.u32 v22, v61;
	v12 =	vxor.u32 v14, v12;
	v35 =	vxor.u32 v9, v31  }
0x28b: {  	v31 =	vor.u32 v63, v36;
	v63 =	vshrl.u32 v53, $0x6;
	v36 =	vshll.u32 v53, $0x1A  }
0x28c: {  	v37 =	vadd.s32 $0xA, v35;
	v57 =	vxor.u32 v16, v31;
	v23 =	vor.u32 v63, v36  }
0x28d: {  	v39 =	vshrl.u32 v37, $0xF;
	v40 =	vshll.u32 v37, $0x11;
	v9 =	vadd.s32 v9, v37  }
0x28e: {  	v37 =	vshrl.u32 v54, $0x6;
	v53 =	vadd.s32 v16, v57;
	v17 =	vxor.u32 v8, v23  }
0x28f: {  	v26 =	vor.u32 v39, v40;
	v40 =	vshll.u32 v54, $0x1A;
	v54 =	vxor.u32 v7, v22  }
0x290: {  	v23 =	vshrl.u32 v17, $0x1A;
	v8 =	vadd.s32 v8, v17;
	v26 =	vxor.u32 v9, v26  }
0x291: {  	v22 =	vshll.u32 v54, $0x6;
	v43 =	vshrl.u32 v26, $0x3;
	v44 =	vshll.u32 v26, $0x1D  }
0x292: {  	v7 =	vadd.s32 v7, v54;
	v9 =	vadd.s32 v9, v26;
	v45 =	vor.u32 v43, v44  }
0x293: {  	v43 =	vshll.u32 v55, $0x1A;
	v44 =	vshrl.u32 v12, $0x6;
	v46 =	vxor.u32 v9, v45  }
0x294: {  	v27 =	vor.u32 v42, v43;
	v47 =	vshrl.u32 v46, $0x10;
	v26 =	vshll.u32 v46, $0x10  }
0x295: {  	v9 =	vadd.s32 v9, v46;
	v19 =	vxor.u32 v13, v27;
	v10 =	vor.u32 v47, v26  }
0x296: {  	v47 =	vshll.u32 v12, $0x1A;
	v26 =	vor.u32 v37, v40;
	v12 =	vadd.s32 v14, v12  }
0x297: {  	v27 =	vshrl.u32 v19, $0x1A;
	v13 =	vadd.s32 v13, v19;
	v10 =	vxor.u32 v9, v10  }
0x298: {  	v18 =	vxor.u32 v15, v26;
	v48 =	vshrl.u32 v10, $0x8;
	v49 =	vshll.u32 v10, $0x18  }
0x299: {  	v50 =	vadd.s32 v9, v10;
	v26 =	vshll.u32 v18, $0x6;
	v15 =	vadd.s32 v15, v18  }
0x29a: {  	v51 =	vor.u32 v48, v49;
	v48 =	vshrl.u32 v57, $0x6;
	v49 =	vshll.u32 v57, $0x1A  }
0x29b: {  	v57 =	vshll.u32 v17, $0x6;
	v9 =	vxor.u32 v50, v51;
	v51 =	vshll.u32 v58, $0x1A  }
0x29c: {  	v52 =	vor.u32 v48, v49;
	v23 =	vor.u32 v23, v57;
	v9 =	vadd.s32 $0x1BD11BE1, v9  }
0x29d: {  	v10 =	vxor.u32 v53, v52;
	v6 =	vadd.s32 v9, v50;
	v56 =	vshrl.u32 v9, $0x13  }
0x29e: {  	v9 =	vshll.u32 v9, $0xD;
	v50 =	vshrl.u32 v58, $0x6;
	v58 =	vshrl.u32 v18, $0x1A  }
0x29f: {  	v35 =	vshll.u32 v10, $0x6;
	v6 =	vadd.s32 $0x7, v6;
	v9 =	vor.u32 v56, v9  }
0x2a0: {  	v24 =	vor.u32 v50, v51;
	v56 =	vshrl.u32 v54, $0x1A;
	v25 =	vor.u32 v58, v26  }
0x2a1: {  	v9 =	vxor.u32 v6, v9;
	v55 =	vxor.u32 v11, v24;
	v21 =	vor.u32 v56, v22  }
0x2a2: {  	v40 =	vxor.u32 v15, v25;
	v59 =	vshrl.u32 v9, $0x11;
	v60 =	vshll.u32 v9, $0xF  }
0x2a3: {  	v6 =	vadd.s32 v6, v9;
	v63 =	vshrl.u32 v55, $0x1A;
	v34 =	vshll.u32 v55, $0x6  }
0x2a4: {  	v11 =	vadd.s32 v11, v55;
	v16 =	vadd.s32 $0x1BD11BDE, v40;
	v62 =	vor.u32 v59, v60  }
0x2a5: {  	v59 =	vshll.u32 v19, $0x6;
	v22 =	vor.u32 v63, v34;
	v15 =	vadd.s32 v16, v15  }
0x2a6: {  	v9 =	vxor.u32 v6, v62;
	v62 =	vshrl.u32 v10, $0x1A;
	v36 =	vor.u32 v27, v59  }
0x2a7: {  	v10 =	vadd.s32 v53, v10;
	v42 =	vxor.u32 v11, v22;
	v15 =	vadd.s32 $0x7, v15  }
0x2a8: {  	v38 =	vshrl.u32 v9, $0x6;
	v39 =	vshll.u32 v9, $0x1A;
	v6 =	vadd.s32 v6, v9  }
0x2a9: {  	v24 =	vor.u32 v62, v35;
	v18 =	vadd.s32 $0x1BD11BDE, v42;
	v41 =	vor.u32 v38, v39  }
0x2aa: {  	v38 =	vxor.u32 v7, v21;
	v39 =	vxor.u32 v8, v23;
	v11 =	vadd.s32 v18, v11  }
0x2ab: {  	v51 =	vshrl.u32 v18, $0xF;
	v18 =	vshll.u32 v18, $0x11;
	v9 =	vxor.u32 v6, v41  }
0x2ac: {  	v41 =	vxor.u32 v13, v36;
	v14 =	vadd.s32 $0x1BD11BDE, v39;
	v11 =	vadd.s32 $0x7, v11  }
0x2ad: {  	v18 =	vor.u32 v51, v18;
	v45 =	vshrl.u32 v9, $0x1A;
	v46 =	vshll.u32 v9, $0x6  }
0x2ae: {  	v6 =	vadd.s32 v6, v9;
	v9 =	vor.u32 v44, v47;
	v44 =	vxor.u32 v10, v24  }
0x2af: {  	v17 =	vadd.s32 $0x1BD11BDE, v41;
	v8 =	vadd.s32 v14, v8;
	v47 =	vshrl.u32 v16, $0xF  }
0x2b0: {  	v16 =	vshll.u32 v16, $0x11;
	v18 =	vxor.u32 v11, v18;
	v31 =	vor.u32 v45, v46  }
0x2b1: {  	v9 =	vxor.u32 v12, v9;
	v20 =	vadd.s32 $0x1BD11BDE, v44;
	v46 =	vshrl.u32 v14, $0xF  }
0x2b2: {  	v14 =	vshll.u32 v14, $0x11;
	v13 =	vadd.s32 v17, v13;
	v48 =	vshrl.u32 v17, $0xF  }
0x2b3: {  	v17 =	vshll.u32 v17, $0x11;
	v8 =	vadd.s32 $0x7, v8;
	v16 =	vor.u32 v47, v16  }
0x2b4: {  	v63 =	vshrl.u32 v18, $0x3;
	v33 =	vshll.u32 v18, $0x1D;
	v11 =	vadd.s32 v11, v18  }
0x2b5: {  	v31 =	vxor.u32 v6, v31;
	v6 =	vadd.s32 $0x1BD11BDD, v6;
	v60 =	vshrl.u32 v9, $0x1A  }
0x2b6: {  	v61 =	vshll.u32 v9, $0x6;
	v9 =	vadd.s32 v12, v9;
	v12 =	vadd.s32 $0x1BD11BDE, v38  }
0x2b7: {  	v10 =	vadd.s32 v20, v10;
	v50 =	vshrl.u32 v20, $0xF;
	v20 =	vshll.u32 v20, $0x11  }
0x2b8: {  	v14 =	vor.u32 v46, v14;
	v13 =	vadd.s32 $0x7, v13;
	v17 =	vor.u32 v48, v17  }
0x2b9: {  	v16 =	vxor.u32 v15, v16;
	v22 =	vor.u32 v63, v33;
	v31 =	vadd.s32 $0x5, v31  }
0x2ba: {  	v37 =	vor.u32 v60, v61;
	v7 =	vadd.s32 v12, v7;
	v45 =	vshrl.u32 v12, $0xF  }
0x2bb: {  	v12 =	vshll.u32 v12, $0x11;
	v10 =	vadd.s32 $0x7, v10;
	v20 =	vor.u32 v50, v20  }
0x2bc: {  	v14 =	vxor.u32 v8, v14;
	v17 =	vxor.u32 v13, v17;
	v56 =	vshrl.u32 v16, $0x3  }
0x2bd: {  	v57 =	vshll.u32 v16, $0x1D;
	v18 =	vxor.u32 v11, v22;
	v6 =	vxor.u32 v6, v31  }
0x2be: {  	v43 =	vxor.u32 v9, v37;
	v7 =	vadd.s32 $0x7, v7;
	v12 =	vor.u32 v45, v12  }
0x2bf: {  	v20 =	vxor.u32 v10, v20;
	v54 =	vshrl.u32 v14, $0x3;
	v55 =	vshll.u32 v14, $0x1D  }
0x2c0: {  	v58 =	vshrl.u32 v17, $0x3;
	v59 =	vshll.u32 v17, $0x1D;
	v25 =	vor.u32 v56, v57  }
0x2c1: {  	v8 =	vadd.s32 v8, v14;
	v37 =	vadd.s32 v15, v16;
	v13 =	vadd.s32 v13, v17  }
0x2c2: {  	v50 =	vshll.u32 v18, $0x10;
	v11 =	vadd.s32 v11, v18;
	v19 =	vadd.s32 $0x1BD11BDE, v43  }
0x2c3: {  	v12 =	vxor.u32 v7, v12;
	v62 =	vshrl.u32 v20, $0x3;
	v23 =	vor.u32 v54, v55  }
0x2c4: {  	v34 =	vshll.u32 v20, $0x1D;
	v35 =	vor.u32 v58, v59;
	v10 =	vadd.s32 v10, v20  }
0x2c5: {  	v16 =	vxor.u32 v37, v25;
	v9 =	vadd.s32 v19, v9;
	v49 =	vshrl.u32 v19, $0xF  }
0x2c6: {  	v19 =	vshll.u32 v19, $0x11;
	v52 =	vshrl.u32 v12, $0x3;
	v53 =	vshll.u32 v12, $0x1D  }
0x2c7: {  	v24 =	vor.u32 v62, v34;
	v7 =	vadd.s32 v7, v12;
	v39 =	vxor.u32 v8, v23  }
0x2c8: {  	v17 =	vxor.u32 v13, v35;
	v25 =	vshrl.u32 v16, $0x10;
	v42 =	vshll.u32 v16, $0x10  }
0x2c9: {  	v12 =	vadd.s32 v37, v16;
	v9 =	vadd.s32 $0x7, v9;
	v19 =	vor.u32 v49, v19  }
0x2ca: {  	v21 =	vor.u32 v52, v53;
	v20 =	vxor.u32 v10, v24;
	v23 =	vshrl.u32 v39, $0x10  }
0x2cb: {  	v41 =	vshll.u32 v39, $0x10;
	v43 =	vshrl.u32 v17, $0x10;
	v44 =	vshll.u32 v17, $0x10  }
0x2cc: {  	v49 =	vshrl.u32 v18, $0x10;
	v25 =	vor.u32 v25, v42;
	v8 =	vadd.s32 v8, v39  }
0x2cd: {  	v13 =	vadd.s32 v13, v17;
	v19 =	vxor.u32 v9, v19;
	v38 =	vxor.u32 v7, v21  }
0x2ce: {  	v47 =	vshrl.u32 v20, $0x10;
	v48 =	vshll.u32 v20, $0x10;
	v23 =	vor.u32 v23, v41  }
0x2cf: {  	v51 =	vor.u32 v43, v44;
	v22 =	vor.u32 v49, v50;
	v10 =	vadd.s32 v10, v20  }
0x2d0: {  	v16 =	vxor.u32 v12, v25;
	v60 =	vshrl.u32 v19, $0x3;
	v61 =	vshll.u32 v19, $0x1D  }
0x2d1: {  	v9 =	vadd.s32 v9, v19;
	v21 =	vshrl.u32 v38, $0x10;
	v40 =	vshll.u32 v38, $0x10  }
0x2d2: {  	v53 =	vor.u32 v47, v48;
	v7 =	vadd.s32 v7, v38;
	v15 =	vxor.u32 v8, v23  }
0x2d3: {  	v17 =	vxor.u32 v13, v51;
	v55 =	vxor.u32 v11, v22;
	v25 =	vshrl.u32 v16, $0x8  }
0x2d4: {  	v12 =	vadd.s32 v12, v16;
	v36 =	vor.u32 v60, v61;
	v21 =	vor.u32 v21, v40  }
0x2d5: {  	v57 =	vxor.u32 v10, v53;
	v23 =	vshrl.u32 v15, $0x8;
	v59 =	vshll.u32 v15, $0x18  }
0x2d6: {  	v60 =	vshll.u32 v16, $0x18;
	v61 =	vshrl.u32 v17, $0x8;
	v62 =	vshll.u32 v17, $0x18  }
0x2d7: {  	v37 =	vshrl.u32 v55, $0x8;
	v40 =	vshll.u32 v55, $0x18;
	v8 =	vadd.s32 v8, v15  }
0x2d8: {  	v13 =	vadd.s32 v13, v17;
	v11 =	vadd.s32 v11, v55;
	v19 =	vxor.u32 v9, v36  }
0x2d9: {  	v14 =	vxor.u32 v7, v21;
	v38 =	vshrl.u32 v57, $0x8;
	v39 =	vshll.u32 v57, $0x18  }
0x2da: {  	v23 =	vor.u32 v23, v59;
	v25 =	vor.u32 v25, v60;
	v41 =	vor.u32 v61, v62  }
0x2db: {  	v24 =	vor.u32 v37, v40;
	v10 =	vadd.s32 v10, v57;
	v45 =	vshrl.u32 v19, $0x10  }
0x2dc: {  	v46 =	vshll.u32 v19, $0x10;
	v9 =	vadd.s32 v9, v19;
	v56 =	vshrl.u32 v14, $0x8  }
0x2dd: {  	v58 =	vshll.u32 v14, $0x18;
	v7 =	vadd.s32 v7, v14;
	v43 =	vor.u32 v38, v39  }
0x2de: {  	v47 =	vxor.u32 v13, v41;
	v49 =	vxor.u32 v11, v24;
	v52 =	vor.u32 v45, v46  }
0x2df: {  	v20 =	vor.u32 v56, v58;
	v45 =	vxor.u32 v8, v23;
	v46 =	vxor.u32 v12, v25  }
0x2e0: {  	v14 =	vxor.u32 v10, v43;
	v18 =	vadd.s32 $0x2, v47;
	v54 =	vxor.u32 v9, v52  }
0x2e1: {  	v44 =	vxor.u32 v7, v20;
	v16 =	vadd.s32 $0x2, v45;
	v17 =	vadd.s32 $0x2, v46  }
0x2e2: {  	v20 =	vadd.s32 $0x2, v49;
	v14 =	vadd.s32 $0x2, v14;
	v13 =	vadd.s32 v18, v13  }
0x2e3: {  	v53 =	vshrl.u32 v18, $0x13;
	v18 =	vshll.u32 v18, $0xD;
	v63 =	vshrl.u32 v54, $0x8  }
0x2e4: {  	v36 =	vshll.u32 v54, $0x18;
	v9 =	vadd.s32 v9, v54;
	v15 =	vadd.s32 $0x2, v44  }
0x2e5: {  	v8 =	vadd.s32 v16, v8;
	v51 =	vshrl.u32 v16, $0x13;
	v16 =	vshll.u32 v16, $0xD  }
0x2e6: {  	v12 =	vadd.s32 v17, v12;
	v52 =	vshrl.u32 v17, $0x13;
	v17 =	vshll.u32 v17, $0xD  }
0x2e7: {  	v10 =	vadd.s32 v14, v10;
	v11 =	vadd.s32 v20, v11;
	v55 =	vshrl.u32 v14, $0x13  }
0x2e8: {  	v14 =	vshll.u32 v14, $0xD;
	v56 =	vshrl.u32 v20, $0x13;
	v20 =	vshll.u32 v20, $0xD  }
0x2e9: {  	v13 =	vadd.s32 $0x1BD11BDD, v13;
	v18 =	vor.u32 v53, v18;
	v42 =	vor.u32 v63, v36  }
0x2ea: {  	v7 =	vadd.s32 v15, v7;
	v50 =	vshrl.u32 v15, $0x13;
	v15 =	vshll.u32 v15, $0xD  }
0x2eb: {  	v8 =	vadd.s32 $0x1BD11BDD, v8;
	v16 =	vor.u32 v51, v16;
	v12 =	vadd.s32 $0x1BD11BDD, v12  }
0x2ec: {  	v17 =	vor.u32 v52, v17;
	v11 =	vadd.s32 $0x1BD11BDD, v11;
	v10 =	vadd.s32 $0x1BD11BDD, v10  }
0x2ed: {  	v14 =	vor.u32 v55, v14;
	v20 =	vor.u32 v56, v20;
	v18 =	vxor.u32 v13, v18  }
0x2ee: {  	v48 =	vxor.u32 v9, v42;
	v7 =	vadd.s32 $0x1BD11BDD, v7;
	v15 =	vor.u32 v50, v15  }
0x2ef: {  	v16 =	vxor.u32 v8, v16;
	v17 =	vxor.u32 v12, v17;
	v20 =	vxor.u32 v11, v20  }
0x2f0: {  	v14 =	vxor.u32 v10, v14;
	v63 =	vshrl.u32 v18, $0x11;
	v36 =	vshll.u32 v18, $0xF  }
0x2f1: {  	v13 =	vadd.s32 v13, v18;
	v19 =	vadd.s32 $0x2, v48;
	v15 =	vxor.u32 v7, v15  }
0x2f2: {  	v59 =	vshrl.u32 v16, $0x11;
	v60 =	vshll.u32 v16, $0xF;
	v61 =	vshrl.u32 v17, $0x11  }
0x2f3: {  	v62 =	vshll.u32 v17, $0xF;
	v39 =	vshrl.u32 v20, $0x11;
	v40 =	vshrl.u32 v14, $0x11  }
0x2f4: {  	v41 =	vshll.u32 v14, $0xF;
	v42 =	vshll.u32 v20, $0xF;
	v43 =	vor.u32 v63, v36  }
0x2f5: {  	v8 =	vadd.s32 v8, v16;
	v12 =	vadd.s32 v12, v17;
	v11 =	vadd.s32 v11, v20  }
0x2f6: {  	v10 =	vadd.s32 v10, v14;
	v9 =	vadd.s32 v19, v9;
	v54 =	vshrl.u32 v19, $0x13  }
0x2f7: {  	v19 =	vshll.u32 v19, $0xD;
	v57 =	vshrl.u32 v15, $0x11;
	v58 =	vshll.u32 v15, $0xF  }
0x2f8: {  	v23 =	vor.u32 v59, v60;
	v25 =	vor.u32 v61, v62;
	v24 =	vor.u32 v39, v42  }
0x2f9: {  	v7 =	vadd.s32 v7, v15;
	v45 =	vor.u32 v40, v41;
	v18 =	vxor.u32 v13, v43  }
0x2fa: {  	v9 =	vadd.s32 $0x1BD11BDD, v9;
	v19 =	vor.u32 v54, v19;
	v21 =	vor.u32 v57, v58  }
0x2fb: {  	v16 =	vxor.u32 v8, v23;
	v17 =	vxor.u32 v12, v25;
	v15 =	vxor.u32 v10, v45  }
0x2fc: {  	v20 =	vxor.u32 v11, v24;
	v50 =	vshrl.u32 v18, $0x6;
	v51 =	vshll.u32 v18, $0x1A  }
0x2fd: {  	v13 =	vadd.s32 v13, v18;
	v19 =	vxor.u32 v9, v19;
	v46 =	vxor.u32 v7, v21  }
0x2fe: {  	v23 =	vshrl.u32 v16, $0x6;
	v48 =	vshll.u32 v16, $0x1A;
	v25 =	vshrl.u32 v17, $0x6  }
0x2ff: {  	v49 =	vshll.u32 v17, $0x1A;
	v54 =	vshrl.u32 v15, $0x6;
	v55 =	vshrl.u32 v20, $0x6  }
0x300: {  	v56 =	vshll.u32 v20, $0x1A;
	v57 =	vshll.u32 v15, $0x1A;
	v58 =	vor.u32 v50, v51  }
0x301: {  	v8 =	vadd.s32 v8, v16;
	v12 =	vadd.s32 v12, v17;
	v11 =	vadd.s32 v11, v20  }
0x302: {  	v10 =	vadd.s32 v10, v15;
	v37 =	vshrl.u32 v19, $0x11;
	v38 =	vshll.u32 v19, $0xF  }
0x303: {  	v9 =	vadd.s32 v9, v19;
	v21 =	vshrl.u32 v46, $0x6;
	v47 =	vshll.u32 v46, $0x1A  }
0x304: {  	v23 =	vor.u32 v23, v48;
	v25 =	vor.u32 v25, v49;
	v24 =	vor.u32 v54, v57  }
0x305: {  	v22 =	vor.u32 v55, v56;
	v7 =	vadd.s32 v7, v46;
	v62 =	vxor.u32 v13, v58  }
0x306: {  	v44 =	vor.u32 v37, v38;
	v21 =	vor.u32 v21, v47;
	v60 =	vxor.u32 v8, v23  }
0x307: {  	v61 =	vxor.u32 v12, v25;
	v63 =	vxor.u32 v11, v22;
	v36 =	vxor.u32 v10, v24  }
0x308: {  	v40 =	vshrl.u32 v62, $0x1A;
	v41 =	vshll.u32 v62, $0x6;
	v13 =	vadd.s32 v13, v62  }
0x309: {  	v19 =	vxor.u32 v9, v44;
	v14 =	vxor.u32 v7, v21;
	v23 =	vshrl.u32 v60, $0x1A  }
0x30a: {  	v38 =	vshll.u32 v60, $0x6;
	v25 =	vshrl.u32 v61, $0x1A;
	v39 =	vshll.u32 v61, $0x6  }
0x30b: {  	v44 =	vshrl.u32 v36, $0x1A;
	v45 =	vshll.u32 v36, $0x6;
	v46 =	vshrl.u32 v63, $0x1A  }
0x30c: {  	v47 =	vshll.u32 v63, $0x6;
	v48 =	vor.u32 v40, v41;
	v8 =	vadd.s32 v8, v60  }
0x30d: {  	v12 =	vadd.s32 v12, v61;
	v10 =	vadd.s32 v10, v36;
	v11 =	vadd.s32 v11, v63  }
0x30e: {  	v52 =	vshrl.u32 v19, $0x6;
	v53 =	vshll.u32 v19, $0x1A;
	v9 =	vadd.s32 v9, v19  }
0x30f: {  	v21 =	vshrl.u32 v14, $0x1A;
	v37 =	vshll.u32 v14, $0x6;
	v23 =	vor.u32 v23, v38  }
0x310: {  	v25 =	vor.u32 v25, v39;
	v22 =	vor.u32 v46, v47;
	v50 =	vor.u32 v44, v45  }
0x311: {  	v7 =	vadd.s32 v7, v14;
	v17 =	vxor.u32 v13, v48;
	v59 =	vor.u32 v52, v53  }
0x312: {  	v21 =	vor.u32 v21, v37;
	v15 =	vxor.u32 v8, v23;
	v16 =	vxor.u32 v12, v25  }
0x313: {  	v52 =	vxor.u32 v11, v22;
	v20 =	vxor.u32 v10, v50;
	v17 =	vadd.s32 $0xA, v17  }
0x314: {  	v19 =	vxor.u32 v9, v59;
	v14 =	vxor.u32 v7, v21;
	v15 =	vadd.s32 $0xA, v15  }
0x315: {  	v16 =	vadd.s32 $0xA, v16;
	v20 =	vadd.s32 $0xA, v20;
	v59 =	vshrl.u32 v17, $0xF  }
0x316: {  	v60 =	vshll.u32 v17, $0x11;
	v13 =	vadd.s32 v13, v17;
	v42 =	vshrl.u32 v19, $0x1A  }
0x317: {  	v43 =	vshll.u32 v19, $0x6;
	v9 =	vadd.s32 v9, v19;
	v14 =	vadd.s32 $0xA, v14  }
0x318: {  	v19 =	vadd.s32 $0xA, v52;
	v55 =	vshrl.u32 v15, $0xF;
	v56 =	vshll.u32 v15, $0x11  }
0x319: {  	v57 =	vshrl.u32 v16, $0xF;
	v58 =	vshll.u32 v16, $0x11;
	v63 =	vshrl.u32 v20, $0xF  }
0x31a: {  	v36 =	vshll.u32 v20, $0x11;
	v39 =	vor.u32 v59, v60;
	v8 =	vadd.s32 v8, v15  }
0x31b: {  	v12 =	vadd.s32 v12, v16;
	v10 =	vadd.s32 v10, v20;
	v49 =	vor.u32 v42, v43  }
0x31c: {  	v53 =	vshrl.u32 v14, $0xF;
	v54 =	vshll.u32 v14, $0x11;
	v37 =	vshrl.u32 v19, $0xF  }
0x31d: {  	v23 =	vor.u32 v55, v56;
	v38 =	vshll.u32 v19, $0x11;
	v25 =	vor.u32 v57, v58  }
0x31e: {  	v41 =	vor.u32 v63, v36;
	v7 =	vadd.s32 v7, v14;
	v11 =	vadd.s32 v11, v19  }
0x31f: {  	v17 =	vxor.u32 v13, v39;
	v51 =	vxor.u32 v9, v49;
	v21 =	vor.u32 v53, v54  }
0x320: {  	v22 =	vor.u32 v37, v38;
	v15 =	vxor.u32 v8, v23;
	v16 =	vxor.u32 v12, v25  }
0x321: {  	v43 =	vxor.u32 v10, v41;
	v47 =	vshrl.u32 v17, $0x3;
	v48 =	vshll.u32 v17, $0x1D  }
0x322: {  	v13 =	vadd.s32 v13, v17;
	v18 =	vadd.s32 $0xA, v51;
	v14 =	vxor.u32 v7, v21  }
0x323: {  	v19 =	vxor.u32 v11, v22;
	v23 =	vshrl.u32 v15, $0x3;
	v45 =	vshll.u32 v15, $0x1D  }
0x324: {  	v25 =	vshrl.u32 v16, $0x3;
	v46 =	vshll.u32 v16, $0x1D;
	v52 =	vshrl.u32 v43, $0x3  }
0x325: {  	v53 =	vshll.u32 v43, $0x1D;
	v55 =	vor.u32 v47, v48;
	v8 =	vadd.s32 v8, v15  }
0x326: {  	v12 =	vadd.s32 v12, v16;
	v10 =	vadd.s32 v10, v43;
	v61 =	vshrl.u32 v18, $0xF  }
0x327: {  	v62 =	vshll.u32 v18, $0x11;
	v9 =	vadd.s32 v9, v18;
	v42 =	vshrl.u32 v14, $0x3  }
0x328: {  	v44 =	vshll.u32 v14, $0x1D;
	v51 =	vshrl.u32 v19, $0x3;
	v23 =	vor.u32 v23, v45  }
0x329: {  	v54 =	vshll.u32 v19, $0x1D;
	v25 =	vor.u32 v25, v46;
	v7 =	vadd.s32 v7, v14  }
0x32a: {  	v57 =	vor.u32 v52, v53;
	v11 =	vadd.s32 v11, v19;
	v40 =	vor.u32 v61, v62  }
0x32b: {  	v20 =	vor.u32 v42, v44;
	v24 =	vor.u32 v51, v54;
	v59 =	vxor.u32 v8, v23  }
0x32c: {  	v60 =	vxor.u32 v12, v25;
	v61 =	vxor.u32 v13, v55;
	v14 =	vxor.u32 v10, v57  }
0x32d: {  	v18 =	vxor.u32 v9, v40;
	v58 =	vxor.u32 v7, v20;
	v63 =	vxor.u32 v11, v24  }
0x32e: {  	v23 =	vshrl.u32 v59, $0x10;
	v38 =	vshll.u32 v59, $0x10;
	v25 =	vshrl.u32 v60, $0x10  }
0x32f: {  	v39 =	vshll.u32 v60, $0x10;
	v40 =	vshrl.u32 v61, $0x10;
	v41 =	vshll.u32 v61, $0x10  }
0x330: {  	v44 =	vshrl.u32 v14, $0x10;
	v47 =	vshll.u32 v14, $0x10;
	v8 =	vadd.s32 v8, v59  }
0x331: {  	v12 =	vadd.s32 v12, v60;
	v13 =	vadd.s32 v13, v61;
	v10 =	vadd.s32 v10, v14  }
0x332: {  	v49 =	vshrl.u32 v18, $0x3;
	v50 =	vshll.u32 v18, $0x1D;
	v9 =	vadd.s32 v9, v18  }
0x333: {  	v36 =	vshrl.u32 v58, $0x10;
	v37 =	vshll.u32 v58, $0x10;
	v45 =	vshrl.u32 v63, $0x10  }
0x334: {  	v46 =	vshll.u32 v63, $0x10;
	v23 =	vor.u32 v23, v38;
	v25 =	vor.u32 v25, v39  }
0x335: {  	v48 =	vor.u32 v40, v41;
	v24 =	vor.u32 v44, v47;
	v7 =	vadd.s32 v7, v58  }
0x336: {  	v11 =	vadd.s32 v11, v63;
	v56 =	vor.u32 v49, v50;
	v21 =	vor.u32 v36, v37  }
0x337: {  	v22 =	vor.u32 v45, v46;
	v50 =	vxor.u32 v8, v23;
	v51 =	vxor.u32 v12, v25  }
0x338: {  	v52 =	vxor.u32 v13, v48;
	v54 =	vxor.u32 v10, v24;
	v62 =	vxor.u32 v9, v56  }
0x339: {  	v15 =	vxor.u32 v7, v21;
	v53 =	vxor.u32 v11, v22;
	v23 =	vshrl.u32 v50, $0x8  }
0x33a: {  	v56 =	vshll.u32 v50, $0x18;
	v25 =	vshrl.u32 v51, $0x8;
	v57 =	vshll.u32 v51, $0x18  }
0x33b: {  	v58 =	vshrl.u32 v52, $0x8;
	v59 =	vshll.u32 v52, $0x18;
	v63 =	vshll.u32 v54, $0x18  }
0x33c: {  	v8 =	vadd.s32 v8, v50;
	v12 =	vadd.s32 v12, v51;
	v13 =	vadd.s32 v13, v52  }
0x33d: {  	v10 =	vadd.s32 v10, v54;
	v42 =	vshrl.u32 v62, $0x10;
	v43 =	vshll.u32 v62, $0x10  }
0x33e: {  	v9 =	vadd.s32 v9, v62;
	v21 =	vshrl.u32 v15, $0x8;
	v55 =	vshll.u32 v15, $0x18  }
0x33f: {  	v62 =	vshrl.u32 v54, $0x8;
	v36 =	vshrl.u32 v53, $0x8;
	v23 =	vor.u32 v23, v56  }
0x340: {  	v37 =	vshll.u32 v53, $0x18;
	v25 =	vor.u32 v25, v57;
	v38 =	vor.u32 v58, v59  }
0x341: {  	v7 =	vadd.s32 v7, v15;
	v11 =	vadd.s32 v11, v53;
	v49 =	vor.u32 v42, v43  }
0x342: {  	v21 =	vor.u32 v21, v55;
	v22 =	vor.u32 v36, v37;
	v40 =	vor.u32 v62, v63  }
0x343: {  	v42 =	vxor.u32 v8, v23;
	v16 =	vxor.u32 v12, v25;
	v17 =	vxor.u32 v13, v38  }
0x344: {  	v19 =	vxor.u32 v9, v49;
	v41 =	vxor.u32 v7, v21;
	v44 =	vxor.u32 v11, v22  }
0x345: {  	v20 =	vxor.u32 v10, v40;
	v15 =	vadd.s32 $0x1BD11BE1, v42;
	v16 =	vadd.s32 $0x1BD11BE1, v16  }
0x346: {  	v17 =	vadd.s32 $0x1BD11BE1, v17;
	v60 =	vshrl.u32 v19, $0x8;
	v61 =	vshll.u32 v19, $0x18  }
0x347: {  	v9 =	vadd.s32 v9, v19;
	v14 =	vadd.s32 $0x1BD11BE1, v41;
	v19 =	vadd.s32 $0x1BD11BE1, v44  }
0x348: {  	v20 =	vadd.s32 $0x1BD11BE1, v20;
	v8 =	vadd.s32 v15, v8;
	v46 =	vshrl.u32 v15, $0x13  }
0x349: {  	v15 =	vshll.u32 v15, $0xD;
	v12 =	vadd.s32 v16, v12;
	v47 =	vshrl.u32 v16, $0x13  }
0x34a: {  	v16 =	vshll.u32 v16, $0xD;
	v13 =	vadd.s32 v17, v13;
	v48 =	vshrl.u32 v17, $0x13  }
0x34b: {  	v17 =	vshll.u32 v17, $0xD;
	v39 =	vor.u32 v60, v61;
	v7 =	vadd.s32 v14, v7  }
0x34c: {  	v45 =	vshrl.u32 v14, $0x13;
	v14 =	vshll.u32 v14, $0xD;
	v10 =	vadd.s32 v20, v10  }
0x34d: {  	v50 =	vshrl.u32 v20, $0x13;
	v20 =	vshll.u32 v20, $0xD;
	v11 =	vadd.s32 v19, v11  }
0x34e: {  	v51 =	vshrl.u32 v19, $0x13;
	v19 =	vshll.u32 v19, $0xD;
	v8 =	vadd.s32 $0x7, v8  }
0x34f: {  	v15 =	vor.u32 v46, v15;
	v12 =	vadd.s32 $0x7, v12;
	v16 =	vor.u32 v47, v16  }
0x350: {  	v13 =	vadd.s32 $0x7, v13;
	v17 =	vor.u32 v48, v17;
	v43 =	vxor.u32 v9, v39  }
0x351: {  	v7 =	vadd.s32 $0x7, v7;
	v14 =	vor.u32 v45, v14;
	v10 =	vadd.s32 $0x7, v10  }
0x352: {  	v20 =	vor.u32 v50, v20;
	v11 =	vadd.s32 $0x7, v11;
	v19 =	vor.u32 v51, v19  }
0x353: {  	v15 =	vxor.u32 v8, v15;
	v16 =	vxor.u32 v12, v16;
	v17 =	vxor.u32 v13, v17  }
0x354: {  	v18 =	vadd.s32 $0x1BD11BE1, v43;
	v14 =	vxor.u32 v7, v14;
	v19 =	vxor.u32 v11, v19  }
0x355: {  	v20 =	vxor.u32 v10, v20;
	v54 =	vshrl.u32 v15, $0x11;
	v55 =	vshll.u32 v15, $0xF  }
0x356: {  	v56 =	vshrl.u32 v16, $0x11;
	v57 =	vshll.u32 v16, $0xF;
	v58 =	vshrl.u32 v17, $0x11  }
0x357: {  	v59 =	vshll.u32 v17, $0xF;
	v8 =	vadd.s32 v8, v15;
	v12 =	vadd.s32 v12, v16  }
0x358: {  	v13 =	vadd.s32 v13, v17;
	v9 =	vadd.s32 v18, v9;
	v49 =	vshrl.u32 v18, $0x13  }
0x359: {  	v18 =	vshll.u32 v18, $0xD;
	v52 =	vshrl.u32 v14, $0x11;
	v53 =	vshll.u32 v14, $0xF  }
0x35a: {  	v62 =	vshrl.u32 v20, $0x11;
	v63 =	vshll.u32 v20, $0xF;
	v35 =	vshrl.u32 v19, $0x11  }
0x35b: {  	v23 =	vor.u32 v54, v55;
	v36 =	vshll.u32 v19, $0xF;
	v25 =	vor.u32 v56, v57  }
0x35c: {  	v37 =	vor.u32 v58, v59;
	v7 =	vadd.s32 v7, v14;
	v10 =	vadd.s32 v10, v20  }
0x35d: {  	v11 =	vadd.s32 v11, v19;
	v9 =	vadd.s32 $0x7, v9;
	v18 =	vor.u32 v49, v18  }
0x35e: {  	v21 =	vor.u32 v52, v53;
	v22 =	vor.u32 v35, v36;
	v39 =	vor.u32 v62, v63  }
0x35f: {  	v15 =	vxor.u32 v8, v23;
	v16 =	vxor.u32 v12, v25;
	v17 =	vxor.u32 v13, v37  }
0x360: {  	v18 =	vxor.u32 v9, v18;
	v14 =	vxor.u32 v7, v21;
	v19 =	vxor.u32 v11, v22  }
0x361: {  	v41 =	vxor.u32 v10, v39;
	v23 =	vshrl.u32 v15, $0x6;
	v43 =	vshll.u32 v15, $0x1A  }
0x362: {  	v25 =	vshrl.u32 v16, $0x6;
	v44 =	vshll.u32 v16, $0x1A;
	v45 =	vshrl.u32 v17, $0x6  }
0x363: {  	v46 =	vshll.u32 v17, $0x1A;
	v8 =	vadd.s32 v8, v15;
	v12 =	vadd.s32 v12, v16  }
0x364: {  	v13 =	vadd.s32 v13, v17;
	v60 =	vshrl.u32 v18, $0x11;
	v61 =	vshll.u32 v18, $0xF  }
0x365: {  	v9 =	vadd.s32 v9, v18;
	v40 =	vshrl.u32 v14, $0x6;
	v42 =	vshll.u32 v14, $0x1A  }
0x366: {  	v49 =	vshrl.u32 v19, $0x6;
	v50 =	vshrl.u32 v41, $0x6;
	v51 =	vshll.u32 v41, $0x1A  }
0x367: {  	v23 =	vor.u32 v23, v43;
	v52 =	vshll.u32 v19, $0x1A;
	v25 =	vor.u32 v25, v44  }
0x368: {  	v53 =	vor.u32 v45, v46;
	v7 =	vadd.s32 v7, v14;
	v11 =	vadd.s32 v11, v19  }
0x369: {  	v10 =	vadd.s32 v10, v41;
	v38 =	vor.u32 v60, v61;
	v20 =	vor.u32 v40, v42  }
0x36a: {  	v24 =	vor.u32 v49, v52;
	v55 =	vor.u32 v50, v51;
	v57 =	vxor.u32 v8, v23  }
0x36b: {  	v58 =	vxor.u32 v12, v25;
	v59 =	vxor.u32 v13, v53;
	v18 =	vxor.u32 v9, v38  }
0x36c: {  	v56 =	vxor.u32 v7, v20;
	v14 =	vxor.u32 v10, v55;
	v61 =	vxor.u32 v11, v24  }
0x36d: {  	v23 =	vshrl.u32 v57, $0x1A;
	v36 =	vshll.u32 v57, $0x6;
	v25 =	vshrl.u32 v58, $0x1A  }
0x36e: {  	v37 =	vshll.u32 v58, $0x6;
	v38 =	vshrl.u32 v59, $0x1A;
	v39 =	vshll.u32 v59, $0x6  }
0x36f: {  	v49 =	vadd.s32 v12, v58;
	v50 =	vadd.s32 v13, v59;
	v47 =	vshrl.u32 v18, $0x6  }
0x370: {  	v48 =	vshll.u32 v18, $0x1A;
	v9 =	vadd.s32 v9, v18;
	v62 =	vshrl.u32 v56, $0x1A  }
0x371: {  	v63 =	vshll.u32 v56, $0x6;
	v42 =	vshrl.u32 v14, $0x1A;
	v43 =	vshrl.u32 v61, $0x1A  }
0x372: {  	v44 =	vshll.u32 v61, $0x6;
	v23 =	vor.u32 v23, v36;
	v45 =	vshll.u32 v14, $0x6  }
0x373: {  	v25 =	vor.u32 v25, v37;
	v46 =	vor.u32 v38, v39;
	v7 =	vadd.s32 v7, v56  }
0x374: {  	v51 =	vadd.s32 v11, v61;
	v53 =	vadd.s32 v10, v14;
	v54 =	vor.u32 v47, v48  }
0x375: {  	v21 =	vor.u32 v62, v63;
	v24 =	vor.u32 v42, v45;
	v22 =	vor.u32 v43, v44  }
0x376: {  	[tilespmem:s14+$0x20] =	vst v2;
	v48 =	vadd.s32 v8, v57;
	v55 =	vxor.u32 v49, v25;
	v2 =	vxor.u32 v50, v46  }
0x377: {  	[tilespmem:s14+$0x10] =	vst v4;
	v8 =	vadd.s32 $0x1BD11BDD, v49;
	v4 =	vadd.s32 $0x1BD11BDD, v53;
	v63 =	vadd.s32 $0x1BD11BDD, v51  }
0x378: {  	[tilespmem:s14+$0xFFFFFFF0] =	vst v5;
	v60 =	vxor.u32 v9, v54;
	v52 =	vxor.u32 v7, v21;
	v54 =	vxor.u32 v48, v23  }
0x379: {  	[tilespmem:s14+$0xFFFFFFC0] =	vst v1;
	v56 =	vxor.u32 v51, v22;
	v1 =	vxor.u32 v53, v24;
	v7 =	vadd.s32 $0x1BD11BDD, v7  }
0x37a: {  	[tilespmem:s14+$0x0] =	vst v3;
	s30 =	sadd.s32 $0x80, s14;
	v5 =	vadd.s32 $0x1BD11BDD, v48;
	v59 =	vadd.s32 $0x5, v55;
	v2 =	vadd.s32 $0x5, v2  }
0x37b: {  	[tilespmem:s30+$0x30] =	vst v6;
	v40 =	vshrl.u32 v60, $0x1A;
	v11 =	vadd.s32 $0x5, v52;
	v61 =	vxor.u32 v8, v59  }
0x37c: {  	v41 =	vshll.u32 v60, $0x6;
	v58 =	vadd.s32 $0x5, v54;
	v7 =	vxor.u32 v7, v11;
	[tilespmem:s30+$0xFFFFFFF0] =	vst v61  }
0x37d: {  	v3 =	vadd.s32 v9, v60;
	v60 =	vadd.s32 $0x1BD11BDD, v50;
	v5 =	vxor.u32 v5, v58;
	[tilespmem:s30+$0xFFFFFFD0] =	vst v7  }
0x37e: {  	v1 =	vadd.s32 $0x5, v1;
	v47 =	vor.u32 v40, v41;
	v2 =	vxor.u32 v60, v2;
	[tilespmem:s30+$0xFFFFFFE0] =	vst v5  }
0x37f: {  	s31 =	sshll.u32 s12, $0x4;
	v1 =	vxor.u32 v4, v1;
	v57 =	vxor.u32 v3, v47;
	[tilespmem:s30+$0x0] =	vst v2;
	v2 =	vadd.s32 $0x5, v56  }
0x380: {  	s13 =	sshll.u32 s13, $0xA;
	s12 =	sadd.s32 $0x1, s12;
	s15 =	sand.u32 $0x70, s31;
	v3 =	vadd.s32 $0x1BD11BDD, v3;
	[tilespmem:s30+$0x20] =	vst v1;
	v62 =	vadd.s32 $0x5, v57;
	v2 =	vxor.u32 v63, v2  }
0x381: {  	s13 =	sand.u32 $0xFFFE000, s13;
	p0 =	sne.s32 s12, $0x48;
	s15 =	sadd.s32 s3, s15;
	v3 =	vxor.u32 v3, v62;
	[tilespmem:s30+$0xFFFFFFC0] =	vst v2  }
.Ltmp1:
0x382: {  	s13 =	sadd.s32 s13, s15;
	[tilespmem:s30+$0x10] =	vst v3;
	(pc) =	sbr.rel @p0 .LBB2_2-.Ltmp1, $4  }
0x383: {  	[hbm4b:s13+s7] =	stream.strided.scatter [tilespmem:s2], [sflag:$0x1], $0x2000, s8, s7, $0x38;
	[tilespmem:$0x2000] =	vst v63  }
0x384: {  	_ =	swait.ge [sflag:s9], $0x2000  }
0x385: {  	[sflag:s9] =	ssyncset.done $0x0  }
0x386: {  	s11 =	sadd.s32 $0x2000, s11;
	[sflag:s9] =	ssyncadd.s32 $0xFFFFE000  }
0x387: {  	s10 =	sadd.s32 $0x1, s10  }
0x388: {  	p0 =	sne.s32 s10, s5  }
.Ltmp2:
0x389: {  	_ = 	snop;
	(pc) =	sbr.rel @p0 .LBB2_1-.Ltmp2, $1  }
0x38a: {  	_ =	sdelay $0x3  }
0x38b: {  	_ =	sfence.sel $0x180000  }
0x38c: {  	[bflag:$0x0] =	sbarrier.arrive $0xFFFF  }
0x38d: {  	p0 =	sne.s32 s1, $0x0;
	_ =	strace $0x90000047  }
0x38e: {  	s0 =	sadd.s32 @!p0 $0x100000, s0;
	[bflag:$0x2] =	sbarrier.arrive $0xFFFF  }
0x38f: {  	[sflag:s0] =	ssyncadd.tile.s32 @!p0 $0x1;
	_ =	shalt  }
.Lfunc_end2:
_tile_overlayer_lowered:
.L_overlay_start_2:
0x390: {  	(tag) =	ssettag $0x2  }
0x391: {  	s0 =	rddreg [dreg:$0x0];
	s2 =	stileid.u32  }
0x392: {  	s1 =	rddreg [dreg:$0x1];
	p0 =	sne.s32 s2, $0x0  }
0x393: {  	s3 =	rddreg [dreg:$0x2];
	[bflag:$0x3] =	sbarrier.arrive $0xFFFF;
	s2 =	simm.s32 @!p0 $0x1C01  }
0x394: {  	[timem:s3], [sflag:s2] =	dma.local @!p0 [hbm:s0], s1  }
0x395: {  	s0 =	simm.s32 @!p0 $0x1  }
0x396: {  	_ =	swait.ge @!p0 [sflag:s0], s1  }
0x397: {  	s1 =	ssub.s32 @!p0 $0x0, s1;
	[sflag:s0] =	ssyncset.done @!p0 $0x0  }
0x398: {  	[sflag:s0] =	ssyncadd.s32 @!p0 s1  }
0x399: {  	[bflag:$0x3] =	sbarrier.arrive $0xFFFF  }
0x39a: {  	_ =	shalt  }

</sc_bundles>
